<compile_context>
chip_gen: v7x
topology: tpu7x:2x2x1
jax: 0.10.2.dev20260603
libtpu: 0.0.44.dev20260713+nightly
codegen_flags: <defaults>
</compile_context>

<pallas_src>
import functools

import jax
import jax.numpy as jnp
from jax import lax
from jax.experimental import pallas as pl
from jax.experimental.pallas import tpu as pltpu
from jax.experimental.pallas import tpu_sc as plsc

N = 10000
E = 160000
NHEAD = 8
DH = 32
HPC = 4
DC = HPC * DH
NPAD = 10024
DUMP = 10016
NPASS = 4
HALF = 2560
NSHP = 3072
RPT = NSHP // 16
EPAD = 163840
G = 64
BPT = EPAD // 16 // G


def _sc_body(qcat, kcat, vcat, rows3_hbm, rows2_hbm, cols2_hbm, out_hbm,
             rows_b, rows_g, cols_g, qb, kb, vb, rsm,
             out_sh, rs_sh, sem0, sem1, sem2):
    c = lax.axis_index("c")
    s = lax.axis_index("s")
    zf = jnp.zeros((16,), jnp.float32)
    ix = lax.iota(jnp.int32, 16)
    lane4 = jnp.bitwise_and(ix, 3)
    chunk0 = s * (EPAD // 16)
    row0 = s * RPT

    def _zrow(r, carry):
        for j in range(DC // 16):
            vb[r, pl.ds(j * 16, 16)] = zf
            rsm[r, pl.ds(j * 16, 16)] = zf
        return carry

    def _zcopy(bb, carry):
        base = row0 + bb * G
        pltpu.sync_copy(vb, out_sh.at[pl.ds(base, G)])
        pltpu.sync_copy(rsm, rs_sh.at[pl.ds(base, G)])
        return carry

    def _edge(eh, carry):
        for u in range(2):
            e = eh * 2 + u
            ws = []
            for h in range(HPC):
                qa = qb[e, pl.ds(h * 32, 16)]
                qc2 = qb[e, pl.ds(h * 32 + 16, 16)]
                ka = kb[e, pl.ds(h * 32, 16)]
                kc2 = kb[e, pl.ds(h * 32 + 16, 16)]
                p = qa * ka + qc2 * kc2
                ah = jnp.sum(p)
                wh = jnp.exp(jnp.full((16,), ah, jnp.float32))
                vb[e, pl.ds(h * 32, 16)] = wh * vb[e, pl.ds(h * 32, 16)]
                vb[e, pl.ds(h * 32 + 16, 16)] = (
                    wh * vb[e, pl.ds(h * 32 + 16, 16)])
                ws.append(wh)
            rs = jnp.where(lane4 == 0, ws[0],
                           jnp.where(lane4 == 1, ws[1],
                                     jnp.where(lane4 == 2, ws[2], ws[3])))
            for j in range(DC // 16):
                rsm[e, pl.ds(j * 16, 16)] = rs
        return carry

    def _nrow(r, carry):
        rsv = rsm[r, pl.ds(0, 16)]
        rsv = jnp.where(rsv == 0.0, 1.0, rsv)
        rec = 1.0 / rsv
        for h in range(HPC):
            rh = jnp.max(jnp.where(lane4 == h, rec, 0.0))
            rhv = jnp.full((16,), rh, jnp.float32)
            qb[r, pl.ds(h * 32, 16)] = qb[r, pl.ds(h * 32, 16)] * rhv
            qb[r, pl.ds(h * 32 + 16, 16)] = qb[r, pl.ds(h * 32 + 16, 16)] * rhv
        return carry

    for p in range(NPASS):
        lax.fori_loop(0, G, _zrow, 0)
        lax.fori_loop(0, RPT // G, _zcopy, 0)
        plsc.subcore_barrier()

        def _batch(b, carry, p=p):
            base = chunk0 + b * G
            c1 = pltpu.async_copy(
                rows3_hbm.at[pl.ds(p * EPAD + base, G)], rows_b, sem0)
            c2 = pltpu.async_copy(
                rows2_hbm.at[pl.ds(c * EPAD + base, G)], rows_g, sem1)
            c3 = pltpu.async_copy(
                cols2_hbm.at[pl.ds(c * EPAD + base, G)], cols_g, sem2)
            c1.wait()
            c2.wait()
            c3.wait()
            cq = pltpu.async_copy(qcat.at[rows_g], qb, sem0)
            ck = pltpu.async_copy(kcat.at[cols_g], kb, sem1)
            cv = pltpu.async_copy(vcat.at[cols_g], vb, sem2)
            cq.wait()
            ck.wait()
            cv.wait()
            lax.fori_loop(0, G // 2, _edge, 0)
            s1 = pltpu.async_copy(vb, out_sh.at[rows_b], sem0, add=True)
            s2 = pltpu.async_copy(rsm, rs_sh.at[rows_b], sem1, add=True)
            s1.wait()
            s2.wait()
            return carry

        lax.fori_loop(0, BPT, _batch, 0)
        plsc.subcore_barrier()

        def _nchunk(nb, carry, p=p):
            base = row0 + nb * G
            pltpu.sync_copy(out_sh.at[pl.ds(base, G)], qb)
            pltpu.sync_copy(rs_sh.at[pl.ds(base, G)], rsm)
            lax.fori_loop(0, G, _nrow, 0)
            pltpu.sync_copy(
                qb, out_hbm.at[pl.ds((NPASS * c + p) * NSHP + base, G)])
            return carry

        lax.fori_loop(0, RPT // G, _nchunk, 0)
        plsc.subcore_barrier()


@jax.jit
def kernel(q, k, v, edge_index):
    row = edge_index[0].astype(jnp.int32)
    col = edge_index[1].astype(jnp.int32)
    epad = EPAD - E
    rows_pad = jnp.concatenate([row, jnp.full((epad,), DUMP, jnp.int32)])
    cols_pad = jnp.concatenate([col, jnp.zeros((epad,), jnp.int32)])
    rows2 = jnp.concatenate([rows_pad, rows_pad + NPAD])
    cols2 = jnp.concatenate([cols_pad, cols_pad + NPAD])
    spread = HALF + jnp.bitwise_and(jnp.arange(EPAD, dtype=jnp.int32), 255)
    halves = []
    for p in range(NPASS):
        in_half = jnp.logical_and(rows_pad >= p * HALF,
                                  rows_pad < (p + 1) * HALF)
        halves.append(jnp.where(in_half, rows_pad - p * HALF, spread))
    rows3 = jnp.concatenate(halves)

    def prep(x):
        xt = jnp.transpose(x, (0, 2, 1))
        parts = jnp.stack([xt[:, :HPC].reshape(N, DC),
                           xt[:, HPC:].reshape(N, DC)])
        return jnp.pad(parts, ((0, 0), (0, NPAD - N), (0, 0))).reshape(
            2 * NPAD, DC)

    qcat, kcat, vcat = prep(q), prep(k), prep(v)

    mesh = plsc.VectorSubcoreMesh(core_axis_name="c", subcore_axis_name="s",
                                  num_cores=2, num_subcores=16)
    scf = functools.partial(
        pl.kernel,
        out_type=jax.ShapeDtypeStruct((2 * NPASS * NSHP, DC), jnp.float32),
        mesh=mesh,
        compiler_params=pltpu.CompilerParams(needs_layout_passes=False),
        scratch_types=[
            pltpu.VMEM((G,), jnp.int32),
            pltpu.VMEM((G,), jnp.int32),
            pltpu.VMEM((G,), jnp.int32),
            pltpu.VMEM((G, DC), jnp.float32),
            pltpu.VMEM((G, DC), jnp.float32),
            pltpu.VMEM((G, DC), jnp.float32),
            pltpu.VMEM((G, DC), jnp.float32),
            pltpu.VMEM_SHARED((NSHP, DC), jnp.float32),
            pltpu.VMEM_SHARED((NSHP, DC), jnp.float32),
            pltpu.SemaphoreType.DMA,
            pltpu.SemaphoreType.DMA,
            pltpu.SemaphoreType.DMA,
        ],
    )
    out2 = scf(_sc_body)(qcat, kcat, vcat, rows3, rows2, cols2)
    o = out2.reshape(2, NPASS, NSHP, DC)[:, :, :HALF]
    o = o.reshape(2, NPASS * HALF, HPC, DH)[:, :N]
    return o.transpose(1, 3, 0, 2).reshape(N, DH, NHEAD)

# --- scband reference (transcript-rebuilt; emitter-appended) ---
"""Pipeline reference for scband-sparse-mha-39032662786146 (READ-ONLY COPY).

The authoritative reference and input builder live on the scoring server;
editing this copy changes nothing except your own understanding.
"""

import jax, jax.numpy as jnp
import numpy as np

N_NODES = 10000
N_EDGES = 160000
HEAD_DIM = 32
N_HEADS = 8


def setup_inputs(seed: int = 0) -> dict:
    key = jax.random.key(seed)
    k1, k2, k3, k4 = jax.random.split(key, 4)
    edge_index = jax.random.randint(k1, (2, N_EDGES), 0, N_NODES, dtype=jnp.int64)
    q = jax.random.normal(k2, (N_NODES, HEAD_DIM, N_HEADS), dtype=jnp.float32)
    k = jax.random.normal(k3, (N_NODES, HEAD_DIM, N_HEADS), dtype=jnp.float32)
    v = jax.random.normal(k4, (N_NODES, HEAD_DIM, N_HEADS), dtype=jnp.float32)
    return {"q": q, "k": k, "v": v, "edge_index": edge_index}


def reference(q, k, v, edge_index):
    # SparseMHA.forward_nofuse:
    #   attn = dglsp.bsddmm(A, q, k.transpose(1, 0))  -> sampled dense-dense matmul at A's nnz
    #   attn = attn.softmax()                          -> row-wise softmax per head
    #   out  = dglsp.bspmm(attn, v)                    -> sparse-dense matmul per head
    row = edge_index[0]  # destination rows of sparse A
    col = edge_index[1]  # source cols of sparse A
    n = q.shape[0]

    # SDDMM: attn[e, h] = sum_d q[row_e, d, h] * k[col_e, d, h]
    q_e = jnp.take(q, row, axis=0)  # [E, d_h, H]
    k_e = jnp.take(k, col, axis=0)  # [E, d_h, H]
    attn = jnp.einsum('edh,edh->eh', q_e, k_e)  # [E, H]

    # Row-wise (per destination node) softmax over neighbors, per head
    row_max = jax.ops.segment_max(attn, row, num_segments=n)  # [N, H]
    row_max = jnp.where(jnp.isfinite(row_max), row_max, 0.0)
    attn_exp = jnp.exp(attn - jnp.take(row_max, row, axis=0))  # [E, H]
    row_sum = jax.ops.segment_sum(attn_exp, row, num_segments=n)  # [N, H]
    row_sum = jnp.where(row_sum == 0.0, 1.0, row_sum)
    attn_sm = attn_exp / jnp.take(row_sum, row, axis=0)  # [E, H]

    # SpMM: out[i, d, h] = sum_{e: row_e == i} attn_sm[e, h] * v[col_e, d, h]
    v_e = jnp.take(v, col, axis=0)  # [E, d_h, H]
    msgs = attn_sm[:, None, :] * v_e  # [E, d_h, H]
    out = jax.ops.segment_sum(msgs, row, num_segments=n)  # [N, d_h, H]
    return out

if __name__ == "__main__":
    import jax
    _d = setup_inputs()
    print(jax.jit(kernel)(*tuple(_d.values())))

</pallas_src>

<mosaic_0001>
#map = affine_map<(d0, d1) -> (0, 0)>
#map1 = affine_map<(d0, d1) -> (0)>
module attributes {stable_mosaic.version = 14 : i64} {
  func.func @_sc_body(%arg0: i32, %arg1: i32, %arg2: memref<20048x128xf32, #tpu.memory_space<hbm>>, %arg3: memref<20048x128xf32, #tpu.memory_space<hbm>>, %arg4: memref<20048x128xf32, #tpu.memory_space<hbm>>, %arg5: memref<655360xi32, #tpu.memory_space<hbm>>, %arg6: memref<327680xi32, #tpu.memory_space<hbm>>, %arg7: memref<327680xi32, #tpu.memory_space<hbm>>, %arg8: memref<24576x128xf32, #tpu.memory_space<hbm>>, %arg9: memref<64xi32, #tpu.memory_space<vmem>>, %arg10: memref<64xi32, #tpu.memory_space<vmem>>, %arg11: memref<64xi32, #tpu.memory_space<vmem>>, %arg12: memref<64x128xf32, #tpu.memory_space<vmem>>, %arg13: memref<64x128xf32, #tpu.memory_space<vmem>>, %arg14: memref<64x128xf32, #tpu.memory_space<vmem>>, %arg15: memref<64x128xf32, #tpu.memory_space<vmem>>, %arg16: memref<3072x128xf32, #tpu.memory_space<vmem_shared>>, %arg17: memref<3072x128xf32, #tpu.memory_space<vmem_shared>>, %arg18: memref<!tpu.dma_semaphore, #tpu.memory_space<semaphore_mem>>, %arg19: memref<!tpu.dma_semaphore, #tpu.memory_space<semaphore_mem>>, %arg20: memref<!tpu.dma_semaphore, #tpu.memory_space<semaphore_mem>>) attributes {dimension_semantics = [#tpu.dimension_semantics<core_parallel>, #tpu.dimension_semantics<subcore_parallel>], iteration_bounds = array<i64: 2, 16>, scalar_prefetch = 0 : i64, scratch_operands = 12 : i64, tpu.core_type = #tpu.core_type<sc_vector_subcore>, window_params = [{transform_indices = #map}, {transform_indices = #map}, {transform_indices = #map}, {transform_indices = #map1}, {transform_indices = #map1}, {transform_indices = #map1}, {transform_indices = #map}]} {
    %broadcast_in_dim3A = arith.constant 0.000000e+00 : f32
    %broadcast_in_dim3A_0 = vector.broadcast %broadcast_in_dim3A : f32 to vector<16xf32>
    %iota3A = tpu.iota {dimensions = array<i32: 0>} : vector<16xi32>
    %and3A = arith.constant 3 : i32
    %and3A_1 = vector.broadcast %and3A : i32 to vector<16xi32>
    %and3A_2 = arith.andi %iota3A, %and3A_1 : vector<16xi32>
    %mul3A = arith.constant 10240 : i32
    %mul3A_3 = arith.muli %arg1, %mul3A : i32
    %mul3A_4 = arith.constant 192 : i32
    %mul3A_5 = arith.muli %arg1, %mul3A_4 : i32
    %scan3A = arith.constant 0 : i32
    %scan3A_6 = arith.constant 0 : i32
    %scan3A_7 = arith.constant 64 : i32
    %scan3A_8 = arith.addi %scan3A_6, %scan3A_7 : i32
    %scan3A_9 = arith.constant 1 : i32
    scf.for %scan3A_112 = %scan3A_6 to %scan3A_8 step %scan3A_9  : i32 {
      %swap3A = arith.index_cast %scan3A_112 : i32 to index
      %swap3A_113 = arith.constant 0 : index
      %swap3A_114 = tpu.vector_load %arg14[%swap3A, %swap3A_113] {strides = array<i32>} : memref<64x128xf32, #tpu.memory_space<vmem>>, vector<16xf32>,
      tpu.vector_store %arg14[%swap3A, %swap3A_113], %broadcast_in_dim3A_0 {strides = array<i32>} : memref<64x128xf32, #tpu.memory_space<vmem>>, vector<16xf32>,
      %swap3A_115 = arith.index_cast %scan3A_112 : i32 to index
      %swap3A_116 = arith.constant 0 : index
      %swap3A_117 = tpu.vector_load %arg15[%swap3A_115, %swap3A_116] {strides = array<i32>} : memref<64x128xf32, #tpu.memory_space<vmem>>, vector<16xf32>,
      tpu.vector_store %arg15[%swap3A_115, %swap3A_116], %broadcast_in_dim3A_0 {strides = array<i32>} : memref<64x128xf32, #tpu.memory_space<vmem>>, vector<16xf32>,
      %swap3A_118 = arith.index_cast %scan3A_112 : i32 to index
      %swap3A_119 = arith.constant 16 : index
      %swap3A_120 = tpu.vector_load %arg14[%swap3A_118, %swap3A_119] {strides = array<i32>} : memref<64x128xf32, #tpu.memory_space<vmem>>, vector<16xf32>,
      tpu.vector_store %arg14[%swap3A_118, %swap3A_119], %broadcast_in_dim3A_0 {strides = array<i32>} : memref<64x128xf32, #tpu.memory_space<vmem>>, vector<16xf32>,
      %swap3A_121 = arith.index_cast %scan3A_112 : i32 to index
      %swap3A_122 = arith.constant 16 : index
      %swap3A_123 = tpu.vector_load %arg15[%swap3A_121, %swap3A_122] {strides = array<i32>} : memref<64x128xf32, #tpu.memory_space<vmem>>, vector<16xf32>,
      tpu.vector_store %arg15[%swap3A_121, %swap3A_122], %broadcast_in_dim3A_0 {strides = array<i32>} : memref<64x128xf32, #tpu.memory_space<vmem>>, vector<16xf32>,
      %swap3A_124 = arith.index_cast %scan3A_112 : i32 to index
      %swap3A_125 = arith.constant 32 : index
      %swap3A_126 = tpu.vector_load %arg14[%swap3A_124, %swap3A_125] {strides = array<i32>} : memref<64x128xf32, #tpu.memory_space<vmem>>, vector<16xf32>,
      tpu.vector_store %arg14[%swap3A_124, %swap3A_125], %broadcast_in_dim3A_0 {strides = array<i32>} : memref<64x128xf32, #tpu.memory_space<vmem>>, vector<16xf32>,
      %swap3A_127 = arith.index_cast %scan3A_112 : i32 to index
      %swap3A_128 = arith.constant 32 : index
      %swap3A_129 = tpu.vector_load %arg15[%swap3A_127, %swap3A_128] {strides = array<i32>} : memref<64x128xf32, #tpu.memory_space<vmem>>, vector<16xf32>,
      tpu.vector_store %arg15[%swap3A_127, %swap3A_128], %broadcast_in_dim3A_0 {strides = array<i32>} : memref<64x128xf32, #tpu.memory_space<vmem>>, vector<16xf32>,
      %swap3A_130 = arith.index_cast %scan3A_112 : i32 to index
      %swap3A_131 = arith.constant 48 : index
      %swap3A_132 = tpu.vector_load %arg14[%swap3A_130, %swap3A_131] {strides = array<i32>} : memref<64x128xf32, #tpu.memory_space<vmem>>, vector<16xf32>,
      tpu.vector_store %arg14[%swap3A_130, %swap3A_131], %broadcast_in_dim3A_0 {strides = array<i32>} : memref<64x128xf32, #tpu.memory_space<vmem>>, vector<16xf32>,
      %swap3A_133 = arith.index_cast %scan3A_112 : i32 to index
      %swap3A_134 = arith.constant 48 : index
      %swap3A_135 = tpu.vector_load %arg15[%swap3A_133, %swap3A_134] {strides = array<i32>} : memref<64x128xf32, #tpu.memory_space<vmem>>, vector<16xf32>,
      tpu.vector_store %arg15[%swap3A_133, %swap3A_134], %broadcast_in_dim3A_0 {strides = array<i32>} : memref<64x128xf32, #tpu.memory_space<vmem>>, vector<16xf32>,
      %swap3A_136 = arith.index_cast %scan3A_112 : i32 to index
      %swap3A_137 = arith.constant 64 : index
      %swap3A_138 = tpu.vector_load %arg14[%swap3A_136, %swap3A_137] {strides = array<i32>} : memref<64x128xf32, #tpu.memory_space<vmem>>, vector<16xf32>,
      tpu.vector_store %arg14[%swap3A_136, %swap3A_137], %broadcast_in_dim3A_0 {strides = array<i32>} : memref<64x128xf32, #tpu.memory_space<vmem>>, vector<16xf32>,
      %swap3A_139 = arith.index_cast %scan3A_112 : i32 to index
      %swap3A_140 = arith.constant 64 : index
      %swap3A_141 = tpu.vector_load %arg15[%swap3A_139, %swap3A_140] {strides = array<i32>} : memref<64x128xf32, #tpu.memory_space<vmem>>, vector<16xf32>,
      tpu.vector_store %arg15[%swap3A_139, %swap3A_140], %broadcast_in_dim3A_0 {strides = array<i32>} : memref<64x128xf32, #tpu.memory_space<vmem>>, vector<16xf32>,
      %swap3A_142 = arith.index_cast %scan3A_112 : i32 to index
      %swap3A_143 = arith.constant 80 : index
      %swap3A_144 = tpu.vector_load %arg14[%swap3A_142, %swap3A_143] {strides = array<i32>} : memref<64x128xf32, #tpu.memory_space<vmem>>, vector<16xf32>,
      tpu.vector_store %arg14[%swap3A_142, %swap3A_143], %broadcast_in_dim3A_0 {strides = array<i32>} : memref<64x128xf32, #tpu.memory_space<vmem>>, vector<16xf32>,
      %swap3A_145 = arith.index_cast %scan3A_112 : i32 to index
      %swap3A_146 = arith.constant 80 : index
      %swap3A_147 = tpu.vector_load %arg15[%swap3A_145, %swap3A_146] {strides = array<i32>} : memref<64x128xf32, #tpu.memory_space<vmem>>, vector<16xf32>,
      tpu.vector_store %arg15[%swap3A_145, %swap3A_146], %broadcast_in_dim3A_0 {strides = array<i32>} : memref<64x128xf32, #tpu.memory_space<vmem>>, vector<16xf32>,
      %swap3A_148 = arith.index_cast %scan3A_112 : i32 to index
      %swap3A_149 = arith.constant 96 : index
      %swap3A_150 = tpu.vector_load %arg14[%swap3A_148, %swap3A_149] {strides = array<i32>} : memref<64x128xf32, #tpu.memory_space<vmem>>, vector<16xf32>,
      tpu.vector_store %arg14[%swap3A_148, %swap3A_149], %broadcast_in_dim3A_0 {strides = array<i32>} : memref<64x128xf32, #tpu.memory_space<vmem>>, vector<16xf32>,
      %swap3A_151 = arith.index_cast %scan3A_112 : i32 to index
      %swap3A_152 = arith.constant 96 : index
      %swap3A_153 = tpu.vector_load %arg15[%swap3A_151, %swap3A_152] {strides = array<i32>} : memref<64x128xf32, #tpu.memory_space<vmem>>, vector<16xf32>,
      tpu.vector_store %arg15[%swap3A_151, %swap3A_152], %broadcast_in_dim3A_0 {strides = array<i32>} : memref<64x128xf32, #tpu.memory_space<vmem>>, vector<16xf32>,
      %swap3A_154 = arith.index_cast %scan3A_112 : i32 to index
      %swap3A_155 = arith.constant 112 : index
      %swap3A_156 = tpu.vector_load %arg14[%swap3A_154, %swap3A_155] {strides = array<i32>} : memref<64x128xf32, #tpu.memory_space<vmem>>, vector<16xf32>,
      tpu.vector_store %arg14[%swap3A_154, %swap3A_155], %broadcast_in_dim3A_0 {strides = array<i32>} : memref<64x128xf32, #tpu.memory_space<vmem>>, vector<16xf32>,
      %swap3A_157 = arith.index_cast %scan3A_112 : i32 to index
      %swap3A_158 = arith.constant 112 : index
      %swap3A_159 = tpu.vector_load %arg15[%swap3A_157, %swap3A_158] {strides = array<i32>} : memref<64x128xf32, #tpu.memory_space<vmem>>, vector<16xf32>,
      tpu.vector_store %arg15[%swap3A_157, %swap3A_158], %broadcast_in_dim3A_0 {strides = array<i32>} : memref<64x128xf32, #tpu.memory_space<vmem>>, vector<16xf32>,
    }
    %scan3A_10 = arith.constant 64 : i32
    %scan3A_11 = arith.constant 0 : i32
    %scan3A_12 = arith.constant 0 : i32
    %scan3A_13 = arith.constant 3 : i32
    %scan3A_14 = arith.addi %scan3A_12, %scan3A_13 : i32
    %scan3A_15 = arith.constant 1 : i32
    scf.for %scan3A_112 = %scan3A_12 to %scan3A_14 step %scan3A_15  : i32 {
      %mul3A_113 = arith.constant 64 : i32
      %mul3A_114 = arith.muli %scan3A_112, %mul3A_113 : i32
      %add3A = arith.addi %mul3A_5, %mul3A_114 : i32
      "tpu.region"() ({
        %run_scoped3A = tpu.sem_alloc : memref<!tpu.dma_semaphore, #tpu.memory_space<semaphore_mem>>
        %dma_start3A = arith.constant 0 : i32
        %dma_start3A_115 = tpu.memref_slice %arg16[%add3A, %dma_start3A] : memref<3072x128xf32, #tpu.memory_space<vmem_shared>> -> memref<64x128xf32, #tpu.memory_space<vmem_shared>>
        %dma_start3A_116 = arith.constant 0 : i32
        %dma_start3A_117 = tpu.memref_slice %arg16[%add3A, %dma_start3A_116] : memref<3072x128xf32, #tpu.memory_space<vmem_shared>> -> memref<64x128xf32, #tpu.memory_space<vmem_shared>>
        tpu.enqueue_dma source(%arg14 : memref<64x128xf32, #tpu.memory_space<vmem>>) target(%dma_start3A_117 : memref<64x128xf32, #tpu.memory_space<vmem_shared>>) target_semaphore(%run_scoped3A : memref<!tpu.dma_semaphore, #tpu.memory_space<semaphore_mem>>)
        %dma_wait3A = arith.constant 0 : i32
        %dma_wait3A_118 = tpu.memref_slice %arg16[%add3A, %dma_wait3A] : memref<3072x128xf32, #tpu.memory_space<vmem_shared>> -> memref<64x128xf32, #tpu.memory_space<vmem_shared>>
        %dma_wait3A_119 = arith.constant 0 : i32
        %dma_wait3A_120 = tpu.memref_slice %arg16[%add3A, %dma_wait3A_119] : memref<3072x128xf32, #tpu.memory_space<vmem_shared>> -> memref<64x128xf32, #tpu.memory_space<vmem_shared>>
        tpu.wait_dma2 semaphore(%run_scoped3A : memref<!tpu.dma_semaphore, #tpu.memory_space<semaphore_mem>>) src(%arg14 : memref<64x128xf32, #tpu.memory_space<vmem>>) dst(%dma_wait3A_120 : memref<64x128xf32, #tpu.memory_space<vmem_shared>>)
        tpu.yield
      }) : () -> ()
      "tpu.region"() ({
        %run_scoped3A = tpu.sem_alloc : memref<!tpu.dma_semaphore, #tpu.memory_space<semaphore_mem>>
        %dma_start3A = arith.constant 0 : i32
        %dma_start3A_115 = tpu.memref_slice %arg17[%add3A, %dma_start3A] : memref<3072x128xf32, #tpu.memory_space<vmem_shared>> -> memref<64x128xf32, #tpu.memory_space<vmem_shared>>
        %dma_start3A_116 = arith.constant 0 : i32
        %dma_start3A_117 = tpu.memref_slice %arg17[%add3A, %dma_start3A_116] : memref<3072x128xf32, #tpu.memory_space<vmem_shared>> -> memref<64x128xf32, #tpu.memory_space<vmem_shared>>
        tpu.enqueue_dma source(%arg15 : memref<64x128xf32, #tpu.memory_space<vmem>>) target(%dma_start3A_117 : memref<64x128xf32, #tpu.memory_space<vmem_shared>>) target_semaphore(%run_scoped3A : memref<!tpu.dma_semaphore, #tpu.memory_space<semaphore_mem>>)
        %dma_wait3A = arith.constant 0 : i32
        %dma_wait3A_118 = tpu.memref_slice %arg17[%add3A, %dma_wait3A] : memref<3072x128xf32, #tpu.memory_space<vmem_shared>> -> memref<64x128xf32, #tpu.memory_space<vmem_shared>>
        %dma_wait3A_119 = arith.constant 0 : i32
        %dma_wait3A_120 = tpu.memref_slice %arg17[%add3A, %dma_wait3A_119] : memref<3072x128xf32, #tpu.memory_space<vmem_shared>> -> memref<64x128xf32, #tpu.memory_space<vmem_shared>>
        tpu.wait_dma2 semaphore(%run_scoped3A : memref<!tpu.dma_semaphore, #tpu.memory_space<semaphore_mem>>) src(%arg15 : memref<64x128xf32, #tpu.memory_space<vmem>>) dst(%dma_wait3A_120 : memref<64x128xf32, #tpu.memory_space<vmem_shared>>)
        tpu.yield
      }) : () -> ()
    }
    %scan3A_16 = arith.constant 3 : i32
    %barrier3A = arith.constant 0 : index
    tpu.barrier barrier_id(%barrier3A)
    %scan3A_17 = arith.constant 0 : i32
    %scan3A_18 = arith.constant 0 : i32
    %scan3A_19 = arith.constant 160 : i32
    %scan3A_20 = arith.addi %scan3A_18, %scan3A_19 : i32
    %scan3A_21 = arith.constant 1 : i32
    scf.for %scan3A_112 = %scan3A_18 to %scan3A_20 step %scan3A_21  : i32 {
      %mul3A_113 = arith.constant 64 : i32
      %mul3A_114 = arith.muli %scan3A_112, %mul3A_113 : i32
      %add3A = arith.addi %mul3A_3, %mul3A_114 : i32
      %add3A_115 = arith.constant 0 : i32
      %add3A_116 = arith.addi %add3A_115, %add3A : i32
      %dma_start3A = tpu.memref_slice %arg5[%add3A_116] : memref<655360xi32, #tpu.memory_space<hbm>> -> memref<64xi32, #tpu.memory_space<hbm>>
      %dma_start3A_117 = tpu.memref_slice %arg5[%add3A_116] : memref<655360xi32, #tpu.memory_space<hbm>> -> memref<64xi32, #tpu.memory_space<hbm>>
      tpu.enqueue_dma source(%dma_start3A_117 : memref<64xi32, #tpu.memory_space<hbm>>) target(%arg9 : memref<64xi32, #tpu.memory_space<vmem>>) target_semaphore(%arg18 : memref<!tpu.dma_semaphore, #tpu.memory_space<semaphore_mem>>)
      %mul3A_118 = arith.constant 163840 : i32
      %mul3A_119 = arith.muli %arg0, %mul3A_118 : i32
      %add3A_120 = arith.addi %mul3A_119, %add3A : i32
      %dma_start3A_121 = tpu.memref_slice %arg6[%add3A_120] : memref<327680xi32, #tpu.memory_space<hbm>> -> memref<64xi32, #tpu.memory_space<hbm>>
      %dma_start3A_122 = tpu.memref_slice %arg6[%add3A_120] : memref<327680xi32, #tpu.memory_space<hbm>> -> memref<64xi32, #tpu.memory_space<hbm>>
      tpu.enqueue_dma source(%dma_start3A_122 : memref<64xi32, #tpu.memory_space<hbm>>) target(%arg10 : memref<64xi32, #tpu.memory_space<vmem>>) target_semaphore(%arg19 : memref<!tpu.dma_semaphore, #tpu.memory_space<semaphore_mem>>)
      %mul3A_123 = arith.constant 163840 : i32
      %mul3A_124 = arith.muli %arg0, %mul3A_123 : i32
      %add3A_125 = arith.addi %mul3A_124, %add3A : i32
      %dma_start3A_126 = tpu.memref_slice %arg7[%add3A_125] : memref<327680xi32, #tpu.memory_space<hbm>> -> memref<64xi32, #tpu.memory_space<hbm>>
      %dma_start3A_127 = tpu.memref_slice %arg7[%add3A_125] : memref<327680xi32, #tpu.memory_space<hbm>> -> memref<64xi32, #tpu.memory_space<hbm>>
      tpu.enqueue_dma source(%dma_start3A_127 : memref<64xi32, #tpu.memory_space<hbm>>) target(%arg11 : memref<64xi32, #tpu.memory_space<vmem>>) target_semaphore(%arg20 : memref<!tpu.dma_semaphore, #tpu.memory_space<semaphore_mem>>)
      %dma_wait3A = tpu.memref_slice %arg5[%add3A_116] : memref<655360xi32, #tpu.memory_space<hbm>> -> memref<64xi32, #tpu.memory_space<hbm>>
      %dma_wait3A_128 = tpu.memref_slice %arg5[%add3A_116] : memref<655360xi32, #tpu.memory_space<hbm>> -> memref<64xi32, #tpu.memory_space<hbm>>
      tpu.wait_dma2 semaphore(%arg18 : memref<!tpu.dma_semaphore, #tpu.memory_space<semaphore_mem>>) src(%dma_wait3A_128 : memref<64xi32, #tpu.memory_space<hbm>>) dst(%arg9 : memref<64xi32, #tpu.memory_space<vmem>>)
      %dma_wait3A_129 = tpu.memref_slice %arg6[%add3A_120] : memref<327680xi32, #tpu.memory_space<hbm>> -> memref<64xi32, #tpu.memory_space<hbm>>
      %dma_wait3A_130 = tpu.memref_slice %arg6[%add3A_120] : memref<327680xi32, #tpu.memory_space<hbm>> -> memref<64xi32, #tpu.memory_space<hbm>>
      tpu.wait_dma2 semaphore(%arg19 : memref<!tpu.dma_semaphore, #tpu.memory_space<semaphore_mem>>) src(%dma_wait3A_130 : memref<64xi32, #tpu.memory_space<hbm>>) dst(%arg10 : memref<64xi32, #tpu.memory_space<vmem>>)
      %dma_wait3A_131 = tpu.memref_slice %arg7[%add3A_125] : memref<327680xi32, #tpu.memory_space<hbm>> -> memref<64xi32, #tpu.memory_space<hbm>>
      %dma_wait3A_132 = tpu.memref_slice %arg7[%add3A_125] : memref<327680xi32, #tpu.memory_space<hbm>> -> memref<64xi32, #tpu.memory_space<hbm>>
      tpu.wait_dma2 semaphore(%arg20 : memref<!tpu.dma_semaphore, #tpu.memory_space<semaphore_mem>>) src(%dma_wait3A_132 : memref<64xi32, #tpu.memory_space<hbm>>) dst(%arg11 : memref<64xi32, #tpu.memory_space<vmem>>)
      %dma_start3A_133 = arith.constant 0 : i32
      %dma_start3A_134 = arith.constant 0 : i32
      %dma_start3A_135 = tpu.memref_slice %arg2[%dma_start3A_133, %dma_start3A_134] : memref<20048x128xf32, #tpu.memory_space<hbm>> -> memref<20048x128xf32, #tpu.memory_space<hbm>>
      tpu.enqueue_indirect_dma source(%dma_start3A_135 : memref<20048x128xf32, #tpu.memory_space<hbm>>) target(%arg12 : memref<64x128xf32, #tpu.memory_space<vmem>>) offsets(%arg10 : memref<64xi32, #tpu.memory_space<vmem>>) semaphore(%arg18 : memref<!tpu.dma_semaphore, #tpu.memory_space<semaphore_mem>>)
      %dma_start3A_136 = arith.constant 0 : i32
      %dma_start3A_137 = arith.constant 0 : i32
      %dma_start3A_138 = tpu.memref_slice %arg3[%dma_start3A_136, %dma_start3A_137] : memref<20048x128xf32, #tpu.memory_space<hbm>> -> memref<20048x128xf32, #tpu.memory_space<hbm>>
      tpu.enqueue_indirect_dma source(%dma_start3A_138 : memref<20048x128xf32, #tpu.memory_space<hbm>>) target(%arg13 : memref<64x128xf32, #tpu.memory_space<vmem>>) offsets(%arg11 : memref<64xi32, #tpu.memory_space<vmem>>) semaphore(%arg19 : memref<!tpu.dma_semaphore, #tpu.memory_space<semaphore_mem>>)
      %dma_start3A_139 = arith.constant 0 : i32
      %dma_start3A_140 = arith.constant 0 : i32
      %dma_start3A_141 = tpu.memref_slice %arg4[%dma_start3A_139, %dma_start3A_140] : memref<20048x128xf32, #tpu.memory_space<hbm>> -> memref<20048x128xf32, #tpu.memory_space<hbm>>
      tpu.enqueue_indirect_dma source(%dma_start3A_141 : memref<20048x128xf32, #tpu.memory_space<hbm>>) target(%arg14 : memref<64x128xf32, #tpu.memory_space<vmem>>) offsets(%arg11 : memref<64xi32, #tpu.memory_space<vmem>>) semaphore(%arg20 : memref<!tpu.dma_semaphore, #tpu.memory_space<semaphore_mem>>)
      %dma_wait3A_142 = arith.constant 0 : i32
      %dma_wait3A_143 = arith.constant 0 : i32
      %dma_wait3A_144 = tpu.memref_slice %arg2[%dma_wait3A_142, %dma_wait3A_143] : memref<20048x128xf32, #tpu.memory_space<hbm>> -> memref<20048x128xf32, #tpu.memory_space<hbm>>
      tpu.wait_indirect_dma semaphore(%arg18 : memref<!tpu.dma_semaphore, #tpu.memory_space<semaphore_mem>>) src(%dma_wait3A_144 : memref<20048x128xf32, #tpu.memory_space<hbm>>) dst(%arg12 : memref<64x128xf32, #tpu.memory_space<vmem>>)
      %dma_wait3A_145 = arith.constant 0 : i32
      %dma_wait3A_146 = arith.constant 0 : i32
      %dma_wait3A_147 = tpu.memref_slice %arg3[%dma_wait3A_145, %dma_wait3A_146] : memref<20048x128xf32, #tpu.memory_space<hbm>> -> memref<20048x128xf32, #tpu.memory_space<hbm>>
      tpu.wait_indirect_dma semaphore(%arg19 : memref<!tpu.dma_semaphore, #tpu.memory_space<semaphore_mem>>) src(%dma_wait3A_147 : memref<20048x128xf32, #tpu.memory_space<hbm>>) dst(%arg13 : memref<64x128xf32, #tpu.memory_space<vmem>>)
      %dma_wait3A_148 = arith.constant 0 : i32
      %dma_wait3A_149 = arith.constant 0 : i32
      %dma_wait3A_150 = tpu.memref_slice %arg4[%dma_wait3A_148, %dma_wait3A_149] : memref<20048x128xf32, #tpu.memory_space<hbm>> -> memref<20048x128xf32, #tpu.memory_space<hbm>>
      tpu.wait_indirect_dma semaphore(%arg20 : memref<!tpu.dma_semaphore, #tpu.memory_space<semaphore_mem>>) src(%dma_wait3A_150 : memref<20048x128xf32, #tpu.memory_space<hbm>>) dst(%arg14 : memref<64x128xf32, #tpu.memory_space<vmem>>)
      %scan3A_151 = arith.constant 0 : i32
      %scan3A_152 = arith.constant 0 : i32
      %scan3A_153 = arith.constant 32 : i32
      %scan3A_154 = arith.addi %scan3A_152, %scan3A_153 : i32
      %scan3A_155 = arith.constant 1 : i32
      scf.for %scan3A_169 = %scan3A_152 to %scan3A_154 step %scan3A_155  : i32 {
        %mul3A_170 = arith.constant 2 : i32
        %mul3A_171 = arith.muli %scan3A_169, %mul3A_170 : i32
        %add3A_172 = arith.constant 0 : i32
        %add3A_173 = arith.addi %mul3A_171, %add3A_172 : i32
        %get3A = arith.index_cast %add3A_173 : i32 to index
        %get3A_174 = arith.constant 0 : index
        %get3A_175 = tpu.vector_load %arg12[%get3A, %get3A_174] {strides = array<i32>} : memref<64x128xf32, #tpu.memory_space<vmem>>, vector<16xf32>,
        %get3A_176 = arith.index_cast %add3A_173 : i32 to index
        %get3A_177 = arith.constant 16 : index
        %get3A_178 = tpu.vector_load %arg12[%get3A_176, %get3A_177] {strides = array<i32>} : memref<64x128xf32, #tpu.memory_space<vmem>>, vector<16xf32>,
        %get3A_179 = arith.index_cast %add3A_173 : i32 to index
        %get3A_180 = arith.constant 0 : index
        %get3A_181 = tpu.vector_load %arg13[%get3A_179, %get3A_180] {strides = array<i32>} : memref<64x128xf32, #tpu.memory_space<vmem>>, vector<16xf32>,
        %get3A_182 = arith.index_cast %add3A_173 : i32 to index
        %get3A_183 = arith.constant 16 : index
        %get3A_184 = tpu.vector_load %arg13[%get3A_182, %get3A_183] {strides = array<i32>} : memref<64x128xf32, #tpu.memory_space<vmem>>, vector<16xf32>,
        %mul3A_185 = arith.mulf %get3A_175, %get3A_181 : vector<16xf32>
        %mul3A_186 = arith.mulf %get3A_178, %get3A_184 : vector<16xf32>
        %add3A_187 = arith.addf %mul3A_185, %mul3A_186 : vector<16xf32>
        %reduce_sum3A = arith.constant true
        %reduce_sum3A_188 = vector.broadcast %reduce_sum3A : i1 to vector<16xi1>
        %reduce_sum3A_189 = tpu.scan <sum>, %add3A_187 masked %reduce_sum3A_188 : vector<16xf32>, vector<16xi1> -> vector<16xf32>
        %reduce_sum3A_190 = vector.extract %reduce_sum3A_189[15] : f32 from vector<16xf32>
        %broadcast_in_dim3A_191 = vector.broadcast %reduce_sum3A_190 : f32 to vector<16xf32>
        %exp3A = math.exp %broadcast_in_dim3A_191 : vector<16xf32>
        %get3A_192 = arith.index_cast %add3A_173 : i32 to index
        %get3A_193 = arith.constant 0 : index
        %get3A_194 = tpu.vector_load %arg14[%get3A_192, %get3A_193] {strides = array<i32>} : memref<64x128xf32, #tpu.memory_space<vmem>>, vector<16xf32>,
        %mul3A_195 = arith.mulf %exp3A, %get3A_194 : vector<16xf32>
        %swap3A = arith.index_cast %add3A_173 : i32 to index
        %swap3A_196 = arith.constant 0 : index
        %swap3A_197 = tpu.vector_load %arg14[%swap3A, %swap3A_196] {strides = array<i32>} : memref<64x128xf32, #tpu.memory_space<vmem>>, vector<16xf32>,
        tpu.vector_store %arg14[%swap3A, %swap3A_196], %mul3A_195 {strides = array<i32>} : memref<64x128xf32, #tpu.memory_space<vmem>>, vector<16xf32>,
        %get3A_198 = arith.index_cast %add3A_173 : i32 to index
        %get3A_199 = arith.constant 16 : index
        %get3A_200 = tpu.vector_load %arg14[%get3A_198, %get3A_199] {strides = array<i32>} : memref<64x128xf32, #tpu.memory_space<vmem>>, vector<16xf32>,
        %mul3A_201 = arith.mulf %exp3A, %get3A_200 : vector<16xf32>
        %swap3A_202 = arith.index_cast %add3A_173 : i32 to index
        %swap3A_203 = arith.constant 16 : index
        %swap3A_204 = tpu.vector_load %arg14[%swap3A_202, %swap3A_203] {strides = array<i32>} : memref<64x128xf32, #tpu.memory_space<vmem>>, vector<16xf32>,
        tpu.vector_store %arg14[%swap3A_202, %swap3A_203], %mul3A_201 {strides = array<i32>} : memref<64x128xf32, #tpu.memory_space<vmem>>, vector<16xf32>,
        %get3A_205 = arith.index_cast %add3A_173 : i32 to index
        %get3A_206 = arith.constant 32 : index
        %get3A_207 = tpu.vector_load %arg12[%get3A_205, %get3A_206] {strides = array<i32>} : memref<64x128xf32, #tpu.memory_space<vmem>>, vector<16xf32>,
        %get3A_208 = arith.index_cast %add3A_173 : i32 to index
        %get3A_209 = arith.constant 48 : index
        %get3A_210 = tpu.vector_load %arg12[%get3A_208, %get3A_209] {strides = array<i32>} : memref<64x128xf32, #tpu.memory_space<vmem>>, vector<16xf32>,
        %get3A_211 = arith.index_cast %add3A_173 : i32 to index
        %get3A_212 = arith.constant 32 : index
        %get3A_213 = tpu.vector_load %arg13[%get3A_211, %get3A_212] {strides = array<i32>} : memref<64x128xf32, #tpu.memory_space<vmem>>, vector<16xf32>,
        %get3A_214 = arith.index_cast %add3A_173 : i32 to index
        %get3A_215 = arith.constant 48 : index
        %get3A_216 = tpu.vector_load %arg13[%get3A_214, %get3A_215] {strides = array<i32>} : memref<64x128xf32, #tpu.memory_space<vmem>>, vector<16xf32>,
        %mul3A_217 = arith.mulf %get3A_207, %get3A_213 : vector<16xf32>
        %mul3A_218 = arith.mulf %get3A_210, %get3A_216 : vector<16xf32>
        %add3A_219 = arith.addf %mul3A_217, %mul3A_218 : vector<16xf32>
        %reduce_sum3A_220 = arith.constant true
        %reduce_sum3A_221 = vector.broadcast %reduce_sum3A_220 : i1 to vector<16xi1>
        %reduce_sum3A_222 = tpu.scan <sum>, %add3A_219 masked %reduce_sum3A_221 : vector<16xf32>, vector<16xi1> -> vector<16xf32>
        %reduce_sum3A_223 = vector.extract %reduce_sum3A_222[15] : f32 from vector<16xf32>
        %broadcast_in_dim3A_224 = vector.broadcast %reduce_sum3A_223 : f32 to vector<16xf32>
        %exp3A_225 = math.exp %broadcast_in_dim3A_224 : vector<16xf32>
        %get3A_226 = arith.index_cast %add3A_173 : i32 to index
        %get3A_227 = arith.constant 32 : index
        %get3A_228 = tpu.vector_load %arg14[%get3A_226, %get3A_227] {strides = array<i32>} : memref<64x128xf32, #tpu.memory_space<vmem>>, vector<16xf32>,
        %mul3A_229 = arith.mulf %exp3A_225, %get3A_228 : vector<16xf32>
        %swap3A_230 = arith.index_cast %add3A_173 : i32 to index
        %swap3A_231 = arith.constant 32 : index
        %swap3A_232 = tpu.vector_load %arg14[%swap3A_230, %swap3A_231] {strides = array<i32>} : memref<64x128xf32, #tpu.memory_space<vmem>>, vector<16xf32>,
        tpu.vector_store %arg14[%swap3A_230, %swap3A_231], %mul3A_229 {strides = array<i32>} : memref<64x128xf32, #tpu.memory_space<vmem>>, vector<16xf32>,
        %get3A_233 = arith.index_cast %add3A_173 : i32 to index
        %get3A_234 = arith.constant 48 : index
        %get3A_235 = tpu.vector_load %arg14[%get3A_233, %get3A_234] {strides = array<i32>} : memref<64x128xf32, #tpu.memory_space<vmem>>, vector<16xf32>,
        %mul3A_236 = arith.mulf %exp3A_225, %get3A_235 : vector<16xf32>
        %swap3A_237 = arith.index_cast %add3A_173 : i32 to index
        %swap3A_238 = arith.constant 48 : index
        %swap3A_239 = tpu.vector_load %arg14[%swap3A_237, %swap3A_238] {strides = array<i32>} : memref<64x128xf32, #tpu.memory_space<vmem>>, vector<16xf32>,
        tpu.vector_store %arg14[%swap3A_237, %swap3A_238], %mul3A_236 {strides = array<i32>} : memref<64x128xf32, #tpu.memory_space<vmem>>, vector<16xf32>,
        %get3A_240 = arith.index_cast %add3A_173 : i32 to index
        %get3A_241 = arith.constant 64 : index
        %get3A_242 = tpu.vector_load %arg12[%get3A_240, %get3A_241] {strides = array<i32>} : memref<64x128xf32, #tpu.memory_space<vmem>>, vector<16xf32>,
        %get3A_243 = arith.index_cast %add3A_173 : i32 to index
        %get3A_244 = arith.constant 80 : index
        %get3A_245 = tpu.vector_load %arg12[%get3A_243, %get3A_244] {strides = array<i32>} : memref<64x128xf32, #tpu.memory_space<vmem>>, vector<16xf32>,
        %get3A_246 = arith.index_cast %add3A_173 : i32 to index
        %get3A_247 = arith.constant 64 : index
        %get3A_248 = tpu.vector_load %arg13[%get3A_246, %get3A_247] {strides = array<i32>} : memref<64x128xf32, #tpu.memory_space<vmem>>, vector<16xf32>,
        %get3A_249 = arith.index_cast %add3A_173 : i32 to index
        %get3A_250 = arith.constant 80 : index
        %get3A_251 = tpu.vector_load %arg13[%get3A_249, %get3A_250] {strides = array<i32>} : memref<64x128xf32, #tpu.memory_space<vmem>>, vector<16xf32>,
        %mul3A_252 = arith.mulf %get3A_242, %get3A_248 : vector<16xf32>
        %mul3A_253 = arith.mulf %get3A_245, %get3A_251 : vector<16xf32>
        %add3A_254 = arith.addf %mul3A_252, %mul3A_253 : vector<16xf32>
        %reduce_sum3A_255 = arith.constant true
        %reduce_sum3A_256 = vector.broadcast %reduce_sum3A_255 : i1 to vector<16xi1>
        %reduce_sum3A_257 = tpu.scan <sum>, %add3A_254 masked %reduce_sum3A_256 : vector<16xf32>, vector<16xi1> -> vector<16xf32>
        %reduce_sum3A_258 = vector.extract %reduce_sum3A_257[15] : f32 from vector<16xf32>
        %broadcast_in_dim3A_259 = vector.broadcast %reduce_sum3A_258 : f32 to vector<16xf32>
        %exp3A_260 = math.exp %broadcast_in_dim3A_259 : vector<16xf32>
        %get3A_261 = arith.index_cast %add3A_173 : i32 to index
        %get3A_262 = arith.constant 64 : index
        %get3A_263 = tpu.vector_load %arg14[%get3A_261, %get3A_262] {strides = array<i32>} : memref<64x128xf32, #tpu.memory_space<vmem>>, vector<16xf32>,
        %mul3A_264 = arith.mulf %exp3A_260, %get3A_263 : vector<16xf32>
        %swap3A_265 = arith.index_cast %add3A_173 : i32 to index
        %swap3A_266 = arith.constant 64 : index
        %swap3A_267 = tpu.vector_load %arg14[%swap3A_265, %swap3A_266] {strides = array<i32>} : memref<64x128xf32, #tpu.memory_space<vmem>>, vector<16xf32>,
        tpu.vector_store %arg14[%swap3A_265, %swap3A_266], %mul3A_264 {strides = array<i32>} : memref<64x128xf32, #tpu.memory_space<vmem>>, vector<16xf32>,
        %get3A_268 = arith.index_cast %add3A_173 : i32 to index
        %get3A_269 = arith.constant 80 : index
        %get3A_270 = tpu.vector_load %arg14[%get3A_268, %get3A_269] {strides = array<i32>} : memref<64x128xf32, #tpu.memory_space<vmem>>, vector<16xf32>,
        %mul3A_271 = arith.mulf %exp3A_260, %get3A_270 : vector<16xf32>
        %swap3A_272 = arith.index_cast %add3A_173 : i32 to index
        %swap3A_273 = arith.constant 80 : index
        %swap3A_274 = tpu.vector_load %arg14[%swap3A_272, %swap3A_273] {strides = array<i32>} : memref<64x128xf32, #tpu.memory_space<vmem>>, vector<16xf32>,
        tpu.vector_store %arg14[%swap3A_272, %swap3A_273], %mul3A_271 {strides = array<i32>} : memref<64x128xf32, #tpu.memory_space<vmem>>, vector<16xf32>,
        %get3A_275 = arith.index_cast %add3A_173 : i32 to index
        %get3A_276 = arith.constant 96 : index
        %get3A_277 = tpu.vector_load %arg12[%get3A_275, %get3A_276] {strides = array<i32>} : memref<64x128xf32, #tpu.memory_space<vmem>>, vector<16xf32>,
        %get3A_278 = arith.index_cast %add3A_173 : i32 to index
        %get3A_279 = arith.constant 112 : index
        %get3A_280 = tpu.vector_load %arg12[%get3A_278, %get3A_279] {strides = array<i32>} : memref<64x128xf32, #tpu.memory_space<vmem>>, vector<16xf32>,
        %get3A_281 = arith.index_cast %add3A_173 : i32 to index
        %get3A_282 = arith.constant 96 : index
        %get3A_283 = tpu.vector_load %arg13[%get3A_281, %get3A_282] {strides = array<i32>} : memref<64x128xf32, #tpu.memory_space<vmem>>, vector<16xf32>,
        %get3A_284 = arith.index_cast %add3A_173 : i32 to index
        %get3A_285 = arith.constant 112 : index
        %get3A_286 = tpu.vector_load %arg13[%get3A_284, %get3A_285] {strides = array<i32>} : memref<64x128xf32, #tpu.memory_space<vmem>>, vector<16xf32>,
        %mul3A_287 = arith.mulf %get3A_277, %get3A_283 : vector<16xf32>
        %mul3A_288 = arith.mulf %get3A_280, %get3A_286 : vector<16xf32>
        %add3A_289 = arith.addf %mul3A_287, %mul3A_288 : vector<16xf32>
        %reduce_sum3A_290 = arith.constant true
        %reduce_sum3A_291 = vector.broadcast %reduce_sum3A_290 : i1 to vector<16xi1>
        %reduce_sum3A_292 = tpu.scan <sum>, %add3A_289 masked %reduce_sum3A_291 : vector<16xf32>, vector<16xi1> -> vector<16xf32>
        %reduce_sum3A_293 = vector.extract %reduce_sum3A_292[15] : f32 from vector<16xf32>
        %broadcast_in_dim3A_294 = vector.broadcast %reduce_sum3A_293 : f32 to vector<16xf32>
        %exp3A_295 = math.exp %broadcast_in_dim3A_294 : vector<16xf32>
        %get3A_296 = arith.index_cast %add3A_173 : i32 to index
        %get3A_297 = arith.constant 96 : index
        %get3A_298 = tpu.vector_load %arg14[%get3A_296, %get3A_297] {strides = array<i32>} : memref<64x128xf32, #tpu.memory_space<vmem>>, vector<16xf32>,
        %mul3A_299 = arith.mulf %exp3A_295, %get3A_298 : vector<16xf32>
        %swap3A_300 = arith.index_cast %add3A_173 : i32 to index
        %swap3A_301 = arith.constant 96 : index
        %swap3A_302 = tpu.vector_load %arg14[%swap3A_300, %swap3A_301] {strides = array<i32>} : memref<64x128xf32, #tpu.memory_space<vmem>>, vector<16xf32>,
        tpu.vector_store %arg14[%swap3A_300, %swap3A_301], %mul3A_299 {strides = array<i32>} : memref<64x128xf32, #tpu.memory_space<vmem>>, vector<16xf32>,
        %get3A_303 = arith.index_cast %add3A_173 : i32 to index
        %get3A_304 = arith.constant 112 : index
        %get3A_305 = tpu.vector_load %arg14[%get3A_303, %get3A_304] {strides = array<i32>} : memref<64x128xf32, #tpu.memory_space<vmem>>, vector<16xf32>,
        %mul3A_306 = arith.mulf %exp3A_295, %get3A_305 : vector<16xf32>
        %swap3A_307 = arith.index_cast %add3A_173 : i32 to index
        %swap3A_308 = arith.constant 112 : index
        %swap3A_309 = tpu.vector_load %arg14[%swap3A_307, %swap3A_308] {strides = array<i32>} : memref<64x128xf32, #tpu.memory_space<vmem>>, vector<16xf32>,
        tpu.vector_store %arg14[%swap3A_307, %swap3A_308], %mul3A_306 {strides = array<i32>} : memref<64x128xf32, #tpu.memory_space<vmem>>, vector<16xf32>,
        %eq3A = arith.constant 0 : i32
        %eq3A_310 = vector.broadcast %eq3A : i32 to vector<16xi32>
        %eq3A_311 = arith.cmpi eq, %and3A_2, %eq3A_310 : vector<16xi32>
        %eq3A_312 = arith.constant 1 : i32
        %eq3A_313 = vector.broadcast %eq3A_312 : i32 to vector<16xi32>
        %eq3A_314 = arith.cmpi eq, %and3A_2, %eq3A_313 : vector<16xi32>
        %eq3A_315 = arith.constant 2 : i32
        %eq3A_316 = vector.broadcast %eq3A_315 : i32 to vector<16xi32>
        %eq3A_317 = arith.cmpi eq, %and3A_2, %eq3A_316 : vector<16xi32>
        %select_n3A = arith.select %eq3A_317, %exp3A_260, %exp3A_295 : vector<16xi1>, vector<16xf32>
        %select_n3A_318 = arith.select %eq3A_314, %exp3A_225, %select_n3A : vector<16xi1>, vector<16xf32>
        %select_n3A_319 = arith.select %eq3A_311, %exp3A, %select_n3A_318 : vector<16xi1>, vector<16xf32>
        %swap3A_320 = arith.index_cast %add3A_173 : i32 to index
        %swap3A_321 = arith.constant 0 : index
        %swap3A_322 = tpu.vector_load %arg15[%swap3A_320, %swap3A_321] {strides = array<i32>} : memref<64x128xf32, #tpu.memory_space<vmem>>, vector<16xf32>,
        tpu.vector_store %arg15[%swap3A_320, %swap3A_321], %select_n3A_319 {strides = array<i32>} : memref<64x128xf32, #tpu.memory_space<vmem>>, vector<16xf32>,
        %swap3A_323 = arith.index_cast %add3A_173 : i32 to index
        %swap3A_324 = arith.constant 16 : index
        %swap3A_325 = tpu.vector_load %arg15[%swap3A_323, %swap3A_324] {strides = array<i32>} : memref<64x128xf32, #tpu.memory_space<vmem>>, vector<16xf32>,
        tpu.vector_store %arg15[%swap3A_323, %swap3A_324], %select_n3A_319 {strides = array<i32>} : memref<64x128xf32, #tpu.memory_space<vmem>>, vector<16xf32>,
        %swap3A_326 = arith.index_cast %add3A_173 : i32 to index
        %swap3A_327 = arith.constant 32 : index
        %swap3A_328 = tpu.vector_load %arg15[%swap3A_326, %swap3A_327] {strides = array<i32>} : memref<64x128xf32, #tpu.memory_space<vmem>>, vector<16xf32>,
        tpu.vector_store %arg15[%swap3A_326, %swap3A_327], %select_n3A_319 {strides = array<i32>} : memref<64x128xf32, #tpu.memory_space<vmem>>, vector<16xf32>,
        %swap3A_329 = arith.index_cast %add3A_173 : i32 to index
        %swap3A_330 = arith.constant 48 : index
        %swap3A_331 = tpu.vector_load %arg15[%swap3A_329, %swap3A_330] {strides = array<i32>} : memref<64x128xf32, #tpu.memory_space<vmem>>, vector<16xf32>,
        tpu.vector_store %arg15[%swap3A_329, %swap3A_330], %select_n3A_319 {strides = array<i32>} : memref<64x128xf32, #tpu.memory_space<vmem>>, vector<16xf32>,
        %swap3A_332 = arith.index_cast %add3A_173 : i32 to index
        %swap3A_333 = arith.constant 64 : index
        %swap3A_334 = tpu.vector_load %arg15[%swap3A_332, %swap3A_333] {strides = array<i32>} : memref<64x128xf32, #tpu.memory_space<vmem>>, vector<16xf32>,
        tpu.vector_store %arg15[%swap3A_332, %swap3A_333], %select_n3A_319 {strides = array<i32>} : memref<64x128xf32, #tpu.memory_space<vmem>>, vector<16xf32>,
        %swap3A_335 = arith.index_cast %add3A_173 : i32 to index
        %swap3A_336 = arith.constant 80 : index
        %swap3A_337 = tpu.vector_load %arg15[%swap3A_335, %swap3A_336] {strides = array<i32>} : memref<64x128xf32, #tpu.memory_space<vmem>>, vector<16xf32>,
        tpu.vector_store %arg15[%swap3A_335, %swap3A_336], %select_n3A_319 {strides = array<i32>} : memref<64x128xf32, #tpu.memory_space<vmem>>, vector<16xf32>,
        %swap3A_338 = arith.index_cast %add3A_173 : i32 to index
        %swap3A_339 = arith.constant 96 : index
        %swap3A_340 = tpu.vector_load %arg15[%swap3A_338, %swap3A_339] {strides = array<i32>} : memref<64x128xf32, #tpu.memory_space<vmem>>, vector<16xf32>,
        tpu.vector_store %arg15[%swap3A_338, %swap3A_339], %select_n3A_319 {strides = array<i32>} : memref<64x128xf32, #tpu.memory_space<vmem>>, vector<16xf32>,
        %swap3A_341 = arith.index_cast %add3A_173 : i32 to index
        %swap3A_342 = arith.constant 112 : index
        %swap3A_343 = tpu.vector_load %arg15[%swap3A_341, %swap3A_342] {strides = array<i32>} : memref<64x128xf32, #tpu.memory_space<vmem>>, vector<16xf32>,
        tpu.vector_store %arg15[%swap3A_341, %swap3A_342], %select_n3A_319 {strides = array<i32>} : memref<64x128xf32, #tpu.memory_space<vmem>>, vector<16xf32>,
        %mul3A_344 = arith.constant 2 : i32
        %mul3A_345 = arith.muli %scan3A_169, %mul3A_344 : i32
        %add3A_346 = arith.constant 1 : i32
        %add3A_347 = arith.addi %mul3A_345, %add3A_346 : i32
        %get3A_348 = arith.index_cast %add3A_347 : i32 to index
        %get3A_349 = arith.constant 0 : index
        %get3A_350 = tpu.vector_load %arg12[%get3A_348, %get3A_349] {strides = array<i32>} : memref<64x128xf32, #tpu.memory_space<vmem>>, vector<16xf32>,
        %get3A_351 = arith.index_cast %add3A_347 : i32 to index
        %get3A_352 = arith.constant 16 : index
        %get3A_353 = tpu.vector_load %arg12[%get3A_351, %get3A_352] {strides = array<i32>} : memref<64x128xf32, #tpu.memory_space<vmem>>, vector<16xf32>,
        %get3A_354 = arith.index_cast %add3A_347 : i32 to index
        %get3A_355 = arith.constant 0 : index
        %get3A_356 = tpu.vector_load %arg13[%get3A_354, %get3A_355] {strides = array<i32>} : memref<64x128xf32, #tpu.memory_space<vmem>>, vector<16xf32>,
        %get3A_357 = arith.index_cast %add3A_347 : i32 to index
        %get3A_358 = arith.constant 16 : index
        %get3A_359 = tpu.vector_load %arg13[%get3A_357, %get3A_358] {strides = array<i32>} : memref<64x128xf32, #tpu.memory_space<vmem>>, vector<16xf32>,
        %mul3A_360 = arith.mulf %get3A_350, %get3A_356 : vector<16xf32>
        %mul3A_361 = arith.mulf %get3A_353, %get3A_359 : vector<16xf32>
        %add3A_362 = arith.addf %mul3A_360, %mul3A_361 : vector<16xf32>
        %reduce_sum3A_363 = arith.constant true
        %reduce_sum3A_364 = vector.broadcast %reduce_sum3A_363 : i1 to vector<16xi1>
        %reduce_sum3A_365 = tpu.scan <sum>, %add3A_362 masked %reduce_sum3A_364 : vector<16xf32>, vector<16xi1> -> vector<16xf32>
        %reduce_sum3A_366 = vector.extract %reduce_sum3A_365[15] : f32 from vector<16xf32>
        %broadcast_in_dim3A_367 = vector.broadcast %reduce_sum3A_366 : f32 to vector<16xf32>
        %exp3A_368 = math.exp %broadcast_in_dim3A_367 : vector<16xf32>
        %get3A_369 = arith.index_cast %add3A_347 : i32 to index
        %get3A_370 = arith.constant 0 : index
        %get3A_371 = tpu.vector_load %arg14[%get3A_369, %get3A_370] {strides = array<i32>} : memref<64x128xf32, #tpu.memory_space<vmem>>, vector<16xf32>,
        %mul3A_372 = arith.mulf %exp3A_368, %get3A_371 : vector<16xf32>
        %swap3A_373 = arith.index_cast %add3A_347 : i32 to index
        %swap3A_374 = arith.constant 0 : index
        %swap3A_375 = tpu.vector_load %arg14[%swap3A_373, %swap3A_374] {strides = array<i32>} : memref<64x128xf32, #tpu.memory_space<vmem>>, vector<16xf32>,
        tpu.vector_store %arg14[%swap3A_373, %swap3A_374], %mul3A_372 {strides = array<i32>} : memref<64x128xf32, #tpu.memory_space<vmem>>, vector<16xf32>,
        %get3A_376 = arith.index_cast %add3A_347 : i32 to index
        %get3A_377 = arith.constant 16 : index
        %get3A_378 = tpu.vector_load %arg14[%get3A_376, %get3A_377] {strides = array<i32>} : memref<64x128xf32, #tpu.memory_space<vmem>>, vector<16xf32>,
        %mul3A_379 = arith.mulf %exp3A_368, %get3A_378 : vector<16xf32>
        %swap3A_380 = arith.index_cast %add3A_347 : i32 to index
        %swap3A_381 = arith.constant 16 : index
        %swap3A_382 = tpu.vector_load %arg14[%swap3A_380, %swap3A_381] {strides = array<i32>} : memref<64x128xf32, #tpu.memory_space<vmem>>, vector<16xf32>,
        tpu.vector_store %arg14[%swap3A_380, %swap3A_381], %mul3A_379 {strides = array<i32>} : memref<64x128xf32, #tpu.memory_space<vmem>>, vector<16xf32>,
        %get3A_383 = arith.index_cast %add3A_347 : i32 to index
        %get3A_384 = arith.constant 32 : index
        %get3A_385 = tpu.vector_load %arg12[%get3A_383, %get3A_384] {strides = array<i32>} : memref<64x128xf32, #tpu.memory_space<vmem>>, vector<16xf32>,
        %get3A_386 = arith.index_cast %add3A_347 : i32 to index
        %get3A_387 = arith.constant 48 : index
        %get3A_388 = tpu.vector_load %arg12[%get3A_386, %get3A_387] {strides = array<i32>} : memref<64x128xf32, #tpu.memory_space<vmem>>, vector<16xf32>,
        %get3A_389 = arith.index_cast %add3A_347 : i32 to index
        %get3A_390 = arith.constant 32 : index
        %get3A_391 = tpu.vector_load %arg13[%get3A_389, %get3A_390] {strides = array<i32>} : memref<64x128xf32, #tpu.memory_space<vmem>>, vector<16xf32>,
        %get3A_392 = arith.index_cast %add3A_347 : i32 to index
        %get3A_393 = arith.constant 48 : index
        %get3A_394 = tpu.vector_load %arg13[%get3A_392, %get3A_393] {strides = array<i32>} : memref<64x128xf32, #tpu.memory_space<vmem>>, vector<16xf32>,
        %mul3A_395 = arith.mulf %get3A_385, %get3A_391 : vector<16xf32>
        %mul3A_396 = arith.mulf %get3A_388, %get3A_394 : vector<16xf32>
        %add3A_397 = arith.addf %mul3A_395, %mul3A_396 : vector<16xf32>
        %reduce_sum3A_398 = arith.constant true
        %reduce_sum3A_399 = vector.broadcast %reduce_sum3A_398 : i1 to vector<16xi1>
        %reduce_sum3A_400 = tpu.scan <sum>, %add3A_397 masked %reduce_sum3A_399 : vector<16xf32>, vector<16xi1> -> vector<16xf32>
        %reduce_sum3A_401 = vector.extract %reduce_sum3A_400[15] : f32 from vector<16xf32>
        %broadcast_in_dim3A_402 = vector.broadcast %reduce_sum3A_401 : f32 to vector<16xf32>
        %exp3A_403 = math.exp %broadcast_in_dim3A_402 : vector<16xf32>
        %get3A_404 = arith.index_cast %add3A_347 : i32 to index
        %get3A_405 = arith.constant 32 : index
        %get3A_406 = tpu.vector_load %arg14[%get3A_404, %get3A_405] {strides = array<i32>} : memref<64x128xf32, #tpu.memory_space<vmem>>, vector<16xf32>,
        %mul3A_407 = arith.mulf %exp3A_403, %get3A_406 : vector<16xf32>
        %swap3A_408 = arith.index_cast %add3A_347 : i32 to index
        %swap3A_409 = arith.constant 32 : index
        %swap3A_410 = tpu.vector_load %arg14[%swap3A_408, %swap3A_409] {strides = array<i32>} : memref<64x128xf32, #tpu.memory_space<vmem>>, vector<16xf32>,
        tpu.vector_store %arg14[%swap3A_408, %swap3A_409], %mul3A_407 {strides = array<i32>} : memref<64x128xf32, #tpu.memory_space<vmem>>, vector<16xf32>,
        %get3A_411 = arith.index_cast %add3A_347 : i32 to index
        %get3A_412 = arith.constant 48 : index
        %get3A_413 = tpu.vector_load %arg14[%get3A_411, %get3A_412] {strides = array<i32>} : memref<64x128xf32, #tpu.memory_space<vmem>>, vector<16xf32>,
        %mul3A_414 = arith.mulf %exp3A_403, %get3A_413 : vector<16xf32>
        %swap3A_415 = arith.index_cast %add3A_347 : i32 to index
        %swap3A_416 = arith.constant 48 : index
        %swap3A_417 = tpu.vector_load %arg14[%swap3A_415, %swap3A_416] {strides = array<i32>} : memref<64x128xf32, #tpu.memory_space<vmem>>, vector<16xf32>,
        tpu.vector_store %arg14[%swap3A_415, %swap3A_416], %mul3A_414 {strides = array<i32>} : memref<64x128xf32, #tpu.memory_space<vmem>>, vector<16xf32>,
        %get3A_418 = arith.index_cast %add3A_347 : i32 to index
        %get3A_419 = arith.constant 64 : index
        %get3A_420 = tpu.vector_load %arg12[%get3A_418, %get3A_419] {strides = array<i32>} : memref<64x128xf32, #tpu.memory_space<vmem>>, vector<16xf32>,
        %get3A_421 = arith.index_cast %add3A_347 : i32 to index
        %get3A_422 = arith.constant 80 : index
        %get3A_423 = tpu.vector_load %arg12[%get3A_421, %get3A_422] {strides = array<i32>} : memref<64x128xf32, #tpu.memory_space<vmem>>, vector<16xf32>,
        %get3A_424 = arith.index_cast %add3A_347 : i32 to index
        %get3A_425 = arith.constant 64 : index
        %get3A_426 = tpu.vector_load %arg13[%get3A_424, %get3A_425] {strides = array<i32>} : memref<64x128xf32, #tpu.memory_space<vmem>>, vector<16xf32>,
        %get3A_427 = arith.index_cast %add3A_347 : i32 to index
        %get3A_428 = arith.constant 80 : index
        %get3A_429 = tpu.vector_load %arg13[%get3A_427, %get3A_428] {strides = array<i32>} : memref<64x128xf32, #tpu.memory_space<vmem>>, vector<16xf32>,
        %mul3A_430 = arith.mulf %get3A_420, %get3A_426 : vector<16xf32>
        %mul3A_431 = arith.mulf %get3A_423, %get3A_429 : vector<16xf32>
        %add3A_432 = arith.addf %mul3A_430, %mul3A_431 : vector<16xf32>
        %reduce_sum3A_433 = arith.constant true
        %reduce_sum3A_434 = vector.broadcast %reduce_sum3A_433 : i1 to vector<16xi1>
        %reduce_sum3A_435 = tpu.scan <sum>, %add3A_432 masked %reduce_sum3A_434 : vector<16xf32>, vector<16xi1> -> vector<16xf32>
        %reduce_sum3A_436 = vector.extract %reduce_sum3A_435[15] : f32 from vector<16xf32>
        %broadcast_in_dim3A_437 = vector.broadcast %reduce_sum3A_436 : f32 to vector<16xf32>
        %exp3A_438 = math.exp %broadcast_in_dim3A_437 : vector<16xf32>
        %get3A_439 = arith.index_cast %add3A_347 : i32 to index
        %get3A_440 = arith.constant 64 : index
        %get3A_441 = tpu.vector_load %arg14[%get3A_439, %get3A_440] {strides = array<i32>} : memref<64x128xf32, #tpu.memory_space<vmem>>, vector<16xf32>,
        %mul3A_442 = arith.mulf %exp3A_438, %get3A_441 : vector<16xf32>
        %swap3A_443 = arith.index_cast %add3A_347 : i32 to index
        %swap3A_444 = arith.constant 64 : index
        %swap3A_445 = tpu.vector_load %arg14[%swap3A_443, %swap3A_444] {strides = array<i32>} : memref<64x128xf32, #tpu.memory_space<vmem>>, vector<16xf32>,
        tpu.vector_store %arg14[%swap3A_443, %swap3A_444], %mul3A_442 {strides = array<i32>} : memref<64x128xf32, #tpu.memory_space<vmem>>, vector<16xf32>,
        %get3A_446 = arith.index_cast %add3A_347 : i32 to index
        %get3A_447 = arith.constant 80 : index
        %get3A_448 = tpu.vector_load %arg14[%get3A_446, %get3A_447] {strides = array<i32>} : memref<64x128xf32, #tpu.memory_space<vmem>>, vector<16xf32>,
        %mul3A_449 = arith.mulf %exp3A_438, %get3A_448 : vector<16xf32>
        %swap3A_450 = arith.index_cast %add3A_347 : i32 to index
        %swap3A_451 = arith.constant 80 : index
        %swap3A_452 = tpu.vector_load %arg14[%swap3A_450, %swap3A_451] {strides = array<i32>} : memref<64x128xf32, #tpu.memory_space<vmem>>, vector<16xf32>,
        tpu.vector_store %arg14[%swap3A_450, %swap3A_451], %mul3A_449 {strides = array<i32>} : memref<64x128xf32, #tpu.memory_space<vmem>>, vector<16xf32>,
        %get3A_453 = arith.index_cast %add3A_347 : i32 to index
        %get3A_454 = arith.constant 96 : index
        %get3A_455 = tpu.vector_load %arg12[%get3A_453, %get3A_454] {strides = array<i32>} : memref<64x128xf32, #tpu.memory_space<vmem>>, vector<16xf32>,
        %get3A_456 = arith.index_cast %add3A_347 : i32 to index
        %get3A_457 = arith.constant 112 : index
        %get3A_458 = tpu.vector_load %arg12[%get3A_456, %get3A_457] {strides = array<i32>} : memref<64x128xf32, #tpu.memory_space<vmem>>, vector<16xf32>,
        %get3A_459 = arith.index_cast %add3A_347 : i32 to index
        %get3A_460 = arith.constant 96 : index
        %get3A_461 = tpu.vector_load %arg13[%get3A_459, %get3A_460] {strides = array<i32>} : memref<64x128xf32, #tpu.memory_space<vmem>>, vector<16xf32>,
        %get3A_462 = arith.index_cast %add3A_347 : i32 to index
        %get3A_463 = arith.constant 112 : index
        %get3A_464 = tpu.vector_load %arg13[%get3A_462, %get3A_463] {strides = array<i32>} : memref<64x128xf32, #tpu.memory_space<vmem>>, vector<16xf32>,
        %mul3A_465 = arith.mulf %get3A_455, %get3A_461 : vector<16xf32>
        %mul3A_466 = arith.mulf %get3A_458, %get3A_464 : vector<16xf32>
        %add3A_467 = arith.addf %mul3A_465, %mul3A_466 : vector<16xf32>
        %reduce_sum3A_468 = arith.constant true
        %reduce_sum3A_469 = vector.broadcast %reduce_sum3A_468 : i1 to vector<16xi1>
        %reduce_sum3A_470 = tpu.scan <sum>, %add3A_467 masked %reduce_sum3A_469 : vector<16xf32>, vector<16xi1> -> vector<16xf32>
        %reduce_sum3A_471 = vector.extract %reduce_sum3A_470[15] : f32 from vector<16xf32>
        %broadcast_in_dim3A_472 = vector.broadcast %reduce_sum3A_471 : f32 to vector<16xf32>
        %exp3A_473 = math.exp %broadcast_in_dim3A_472 : vector<16xf32>
        %get3A_474 = arith.index_cast %add3A_347 : i32 to index
        %get3A_475 = arith.constant 96 : index
        %get3A_476 = tpu.vector_load %arg14[%get3A_474, %get3A_475] {strides = array<i32>} : memref<64x128xf32, #tpu.memory_space<vmem>>, vector<16xf32>,
        %mul3A_477 = arith.mulf %exp3A_473, %get3A_476 : vector<16xf32>
        %swap3A_478 = arith.index_cast %add3A_347 : i32 to index
        %swap3A_479 = arith.constant 96 : index
        %swap3A_480 = tpu.vector_load %arg14[%swap3A_478, %swap3A_479] {strides = array<i32>} : memref<64x128xf32, #tpu.memory_space<vmem>>, vector<16xf32>,
        tpu.vector_store %arg14[%swap3A_478, %swap3A_479], %mul3A_477 {strides = array<i32>} : memref<64x128xf32, #tpu.memory_space<vmem>>, vector<16xf32>,
        %get3A_481 = arith.index_cast %add3A_347 : i32 to index
        %get3A_482 = arith.constant 112 : index
        %get3A_483 = tpu.vector_load %arg14[%get3A_481, %get3A_482] {strides = array<i32>} : memref<64x128xf32, #tpu.memory_space<vmem>>, vector<16xf32>,
        %mul3A_484 = arith.mulf %exp3A_473, %get3A_483 : vector<16xf32>
        %swap3A_485 = arith.index_cast %add3A_347 : i32 to index
        %swap3A_486 = arith.constant 112 : index
        %swap3A_487 = tpu.vector_load %arg14[%swap3A_485, %swap3A_486] {strides = array<i32>} : memref<64x128xf32, #tpu.memory_space<vmem>>, vector<16xf32>,
        tpu.vector_store %arg14[%swap3A_485, %swap3A_486], %mul3A_484 {strides = array<i32>} : memref<64x128xf32, #tpu.memory_space<vmem>>, vector<16xf32>,
        %eq3A_488 = arith.constant 0 : i32
        %eq3A_489 = vector.broadcast %eq3A_488 : i32 to vector<16xi32>
        %eq3A_490 = arith.cmpi eq, %and3A_2, %eq3A_489 : vector<16xi32>
        %eq3A_491 = arith.constant 1 : i32
        %eq3A_492 = vector.broadcast %eq3A_491 : i32 to vector<16xi32>
        %eq3A_493 = arith.cmpi eq, %and3A_2, %eq3A_492 : vector<16xi32>
        %eq3A_494 = arith.constant 2 : i32
        %eq3A_495 = vector.broadcast %eq3A_494 : i32 to vector<16xi32>
        %eq3A_496 = arith.cmpi eq, %and3A_2, %eq3A_495 : vector<16xi32>
        %select_n3A_497 = arith.select %eq3A_496, %exp3A_438, %exp3A_473 : vector<16xi1>, vector<16xf32>
        %select_n3A_498 = arith.select %eq3A_493, %exp3A_403, %select_n3A_497 : vector<16xi1>, vector<16xf32>
        %select_n3A_499 = arith.select %eq3A_490, %exp3A_368, %select_n3A_498 : vector<16xi1>, vector<16xf32>
        %swap3A_500 = arith.index_cast %add3A_347 : i32 to index
        %swap3A_501 = arith.constant 0 : index
        %swap3A_502 = tpu.vector_load %arg15[%swap3A_500, %swap3A_501] {strides = array<i32>} : memref<64x128xf32, #tpu.memory_space<vmem>>, vector<16xf32>,
        tpu.vector_store %arg15[%swap3A_500, %swap3A_501], %select_n3A_499 {strides = array<i32>} : memref<64x128xf32, #tpu.memory_space<vmem>>, vector<16xf32>,
        %swap3A_503 = arith.index_cast %add3A_347 : i32 to index
        %swap3A_504 = arith.constant 16 : index
        %swap3A_505 = tpu.vector_load %arg15[%swap3A_503, %swap3A_504] {strides = array<i32>} : memref<64x128xf32, #tpu.memory_space<vmem>>, vector<16xf32>,
        tpu.vector_store %arg15[%swap3A_503, %swap3A_504], %select_n3A_499 {strides = array<i32>} : memref<64x128xf32, #tpu.memory_space<vmem>>, vector<16xf32>,
        %swap3A_506 = arith.index_cast %add3A_347 : i32 to index
        %swap3A_507 = arith.constant 32 : index
        %swap3A_508 = tpu.vector_load %arg15[%swap3A_506, %swap3A_507] {strides = array<i32>} : memref<64x128xf32, #tpu.memory_space<vmem>>, vector<16xf32>,
        tpu.vector_store %arg15[%swap3A_506, %swap3A_507], %select_n3A_499 {strides = array<i32>} : memref<64x128xf32, #tpu.memory_space<vmem>>, vector<16xf32>,
        %swap3A_509 = arith.index_cast %add3A_347 : i32 to index
        %swap3A_510 = arith.constant 48 : index
        %swap3A_511 = tpu.vector_load %arg15[%swap3A_509, %swap3A_510] {strides = array<i32>} : memref<64x128xf32, #tpu.memory_space<vmem>>, vector<16xf32>,
        tpu.vector_store %arg15[%swap3A_509, %swap3A_510], %select_n3A_499 {strides = array<i32>} : memref<64x128xf32, #tpu.memory_space<vmem>>, vector<16xf32>,
        %swap3A_512 = arith.index_cast %add3A_347 : i32 to index
        %swap3A_513 = arith.constant 64 : index
        %swap3A_514 = tpu.vector_load %arg15[%swap3A_512, %swap3A_513] {strides = array<i32>} : memref<64x128xf32, #tpu.memory_space<vmem>>, vector<16xf32>,
        tpu.vector_store %arg15[%swap3A_512, %swap3A_513], %select_n3A_499 {strides = array<i32>} : memref<64x128xf32, #tpu.memory_space<vmem>>, vector<16xf32>,
        %swap3A_515 = arith.index_cast %add3A_347 : i32 to index
        %swap3A_516 = arith.constant 80 : index
        %swap3A_517 = tpu.vector_load %arg15[%swap3A_515, %swap3A_516] {strides = array<i32>} : memref<64x128xf32, #tpu.memory_space<vmem>>, vector<16xf32>,
        tpu.vector_store %arg15[%swap3A_515, %swap3A_516], %select_n3A_499 {strides = array<i32>} : memref<64x128xf32, #tpu.memory_space<vmem>>, vector<16xf32>,
        %swap3A_518 = arith.index_cast %add3A_347 : i32 to index
        %swap3A_519 = arith.constant 96 : index
        %swap3A_520 = tpu.vector_load %arg15[%swap3A_518, %swap3A_519] {strides = array<i32>} : memref<64x128xf32, #tpu.memory_space<vmem>>, vector<16xf32>,
        tpu.vector_store %arg15[%swap3A_518, %swap3A_519], %select_n3A_499 {strides = array<i32>} : memref<64x128xf32, #tpu.memory_space<vmem>>, vector<16xf32>,
        %swap3A_521 = arith.index_cast %add3A_347 : i32 to index
        %swap3A_522 = arith.constant 112 : index
        %swap3A_523 = tpu.vector_load %arg15[%swap3A_521, %swap3A_522] {strides = array<i32>} : memref<64x128xf32, #tpu.memory_space<vmem>>, vector<16xf32>,
        tpu.vector_store %arg15[%swap3A_521, %swap3A_522], %select_n3A_499 {strides = array<i32>} : memref<64x128xf32, #tpu.memory_space<vmem>>, vector<16xf32>,
      }
      %scan3A_156 = arith.constant 32 : i32
      %dma_start3A_157 = arith.constant 0 : i32
      %dma_start3A_158 = arith.constant 0 : i32
      %dma_start3A_159 = tpu.memref_slice %arg16[%dma_start3A_157, %dma_start3A_158] : memref<3072x128xf32, #tpu.memory_space<vmem_shared>> -> memref<3072x128xf32, #tpu.memory_space<vmem_shared>>
      tpu.enqueue_indirect_dma source(%arg14 : memref<64x128xf32, #tpu.memory_space<vmem>>) target(%dma_start3A_159 : memref<3072x128xf32, #tpu.memory_space<vmem_shared>>) offsets(%arg9 : memref<64xi32, #tpu.memory_space<vmem>>) semaphore(%arg18 : memref<!tpu.dma_semaphore, #tpu.memory_space<semaphore_mem>>) {add = true}
      %dma_start3A_160 = arith.constant 0 : i32
      %dma_start3A_161 = arith.constant 0 : i32
      %dma_start3A_162 = tpu.memref_slice %arg17[%dma_start3A_160, %dma_start3A_161] : memref<3072x128xf32, #tpu.memory_space<vmem_shared>> -> memref<3072x128xf32, #tpu.memory_space<vmem_shared>>
      tpu.enqueue_indirect_dma source(%arg15 : memref<64x128xf32, #tpu.memory_space<vmem>>) target(%dma_start3A_162 : memref<3072x128xf32, #tpu.memory_space<vmem_shared>>) offsets(%arg9 : memref<64xi32, #tpu.memory_space<vmem>>) semaphore(%arg19 : memref<!tpu.dma_semaphore, #tpu.memory_space<semaphore_mem>>) {add = true}
      %dma_wait3A_163 = arith.constant 0 : i32
      %dma_wait3A_164 = arith.constant 0 : i32
      %dma_wait3A_165 = tpu.memref_slice %arg16[%dma_wait3A_163, %dma_wait3A_164] : memref<3072x128xf32, #tpu.memory_space<vmem_shared>> -> memref<3072x128xf32, #tpu.memory_space<vmem_shared>>
      tpu.wait_indirect_dma semaphore(%arg18 : memref<!tpu.dma_semaphore, #tpu.memory_space<semaphore_mem>>) src(%arg14 : memref<64x128xf32, #tpu.memory_space<vmem>>) dst(%dma_wait3A_165 : memref<3072x128xf32, #tpu.memory_space<vmem_shared>>)
      %dma_wait3A_166 = arith.constant 0 : i32
      %dma_wait3A_167 = arith.constant 0 : i32
      %dma_wait3A_168 = tpu.memref_slice %arg17[%dma_wait3A_166, %dma_wait3A_167] : memref<3072x128xf32, #tpu.memory_space<vmem_shared>> -> memref<3072x128xf32, #tpu.memory_space<vmem_shared>>
      tpu.wait_indirect_dma semaphore(%arg19 : memref<!tpu.dma_semaphore, #tpu.memory_space<semaphore_mem>>) src(%arg15 : memref<64x128xf32, #tpu.memory_space<vmem>>) dst(%dma_wait3A_168 : memref<3072x128xf32, #tpu.memory_space<vmem_shared>>)
    }
    %scan3A_22 = arith.constant 160 : i32
    %barrier3A_23 = arith.constant 0 : index
    tpu.barrier barrier_id(%barrier3A_23)
    %scan3A_24 = arith.constant 0 : i32
    %scan3A_25 = arith.constant 0 : i32
    %scan3A_26 = arith.constant 3 : i32
    %scan3A_27 = arith.addi %scan3A_25, %scan3A_26 : i32
    %scan3A_28 = arith.constant 1 : i32
    scf.for %scan3A_112 = %scan3A_25 to %scan3A_27 step %scan3A_28  : i32 {
      %mul3A_113 = arith.constant 64 : i32
      %mul3A_114 = arith.muli %scan3A_112, %mul3A_113 : i32
      %add3A = arith.addi %mul3A_5, %mul3A_114 : i32
      "tpu.region"() ({
        %run_scoped3A = tpu.sem_alloc : memref<!tpu.dma_semaphore, #tpu.memory_space<semaphore_mem>>
        %dma_start3A = arith.constant 0 : i32
        %dma_start3A_128 = tpu.memref_slice %arg16[%add3A, %dma_start3A] : memref<3072x128xf32, #tpu.memory_space<vmem_shared>> -> memref<64x128xf32, #tpu.memory_space<vmem_shared>>
        %dma_start3A_129 = arith.constant 0 : i32
        %dma_start3A_130 = tpu.memref_slice %arg16[%add3A, %dma_start3A_129] : memref<3072x128xf32, #tpu.memory_space<vmem_shared>> -> memref<64x128xf32, #tpu.memory_space<vmem_shared>>
        tpu.enqueue_dma source(%dma_start3A_130 : memref<64x128xf32, #tpu.memory_space<vmem_shared>>) target(%arg12 : memref<64x128xf32, #tpu.memory_space<vmem>>) target_semaphore(%run_scoped3A : memref<!tpu.dma_semaphore, #tpu.memory_space<semaphore_mem>>)
        %dma_wait3A = arith.constant 0 : i32
        %dma_wait3A_131 = tpu.memref_slice %arg16[%add3A, %dma_wait3A] : memref<3072x128xf32, #tpu.memory_space<vmem_shared>> -> memref<64x128xf32, #tpu.memory_space<vmem_shared>>
        %dma_wait3A_132 = arith.constant 0 : i32
        %dma_wait3A_133 = tpu.memref_slice %arg16[%add3A, %dma_wait3A_132] : memref<3072x128xf32, #tpu.memory_space<vmem_shared>> -> memref<64x128xf32, #tpu.memory_space<vmem_shared>>
        tpu.wait_dma2 semaphore(%run_scoped3A : memref<!tpu.dma_semaphore, #tpu.memory_space<semaphore_mem>>) src(%dma_wait3A_133 : memref<64x128xf32, #tpu.memory_space<vmem_shared>>) dst(%arg12 : memref<64x128xf32, #tpu.memory_space<vmem>>)
        tpu.yield
      }) : () -> ()
      "tpu.region"() ({
        %run_scoped3A = tpu.sem_alloc : memref<!tpu.dma_semaphore, #tpu.memory_space<semaphore_mem>>
        %dma_start3A = arith.constant 0 : i32
        %dma_start3A_128 = tpu.memref_slice %arg17[%add3A, %dma_start3A] : memref<3072x128xf32, #tpu.memory_space<vmem_shared>> -> memref<64x128xf32, #tpu.memory_space<vmem_shared>>
        %dma_start3A_129 = arith.constant 0 : i32
        %dma_start3A_130 = tpu.memref_slice %arg17[%add3A, %dma_start3A_129] : memref<3072x128xf32, #tpu.memory_space<vmem_shared>> -> memref<64x128xf32, #tpu.memory_space<vmem_shared>>
        tpu.enqueue_dma source(%dma_start3A_130 : memref<64x128xf32, #tpu.memory_space<vmem_shared>>) target(%arg15 : memref<64x128xf32, #tpu.memory_space<vmem>>) target_semaphore(%run_scoped3A : memref<!tpu.dma_semaphore, #tpu.memory_space<semaphore_mem>>)
        %dma_wait3A = arith.constant 0 : i32
        %dma_wait3A_131 = tpu.memref_slice %arg17[%add3A, %dma_wait3A] : memref<3072x128xf32, #tpu.memory_space<vmem_shared>> -> memref<64x128xf32, #tpu.memory_space<vmem_shared>>
        %dma_wait3A_132 = arith.constant 0 : i32
        %dma_wait3A_133 = tpu.memref_slice %arg17[%add3A, %dma_wait3A_132] : memref<3072x128xf32, #tpu.memory_space<vmem_shared>> -> memref<64x128xf32, #tpu.memory_space<vmem_shared>>
        tpu.wait_dma2 semaphore(%run_scoped3A : memref<!tpu.dma_semaphore, #tpu.memory_space<semaphore_mem>>) src(%dma_wait3A_133 : memref<64x128xf32, #tpu.memory_space<vmem_shared>>) dst(%arg15 : memref<64x128xf32, #tpu.memory_space<vmem>>)
        tpu.yield
      }) : () -> ()
      %scan3A_115 = arith.constant 0 : i32
      %scan3A_116 = arith.constant 0 : i32
      %scan3A_117 = arith.constant 64 : i32
      %scan3A_118 = arith.addi %scan3A_116, %scan3A_117 : i32
      %scan3A_119 = arith.constant 1 : i32
      scf.for %scan3A_128 = %scan3A_116 to %scan3A_118 step %scan3A_119  : i32 {
        %get3A = arith.index_cast %scan3A_128 : i32 to index
        %get3A_129 = arith.constant 0 : index
        %get3A_130 = tpu.vector_load %arg15[%get3A, %get3A_129] {strides = array<i32>} : memref<64x128xf32, #tpu.memory_space<vmem>>, vector<16xf32>,
        %eq3A = arith.constant 0.000000e+00 : f32
        %eq3A_131 = vector.broadcast %eq3A : f32 to vector<16xf32>
        %eq3A_132 = arith.cmpf oeq, %get3A_130, %eq3A_131 : vector<16xf32>
        %jit3A = arith.constant 1.000000e+00 : f32
        %broadcast_in_dim3A_133 = vector.broadcast %jit3A : f32 to vector<16xf32>
        %select_n3A = arith.select %eq3A_132, %broadcast_in_dim3A_133, %get3A_130 : vector<16xi1>, vector<16xf32>
        %div3A = arith.constant 1.000000e+00 : f32
        %div3A_134 = vector.broadcast %div3A : f32 to vector<16xf32>
        %div3A_135 = arith.divf %div3A_134, %select_n3A : vector<16xf32>
        %eq3A_136 = arith.constant 0 : i32
        %eq3A_137 = vector.broadcast %eq3A_136 : i32 to vector<16xi32>
        %eq3A_138 = arith.cmpi eq, %and3A_2, %eq3A_137 : vector<16xi32>
        %jit3A_139 = arith.constant 0.000000e+00 : f32
        %broadcast_in_dim3A_140 = vector.broadcast %jit3A_139 : f32 to vector<16xf32>
        %select_n3A_141 = arith.select %eq3A_138, %div3A_135, %broadcast_in_dim3A_140 : vector<16xi1>, vector<16xf32>
        %reduce_max3A = arith.constant true
        %reduce_max3A_142 = vector.broadcast %reduce_max3A : i1 to vector<16xi1>
        %reduce_max3A_143 = tpu.scan <max>, %select_n3A_141 masked %reduce_max3A_142 : vector<16xf32>, vector<16xi1> -> vector<16xf32>
        %reduce_max3A_144 = vector.extract %reduce_max3A_143[15] : f32 from vector<16xf32>
        %broadcast_in_dim3A_145 = vector.broadcast %reduce_max3A_144 : f32 to vector<16xf32>
        %get3A_146 = arith.index_cast %scan3A_128 : i32 to index
        %get3A_147 = arith.constant 0 : index
        %get3A_148 = tpu.vector_load %arg12[%get3A_146, %get3A_147] {strides = array<i32>} : memref<64x128xf32, #tpu.memory_space<vmem>>, vector<16xf32>,
        %mul3A_149 = arith.mulf %get3A_148, %broadcast_in_dim3A_145 : vector<16xf32>
        %swap3A = arith.index_cast %scan3A_128 : i32 to index
        %swap3A_150 = arith.constant 0 : index
        %swap3A_151 = tpu.vector_load %arg12[%swap3A, %swap3A_150] {strides = array<i32>} : memref<64x128xf32, #tpu.memory_space<vmem>>, vector<16xf32>,
        tpu.vector_store %arg12[%swap3A, %swap3A_150], %mul3A_149 {strides = array<i32>} : memref<64x128xf32, #tpu.memory_space<vmem>>, vector<16xf32>,
        %get3A_152 = arith.index_cast %scan3A_128 : i32 to index
        %get3A_153 = arith.constant 16 : index
        %get3A_154 = tpu.vector_load %arg12[%get3A_152, %get3A_153] {strides = array<i32>} : memref<64x128xf32, #tpu.memory_space<vmem>>, vector<16xf32>,
        %mul3A_155 = arith.mulf %get3A_154, %broadcast_in_dim3A_145 : vector<16xf32>
        %swap3A_156 = arith.index_cast %scan3A_128 : i32 to index
        %swap3A_157 = arith.constant 16 : index
        %swap3A_158 = tpu.vector_load %arg12[%swap3A_156, %swap3A_157] {strides = array<i32>} : memref<64x128xf32, #tpu.memory_space<vmem>>, vector<16xf32>,
        tpu.vector_store %arg12[%swap3A_156, %swap3A_157], %mul3A_155 {strides = array<i32>} : memref<64x128xf32, #tpu.memory_space<vmem>>, vector<16xf32>,
        %eq3A_159 = arith.constant 1 : i32
        %eq3A_160 = vector.broadcast %eq3A_159 : i32 to vector<16xi32>
        %eq3A_161 = arith.cmpi eq, %and3A_2, %eq3A_160 : vector<16xi32>
        %jit3A_162 = arith.constant 0.000000e+00 : f32
        %broadcast_in_dim3A_163 = vector.broadcast %jit3A_162 : f32 to vector<16xf32>
        %select_n3A_164 = arith.select %eq3A_161, %div3A_135, %broadcast_in_dim3A_163 : vector<16xi1>, vector<16xf32>
        %reduce_max3A_165 = arith.constant true
        %reduce_max3A_166 = vector.broadcast %reduce_max3A_165 : i1 to vector<16xi1>
        %reduce_max3A_167 = tpu.scan <max>, %select_n3A_164 masked %reduce_max3A_166 : vector<16xf32>, vector<16xi1> -> vector<16xf32>
        %reduce_max3A_168 = vector.extract %reduce_max3A_167[15] : f32 from vector<16xf32>
        %broadcast_in_dim3A_169 = vector.broadcast %reduce_max3A_168 : f32 to vector<16xf32>
        %get3A_170 = arith.index_cast %scan3A_128 : i32 to index
        %get3A_171 = arith.constant 32 : index
        %get3A_172 = tpu.vector_load %arg12[%get3A_170, %get3A_171] {strides = array<i32>} : memref<64x128xf32, #tpu.memory_space<vmem>>, vector<16xf32>,
        %mul3A_173 = arith.mulf %get3A_172, %broadcast_in_dim3A_169 : vector<16xf32>
        %swap3A_174 = arith.index_cast %scan3A_128 : i32 to index
        %swap3A_175 = arith.constant 32 : index
        %swap3A_176 = tpu.vector_load %arg12[%swap3A_174, %swap3A_175] {strides = array<i32>} : memref<64x128xf32, #tpu.memory_space<vmem>>, vector<16xf32>,
        tpu.vector_store %arg12[%swap3A_174, %swap3A_175], %mul3A_173 {strides = array<i32>} : memref<64x128xf32, #tpu.memory_space<vmem>>, vector<16xf32>,
        %get3A_177 = arith.index_cast %scan3A_128 : i32 to index
        %get3A_178 = arith.constant 48 : index
        %get3A_179 = tpu.vector_load %arg12[%get3A_177, %get3A_178] {strides = array<i32>} : memref<64x128xf32, #tpu.memory_space<vmem>>, vector<16xf32>,
        %mul3A_180 = arith.mulf %get3A_179, %broadcast_in_dim3A_169 : vector<16xf32>
        %swap3A_181 = arith.index_cast %scan3A_128 : i32 to index
        %swap3A_182 = arith.constant 48 : index
        %swap3A_183 = tpu.vector_load %arg12[%swap3A_181, %swap3A_182] {strides = array<i32>} : memref<64x128xf32, #tpu.memory_space<vmem>>, vector<16xf32>,
        tpu.vector_store %arg12[%swap3A_181, %swap3A_182], %mul3A_180 {strides = array<i32>} : memref<64x128xf32, #tpu.memory_space<vmem>>, vector<16xf32>,
        %eq3A_184 = arith.constant 2 : i32
        %eq3A_185 = vector.broadcast %eq3A_184 : i32 to vector<16xi32>
        %eq3A_186 = arith.cmpi eq, %and3A_2, %eq3A_185 : vector<16xi32>
        %jit3A_187 = arith.constant 0.000000e+00 : f32
        %broadcast_in_dim3A_188 = vector.broadcast %jit3A_187 : f32 to vector<16xf32>
        %select_n3A_189 = arith.select %eq3A_186, %div3A_135, %broadcast_in_dim3A_188 : vector<16xi1>, vector<16xf32>
        %reduce_max3A_190 = arith.constant true
        %reduce_max3A_191 = vector.broadcast %reduce_max3A_190 : i1 to vector<16xi1>
        %reduce_max3A_192 = tpu.scan <max>, %select_n3A_189 masked %reduce_max3A_191 : vector<16xf32>, vector<16xi1> -> vector<16xf32>
        %reduce_max3A_193 = vector.extract %reduce_max3A_192[15] : f32 from vector<16xf32>
        %broadcast_in_dim3A_194 = vector.broadcast %reduce_max3A_193 : f32 to vector<16xf32>
        %get3A_195 = arith.index_cast %scan3A_128 : i32 to index
        %get3A_196 = arith.constant 64 : index
        %get3A_197 = tpu.vector_load %arg12[%get3A_195, %get3A_196] {strides = array<i32>} : memref<64x128xf32, #tpu.memory_space<vmem>>, vector<16xf32>,
        %mul3A_198 = arith.mulf %get3A_197, %broadcast_in_dim3A_194 : vector<16xf32>
        %swap3A_199 = arith.index_cast %scan3A_128 : i32 to index
        %swap3A_200 = arith.constant 64 : index
        %swap3A_201 = tpu.vector_load %arg12[%swap3A_199, %swap3A_200] {strides = array<i32>} : memref<64x128xf32, #tpu.memory_space<vmem>>, vector<16xf32>,
        tpu.vector_store %arg12[%swap3A_199, %swap3A_200], %mul3A_198 {strides = array<i32>} : memref<64x128xf32, #tpu.memory_space<vmem>>, vector<16xf32>,
        %get3A_202 = arith.index_cast %scan3A_128 : i32 to index
        %get3A_203 = arith.constant 80 : index
        %get3A_204 = tpu.vector_load %arg12[%get3A_202, %get3A_203] {strides = array<i32>} : memref<64x128xf32, #tpu.memory_space<vmem>>, vector<16xf32>,
        %mul3A_205 = arith.mulf %get3A_204, %broadcast_in_dim3A_194 : vector<16xf32>
        %swap3A_206 = arith.index_cast %scan3A_128 : i32 to index
        %swap3A_207 = arith.constant 80 : index
        %swap3A_208 = tpu.vector_load %arg12[%swap3A_206, %swap3A_207] {strides = array<i32>} : memref<64x128xf32, #tpu.memory_space<vmem>>, vector<16xf32>,
        tpu.vector_store %arg12[%swap3A_206, %swap3A_207], %mul3A_205 {strides = array<i32>} : memref<64x128xf32, #tpu.memory_space<vmem>>, vector<16xf32>,
        %eq3A_209 = arith.constant 3 : i32
        %eq3A_210 = vector.broadcast %eq3A_209 : i32 to vector<16xi32>
        %eq3A_211 = arith.cmpi eq, %and3A_2, %eq3A_210 : vector<16xi32>
        %jit3A_212 = arith.constant 0.000000e+00 : f32
        %broadcast_in_dim3A_213 = vector.broadcast %jit3A_212 : f32 to vector<16xf32>
        %select_n3A_214 = arith.select %eq3A_211, %div3A_135, %broadcast_in_dim3A_213 : vector<16xi1>, vector<16xf32>
        %reduce_max3A_215 = arith.constant true
        %reduce_max3A_216 = vector.broadcast %reduce_max3A_215 : i1 to vector<16xi1>
        %reduce_max3A_217 = tpu.scan <max>, %select_n3A_214 masked %reduce_max3A_216 : vector<16xf32>, vector<16xi1> -> vector<16xf32>
        %reduce_max3A_218 = vector.extract %reduce_max3A_217[15] : f32 from vector<16xf32>
        %broadcast_in_dim3A_219 = vector.broadcast %reduce_max3A_218 : f32 to vector<16xf32>
        %get3A_220 = arith.index_cast %scan3A_128 : i32 to index
        %get3A_221 = arith.constant 96 : index
        %get3A_222 = tpu.vector_load %arg12[%get3A_220, %get3A_221] {strides = array<i32>} : memref<64x128xf32, #tpu.memory_space<vmem>>, vector<16xf32>,
        %mul3A_223 = arith.mulf %get3A_222, %broadcast_in_dim3A_219 : vector<16xf32>
        %swap3A_224 = arith.index_cast %scan3A_128 : i32 to index
        %swap3A_225 = arith.constant 96 : index
        %swap3A_226 = tpu.vector_load %arg12[%swap3A_224, %swap3A_225] {strides = array<i32>} : memref<64x128xf32, #tpu.memory_space<vmem>>, vector<16xf32>,
        tpu.vector_store %arg12[%swap3A_224, %swap3A_225], %mul3A_223 {strides = array<i32>} : memref<64x128xf32, #tpu.memory_space<vmem>>, vector<16xf32>,
        %get3A_227 = arith.index_cast %scan3A_128 : i32 to index
        %get3A_228 = arith.constant 112 : index
        %get3A_229 = tpu.vector_load %arg12[%get3A_227, %get3A_228] {strides = array<i32>} : memref<64x128xf32, #tpu.memory_space<vmem>>, vector<16xf32>,
        %mul3A_230 = arith.mulf %get3A_229, %broadcast_in_dim3A_219 : vector<16xf32>
        %swap3A_231 = arith.index_cast %scan3A_128 : i32 to index
        %swap3A_232 = arith.constant 112 : index
        %swap3A_233 = tpu.vector_load %arg12[%swap3A_231, %swap3A_232] {strides = array<i32>} : memref<64x128xf32, #tpu.memory_space<vmem>>, vector<16xf32>,
        tpu.vector_store %arg12[%swap3A_231, %swap3A_232], %mul3A_230 {strides = array<i32>} : memref<64x128xf32, #tpu.memory_space<vmem>>, vector<16xf32>,
      }
      %scan3A_120 = arith.constant 64 : i32
      %mul3A_121 = arith.constant 4 : i32
      %mul3A_122 = arith.muli %mul3A_121, %arg0 : i32
      %add3A_123 = arith.constant 0 : i32
      %add3A_124 = arith.addi %mul3A_122, %add3A_123 : i32
      %mul3A_125 = arith.constant 3072 : i32
      %mul3A_126 = arith.muli %add3A_124, %mul3A_125 : i32
      %add3A_127 = arith.addi %mul3A_126, %add3A : i32
      "tpu.region"() ({
        %run_scoped3A = tpu.sem_alloc : memref<!tpu.dma_semaphore, #tpu.memory_space<semaphore_mem>>
        %dma_start3A = arith.constant 0 : i32
        %dma_start3A_128 = tpu.memref_slice %arg8[%add3A_127, %dma_start3A] : memref<24576x128xf32, #tpu.memory_space<hbm>> -> memref<64x128xf32, #tpu.memory_space<hbm>>
        %dma_start3A_129 = arith.constant 0 : i32
        %dma_start3A_130 = tpu.memref_slice %arg8[%add3A_127, %dma_start3A_129] : memref<24576x128xf32, #tpu.memory_space<hbm>> -> memref<64x128xf32, #tpu.memory_space<hbm>>
        tpu.enqueue_dma source(%arg12 : memref<64x128xf32, #tpu.memory_space<vmem>>) target(%dma_start3A_130 : memref<64x128xf32, #tpu.memory_space<hbm>>) target_semaphore(%run_scoped3A : memref<!tpu.dma_semaphore, #tpu.memory_space<semaphore_mem>>)
        %dma_wait3A = arith.constant 0 : i32
        %dma_wait3A_131 = tpu.memref_slice %arg8[%add3A_127, %dma_wait3A] : memref<24576x128xf32, #tpu.memory_space<hbm>> -> memref<64x128xf32, #tpu.memory_space<hbm>>
        %dma_wait3A_132 = arith.constant 0 : i32
        %dma_wait3A_133 = tpu.memref_slice %arg8[%add3A_127, %dma_wait3A_132] : memref<24576x128xf32, #tpu.memory_space<hbm>> -> memref<64x128xf32, #tpu.memory_space<hbm>>
        tpu.wait_dma2 semaphore(%run_scoped3A : memref<!tpu.dma_semaphore, #tpu.memory_space<semaphore_mem>>) src(%arg12 : memref<64x128xf32, #tpu.memory_space<vmem>>) dst(%dma_wait3A_133 : memref<64x128xf32, #tpu.memory_space<hbm>>)
        tpu.yield
      }) : () -> ()
    }
    %scan3A_29 = arith.constant 3 : i32
    %barrier3A_30 = arith.constant 0 : index
    tpu.barrier barrier_id(%barrier3A_30)
    %scan3A_31 = arith.constant 0 : i32
    %scan3A_32 = arith.constant 0 : i32
    %scan3A_33 = arith.constant 64 : i32
    %scan3A_34 = arith.addi %scan3A_32, %scan3A_33 : i32
    %scan3A_35 = arith.constant 1 : i32
    scf.for %scan3A_112 = %scan3A_32 to %scan3A_34 step %scan3A_35  : i32 {
      %swap3A = arith.index_cast %scan3A_112 : i32 to index
      %swap3A_113 = arith.constant 0 : index
      %swap3A_114 = tpu.vector_load %arg14[%swap3A, %swap3A_113] {strides = array<i32>} : memref<64x128xf32, #tpu.memory_space<vmem>>, vector<16xf32>,
      tpu.vector_store %arg14[%swap3A, %swap3A_113], %broadcast_in_dim3A_0 {strides = array<i32>} : memref<64x128xf32, #tpu.memory_space<vmem>>, vector<16xf32>,
      %swap3A_115 = arith.index_cast %scan3A_112 : i32 to index
      %swap3A_116 = arith.constant 0 : index
      %swap3A_117 = tpu.vector_load %arg15[%swap3A_115, %swap3A_116] {strides = array<i32>} : memref<64x128xf32, #tpu.memory_space<vmem>>, vector<16xf32>,
      tpu.vector_store %arg15[%swap3A_115, %swap3A_116], %broadcast_in_dim3A_0 {strides = array<i32>} : memref<64x128xf32, #tpu.memory_space<vmem>>, vector<16xf32>,
      %swap3A_118 = arith.index_cast %scan3A_112 : i32 to index
      %swap3A_119 = arith.constant 16 : index
      %swap3A_120 = tpu.vector_load %arg14[%swap3A_118, %swap3A_119] {strides = array<i32>} : memref<64x128xf32, #tpu.memory_space<vmem>>, vector<16xf32>,
      tpu.vector_store %arg14[%swap3A_118, %swap3A_119], %broadcast_in_dim3A_0 {strides = array<i32>} : memref<64x128xf32, #tpu.memory_space<vmem>>, vector<16xf32>,
      %swap3A_121 = arith.index_cast %scan3A_112 : i32 to index
      %swap3A_122 = arith.constant 16 : index
      %swap3A_123 = tpu.vector_load %arg15[%swap3A_121, %swap3A_122] {strides = array<i32>} : memref<64x128xf32, #tpu.memory_space<vmem>>, vector<16xf32>,
      tpu.vector_store %arg15[%swap3A_121, %swap3A_122], %broadcast_in_dim3A_0 {strides = array<i32>} : memref<64x128xf32, #tpu.memory_space<vmem>>, vector<16xf32>,
      %swap3A_124 = arith.index_cast %scan3A_112 : i32 to index
      %swap3A_125 = arith.constant 32 : index
      %swap3A_126 = tpu.vector_load %arg14[%swap3A_124, %swap3A_125] {strides = array<i32>} : memref<64x128xf32, #tpu.memory_space<vmem>>, vector<16xf32>,
      tpu.vector_store %arg14[%swap3A_124, %swap3A_125], %broadcast_in_dim3A_0 {strides = array<i32>} : memref<64x128xf32, #tpu.memory_space<vmem>>, vector<16xf32>,
      %swap3A_127 = arith.index_cast %scan3A_112 : i32 to index
      %swap3A_128 = arith.constant 32 : index
      %swap3A_129 = tpu.vector_load %arg15[%swap3A_127, %swap3A_128] {strides = array<i32>} : memref<64x128xf32, #tpu.memory_space<vmem>>, vector<16xf32>,
      tpu.vector_store %arg15[%swap3A_127, %swap3A_128], %broadcast_in_dim3A_0 {strides = array<i32>} : memref<64x128xf32, #tpu.memory_space<vmem>>, vector<16xf32>,
      %swap3A_130 = arith.index_cast %scan3A_112 : i32 to index
      %swap3A_131 = arith.constant 48 : index
      %swap3A_132 = tpu.vector_load %arg14[%swap3A_130, %swap3A_131] {strides = array<i32>} : memref<64x128xf32, #tpu.memory_space<vmem>>, vector<16xf32>,
      tpu.vector_store %arg14[%swap3A_130, %swap3A_131], %broadcast_in_dim3A_0 {strides = array<i32>} : memref<64x128xf32, #tpu.memory_space<vmem>>, vector<16xf32>,
      %swap3A_133 = arith.index_cast %scan3A_112 : i32 to index
      %swap3A_134 = arith.constant 48 : index
      %swap3A_135 = tpu.vector_load %arg15[%swap3A_133, %swap3A_134] {strides = array<i32>} : memref<64x128xf32, #tpu.memory_space<vmem>>, vector<16xf32>,
      tpu.vector_store %arg15[%swap3A_133, %swap3A_134], %broadcast_in_dim3A_0 {strides = array<i32>} : memref<64x128xf32, #tpu.memory_space<vmem>>, vector<16xf32>,
      %swap3A_136 = arith.index_cast %scan3A_112 : i32 to index
      %swap3A_137 = arith.constant 64 : index
      %swap3A_138 = tpu.vector_load %arg14[%swap3A_136, %swap3A_137] {strides = array<i32>} : memref<64x128xf32, #tpu.memory_space<vmem>>, vector<16xf32>,
      tpu.vector_store %arg14[%swap3A_136, %swap3A_137], %broadcast_in_dim3A_0 {strides = array<i32>} : memref<64x128xf32, #tpu.memory_space<vmem>>, vector<16xf32>,
      %swap3A_139 = arith.index_cast %scan3A_112 : i32 to index
      %swap3A_140 = arith.constant 64 : index
      %swap3A_141 = tpu.vector_load %arg15[%swap3A_139, %swap3A_140] {strides = array<i32>} : memref<64x128xf32, #tpu.memory_space<vmem>>, vector<16xf32>,
      tpu.vector_store %arg15[%swap3A_139, %swap3A_140], %broadcast_in_dim3A_0 {strides = array<i32>} : memref<64x128xf32, #tpu.memory_space<vmem>>, vector<16xf32>,
      %swap3A_142 = arith.index_cast %scan3A_112 : i32 to index
      %swap3A_143 = arith.constant 80 : index
      %swap3A_144 = tpu.vector_load %arg14[%swap3A_142, %swap3A_143] {strides = array<i32>} : memref<64x128xf32, #tpu.memory_space<vmem>>, vector<16xf32>,
      tpu.vector_store %arg14[%swap3A_142, %swap3A_143], %broadcast_in_dim3A_0 {strides = array<i32>} : memref<64x128xf32, #tpu.memory_space<vmem>>, vector<16xf32>,
      %swap3A_145 = arith.index_cast %scan3A_112 : i32 to index
      %swap3A_146 = arith.constant 80 : index
      %swap3A_147 = tpu.vector_load %arg15[%swap3A_145, %swap3A_146] {strides = array<i32>} : memref<64x128xf32, #tpu.memory_space<vmem>>, vector<16xf32>,
      tpu.vector_store %arg15[%swap3A_145, %swap3A_146], %broadcast_in_dim3A_0 {strides = array<i32>} : memref<64x128xf32, #tpu.memory_space<vmem>>, vector<16xf32>,
      %swap3A_148 = arith.index_cast %scan3A_112 : i32 to index
      %swap3A_149 = arith.constant 96 : index
      %swap3A_150 = tpu.vector_load %arg14[%swap3A_148, %swap3A_149] {strides = array<i32>} : memref<64x128xf32, #tpu.memory_space<vmem>>, vector<16xf32>,
      tpu.vector_store %arg14[%swap3A_148, %swap3A_149], %broadcast_in_dim3A_0 {strides = array<i32>} : memref<64x128xf32, #tpu.memory_space<vmem>>, vector<16xf32>,
      %swap3A_151 = arith.index_cast %scan3A_112 : i32 to index
      %swap3A_152 = arith.constant 96 : index
      %swap3A_153 = tpu.vector_load %arg15[%swap3A_151, %swap3A_152] {strides = array<i32>} : memref<64x128xf32, #tpu.memory_space<vmem>>, vector<16xf32>,
      tpu.vector_store %arg15[%swap3A_151, %swap3A_152], %broadcast_in_dim3A_0 {strides = array<i32>} : memref<64x128xf32, #tpu.memory_space<vmem>>, vector<16xf32>,
      %swap3A_154 = arith.index_cast %scan3A_112 : i32 to index
      %swap3A_155 = arith.constant 112 : index
      %swap3A_156 = tpu.vector_load %arg14[%swap3A_154, %swap3A_155] {strides = array<i32>} : memref<64x128xf32, #tpu.memory_space<vmem>>, vector<16xf32>,
      tpu.vector_store %arg14[%swap3A_154, %swap3A_155], %broadcast_in_dim3A_0 {strides = array<i32>} : memref<64x128xf32, #tpu.memory_space<vmem>>, vector<16xf32>,
      %swap3A_157 = arith.index_cast %scan3A_112 : i32 to index
      %swap3A_158 = arith.constant 112 : index
      %swap3A_159 = tpu.vector_load %arg15[%swap3A_157, %swap3A_158] {strides = array<i32>} : memref<64x128xf32, #tpu.memory_space<vmem>>, vector<16xf32>,
      tpu.vector_store %arg15[%swap3A_157, %swap3A_158], %broadcast_in_dim3A_0 {strides = array<i32>} : memref<64x128xf32, #tpu.memory_space<vmem>>, vector<16xf32>,
    }
    %scan3A_36 = arith.constant 64 : i32
    %scan3A_37 = arith.constant 0 : i32
    %scan3A_38 = arith.constant 0 : i32
    %scan3A_39 = arith.constant 3 : i32
    %scan3A_40 = arith.addi %scan3A_38, %scan3A_39 : i32
    %scan3A_41 = arith.constant 1 : i32
    scf.for %scan3A_112 = %scan3A_38 to %scan3A_40 step %scan3A_41  : i32 {
      %mul3A_113 = arith.constant 64 : i32
      %mul3A_114 = arith.muli %scan3A_112, %mul3A_113 : i32
      %add3A = arith.addi %mul3A_5, %mul3A_114 : i32
      "tpu.region"() ({
        %run_scoped3A = tpu.sem_alloc : memref<!tpu.dma_semaphore, #tpu.memory_space<semaphore_mem>>
        %dma_start3A = arith.constant 0 : i32
        %dma_start3A_115 = tpu.memref_slice %arg16[%add3A, %dma_start3A] : memref<3072x128xf32, #tpu.memory_space<vmem_shared>> -> memref<64x128xf32, #tpu.memory_space<vmem_shared>>
        %dma_start3A_116 = arith.constant 0 : i32
        %dma_start3A_117 = tpu.memref_slice %arg16[%add3A, %dma_start3A_116] : memref<3072x128xf32, #tpu.memory_space<vmem_shared>> -> memref<64x128xf32, #tpu.memory_space<vmem_shared>>
        tpu.enqueue_dma source(%arg14 : memref<64x128xf32, #tpu.memory_space<vmem>>) target(%dma_start3A_117 : memref<64x128xf32, #tpu.memory_space<vmem_shared>>) target_semaphore(%run_scoped3A : memref<!tpu.dma_semaphore, #tpu.memory_space<semaphore_mem>>)
        %dma_wait3A = arith.constant 0 : i32
        %dma_wait3A_118 = tpu.memref_slice %arg16[%add3A, %dma_wait3A] : memref<3072x128xf32, #tpu.memory_space<vmem_shared>> -> memref<64x128xf32, #tpu.memory_space<vmem_shared>>
        %dma_wait3A_119 = arith.constant 0 : i32
        %dma_wait3A_120 = tpu.memref_slice %arg16[%add3A, %dma_wait3A_119] : memref<3072x128xf32, #tpu.memory_space<vmem_shared>> -> memref<64x128xf32, #tpu.memory_space<vmem_shared>>
        tpu.wait_dma2 semaphore(%run_scoped3A : memref<!tpu.dma_semaphore, #tpu.memory_space<semaphore_mem>>) src(%arg14 : memref<64x128xf32, #tpu.memory_space<vmem>>) dst(%dma_wait3A_120 : memref<64x128xf32, #tpu.memory_space<vmem_shared>>)
        tpu.yield
      }) : () -> ()
      "tpu.region"() ({
        %run_scoped3A = tpu.sem_alloc : memref<!tpu.dma_semaphore, #tpu.memory_space<semaphore_mem>>
        %dma_start3A = arith.constant 0 : i32
        %dma_start3A_115 = tpu.memref_slice %arg17[%add3A, %dma_start3A] : memref<3072x128xf32, #tpu.memory_space<vmem_shared>> -> memref<64x128xf32, #tpu.memory_space<vmem_shared>>
        %dma_start3A_116 = arith.constant 0 : i32
        %dma_start3A_117 = tpu.memref_slice %arg17[%add3A, %dma_start3A_116] : memref<3072x128xf32, #tpu.memory_space<vmem_shared>> -> memref<64x128xf32, #tpu.memory_space<vmem_shared>>
        tpu.enqueue_dma source(%arg15 : memref<64x128xf32, #tpu.memory_space<vmem>>) target(%dma_start3A_117 : memref<64x128xf32, #tpu.memory_space<vmem_shared>>) target_semaphore(%run_scoped3A : memref<!tpu.dma_semaphore, #tpu.memory_space<semaphore_mem>>)
        %dma_wait3A = arith.constant 0 : i32
        %dma_wait3A_118 = tpu.memref_slice %arg17[%add3A, %dma_wait3A] : memref<3072x128xf32, #tpu.memory_space<vmem_shared>> -> memref<64x128xf32, #tpu.memory_space<vmem_shared>>
        %dma_wait3A_119 = arith.constant 0 : i32
        %dma_wait3A_120 = tpu.memref_slice %arg17[%add3A, %dma_wait3A_119] : memref<3072x128xf32, #tpu.memory_space<vmem_shared>> -> memref<64x128xf32, #tpu.memory_space<vmem_shared>>
        tpu.wait_dma2 semaphore(%run_scoped3A : memref<!tpu.dma_semaphore, #tpu.memory_space<semaphore_mem>>) src(%arg15 : memref<64x128xf32, #tpu.memory_space<vmem>>) dst(%dma_wait3A_120 : memref<64x128xf32, #tpu.memory_space<vmem_shared>>)
        tpu.yield
      }) : () -> ()
    }
    %scan3A_42 = arith.constant 3 : i32
    %barrier3A_43 = arith.constant 0 : index
    tpu.barrier barrier_id(%barrier3A_43)
    %scan3A_44 = arith.constant 0 : i32
    %scan3A_45 = arith.constant 0 : i32
    %scan3A_46 = arith.constant 160 : i32
    %scan3A_47 = arith.addi %scan3A_45, %scan3A_46 : i32
    %scan3A_48 = arith.constant 1 : i32
    scf.for %scan3A_112 = %scan3A_45 to %scan3A_47 step %scan3A_48  : i32 {
      %mul3A_113 = arith.constant 64 : i32
      %mul3A_114 = arith.muli %scan3A_112, %mul3A_113 : i32
      %add3A = arith.addi %mul3A_3, %mul3A_114 : i32
      %add3A_115 = arith.constant 163840 : i32
      %add3A_116 = arith.addi %add3A_115, %add3A : i32
      %dma_start3A = tpu.memref_slice %arg5[%add3A_116] : memref<655360xi32, #tpu.memory_space<hbm>> -> memref<64xi32, #tpu.memory_space<hbm>>
      %dma_start3A_117 = tpu.memref_slice %arg5[%add3A_116] : memref<655360xi32, #tpu.memory_space<hbm>> -> memref<64xi32, #tpu.memory_space<hbm>>
      tpu.enqueue_dma source(%dma_start3A_117 : memref<64xi32, #tpu.memory_space<hbm>>) target(%arg9 : memref<64xi32, #tpu.memory_space<vmem>>) target_semaphore(%arg18 : memref<!tpu.dma_semaphore, #tpu.memory_space<semaphore_mem>>)
      %mul3A_118 = arith.constant 163840 : i32
      %mul3A_119 = arith.muli %arg0, %mul3A_118 : i32
      %add3A_120 = arith.addi %mul3A_119, %add3A : i32
      %dma_start3A_121 = tpu.memref_slice %arg6[%add3A_120] : memref<327680xi32, #tpu.memory_space<hbm>> -> memref<64xi32, #tpu.memory_space<hbm>>
      %dma_start3A_122 = tpu.memref_slice %arg6[%add3A_120] : memref<327680xi32, #tpu.memory_space<hbm>> -> memref<64xi32, #tpu.memory_space<hbm>>
      tpu.enqueue_dma source(%dma_start3A_122 : memref<64xi32, #tpu.memory_space<hbm>>) target(%arg10 : memref<64xi32, #tpu.memory_space<vmem>>) target_semaphore(%arg19 : memref<!tpu.dma_semaphore, #tpu.memory_space<semaphore_mem>>)
      %mul3A_123 = arith.constant 163840 : i32
      %mul3A_124 = arith.muli %arg0, %mul3A_123 : i32
      %add3A_125 = arith.addi %mul3A_124, %add3A : i32
      %dma_start3A_126 = tpu.memref_slice %arg7[%add3A_125] : memref<327680xi32, #tpu.memory_space<hbm>> -> memref<64xi32, #tpu.memory_space<hbm>>
      %dma_start3A_127 = tpu.memref_slice %arg7[%add3A_125] : memref<327680xi32, #tpu.memory_space<hbm>> -> memref<64xi32, #tpu.memory_space<hbm>>
      tpu.enqueue_dma source(%dma_start3A_127 : memref<64xi32, #tpu.memory_space<hbm>>) target(%arg11 : memref<64xi32, #tpu.memory_space<vmem>>) target_semaphore(%arg20 : memref<!tpu.dma_semaphore, #tpu.memory_space<semaphore_mem>>)
      %dma_wait3A = tpu.memref_slice %arg5[%add3A_116] : memref<655360xi32, #tpu.memory_space<hbm>> -> memref<64xi32, #tpu.memory_space<hbm>>
      %dma_wait3A_128 = tpu.memref_slice %arg5[%add3A_116] : memref<655360xi32, #tpu.memory_space<hbm>> -> memref<64xi32, #tpu.memory_space<hbm>>
      tpu.wait_dma2 semaphore(%arg18 : memref<!tpu.dma_semaphore, #tpu.memory_space<semaphore_mem>>) src(%dma_wait3A_128 : memref<64xi32, #tpu.memory_space<hbm>>) dst(%arg9 : memref<64xi32, #tpu.memory_space<vmem>>)
      %dma_wait3A_129 = tpu.memref_slice %arg6[%add3A_120] : memref<327680xi32, #tpu.memory_space<hbm>> -> memref<64xi32, #tpu.memory_space<hbm>>
      %dma_wait3A_130 = tpu.memref_slice %arg6[%add3A_120] : memref<327680xi32, #tpu.memory_space<hbm>> -> memref<64xi32, #tpu.memory_space<hbm>>
      tpu.wait_dma2 semaphore(%arg19 : memref<!tpu.dma_semaphore, #tpu.memory_space<semaphore_mem>>) src(%dma_wait3A_130 : memref<64xi32, #tpu.memory_space<hbm>>) dst(%arg10 : memref<64xi32, #tpu.memory_space<vmem>>)
      %dma_wait3A_131 = tpu.memref_slice %arg7[%add3A_125] : memref<327680xi32, #tpu.memory_space<hbm>> -> memref<64xi32, #tpu.memory_space<hbm>>
      %dma_wait3A_132 = tpu.memref_slice %arg7[%add3A_125] : memref<327680xi32, #tpu.memory_space<hbm>> -> memref<64xi32, #tpu.memory_space<hbm>>
      tpu.wait_dma2 semaphore(%arg20 : memref<!tpu.dma_semaphore, #tpu.memory_space<semaphore_mem>>) src(%dma_wait3A_132 : memref<64xi32, #tpu.memory_space<hbm>>) dst(%arg11 : memref<64xi32, #tpu.memory_space<vmem>>)
      %dma_start3A_133 = arith.constant 0 : i32
      %dma_start3A_134 = arith.constant 0 : i32
      %dma_start3A_135 = tpu.memref_slice %arg2[%dma_start3A_133, %dma_start3A_134] : memref<20048x128xf32, #tpu.memory_space<hbm>> -> memref<20048x128xf32, #tpu.memory_space<hbm>>
      tpu.enqueue_indirect_dma source(%dma_start3A_135 : memref<20048x128xf32, #tpu.memory_space<hbm>>) target(%arg12 : memref<64x128xf32, #tpu.memory_space<vmem>>) offsets(%arg10 : memref<64xi32, #tpu.memory_space<vmem>>) semaphore(%arg18 : memref<!tpu.dma_semaphore, #tpu.memory_space<semaphore_mem>>)
      %dma_start3A_136 = arith.constant 0 : i32
      %dma_start3A_137 = arith.constant 0 : i32
      %dma_start3A_138 = tpu.memref_slice %arg3[%dma_start3A_136, %dma_start3A_137] : memref<20048x128xf32, #tpu.memory_space<hbm>> -> memref<20048x128xf32, #tpu.memory_space<hbm>>
      tpu.enqueue_indirect_dma source(%dma_start3A_138 : memref<20048x128xf32, #tpu.memory_space<hbm>>) target(%arg13 : memref<64x128xf32, #tpu.memory_space<vmem>>) offsets(%arg11 : memref<64xi32, #tpu.memory_space<vmem>>) semaphore(%arg19 : memref<!tpu.dma_semaphore, #tpu.memory_space<semaphore_mem>>)
      %dma_start3A_139 = arith.constant 0 : i32
      %dma_start3A_140 = arith.constant 0 : i32
      %dma_start3A_141 = tpu.memref_slice %arg4[%dma_start3A_139, %dma_start3A_140] : memref<20048x128xf32, #tpu.memory_space<hbm>> -> memref<20048x128xf32, #tpu.memory_space<hbm>>
      tpu.enqueue_indirect_dma source(%dma_start3A_141 : memref<20048x128xf32, #tpu.memory_space<hbm>>) target(%arg14 : memref<64x128xf32, #tpu.memory_space<vmem>>) offsets(%arg11 : memref<64xi32, #tpu.memory_space<vmem>>) semaphore(%arg20 : memref<!tpu.dma_semaphore, #tpu.memory_space<semaphore_mem>>)
      %dma_wait3A_142 = arith.constant 0 : i32
      %dma_wait3A_143 = arith.constant 0 : i32
      %dma_wait3A_144 = tpu.memref_slice %arg2[%dma_wait3A_142, %dma_wait3A_143] : memref<20048x128xf32, #tpu.memory_space<hbm>> -> memref<20048x128xf32, #tpu.memory_space<hbm>>
      tpu.wait_indirect_dma semaphore(%arg18 : memref<!tpu.dma_semaphore, #tpu.memory_space<semaphore_mem>>) src(%dma_wait3A_144 : memref<20048x128xf32, #tpu.memory_space<hbm>>) dst(%arg12 : memref<64x128xf32, #tpu.memory_space<vmem>>)
      %dma_wait3A_145 = arith.constant 0 : i32
      %dma_wait3A_146 = arith.constant 0 : i32
      %dma_wait3A_147 = tpu.memref_slice %arg3[%dma_wait3A_145, %dma_wait3A_146] : memref<20048x128xf32, #tpu.memory_space<hbm>> -> memref<20048x128xf32, #tpu.memory_space<hbm>>
      tpu.wait_indirect_dma semaphore(%arg19 : memref<!tpu.dma_semaphore, #tpu.memory_space<semaphore_mem>>) src(%dma_wait3A_147 : memref<20048x128xf32, #tpu.memory_space<hbm>>) dst(%arg13 : memref<64x128xf32, #tpu.memory_space<vmem>>)
      %dma_wait3A_148 = arith.constant 0 : i32
      %dma_wait3A_149 = arith.constant 0 : i32
      %dma_wait3A_150 = tpu.memref_slice %arg4[%dma_wait3A_148, %dma_wait3A_149] : memref<20048x128xf32, #tpu.memory_space<hbm>> -> memref<20048x128xf32, #tpu.memory_space<hbm>>
      tpu.wait_indirect_dma semaphore(%arg20 : memref<!tpu.dma_semaphore, #tpu.memory_space<semaphore_mem>>) src(%dma_wait3A_150 : memref<20048x128xf32, #tpu.memory_space<hbm>>) dst(%arg14 : memref<64x128xf32, #tpu.memory_space<vmem>>)
      %scan3A_151 = arith.constant 0 : i32
      %scan3A_152 = arith.constant 0 : i32
      %scan3A_153 = arith.constant 32 : i32
      %scan3A_154 = arith.addi %scan3A_152, %scan3A_153 : i32
      %scan3A_155 = arith.constant 1 : i32
      scf.for %scan3A_169 = %scan3A_152 to %scan3A_154 step %scan3A_155  : i32 {
        %mul3A_170 = arith.constant 2 : i32
        %mul3A_171 = arith.muli %scan3A_169, %mul3A_170 : i32
        %add3A_172 = arith.constant 0 : i32
        %add3A_173 = arith.addi %mul3A_171, %add3A_172 : i32
        %get3A = arith.index_cast %add3A_173 : i32 to index
        %get3A_174 = arith.constant 0 : index
        %get3A_175 = tpu.vector_load %arg12[%get3A, %get3A_174] {strides = array<i32>} : memref<64x128xf32, #tpu.memory_space<vmem>>, vector<16xf32>,
        %get3A_176 = arith.index_cast %add3A_173 : i32 to index
        %get3A_177 = arith.constant 16 : index
        %get3A_178 = tpu.vector_load %arg12[%get3A_176, %get3A_177] {strides = array<i32>} : memref<64x128xf32, #tpu.memory_space<vmem>>, vector<16xf32>,
        %get3A_179 = arith.index_cast %add3A_173 : i32 to index
        %get3A_180 = arith.constant 0 : index
        %get3A_181 = tpu.vector_load %arg13[%get3A_179, %get3A_180] {strides = array<i32>} : memref<64x128xf32, #tpu.memory_space<vmem>>, vector<16xf32>,
        %get3A_182 = arith.index_cast %add3A_173 : i32 to index
        %get3A_183 = arith.constant 16 : index
        %get3A_184 = tpu.vector_load %arg13[%get3A_182, %get3A_183] {strides = array<i32>} : memref<64x128xf32, #tpu.memory_space<vmem>>, vector<16xf32>,
        %mul3A_185 = arith.mulf %get3A_175, %get3A_181 : vector<16xf32>
        %mul3A_186 = arith.mulf %get3A_178, %get3A_184 : vector<16xf32>
        %add3A_187 = arith.addf %mul3A_185, %mul3A_186 : vector<16xf32>
        %reduce_sum3A = arith.constant true
        %reduce_sum3A_188 = vector.broadcast %reduce_sum3A : i1 to vector<16xi1>
        %reduce_sum3A_189 = tpu.scan <sum>, %add3A_187 masked %reduce_sum3A_188 : vector<16xf32>, vector<16xi1> -> vector<16xf32>
        %reduce_sum3A_190 = vector.extract %reduce_sum3A_189[15] : f32 from vector<16xf32>
        %broadcast_in_dim3A_191 = vector.broadcast %reduce_sum3A_190 : f32 to vector<16xf32>
        %exp3A = math.exp %broadcast_in_dim3A_191 : vector<16xf32>
        %get3A_192 = arith.index_cast %add3A_173 : i32 to index
        %get3A_193 = arith.constant 0 : index
        %get3A_194 = tpu.vector_load %arg14[%get3A_192, %get3A_193] {strides = array<i32>} : memref<64x128xf32, #tpu.memory_space<vmem>>, vector<16xf32>,
        %mul3A_195 = arith.mulf %exp3A, %get3A_194 : vector<16xf32>
        %swap3A = arith.index_cast %add3A_173 : i32 to index
        %swap3A_196 = arith.constant 0 : index
        %swap3A_197 = tpu.vector_load %arg14[%swap3A, %swap3A_196] {strides = array<i32>} : memref<64x128xf32, #tpu.memory_space<vmem>>, vector<16xf32>,
        tpu.vector_store %arg14[%swap3A, %swap3A_196], %mul3A_195 {strides = array<i32>} : memref<64x128xf32, #tpu.memory_space<vmem>>, vector<16xf32>,
        %get3A_198 = arith.index_cast %add3A_173 : i32 to index
        %get3A_199 = arith.constant 16 : index
        %get3A_200 = tpu.vector_load %arg14[%get3A_198, %get3A_199] {strides = array<i32>} : memref<64x128xf32, #tpu.memory_space<vmem>>, vector<16xf32>,
        %mul3A_201 = arith.mulf %exp3A, %get3A_200 : vector<16xf32>
        %swap3A_202 = arith.index_cast %add3A_173 : i32 to index
        %swap3A_203 = arith.constant 16 : index
        %swap3A_204 = tpu.vector_load %arg14[%swap3A_202, %swap3A_203] {strides = array<i32>} : memref<64x128xf32, #tpu.memory_space<vmem>>, vector<16xf32>,
        tpu.vector_store %arg14[%swap3A_202, %swap3A_203], %mul3A_201 {strides = array<i32>} : memref<64x128xf32, #tpu.memory_space<vmem>>, vector<16xf32>,
        %get3A_205 = arith.index_cast %add3A_173 : i32 to index
        %get3A_206 = arith.constant 32 : index
        %get3A_207 = tpu.vector_load %arg12[%get3A_205, %get3A_206] {strides = array<i32>} : memref<64x128xf32, #tpu.memory_space<vmem>>, vector<16xf32>,
        %get3A_208 = arith.index_cast %add3A_173 : i32 to index
        %get3A_209 = arith.constant 48 : index
        %get3A_210 = tpu.vector_load %arg12[%get3A_208, %get3A_209] {strides = array<i32>} : memref<64x128xf32, #tpu.memory_space<vmem>>, vector<16xf32>,
        %get3A_211 = arith.index_cast %add3A_173 : i32 to index
        %get3A_212 = arith.constant 32 : index
        %get3A_213 = tpu.vector_load %arg13[%get3A_211, %get3A_212] {strides = array<i32>} : memref<64x128xf32, #tpu.memory_space<vmem>>, vector<16xf32>,
        %get3A_214 = arith.index_cast %add3A_173 : i32 to index
        %get3A_215 = arith.constant 48 : index
        %get3A_216 = tpu.vector_load %arg13[%get3A_214, %get3A_215] {strides = array<i32>} : memref<64x128xf32, #tpu.memory_space<vmem>>, vector<16xf32>,
        %mul3A_217 = arith.mulf %get3A_207, %get3A_213 : vector<16xf32>
        %mul3A_218 = arith.mulf %get3A_210, %get3A_216 : vector<16xf32>
        %add3A_219 = arith.addf %mul3A_217, %mul3A_218 : vector<16xf32>
        %reduce_sum3A_220 = arith.constant true
        %reduce_sum3A_221 = vector.broadcast %reduce_sum3A_220 : i1 to vector<16xi1>
        %reduce_sum3A_222 = tpu.scan <sum>, %add3A_219 masked %reduce_sum3A_221 : vector<16xf32>, vector<16xi1> -> vector<16xf32>
        %reduce_sum3A_223 = vector.extract %reduce_sum3A_222[15] : f32 from vector<16xf32>
        %broadcast_in_dim3A_224 = vector.broadcast %reduce_sum3A_223 : f32 to vector<16xf32>
        %exp3A_225 = math.exp %broadcast_in_dim3A_224 : vector<16xf32>
        %get3A_226 = arith.index_cast %add3A_173 : i32 to index
        %get3A_227 = arith.constant 32 : index
        %get3A_228 = tpu.vector_load %arg14[%get3A_226, %get3A_227] {strides = array<i32>} : memref<64x128xf32, #tpu.memory_space<vmem>>, vector<16xf32>,
        %mul3A_229 = arith.mulf %exp3A_225, %get3A_228 : vector<16xf32>
        %swap3A_230 = arith.index_cast %add3A_173 : i32 to index
        %swap3A_231 = arith.constant 32 : index
        %swap3A_232 = tpu.vector_load %arg14[%swap3A_230, %swap3A_231] {strides = array<i32>} : memref<64x128xf32, #tpu.memory_space<vmem>>, vector<16xf32>,
        tpu.vector_store %arg14[%swap3A_230, %swap3A_231], %mul3A_229 {strides = array<i32>} : memref<64x128xf32, #tpu.memory_space<vmem>>, vector<16xf32>,
        %get3A_233 = arith.index_cast %add3A_173 : i32 to index
        %get3A_234 = arith.constant 48 : index
        %get3A_235 = tpu.vector_load %arg14[%get3A_233, %get3A_234] {strides = array<i32>} : memref<64x128xf32, #tpu.memory_space<vmem>>, vector<16xf32>,
        %mul3A_236 = arith.mulf %exp3A_225, %get3A_235 : vector<16xf32>
        %swap3A_237 = arith.index_cast %add3A_173 : i32 to index
        %swap3A_238 = arith.constant 48 : index
        %swap3A_239 = tpu.vector_load %arg14[%swap3A_237, %swap3A_238] {strides = array<i32>} : memref<64x128xf32, #tpu.memory_space<vmem>>, vector<16xf32>,
        tpu.vector_store %arg14[%swap3A_237, %swap3A_238], %mul3A_236 {strides = array<i32>} : memref<64x128xf32, #tpu.memory_space<vmem>>, vector<16xf32>,
        %get3A_240 = arith.index_cast %add3A_173 : i32 to index
        %get3A_241 = arith.constant 64 : index
        %get3A_242 = tpu.vector_load %arg12[%get3A_240, %get3A_241] {strides = array<i32>} : memref<64x128xf32, #tpu.memory_space<vmem>>, vector<16xf32>,
        %get3A_243 = arith.index_cast %add3A_173 : i32 to index
        %get3A_244 = arith.constant 80 : index
        %get3A_245 = tpu.vector_load %arg12[%get3A_243, %get3A_244] {strides = array<i32>} : memref<64x128xf32, #tpu.memory_space<vmem>>, vector<16xf32>,
        %get3A_246 = arith.index_cast %add3A_173 : i32 to index
        %get3A_247 = arith.constant 64 : index
        %get3A_248 = tpu.vector_load %arg13[%get3A_246, %get3A_247] {strides = array<i32>} : memref<64x128xf32, #tpu.memory_space<vmem>>, vector<16xf32>,
        %get3A_249 = arith.index_cast %add3A_173 : i32 to index
        %get3A_250 = arith.constant 80 : index
        %get3A_251 = tpu.vector_load %arg13[%get3A_249, %get3A_250] {strides = array<i32>} : memref<64x128xf32, #tpu.memory_space<vmem>>, vector<16xf32>,
        %mul3A_252 = arith.mulf %get3A_242, %get3A_248 : vector<16xf32>
        %mul3A_253 = arith.mulf %get3A_245, %get3A_251 : vector<16xf32>
        %add3A_254 = arith.addf %mul3A_252, %mul3A_253 : vector<16xf32>
        %reduce_sum3A_255 = arith.constant true
        %reduce_sum3A_256 = vector.broadcast %reduce_sum3A_255 : i1 to vector<16xi1>
        %reduce_sum3A_257 = tpu.scan <sum>, %add3A_254 masked %reduce_sum3A_256 : vector<16xf32>, vector<16xi1> -> vector<16xf32>
        %reduce_sum3A_258 = vector.extract %reduce_sum3A_257[15] : f32 from vector<16xf32>
        %broadcast_in_dim3A_259 = vector.broadcast %reduce_sum3A_258 : f32 to vector<16xf32>
        %exp3A_260 = math.exp %broadcast_in_dim3A_259 : vector<16xf32>
        %get3A_261 = arith.index_cast %add3A_173 : i32 to index
        %get3A_262 = arith.constant 64 : index
        %get3A_263 = tpu.vector_load %arg14[%get3A_261, %get3A_262] {strides = array<i32>} : memref<64x128xf32, #tpu.memory_space<vmem>>, vector<16xf32>,
        %mul3A_264 = arith.mulf %exp3A_260, %get3A_263 : vector<16xf32>
        %swap3A_265 = arith.index_cast %add3A_173 : i32 to index
        %swap3A_266 = arith.constant 64 : index
        %swap3A_267 = tpu.vector_load %arg14[%swap3A_265, %swap3A_266] {strides = array<i32>} : memref<64x128xf32, #tpu.memory_space<vmem>>, vector<16xf32>,
        tpu.vector_store %arg14[%swap3A_265, %swap3A_266], %mul3A_264 {strides = array<i32>} : memref<64x128xf32, #tpu.memory_space<vmem>>, vector<16xf32>,
        %get3A_268 = arith.index_cast %add3A_173 : i32 to index
        %get3A_269 = arith.constant 80 : index
        %get3A_270 = tpu.vector_load %arg14[%get3A_268, %get3A_269] {strides = array<i32>} : memref<64x128xf32, #tpu.memory_space<vmem>>, vector<16xf32>,
        %mul3A_271 = arith.mulf %exp3A_260, %get3A_270 : vector<16xf32>
        %swap3A_272 = arith.index_cast %add3A_173 : i32 to index
        %swap3A_273 = arith.constant 80 : index
        %swap3A_274 = tpu.vector_load %arg14[%swap3A_272, %swap3A_273] {strides = array<i32>} : memref<64x128xf32, #tpu.memory_space<vmem>>, vector<16xf32>,
        tpu.vector_store %arg14[%swap3A_272, %swap3A_273], %mul3A_271 {strides = array<i32>} : memref<64x128xf32, #tpu.memory_space<vmem>>, vector<16xf32>,
        %get3A_275 = arith.index_cast %add3A_173 : i32 to index
        %get3A_276 = arith.constant 96 : index
        %get3A_277 = tpu.vector_load %arg12[%get3A_275, %get3A_276] {strides = array<i32>} : memref<64x128xf32, #tpu.memory_space<vmem>>, vector<16xf32>,
        %get3A_278 = arith.index_cast %add3A_173 : i32 to index
        %get3A_279 = arith.constant 112 : index
        %get3A_280 = tpu.vector_load %arg12[%get3A_278, %get3A_279] {strides = array<i32>} : memref<64x128xf32, #tpu.memory_space<vmem>>, vector<16xf32>,
        %get3A_281 = arith.index_cast %add3A_173 : i32 to index
        %get3A_282 = arith.constant 96 : index
        %get3A_283 = tpu.vector_load %arg13[%get3A_281, %get3A_282] {strides = array<i32>} : memref<64x128xf32, #tpu.memory_space<vmem>>, vector<16xf32>,
        %get3A_284 = arith.index_cast %add3A_173 : i32 to index
        %get3A_285 = arith.constant 112 : index
        %get3A_286 = tpu.vector_load %arg13[%get3A_284, %get3A_285] {strides = array<i32>} : memref<64x128xf32, #tpu.memory_space<vmem>>, vector<16xf32>,
        %mul3A_287 = arith.mulf %get3A_277, %get3A_283 : vector<16xf32>
        %mul3A_288 = arith.mulf %get3A_280, %get3A_286 : vector<16xf32>
        %add3A_289 = arith.addf %mul3A_287, %mul3A_288 : vector<16xf32>
        %reduce_sum3A_290 = arith.constant true
        %reduce_sum3A_291 = vector.broadcast %reduce_sum3A_290 : i1 to vector<16xi1>
        %reduce_sum3A_292 = tpu.scan <sum>, %add3A_289 masked %reduce_sum3A_291 : vector<16xf32>, vector<16xi1> -> vector<16xf32>
        %reduce_sum3A_293 = vector.extract %reduce_sum3A_292[15] : f32 from vector<16xf32>
        %broadcast_in_dim3A_294 = vector.broadcast %reduce_sum3A_293 : f32 to vector<16xf32>
        %exp3A_295 = math.exp %broadcast_in_dim3A_294 : vector<16xf32>
        %get3A_296 = arith.index_cast %add3A_173 : i32 to index
        %get3A_297 = arith.constant 96 : index
        %get3A_298 = tpu.vector_load %arg14[%get3A_296, %get3A_297] {strides = array<i32>} : memref<64x128xf32, #tpu.memory_space<vmem>>, vector<16xf32>,
        %mul3A_299 = arith.mulf %exp3A_295, %get3A_298 : vector<16xf32>
        %swap3A_300 = arith.index_cast %add3A_173 : i32 to index
        %swap3A_301 = arith.constant 96 : index
        %swap3A_302 = tpu.vector_load %arg14[%swap3A_300, %swap3A_301] {strides = array<i32>} : memref<64x128xf32, #tpu.memory_space<vmem>>, vector<16xf32>,
        tpu.vector_store %arg14[%swap3A_300, %swap3A_301], %mul3A_299 {strides = array<i32>} : memref<64x128xf32, #tpu.memory_space<vmem>>, vector<16xf32>,
        %get3A_303 = arith.index_cast %add3A_173 : i32 to index
        %get3A_304 = arith.constant 112 : index
        %get3A_305 = tpu.vector_load %arg14[%get3A_303, %get3A_304] {strides = array<i32>} : memref<64x128xf32, #tpu.memory_space<vmem>>, vector<16xf32>,
        %mul3A_306 = arith.mulf %exp3A_295, %get3A_305 : vector<16xf32>
        %swap3A_307 = arith.index_cast %add3A_173 : i32 to index
        %swap3A_308 = arith.constant 112 : index
        %swap3A_309 = tpu.vector_load %arg14[%swap3A_307, %swap3A_308] {strides = array<i32>} : memref<64x128xf32, #tpu.memory_space<vmem>>, vector<16xf32>,
        tpu.vector_store %arg14[%swap3A_307, %swap3A_308], %mul3A_306 {strides = array<i32>} : memref<64x128xf32, #tpu.memory_space<vmem>>, vector<16xf32>,
        %eq3A = arith.constant 0 : i32
        %eq3A_310 = vector.broadcast %eq3A : i32 to vector<16xi32>
        %eq3A_311 = arith.cmpi eq, %and3A_2, %eq3A_310 : vector<16xi32>
        %eq3A_312 = arith.constant 1 : i32
        %eq3A_313 = vector.broadcast %eq3A_312 : i32 to vector<16xi32>
        %eq3A_314 = arith.cmpi eq, %and3A_2, %eq3A_313 : vector<16xi32>
        %eq3A_315 = arith.constant 2 : i32
        %eq3A_316 = vector.broadcast %eq3A_315 : i32 to vector<16xi32>
        %eq3A_317 = arith.cmpi eq, %and3A_2, %eq3A_316 : vector<16xi32>
        %select_n3A = arith.select %eq3A_317, %exp3A_260, %exp3A_295 : vector<16xi1>, vector<16xf32>
        %select_n3A_318 = arith.select %eq3A_314, %exp3A_225, %select_n3A : vector<16xi1>, vector<16xf32>
        %select_n3A_319 = arith.select %eq3A_311, %exp3A, %select_n3A_318 : vector<16xi1>, vector<16xf32>
        %swap3A_320 = arith.index_cast %add3A_173 : i32 to index
        %swap3A_321 = arith.constant 0 : index
        %swap3A_322 = tpu.vector_load %arg15[%swap3A_320, %swap3A_321] {strides = array<i32>} : memref<64x128xf32, #tpu.memory_space<vmem>>, vector<16xf32>,
        tpu.vector_store %arg15[%swap3A_320, %swap3A_321], %select_n3A_319 {strides = array<i32>} : memref<64x128xf32, #tpu.memory_space<vmem>>, vector<16xf32>,
        %swap3A_323 = arith.index_cast %add3A_173 : i32 to index
        %swap3A_324 = arith.constant 16 : index
        %swap3A_325 = tpu.vector_load %arg15[%swap3A_323, %swap3A_324] {strides = array<i32>} : memref<64x128xf32, #tpu.memory_space<vmem>>, vector<16xf32>,
        tpu.vector_store %arg15[%swap3A_323, %swap3A_324], %select_n3A_319 {strides = array<i32>} : memref<64x128xf32, #tpu.memory_space<vmem>>, vector<16xf32>,
        %swap3A_326 = arith.index_cast %add3A_173 : i32 to index
        %swap3A_327 = arith.constant 32 : index
        %swap3A_328 = tpu.vector_load %arg15[%swap3A_326, %swap3A_327] {strides = array<i32>} : memref<64x128xf32, #tpu.memory_space<vmem>>, vector<16xf32>,
        tpu.vector_store %arg15[%swap3A_326, %swap3A_327], %select_n3A_319 {strides = array<i32>} : memref<64x128xf32, #tpu.memory_space<vmem>>, vector<16xf32>,
        %swap3A_329 = arith.index_cast %add3A_173 : i32 to index
        %swap3A_330 = arith.constant 48 : index
        %swap3A_331 = tpu.vector_load %arg15[%swap3A_329, %swap3A_330] {strides = array<i32>} : memref<64x128xf32, #tpu.memory_space<vmem>>, vector<16xf32>,
        tpu.vector_store %arg15[%swap3A_329, %swap3A_330], %select_n3A_319 {strides = array<i32>} : memref<64x128xf32, #tpu.memory_space<vmem>>, vector<16xf32>,
        %swap3A_332 = arith.index_cast %add3A_173 : i32 to index
        %swap3A_333 = arith.constant 64 : index
        %swap3A_334 = tpu.vector_load %arg15[%swap3A_332, %swap3A_333] {strides = array<i32>} : memref<64x128xf32, #tpu.memory_space<vmem>>, vector<16xf32>,
        tpu.vector_store %arg15[%swap3A_332, %swap3A_333], %select_n3A_319 {strides = array<i32>} : memref<64x128xf32, #tpu.memory_space<vmem>>, vector<16xf32>,
        %swap3A_335 = arith.index_cast %add3A_173 : i32 to index
        %swap3A_336 = arith.constant 80 : index
        %swap3A_337 = tpu.vector_load %arg15[%swap3A_335, %swap3A_336] {strides = array<i32>} : memref<64x128xf32, #tpu.memory_space<vmem>>, vector<16xf32>,
        tpu.vector_store %arg15[%swap3A_335, %swap3A_336], %select_n3A_319 {strides = array<i32>} : memref<64x128xf32, #tpu.memory_space<vmem>>, vector<16xf32>,
        %swap3A_338 = arith.index_cast %add3A_173 : i32 to index
        %swap3A_339 = arith.constant 96 : index
        %swap3A_340 = tpu.vector_load %arg15[%swap3A_338, %swap3A_339] {strides = array<i32>} : memref<64x128xf32, #tpu.memory_space<vmem>>, vector<16xf32>,
        tpu.vector_store %arg15[%swap3A_338, %swap3A_339], %select_n3A_319 {strides = array<i32>} : memref<64x128xf32, #tpu.memory_space<vmem>>, vector<16xf32>,
        %swap3A_341 = arith.index_cast %add3A_173 : i32 to index
        %swap3A_342 = arith.constant 112 : index
        %swap3A_343 = tpu.vector_load %arg15[%swap3A_341, %swap3A_342] {strides = array<i32>} : memref<64x128xf32, #tpu.memory_space<vmem>>, vector<16xf32>,
        tpu.vector_store %arg15[%swap3A_341, %swap3A_342], %select_n3A_319 {strides = array<i32>} : memref<64x128xf32, #tpu.memory_space<vmem>>, vector<16xf32>,
        %mul3A_344 = arith.constant 2 : i32
        %mul3A_345 = arith.muli %scan3A_169, %mul3A_344 : i32
        %add3A_346 = arith.constant 1 : i32
        %add3A_347 = arith.addi %mul3A_345, %add3A_346 : i32
        %get3A_348 = arith.index_cast %add3A_347 : i32 to index
        %get3A_349 = arith.constant 0 : index
        %get3A_350 = tpu.vector_load %arg12[%get3A_348, %get3A_349] {strides = array<i32>} : memref<64x128xf32, #tpu.memory_space<vmem>>, vector<16xf32>,
        %get3A_351 = arith.index_cast %add3A_347 : i32 to index
        %get3A_352 = arith.constant 16 : index
        %get3A_353 = tpu.vector_load %arg12[%get3A_351, %get3A_352] {strides = array<i32>} : memref<64x128xf32, #tpu.memory_space<vmem>>, vector<16xf32>,
        %get3A_354 = arith.index_cast %add3A_347 : i32 to index
        %get3A_355 = arith.constant 0 : index
        %get3A_356 = tpu.vector_load %arg13[%get3A_354, %get3A_355] {strides = array<i32>} : memref<64x128xf32, #tpu.memory_space<vmem>>, vector<16xf32>,
        %get3A_357 = arith.index_cast %add3A_347 : i32 to index
        %get3A_358 = arith.constant 16 : index
        %get3A_359 = tpu.vector_load %arg13[%get3A_357, %get3A_358] {strides = array<i32>} : memref<64x128xf32, #tpu.memory_space<vmem>>, vector<16xf32>,
        %mul3A_360 = arith.mulf %get3A_350, %get3A_356 : vector<16xf32>
        %mul3A_361 = arith.mulf %get3A_353, %get3A_359 : vector<16xf32>
        %add3A_362 = arith.addf %mul3A_360, %mul3A_361 : vector<16xf32>
        %reduce_sum3A_363 = arith.constant true
        %reduce_sum3A_364 = vector.broadcast %reduce_sum3A_363 : i1 to vector<16xi1>
        %reduce_sum3A_365 = tpu.scan <sum>, %add3A_362 masked %reduce_sum3A_364 : vector<16xf32>, vector<16xi1> -> vector<16xf32>
        %reduce_sum3A_366 = vector.extract %reduce_sum3A_365[15] : f32 from vector<16xf32>
        %broadcast_in_dim3A_367 = vector.broadcast %reduce_sum3A_366 : f32 to vector<16xf32>
        %exp3A_368 = math.exp %broadcast_in_dim3A_367 : vector<16xf32>
        %get3A_369 = arith.index_cast %add3A_347 : i32 to index
        %get3A_370 = arith.constant 0 : index
        %get3A_371 = tpu.vector_load %arg14[%get3A_369, %get3A_370] {strides = array<i32>} : memref<64x128xf32, #tpu.memory_space<vmem>>, vector<16xf32>,
        %mul3A_372 = arith.mulf %exp3A_368, %get3A_371 : vector<16xf32>
        %swap3A_373 = arith.index_cast %add3A_347 : i32 to index
        %swap3A_374 = arith.constant 0 : index
        %swap3A_375 = tpu.vector_load %arg14[%swap3A_373, %swap3A_374] {strides = array<i32>} : memref<64x128xf32, #tpu.memory_space<vmem>>, vector<16xf32>,
        tpu.vector_store %arg14[%swap3A_373, %swap3A_374], %mul3A_372 {strides = array<i32>} : memref<64x128xf32, #tpu.memory_space<vmem>>, vector<16xf32>,
        %get3A_376 = arith.index_cast %add3A_347 : i32 to index
        %get3A_377 = arith.constant 16 : index
        %get3A_378 = tpu.vector_load %arg14[%get3A_376, %get3A_377] {strides = array<i32>} : memref<64x128xf32, #tpu.memory_space<vmem>>, vector<16xf32>,
        %mul3A_379 = arith.mulf %exp3A_368, %get3A_378 : vector<16xf32>
        %swap3A_380 = arith.index_cast %add3A_347 : i32 to index
        %swap3A_381 = arith.constant 16 : index
        %swap3A_382 = tpu.vector_load %arg14[%swap3A_380, %swap3A_381] {strides = array<i32>} : memref<64x128xf32, #tpu.memory_space<vmem>>, vector<16xf32>,
        tpu.vector_store %arg14[%swap3A_380, %swap3A_381], %mul3A_379 {strides = array<i32>} : memref<64x128xf32, #tpu.memory_space<vmem>>, vector<16xf32>,
        %get3A_383 = arith.index_cast %add3A_347 : i32 to index
        %get3A_384 = arith.constant 32 : index
        %get3A_385 = tpu.vector_load %arg12[%get3A_383, %get3A_384] {strides = array<i32>} : memref<64x128xf32, #tpu.memory_space<vmem>>, vector<16xf32>,
        %get3A_386 = arith.index_cast %add3A_347 : i32 to index
        %get3A_387 = arith.constant 48 : index
        %get3A_388 = tpu.vector_load %arg12[%get3A_386, %get3A_387] {strides = array<i32>} : memref<64x128xf32, #tpu.memory_space<vmem>>, vector<16xf32>,
        %get3A_389 = arith.index_cast %add3A_347 : i32 to index
        %get3A_390 = arith.constant 32 : index
        %get3A_391 = tpu.vector_load %arg13[%get3A_389, %get3A_390] {strides = array<i32>} : memref<64x128xf32, #tpu.memory_space<vmem>>, vector<16xf32>,
        %get3A_392 = arith.index_cast %add3A_347 : i32 to index
        %get3A_393 = arith.constant 48 : index
        %get3A_394 = tpu.vector_load %arg13[%get3A_392, %get3A_393] {strides = array<i32>} : memref<64x128xf32, #tpu.memory_space<vmem>>, vector<16xf32>,
        %mul3A_395 = arith.mulf %get3A_385, %get3A_391 : vector<16xf32>
        %mul3A_396 = arith.mulf %get3A_388, %get3A_394 : vector<16xf32>
        %add3A_397 = arith.addf %mul3A_395, %mul3A_396 : vector<16xf32>
        %reduce_sum3A_398 = arith.constant true
        %reduce_sum3A_399 = vector.broadcast %reduce_sum3A_398 : i1 to vector<16xi1>
        %reduce_sum3A_400 = tpu.scan <sum>, %add3A_397 masked %reduce_sum3A_399 : vector<16xf32>, vector<16xi1> -> vector<16xf32>
        %reduce_sum3A_401 = vector.extract %reduce_sum3A_400[15] : f32 from vector<16xf32>
        %broadcast_in_dim3A_402 = vector.broadcast %reduce_sum3A_401 : f32 to vector<16xf32>
        %exp3A_403 = math.exp %broadcast_in_dim3A_402 : vector<16xf32>
        %get3A_404 = arith.index_cast %add3A_347 : i32 to index
        %get3A_405 = arith.constant 32 : index
        %get3A_406 = tpu.vector_load %arg14[%get3A_404, %get3A_405] {strides = array<i32>} : memref<64x128xf32, #tpu.memory_space<vmem>>, vector<16xf32>,
        %mul3A_407 = arith.mulf %exp3A_403, %get3A_406 : vector<16xf32>
        %swap3A_408 = arith.index_cast %add3A_347 : i32 to index
        %swap3A_409 = arith.constant 32 : index
        %swap3A_410 = tpu.vector_load %arg14[%swap3A_408, %swap3A_409] {strides = array<i32>} : memref<64x128xf32, #tpu.memory_space<vmem>>, vector<16xf32>,
        tpu.vector_store %arg14[%swap3A_408, %swap3A_409], %mul3A_407 {strides = array<i32>} : memref<64x128xf32, #tpu.memory_space<vmem>>, vector<16xf32>,
        %get3A_411 = arith.index_cast %add3A_347 : i32 to index
        %get3A_412 = arith.constant 48 : index
        %get3A_413 = tpu.vector_load %arg14[%get3A_411, %get3A_412] {strides = array<i32>} : memref<64x128xf32, #tpu.memory_space<vmem>>, vector<16xf32>,
        %mul3A_414 = arith.mulf %exp3A_403, %get3A_413 : vector<16xf32>
        %swap3A_415 = arith.index_cast %add3A_347 : i32 to index
        %swap3A_416 = arith.constant 48 : index
        %swap3A_417 = tpu.vector_load %arg14[%swap3A_415, %swap3A_416] {strides = array<i32>} : memref<64x128xf32, #tpu.memory_space<vmem>>, vector<16xf32>,
        tpu.vector_store %arg14[%swap3A_415, %swap3A_416], %mul3A_414 {strides = array<i32>} : memref<64x128xf32, #tpu.memory_space<vmem>>, vector<16xf32>,
        %get3A_418 = arith.index_cast %add3A_347 : i32 to index
        %get3A_419 = arith.constant 64 : index
        %get3A_420 = tpu.vector_load %arg12[%get3A_418, %get3A_419] {strides = array<i32>} : memref<64x128xf32, #tpu.memory_space<vmem>>, vector<16xf32>,
        %get3A_421 = arith.index_cast %add3A_347 : i32 to index
        %get3A_422 = arith.constant 80 : index
        %get3A_423 = tpu.vector_load %arg12[%get3A_421, %get3A_422] {strides = array<i32>} : memref<64x128xf32, #tpu.memory_space<vmem>>, vector<16xf32>,
        %get3A_424 = arith.index_cast %add3A_347 : i32 to index
        %get3A_425 = arith.constant 64 : index
        %get3A_426 = tpu.vector_load %arg13[%get3A_424, %get3A_425] {strides = array<i32>} : memref<64x128xf32, #tpu.memory_space<vmem>>, vector<16xf32>,
        %get3A_427 = arith.index_cast %add3A_347 : i32 to index
        %get3A_428 = arith.constant 80 : index
        %get3A_429 = tpu.vector_load %arg13[%get3A_427, %get3A_428] {strides = array<i32>} : memref<64x128xf32, #tpu.memory_space<vmem>>, vector<16xf32>,
        %mul3A_430 = arith.mulf %get3A_420, %get3A_426 : vector<16xf32>
        %mul3A_431 = arith.mulf %get3A_423, %get3A_429 : vector<16xf32>
        %add3A_432 = arith.addf %mul3A_430, %mul3A_431 : vector<16xf32>
        %reduce_sum3A_433 = arith.constant true
        %reduce_sum3A_434 = vector.broadcast %reduce_sum3A_433 : i1 to vector<16xi1>
        %reduce_sum3A_435 = tpu.scan <sum>, %add3A_432 masked %reduce_sum3A_434 : vector<16xf32>, vector<16xi1> -> vector<16xf32>
        %reduce_sum3A_436 = vector.extract %reduce_sum3A_435[15] : f32 from vector<16xf32>
        %broadcast_in_dim3A_437 = vector.broadcast %reduce_sum3A_436 : f32 to vector<16xf32>
        %exp3A_438 = math.exp %broadcast_in_dim3A_437 : vector<16xf32>
        %get3A_439 = arith.index_cast %add3A_347 : i32 to index
        %get3A_440 = arith.constant 64 : index
        %get3A_441 = tpu.vector_load %arg14[%get3A_439, %get3A_440] {strides = array<i32>} : memref<64x128xf32, #tpu.memory_space<vmem>>, vector<16xf32>,
        %mul3A_442 = arith.mulf %exp3A_438, %get3A_441 : vector<16xf32>
        %swap3A_443 = arith.index_cast %add3A_347 : i32 to index
        %swap3A_444 = arith.constant 64 : index
        %swap3A_445 = tpu.vector_load %arg14[%swap3A_443, %swap3A_444] {strides = array<i32>} : memref<64x128xf32, #tpu.memory_space<vmem>>, vector<16xf32>,
        tpu.vector_store %arg14[%swap3A_443, %swap3A_444], %mul3A_442 {strides = array<i32>} : memref<64x128xf32, #tpu.memory_space<vmem>>, vector<16xf32>,
        %get3A_446 = arith.index_cast %add3A_347 : i32 to index
        %get3A_447 = arith.constant 80 : index
        %get3A_448 = tpu.vector_load %arg14[%get3A_446, %get3A_447] {strides = array<i32>} : memref<64x128xf32, #tpu.memory_space<vmem>>, vector<16xf32>,
        %mul3A_449 = arith.mulf %exp3A_438, %get3A_448 : vector<16xf32>
        %swap3A_450 = arith.index_cast %add3A_347 : i32 to index
        %swap3A_451 = arith.constant 80 : index
        %swap3A_452 = tpu.vector_load %arg14[%swap3A_450, %swap3A_451] {strides = array<i32>} : memref<64x128xf32, #tpu.memory_space<vmem>>, vector<16xf32>,
        tpu.vector_store %arg14[%swap3A_450, %swap3A_451], %mul3A_449 {strides = array<i32>} : memref<64x128xf32, #tpu.memory_space<vmem>>, vector<16xf32>,
        %get3A_453 = arith.index_cast %add3A_347 : i32 to index
        %get3A_454 = arith.constant 96 : index
        %get3A_455 = tpu.vector_load %arg12[%get3A_453, %get3A_454] {strides = array<i32>} : memref<64x128xf32, #tpu.memory_space<vmem>>, vector<16xf32>,
        %get3A_456 = arith.index_cast %add3A_347 : i32 to index
        %get3A_457 = arith.constant 112 : index
        %get3A_458 = tpu.vector_load %arg12[%get3A_456, %get3A_457] {strides = array<i32>} : memref<64x128xf32, #tpu.memory_space<vmem>>, vector<16xf32>,
        %get3A_459 = arith.index_cast %add3A_347 : i32 to index
        %get3A_460 = arith.constant 96 : index
        %get3A_461 = tpu.vector_load %arg13[%get3A_459, %get3A_460] {strides = array<i32>} : memref<64x128xf32, #tpu.memory_space<vmem>>, vector<16xf32>,
        %get3A_462 = arith.index_cast %add3A_347 : i32 to index
        %get3A_463 = arith.constant 112 : index
        %get3A_464 = tpu.vector_load %arg13[%get3A_462, %get3A_463] {strides = array<i32>} : memref<64x128xf32, #tpu.memory_space<vmem>>, vector<16xf32>,
        %mul3A_465 = arith.mulf %get3A_455, %get3A_461 : vector<16xf32>
        %mul3A_466 = arith.mulf %get3A_458, %get3A_464 : vector<16xf32>
        %add3A_467 = arith.addf %mul3A_465, %mul3A_466 : vector<16xf32>
        %reduce_sum3A_468 = arith.constant true
        %reduce_sum3A_469 = vector.broadcast %reduce_sum3A_468 : i1 to vector<16xi1>
        %reduce_sum3A_470 = tpu.scan <sum>, %add3A_467 masked %reduce_sum3A_469 : vector<16xf32>, vector<16xi1> -> vector<16xf32>
        %reduce_sum3A_471 = vector.extract %reduce_sum3A_470[15] : f32 from vector<16xf32>
        %broadcast_in_dim3A_472 = vector.broadcast %reduce_sum3A_471 : f32 to vector<16xf32>
        %exp3A_473 = math.exp %broadcast_in_dim3A_472 : vector<16xf32>
        %get3A_474 = arith.index_cast %add3A_347 : i32 to index
        %get3A_475 = arith.constant 96 : index
        %get3A_476 = tpu.vector_load %arg14[%get3A_474, %get3A_475] {strides = array<i32>} : memref<64x128xf32, #tpu.memory_space<vmem>>, vector<16xf32>,
        %mul3A_477 = arith.mulf %exp3A_473, %get3A_476 : vector<16xf32>
        %swap3A_478 = arith.index_cast %add3A_347 : i32 to index
        %swap3A_479 = arith.constant 96 : index
        %swap3A_480 = tpu.vector_load %arg14[%swap3A_478, %swap3A_479] {strides = array<i32>} : memref<64x128xf32, #tpu.memory_space<vmem>>, vector<16xf32>,
        tpu.vector_store %arg14[%swap3A_478, %swap3A_479], %mul3A_477 {strides = array<i32>} : memref<64x128xf32, #tpu.memory_space<vmem>>, vector<16xf32>,
        %get3A_481 = arith.index_cast %add3A_347 : i32 to index
        %get3A_482 = arith.constant 112 : index
        %get3A_483 = tpu.vector_load %arg14[%get3A_481, %get3A_482] {strides = array<i32>} : memref<64x128xf32, #tpu.memory_space<vmem>>, vector<16xf32>,
        %mul3A_484 = arith.mulf %exp3A_473, %get3A_483 : vector<16xf32>
        %swap3A_485 = arith.index_cast %add3A_347 : i32 to index
        %swap3A_486 = arith.constant 112 : index
        %swap3A_487 = tpu.vector_load %arg14[%swap3A_485, %swap3A_486] {strides = array<i32>} : memref<64x128xf32, #tpu.memory_space<vmem>>, vector<16xf32>,
        tpu.vector_store %arg14[%swap3A_485, %swap3A_486], %mul3A_484 {strides = array<i32>} : memref<64x128xf32, #tpu.memory_space<vmem>>, vector<16xf32>,
        %eq3A_488 = arith.constant 0 : i32
        %eq3A_489 = vector.broadcast %eq3A_488 : i32 to vector<16xi32>
        %eq3A_490 = arith.cmpi eq, %and3A_2, %eq3A_489 : vector<16xi32>
        %eq3A_491 = arith.constant 1 : i32
        %eq3A_492 = vector.broadcast %eq3A_491 : i32 to vector<16xi32>
        %eq3A_493 = arith.cmpi eq, %and3A_2, %eq3A_492 : vector<16xi32>
        %eq3A_494 = arith.constant 2 : i32
        %eq3A_495 = vector.broadcast %eq3A_494 : i32 to vector<16xi32>
        %eq3A_496 = arith.cmpi eq, %and3A_2, %eq3A_495 : vector<16xi32>
        %select_n3A_497 = arith.select %eq3A_496, %exp3A_438, %exp3A_473 : vector<16xi1>, vector<16xf32>
        %select_n3A_498 = arith.select %eq3A_493, %exp3A_403, %select_n3A_497 : vector<16xi1>, vector<16xf32>
        %select_n3A_499 = arith.select %eq3A_490, %exp3A_368, %select_n3A_498 : vector<16xi1>, vector<16xf32>
        %swap3A_500 = arith.index_cast %add3A_347 : i32 to index
        %swap3A_501 = arith.constant 0 : index
        %swap3A_502 = tpu.vector_load %arg15[%swap3A_500, %swap3A_501] {strides = array<i32>} : memref<64x128xf32, #tpu.memory_space<vmem>>, vector<16xf32>,
        tpu.vector_store %arg15[%swap3A_500, %swap3A_501], %select_n3A_499 {strides = array<i32>} : memref<64x128xf32, #tpu.memory_space<vmem>>, vector<16xf32>,
        %swap3A_503 = arith.index_cast %add3A_347 : i32 to index
        %swap3A_504 = arith.constant 16 : index
        %swap3A_505 = tpu.vector_load %arg15[%swap3A_503, %swap3A_504] {strides = array<i32>} : memref<64x128xf32, #tpu.memory_space<vmem>>, vector<16xf32>,
        tpu.vector_store %arg15[%swap3A_503, %swap3A_504], %select_n3A_499 {strides = array<i32>} : memref<64x128xf32, #tpu.memory_space<vmem>>, vector<16xf32>,
        %swap3A_506 = arith.index_cast %add3A_347 : i32 to index
        %swap3A_507 = arith.constant 32 : index
        %swap3A_508 = tpu.vector_load %arg15[%swap3A_506, %swap3A_507] {strides = array<i32>} : memref<64x128xf32, #tpu.memory_space<vmem>>, vector<16xf32>,
        tpu.vector_store %arg15[%swap3A_506, %swap3A_507], %select_n3A_499 {strides = array<i32>} : memref<64x128xf32, #tpu.memory_space<vmem>>, vector<16xf32>,
        %swap3A_509 = arith.index_cast %add3A_347 : i32 to index
        %swap3A_510 = arith.constant 48 : index
        %swap3A_511 = tpu.vector_load %arg15[%swap3A_509, %swap3A_510] {strides = array<i32>} : memref<64x128xf32, #tpu.memory_space<vmem>>, vector<16xf32>,
        tpu.vector_store %arg15[%swap3A_509, %swap3A_510], %select_n3A_499 {strides = array<i32>} : memref<64x128xf32, #tpu.memory_space<vmem>>, vector<16xf32>,
        %swap3A_512 = arith.index_cast %add3A_347 : i32 to index
        %swap3A_513 = arith.constant 64 : index
        %swap3A_514 = tpu.vector_load %arg15[%swap3A_512, %swap3A_513] {strides = array<i32>} : memref<64x128xf32, #tpu.memory_space<vmem>>, vector<16xf32>,
        tpu.vector_store %arg15[%swap3A_512, %swap3A_513], %select_n3A_499 {strides = array<i32>} : memref<64x128xf32, #tpu.memory_space<vmem>>, vector<16xf32>,
        %swap3A_515 = arith.index_cast %add3A_347 : i32 to index
        %swap3A_516 = arith.constant 80 : index
        %swap3A_517 = tpu.vector_load %arg15[%swap3A_515, %swap3A_516] {strides = array<i32>} : memref<64x128xf32, #tpu.memory_space<vmem>>, vector<16xf32>,
        tpu.vector_store %arg15[%swap3A_515, %swap3A_516], %select_n3A_499 {strides = array<i32>} : memref<64x128xf32, #tpu.memory_space<vmem>>, vector<16xf32>,
        %swap3A_518 = arith.index_cast %add3A_347 : i32 to index
        %swap3A_519 = arith.constant 96 : index
        %swap3A_520 = tpu.vector_load %arg15[%swap3A_518, %swap3A_519] {strides = array<i32>} : memref<64x128xf32, #tpu.memory_space<vmem>>, vector<16xf32>,
        tpu.vector_store %arg15[%swap3A_518, %swap3A_519], %select_n3A_499 {strides = array<i32>} : memref<64x128xf32, #tpu.memory_space<vmem>>, vector<16xf32>,
        %swap3A_521 = arith.index_cast %add3A_347 : i32 to index
        %swap3A_522 = arith.constant 112 : index
        %swap3A_523 = tpu.vector_load %arg15[%swap3A_521, %swap3A_522] {strides = array<i32>} : memref<64x128xf32, #tpu.memory_space<vmem>>, vector<16xf32>,
        tpu.vector_store %arg15[%swap3A_521, %swap3A_522], %select_n3A_499 {strides = array<i32>} : memref<64x128xf32, #tpu.memory_space<vmem>>, vector<16xf32>,
      }
      %scan3A_156 = arith.constant 32 : i32
      %dma_start3A_157 = arith.constant 0 : i32
      %dma_start3A_158 = arith.constant 0 : i32
      %dma_start3A_159 = tpu.memref_slice %arg16[%dma_start3A_157, %dma_start3A_158] : memref<3072x128xf32, #tpu.memory_space<vmem_shared>> -> memref<3072x128xf32, #tpu.memory_space<vmem_shared>>
      tpu.enqueue_indirect_dma source(%arg14 : memref<64x128xf32, #tpu.memory_space<vmem>>) target(%dma_start3A_159 : memref<3072x128xf32, #tpu.memory_space<vmem_shared>>) offsets(%arg9 : memref<64xi32, #tpu.memory_space<vmem>>) semaphore(%arg18 : memref<!tpu.dma_semaphore, #tpu.memory_space<semaphore_mem>>) {add = true}
      %dma_start3A_160 = arith.constant 0 : i32
      %dma_start3A_161 = arith.constant 0 : i32
      %dma_start3A_162 = tpu.memref_slice %arg17[%dma_start3A_160, %dma_start3A_161] : memref<3072x128xf32, #tpu.memory_space<vmem_shared>> -> memref<3072x128xf32, #tpu.memory_space<vmem_shared>>
      tpu.enqueue_indirect_dma source(%arg15 : memref<64x128xf32, #tpu.memory_space<vmem>>) target(%dma_start3A_162 : memref<3072x128xf32, #tpu.memory_space<vmem_shared>>) offsets(%arg9 : memref<64xi32, #tpu.memory_space<vmem>>) semaphore(%arg19 : memref<!tpu.dma_semaphore, #tpu.memory_space<semaphore_mem>>) {add = true}
      %dma_wait3A_163 = arith.constant 0 : i32
      %dma_wait3A_164 = arith.constant 0 : i32
      %dma_wait3A_165 = tpu.memref_slice %arg16[%dma_wait3A_163, %dma_wait3A_164] : memref<3072x128xf32, #tpu.memory_space<vmem_shared>> -> memref<3072x128xf32, #tpu.memory_space<vmem_shared>>
      tpu.wait_indirect_dma semaphore(%arg18 : memref<!tpu.dma_semaphore, #tpu.memory_space<semaphore_mem>>) src(%arg14 : memref<64x128xf32, #tpu.memory_space<vmem>>) dst(%dma_wait3A_165 : memref<3072x128xf32, #tpu.memory_space<vmem_shared>>)
      %dma_wait3A_166 = arith.constant 0 : i32
      %dma_wait3A_167 = arith.constant 0 : i32
      %dma_wait3A_168 = tpu.memref_slice %arg17[%dma_wait3A_166, %dma_wait3A_167] : memref<3072x128xf32, #tpu.memory_space<vmem_shared>> -> memref<3072x128xf32, #tpu.memory_space<vmem_shared>>
      tpu.wait_indirect_dma semaphore(%arg19 : memref<!tpu.dma_semaphore, #tpu.memory_space<semaphore_mem>>) src(%arg15 : memref<64x128xf32, #tpu.memory_space<vmem>>) dst(%dma_wait3A_168 : memref<3072x128xf32, #tpu.memory_space<vmem_shared>>)
    }
    %scan3A_49 = arith.constant 160 : i32
    %barrier3A_50 = arith.constant 0 : index
    tpu.barrier barrier_id(%barrier3A_50)
    %scan3A_51 = arith.constant 0 : i32
    %scan3A_52 = arith.constant 0 : i32
    %scan3A_53 = arith.constant 3 : i32
    %scan3A_54 = arith.addi %scan3A_52, %scan3A_53 : i32
    %scan3A_55 = arith.constant 1 : i32
    scf.for %scan3A_112 = %scan3A_52 to %scan3A_54 step %scan3A_55  : i32 {
      %mul3A_113 = arith.constant 64 : i32
      %mul3A_114 = arith.muli %scan3A_112, %mul3A_113 : i32
      %add3A = arith.addi %mul3A_5, %mul3A_114 : i32
      "tpu.region"() ({
        %run_scoped3A = tpu.sem_alloc : memref<!tpu.dma_semaphore, #tpu.memory_space<semaphore_mem>>
        %dma_start3A = arith.constant 0 : i32
        %dma_start3A_128 = tpu.memref_slice %arg16[%add3A, %dma_start3A] : memref<3072x128xf32, #tpu.memory_space<vmem_shared>> -> memref<64x128xf32, #tpu.memory_space<vmem_shared>>
        %dma_start3A_129 = arith.constant 0 : i32
        %dma_start3A_130 = tpu.memref_slice %arg16[%add3A, %dma_start3A_129] : memref<3072x128xf32, #tpu.memory_space<vmem_shared>> -> memref<64x128xf32, #tpu.memory_space<vmem_shared>>
        tpu.enqueue_dma source(%dma_start3A_130 : memref<64x128xf32, #tpu.memory_space<vmem_shared>>) target(%arg12 : memref<64x128xf32, #tpu.memory_space<vmem>>) target_semaphore(%run_scoped3A : memref<!tpu.dma_semaphore, #tpu.memory_space<semaphore_mem>>)
        %dma_wait3A = arith.constant 0 : i32
        %dma_wait3A_131 = tpu.memref_slice %arg16[%add3A, %dma_wait3A] : memref<3072x128xf32, #tpu.memory_space<vmem_shared>> -> memref<64x128xf32, #tpu.memory_space<vmem_shared>>
        %dma_wait3A_132 = arith.constant 0 : i32
        %dma_wait3A_133 = tpu.memref_slice %arg16[%add3A, %dma_wait3A_132] : memref<3072x128xf32, #tpu.memory_space<vmem_shared>> -> memref<64x128xf32, #tpu.memory_space<vmem_shared>>
        tpu.wait_dma2 semaphore(%run_scoped3A : memref<!tpu.dma_semaphore, #tpu.memory_space<semaphore_mem>>) src(%dma_wait3A_133 : memref<64x128xf32, #tpu.memory_space<vmem_shared>>) dst(%arg12 : memref<64x128xf32, #tpu.memory_space<vmem>>)
        tpu.yield
      }) : () -> ()
      "tpu.region"() ({
        %run_scoped3A = tpu.sem_alloc : memref<!tpu.dma_semaphore, #tpu.memory_space<semaphore_mem>>
        %dma_start3A = arith.constant 0 : i32
        %dma_start3A_128 = tpu.memref_slice %arg17[%add3A, %dma_start3A] : memref<3072x128xf32, #tpu.memory_space<vmem_shared>> -> memref<64x128xf32, #tpu.memory_space<vmem_shared>>
        %dma_start3A_129 = arith.constant 0 : i32
        %dma_start3A_130 = tpu.memref_slice %arg17[%add3A, %dma_start3A_129] : memref<3072x128xf32, #tpu.memory_space<vmem_shared>> -> memref<64x128xf32, #tpu.memory_space<vmem_shared>>
        tpu.enqueue_dma source(%dma_start3A_130 : memref<64x128xf32, #tpu.memory_space<vmem_shared>>) target(%arg15 : memref<64x128xf32, #tpu.memory_space<vmem>>) target_semaphore(%run_scoped3A : memref<!tpu.dma_semaphore, #tpu.memory_space<semaphore_mem>>)
        %dma_wait3A = arith.constant 0 : i32
        %dma_wait3A_131 = tpu.memref_slice %arg17[%add3A, %dma_wait3A] : memref<3072x128xf32, #tpu.memory_space<vmem_shared>> -> memref<64x128xf32, #tpu.memory_space<vmem_shared>>
        %dma_wait3A_132 = arith.constant 0 : i32
        %dma_wait3A_133 = tpu.memref_slice %arg17[%add3A, %dma_wait3A_132] : memref<3072x128xf32, #tpu.memory_space<vmem_shared>> -> memref<64x128xf32, #tpu.memory_space<vmem_shared>>
        tpu.wait_dma2 semaphore(%run_scoped3A : memref<!tpu.dma_semaphore, #tpu.memory_space<semaphore_mem>>) src(%dma_wait3A_133 : memref<64x128xf32, #tpu.memory_space<vmem_shared>>) dst(%arg15 : memref<64x128xf32, #tpu.memory_space<vmem>>)
        tpu.yield
      }) : () -> ()
      %scan3A_115 = arith.constant 0 : i32
      %scan3A_116 = arith.constant 0 : i32
      %scan3A_117 = arith.constant 64 : i32
      %scan3A_118 = arith.addi %scan3A_116, %scan3A_117 : i32
      %scan3A_119 = arith.constant 1 : i32
      scf.for %scan3A_128 = %scan3A_116 to %scan3A_118 step %scan3A_119  : i32 {
        %get3A = arith.index_cast %scan3A_128 : i32 to index
        %get3A_129 = arith.constant 0 : index
        %get3A_130 = tpu.vector_load %arg15[%get3A, %get3A_129] {strides = array<i32>} : memref<64x128xf32, #tpu.memory_space<vmem>>, vector<16xf32>,
        %eq3A = arith.constant 0.000000e+00 : f32
        %eq3A_131 = vector.broadcast %eq3A : f32 to vector<16xf32>
        %eq3A_132 = arith.cmpf oeq, %get3A_130, %eq3A_131 : vector<16xf32>
        %jit3A = arith.constant 1.000000e+00 : f32
        %broadcast_in_dim3A_133 = vector.broadcast %jit3A : f32 to vector<16xf32>
        %select_n3A = arith.select %eq3A_132, %broadcast_in_dim3A_133, %get3A_130 : vector<16xi1>, vector<16xf32>
        %div3A = arith.constant 1.000000e+00 : f32
        %div3A_134 = vector.broadcast %div3A : f32 to vector<16xf32>
        %div3A_135 = arith.divf %div3A_134, %select_n3A : vector<16xf32>
        %eq3A_136 = arith.constant 0 : i32
        %eq3A_137 = vector.broadcast %eq3A_136 : i32 to vector<16xi32>
        %eq3A_138 = arith.cmpi eq, %and3A_2, %eq3A_137 : vector<16xi32>
        %jit3A_139 = arith.constant 0.000000e+00 : f32
        %broadcast_in_dim3A_140 = vector.broadcast %jit3A_139 : f32 to vector<16xf32>
        %select_n3A_141 = arith.select %eq3A_138, %div3A_135, %broadcast_in_dim3A_140 : vector<16xi1>, vector<16xf32>
        %reduce_max3A = arith.constant true
        %reduce_max3A_142 = vector.broadcast %reduce_max3A : i1 to vector<16xi1>
        %reduce_max3A_143 = tpu.scan <max>, %select_n3A_141 masked %reduce_max3A_142 : vector<16xf32>, vector<16xi1> -> vector<16xf32>
        %reduce_max3A_144 = vector.extract %reduce_max3A_143[15] : f32 from vector<16xf32>
        %broadcast_in_dim3A_145 = vector.broadcast %reduce_max3A_144 : f32 to vector<16xf32>
        %get3A_146 = arith.index_cast %scan3A_128 : i32 to index
        %get3A_147 = arith.constant 0 : index
        %get3A_148 = tpu.vector_load %arg12[%get3A_146, %get3A_147] {strides = array<i32>} : memref<64x128xf32, #tpu.memory_space<vmem>>, vector<16xf32>,
        %mul3A_149 = arith.mulf %get3A_148, %broadcast_in_dim3A_145 : vector<16xf32>
        %swap3A = arith.index_cast %scan3A_128 : i32 to index
        %swap3A_150 = arith.constant 0 : index
        %swap3A_151 = tpu.vector_load %arg12[%swap3A, %swap3A_150] {strides = array<i32>} : memref<64x128xf32, #tpu.memory_space<vmem>>, vector<16xf32>,
        tpu.vector_store %arg12[%swap3A, %swap3A_150], %mul3A_149 {strides = array<i32>} : memref<64x128xf32, #tpu.memory_space<vmem>>, vector<16xf32>,
        %get3A_152 = arith.index_cast %scan3A_128 : i32 to index
        %get3A_153 = arith.constant 16 : index
        %get3A_154 = tpu.vector_load %arg12[%get3A_152, %get3A_153] {strides = array<i32>} : memref<64x128xf32, #tpu.memory_space<vmem>>, vector<16xf32>,
        %mul3A_155 = arith.mulf %get3A_154, %broadcast_in_dim3A_145 : vector<16xf32>
        %swap3A_156 = arith.index_cast %scan3A_128 : i32 to index
        %swap3A_157 = arith.constant 16 : index
        %swap3A_158 = tpu.vector_load %arg12[%swap3A_156, %swap3A_157] {strides = array<i32>} : memref<64x128xf32, #tpu.memory_space<vmem>>, vector<16xf32>,
        tpu.vector_store %arg12[%swap3A_156, %swap3A_157], %mul3A_155 {strides = array<i32>} : memref<64x128xf32, #tpu.memory_space<vmem>>, vector<16xf32>,
        %eq3A_159 = arith.constant 1 : i32
        %eq3A_160 = vector.broadcast %eq3A_159 : i32 to vector<16xi32>
        %eq3A_161 = arith.cmpi eq, %and3A_2, %eq3A_160 : vector<16xi32>
        %jit3A_162 = arith.constant 0.000000e+00 : f32
        %broadcast_in_dim3A_163 = vector.broadcast %jit3A_162 : f32 to vector<16xf32>
        %select_n3A_164 = arith.select %eq3A_161, %div3A_135, %broadcast_in_dim3A_163 : vector<16xi1>, vector<16xf32>
        %reduce_max3A_165 = arith.constant true
        %reduce_max3A_166 = vector.broadcast %reduce_max3A_165 : i1 to vector<16xi1>
        %reduce_max3A_167 = tpu.scan <max>, %select_n3A_164 masked %reduce_max3A_166 : vector<16xf32>, vector<16xi1> -> vector<16xf32>
        %reduce_max3A_168 = vector.extract %reduce_max3A_167[15] : f32 from vector<16xf32>
        %broadcast_in_dim3A_169 = vector.broadcast %reduce_max3A_168 : f32 to vector<16xf32>
        %get3A_170 = arith.index_cast %scan3A_128 : i32 to index
        %get3A_171 = arith.constant 32 : index
        %get3A_172 = tpu.vector_load %arg12[%get3A_170, %get3A_171] {strides = array<i32>} : memref<64x128xf32, #tpu.memory_space<vmem>>, vector<16xf32>,
        %mul3A_173 = arith.mulf %get3A_172, %broadcast_in_dim3A_169 : vector<16xf32>
        %swap3A_174 = arith.index_cast %scan3A_128 : i32 to index
        %swap3A_175 = arith.constant 32 : index
        %swap3A_176 = tpu.vector_load %arg12[%swap3A_174, %swap3A_175] {strides = array<i32>} : memref<64x128xf32, #tpu.memory_space<vmem>>, vector<16xf32>,
        tpu.vector_store %arg12[%swap3A_174, %swap3A_175], %mul3A_173 {strides = array<i32>} : memref<64x128xf32, #tpu.memory_space<vmem>>, vector<16xf32>,
        %get3A_177 = arith.index_cast %scan3A_128 : i32 to index
        %get3A_178 = arith.constant 48 : index
        %get3A_179 = tpu.vector_load %arg12[%get3A_177, %get3A_178] {strides = array<i32>} : memref<64x128xf32, #tpu.memory_space<vmem>>, vector<16xf32>,
        %mul3A_180 = arith.mulf %get3A_179, %broadcast_in_dim3A_169 : vector<16xf32>
        %swap3A_181 = arith.index_cast %scan3A_128 : i32 to index
        %swap3A_182 = arith.constant 48 : index
        %swap3A_183 = tpu.vector_load %arg12[%swap3A_181, %swap3A_182] {strides = array<i32>} : memref<64x128xf32, #tpu.memory_space<vmem>>, vector<16xf32>,
        tpu.vector_store %arg12[%swap3A_181, %swap3A_182], %mul3A_180 {strides = array<i32>} : memref<64x128xf32, #tpu.memory_space<vmem>>, vector<16xf32>,
        %eq3A_184 = arith.constant 2 : i32
        %eq3A_185 = vector.broadcast %eq3A_184 : i32 to vector<16xi32>
        %eq3A_186 = arith.cmpi eq, %and3A_2, %eq3A_185 : vector<16xi32>
        %jit3A_187 = arith.constant 0.000000e+00 : f32
        %broadcast_in_dim3A_188 = vector.broadcast %jit3A_187 : f32 to vector<16xf32>
        %select_n3A_189 = arith.select %eq3A_186, %div3A_135, %broadcast_in_dim3A_188 : vector<16xi1>, vector<16xf32>
        %reduce_max3A_190 = arith.constant true
        %reduce_max3A_191 = vector.broadcast %reduce_max3A_190 : i1 to vector<16xi1>
        %reduce_max3A_192 = tpu.scan <max>, %select_n3A_189 masked %reduce_max3A_191 : vector<16xf32>, vector<16xi1> -> vector<16xf32>
        %reduce_max3A_193 = vector.extract %reduce_max3A_192[15] : f32 from vector<16xf32>
        %broadcast_in_dim3A_194 = vector.broadcast %reduce_max3A_193 : f32 to vector<16xf32>
        %get3A_195 = arith.index_cast %scan3A_128 : i32 to index
        %get3A_196 = arith.constant 64 : index
        %get3A_197 = tpu.vector_load %arg12[%get3A_195, %get3A_196] {strides = array<i32>} : memref<64x128xf32, #tpu.memory_space<vmem>>, vector<16xf32>,
        %mul3A_198 = arith.mulf %get3A_197, %broadcast_in_dim3A_194 : vector<16xf32>
        %swap3A_199 = arith.index_cast %scan3A_128 : i32 to index
        %swap3A_200 = arith.constant 64 : index
        %swap3A_201 = tpu.vector_load %arg12[%swap3A_199, %swap3A_200] {strides = array<i32>} : memref<64x128xf32, #tpu.memory_space<vmem>>, vector<16xf32>,
        tpu.vector_store %arg12[%swap3A_199, %swap3A_200], %mul3A_198 {strides = array<i32>} : memref<64x128xf32, #tpu.memory_space<vmem>>, vector<16xf32>,
        %get3A_202 = arith.index_cast %scan3A_128 : i32 to index
        %get3A_203 = arith.constant 80 : index
        %get3A_204 = tpu.vector_load %arg12[%get3A_202, %get3A_203] {strides = array<i32>} : memref<64x128xf32, #tpu.memory_space<vmem>>, vector<16xf32>,
        %mul3A_205 = arith.mulf %get3A_204, %broadcast_in_dim3A_194 : vector<16xf32>
        %swap3A_206 = arith.index_cast %scan3A_128 : i32 to index
        %swap3A_207 = arith.constant 80 : index
        %swap3A_208 = tpu.vector_load %arg12[%swap3A_206, %swap3A_207] {strides = array<i32>} : memref<64x128xf32, #tpu.memory_space<vmem>>, vector<16xf32>,
        tpu.vector_store %arg12[%swap3A_206, %swap3A_207], %mul3A_205 {strides = array<i32>} : memref<64x128xf32, #tpu.memory_space<vmem>>, vector<16xf32>,
        %eq3A_209 = arith.constant 3 : i32
        %eq3A_210 = vector.broadcast %eq3A_209 : i32 to vector<16xi32>
        %eq3A_211 = arith.cmpi eq, %and3A_2, %eq3A_210 : vector<16xi32>
        %jit3A_212 = arith.constant 0.000000e+00 : f32
        %broadcast_in_dim3A_213 = vector.broadcast %jit3A_212 : f32 to vector<16xf32>
        %select_n3A_214 = arith.select %eq3A_211, %div3A_135, %broadcast_in_dim3A_213 : vector<16xi1>, vector<16xf32>
        %reduce_max3A_215 = arith.constant true
        %reduce_max3A_216 = vector.broadcast %reduce_max3A_215 : i1 to vector<16xi1>
        %reduce_max3A_217 = tpu.scan <max>, %select_n3A_214 masked %reduce_max3A_216 : vector<16xf32>, vector<16xi1> -> vector<16xf32>
        %reduce_max3A_218 = vector.extract %reduce_max3A_217[15] : f32 from vector<16xf32>
        %broadcast_in_dim3A_219 = vector.broadcast %reduce_max3A_218 : f32 to vector<16xf32>
        %get3A_220 = arith.index_cast %scan3A_128 : i32 to index
        %get3A_221 = arith.constant 96 : index
        %get3A_222 = tpu.vector_load %arg12[%get3A_220, %get3A_221] {strides = array<i32>} : memref<64x128xf32, #tpu.memory_space<vmem>>, vector<16xf32>,
        %mul3A_223 = arith.mulf %get3A_222, %broadcast_in_dim3A_219 : vector<16xf32>
        %swap3A_224 = arith.index_cast %scan3A_128 : i32 to index
        %swap3A_225 = arith.constant 96 : index
        %swap3A_226 = tpu.vector_load %arg12[%swap3A_224, %swap3A_225] {strides = array<i32>} : memref<64x128xf32, #tpu.memory_space<vmem>>, vector<16xf32>,
        tpu.vector_store %arg12[%swap3A_224, %swap3A_225], %mul3A_223 {strides = array<i32>} : memref<64x128xf32, #tpu.memory_space<vmem>>, vector<16xf32>,
        %get3A_227 = arith.index_cast %scan3A_128 : i32 to index
        %get3A_228 = arith.constant 112 : index
        %get3A_229 = tpu.vector_load %arg12[%get3A_227, %get3A_228] {strides = array<i32>} : memref<64x128xf32, #tpu.memory_space<vmem>>, vector<16xf32>,
        %mul3A_230 = arith.mulf %get3A_229, %broadcast_in_dim3A_219 : vector<16xf32>
        %swap3A_231 = arith.index_cast %scan3A_128 : i32 to index
        %swap3A_232 = arith.constant 112 : index
        %swap3A_233 = tpu.vector_load %arg12[%swap3A_231, %swap3A_232] {strides = array<i32>} : memref<64x128xf32, #tpu.memory_space<vmem>>, vector<16xf32>,
        tpu.vector_store %arg12[%swap3A_231, %swap3A_232], %mul3A_230 {strides = array<i32>} : memref<64x128xf32, #tpu.memory_space<vmem>>, vector<16xf32>,
      }
      %scan3A_120 = arith.constant 64 : i32
      %mul3A_121 = arith.constant 4 : i32
      %mul3A_122 = arith.muli %mul3A_121, %arg0 : i32
      %add3A_123 = arith.constant 1 : i32
      %add3A_124 = arith.addi %mul3A_122, %add3A_123 : i32
      %mul3A_125 = arith.constant 3072 : i32
      %mul3A_126 = arith.muli %add3A_124, %mul3A_125 : i32
      %add3A_127 = arith.addi %mul3A_126, %add3A : i32
      "tpu.region"() ({
        %run_scoped3A = tpu.sem_alloc : memref<!tpu.dma_semaphore, #tpu.memory_space<semaphore_mem>>
        %dma_start3A = arith.constant 0 : i32
        %dma_start3A_128 = tpu.memref_slice %arg8[%add3A_127, %dma_start3A] : memref<24576x128xf32, #tpu.memory_space<hbm>> -> memref<64x128xf32, #tpu.memory_space<hbm>>
        %dma_start3A_129 = arith.constant 0 : i32
        %dma_start3A_130 = tpu.memref_slice %arg8[%add3A_127, %dma_start3A_129] : memref<24576x128xf32, #tpu.memory_space<hbm>> -> memref<64x128xf32, #tpu.memory_space<hbm>>
        tpu.enqueue_dma source(%arg12 : memref<64x128xf32, #tpu.memory_space<vmem>>) target(%dma_start3A_130 : memref<64x128xf32, #tpu.memory_space<hbm>>) target_semaphore(%run_scoped3A : memref<!tpu.dma_semaphore, #tpu.memory_space<semaphore_mem>>)
        %dma_wait3A = arith.constant 0 : i32
        %dma_wait3A_131 = tpu.memref_slice %arg8[%add3A_127, %dma_wait3A] : memref<24576x128xf32, #tpu.memory_space<hbm>> -> memref<64x128xf32, #tpu.memory_space<hbm>>
        %dma_wait3A_132 = arith.constant 0 : i32
        %dma_wait3A_133 = tpu.memref_slice %arg8[%add3A_127, %dma_wait3A_132] : memref<24576x128xf32, #tpu.memory_space<hbm>> -> memref<64x128xf32, #tpu.memory_space<hbm>>
        tpu.wait_dma2 semaphore(%run_scoped3A : memref<!tpu.dma_semaphore, #tpu.memory_space<semaphore_mem>>) src(%arg12 : memref<64x128xf32, #tpu.memory_space<vmem>>) dst(%dma_wait3A_133 : memref<64x128xf32, #tpu.memory_space<hbm>>)
        tpu.yield
      }) : () -> ()
    }
    %scan3A_56 = arith.constant 3 : i32
    %barrier3A_57 = arith.constant 0 : index
    tpu.barrier barrier_id(%barrier3A_57)
    %scan3A_58 = arith.constant 0 : i32
    %scan3A_59 = arith.constant 0 : i32
    %scan3A_60 = arith.constant 64 : i32
    %scan3A_61 = arith.addi %scan3A_59, %scan3A_60 : i32
    %scan3A_62 = arith.constant 1 : i32
    scf.for %scan3A_112 = %scan3A_59 to %scan3A_61 step %scan3A_62  : i32 {
      %swap3A = arith.index_cast %scan3A_112 : i32 to index
      %swap3A_113 = arith.constant 0 : index
      %swap3A_114 = tpu.vector_load %arg14[%swap3A, %swap3A_113] {strides = array<i32>} : memref<64x128xf32, #tpu.memory_space<vmem>>, vector<16xf32>,
      tpu.vector_store %arg14[%swap3A, %swap3A_113], %broadcast_in_dim3A_0 {strides = array<i32>} : memref<64x128xf32, #tpu.memory_space<vmem>>, vector<16xf32>,
      %swap3A_115 = arith.index_cast %scan3A_112 : i32 to index
      %swap3A_116 = arith.constant 0 : index
      %swap3A_117 = tpu.vector_load %arg15[%swap3A_115, %swap3A_116] {strides = array<i32>} : memref<64x128xf32, #tpu.memory_space<vmem>>, vector<16xf32>,
      tpu.vector_store %arg15[%swap3A_115, %swap3A_116], %broadcast_in_dim3A_0 {strides = array<i32>} : memref<64x128xf32, #tpu.memory_space<vmem>>, vector<16xf32>,
      %swap3A_118 = arith.index_cast %scan3A_112 : i32 to index
      %swap3A_119 = arith.constant 16 : index
      %swap3A_120 = tpu.vector_load %arg14[%swap3A_118, %swap3A_119] {strides = array<i32>} : memref<64x128xf32, #tpu.memory_space<vmem>>, vector<16xf32>,
      tpu.vector_store %arg14[%swap3A_118, %swap3A_119], %broadcast_in_dim3A_0 {strides = array<i32>} : memref<64x128xf32, #tpu.memory_space<vmem>>, vector<16xf32>,
      %swap3A_121 = arith.index_cast %scan3A_112 : i32 to index
      %swap3A_122 = arith.constant 16 : index
      %swap3A_123 = tpu.vector_load %arg15[%swap3A_121, %swap3A_122] {strides = array<i32>} : memref<64x128xf32, #tpu.memory_space<vmem>>, vector<16xf32>,
      tpu.vector_store %arg15[%swap3A_121, %swap3A_122], %broadcast_in_dim3A_0 {strides = array<i32>} : memref<64x128xf32, #tpu.memory_space<vmem>>, vector<16xf32>,
      %swap3A_124 = arith.index_cast %scan3A_112 : i32 to index
      %swap3A_125 = arith.constant 32 : index
      %swap3A_126 = tpu.vector_load %arg14[%swap3A_124, %swap3A_125] {strides = array<i32>} : memref<64x128xf32, #tpu.memory_space<vmem>>, vector<16xf32>,
      tpu.vector_store %arg14[%swap3A_124, %swap3A_125], %broadcast_in_dim3A_0 {strides = array<i32>} : memref<64x128xf32, #tpu.memory_space<vmem>>, vector<16xf32>,
      %swap3A_127 = arith.index_cast %scan3A_112 : i32 to index
      %swap3A_128 = arith.constant 32 : index
      %swap3A_129 = tpu.vector_load %arg15[%swap3A_127, %swap3A_128] {strides = array<i32>} : memref<64x128xf32, #tpu.memory_space<vmem>>, vector<16xf32>,
      tpu.vector_store %arg15[%swap3A_127, %swap3A_128], %broadcast_in_dim3A_0 {strides = array<i32>} : memref<64x128xf32, #tpu.memory_space<vmem>>, vector<16xf32>,
      %swap3A_130 = arith.index_cast %scan3A_112 : i32 to index
      %swap3A_131 = arith.constant 48 : index
      %swap3A_132 = tpu.vector_load %arg14[%swap3A_130, %swap3A_131] {strides = array<i32>} : memref<64x128xf32, #tpu.memory_space<vmem>>, vector<16xf32>,
      tpu.vector_store %arg14[%swap3A_130, %swap3A_131], %broadcast_in_dim3A_0 {strides = array<i32>} : memref<64x128xf32, #tpu.memory_space<vmem>>, vector<16xf32>,
      %swap3A_133 = arith.index_cast %scan3A_112 : i32 to index
      %swap3A_134 = arith.constant 48 : index
      %swap3A_135 = tpu.vector_load %arg15[%swap3A_133, %swap3A_134] {strides = array<i32>} : memref<64x128xf32, #tpu.memory_space<vmem>>, vector<16xf32>,
      tpu.vector_store %arg15[%swap3A_133, %swap3A_134], %broadcast_in_dim3A_0 {strides = array<i32>} : memref<64x128xf32, #tpu.memory_space<vmem>>, vector<16xf32>,
      %swap3A_136 = arith.index_cast %scan3A_112 : i32 to index
      %swap3A_137 = arith.constant 64 : index
      %swap3A_138 = tpu.vector_load %arg14[%swap3A_136, %swap3A_137] {strides = array<i32>} : memref<64x128xf32, #tpu.memory_space<vmem>>, vector<16xf32>,
      tpu.vector_store %arg14[%swap3A_136, %swap3A_137], %broadcast_in_dim3A_0 {strides = array<i32>} : memref<64x128xf32, #tpu.memory_space<vmem>>, vector<16xf32>,
      %swap3A_139 = arith.index_cast %scan3A_112 : i32 to index
      %swap3A_140 = arith.constant 64 : index
      %swap3A_141 = tpu.vector_load %arg15[%swap3A_139, %swap3A_140] {strides = array<i32>} : memref<64x128xf32, #tpu.memory_space<vmem>>, vector<16xf32>,
      tpu.vector_store %arg15[%swap3A_139, %swap3A_140], %broadcast_in_dim3A_0 {strides = array<i32>} : memref<64x128xf32, #tpu.memory_space<vmem>>, vector<16xf32>,
      %swap3A_142 = arith.index_cast %scan3A_112 : i32 to index
      %swap3A_143 = arith.constant 80 : index
      %swap3A_144 = tpu.vector_load %arg14[%swap3A_142, %swap3A_143] {strides = array<i32>} : memref<64x128xf32, #tpu.memory_space<vmem>>, vector<16xf32>,
      tpu.vector_store %arg14[%swap3A_142, %swap3A_143], %broadcast_in_dim3A_0 {strides = array<i32>} : memref<64x128xf32, #tpu.memory_space<vmem>>, vector<16xf32>,
      %swap3A_145 = arith.index_cast %scan3A_112 : i32 to index
      %swap3A_146 = arith.constant 80 : index
      %swap3A_147 = tpu.vector_load %arg15[%swap3A_145, %swap3A_146] {strides = array<i32>} : memref<64x128xf32, #tpu.memory_space<vmem>>, vector<16xf32>,
      tpu.vector_store %arg15[%swap3A_145, %swap3A_146], %broadcast_in_dim3A_0 {strides = array<i32>} : memref<64x128xf32, #tpu.memory_space<vmem>>, vector<16xf32>,
      %swap3A_148 = arith.index_cast %scan3A_112 : i32 to index
      %swap3A_149 = arith.constant 96 : index
      %swap3A_150 = tpu.vector_load %arg14[%swap3A_148, %swap3A_149] {strides = array<i32>} : memref<64x128xf32, #tpu.memory_space<vmem>>, vector<16xf32>,
      tpu.vector_store %arg14[%swap3A_148, %swap3A_149], %broadcast_in_dim3A_0 {strides = array<i32>} : memref<64x128xf32, #tpu.memory_space<vmem>>, vector<16xf32>,
      %swap3A_151 = arith.index_cast %scan3A_112 : i32 to index
      %swap3A_152 = arith.constant 96 : index
      %swap3A_153 = tpu.vector_load %arg15[%swap3A_151, %swap3A_152] {strides = array<i32>} : memref<64x128xf32, #tpu.memory_space<vmem>>, vector<16xf32>,
      tpu.vector_store %arg15[%swap3A_151, %swap3A_152], %broadcast_in_dim3A_0 {strides = array<i32>} : memref<64x128xf32, #tpu.memory_space<vmem>>, vector<16xf32>,
      %swap3A_154 = arith.index_cast %scan3A_112 : i32 to index
      %swap3A_155 = arith.constant 112 : index
      %swap3A_156 = tpu.vector_load %arg14[%swap3A_154, %swap3A_155] {strides = array<i32>} : memref<64x128xf32, #tpu.memory_space<vmem>>, vector<16xf32>,
      tpu.vector_store %arg14[%swap3A_154, %swap3A_155], %broadcast_in_dim3A_0 {strides = array<i32>} : memref<64x128xf32, #tpu.memory_space<vmem>>, vector<16xf32>,
      %swap3A_157 = arith.index_cast %scan3A_112 : i32 to index
      %swap3A_158 = arith.constant 112 : index
      %swap3A_159 = tpu.vector_load %arg15[%swap3A_157, %swap3A_158] {strides = array<i32>} : memref<64x128xf32, #tpu.memory_space<vmem>>, vector<16xf32>,
      tpu.vector_store %arg15[%swap3A_157, %swap3A_158], %broadcast_in_dim3A_0 {strides = array<i32>} : memref<64x128xf32, #tpu.memory_space<vmem>>, vector<16xf32>,
    }
    %scan3A_63 = arith.constant 64 : i32
    %scan3A_64 = arith.constant 0 : i32
    %scan3A_65 = arith.constant 0 : i32
    %scan3A_66 = arith.constant 3 : i32
    %scan3A_67 = arith.addi %scan3A_65, %scan3A_66 : i32
    %scan3A_68 = arith.constant 1 : i32
    scf.for %scan3A_112 = %scan3A_65 to %scan3A_67 step %scan3A_68  : i32 {
      %mul3A_113 = arith.constant 64 : i32
      %mul3A_114 = arith.muli %scan3A_112, %mul3A_113 : i32
      %add3A = arith.addi %mul3A_5, %mul3A_114 : i32
      "tpu.region"() ({
        %run_scoped3A = tpu.sem_alloc : memref<!tpu.dma_semaphore, #tpu.memory_space<semaphore_mem>>
        %dma_start3A = arith.constant 0 : i32
        %dma_start3A_115 = tpu.memref_slice %arg16[%add3A, %dma_start3A] : memref<3072x128xf32, #tpu.memory_space<vmem_shared>> -> memref<64x128xf32, #tpu.memory_space<vmem_shared>>
        %dma_start3A_116 = arith.constant 0 : i32
        %dma_start3A_117 = tpu.memref_slice %arg16[%add3A, %dma_start3A_116] : memref<3072x128xf32, #tpu.memory_space<vmem_shared>> -> memref<64x128xf32, #tpu.memory_space<vmem_shared>>
        tpu.enqueue_dma source(%arg14 : memref<64x128xf32, #tpu.memory_space<vmem>>) target(%dma_start3A_117 : memref<64x128xf32, #tpu.memory_space<vmem_shared>>) target_semaphore(%run_scoped3A : memref<!tpu.dma_semaphore, #tpu.memory_space<semaphore_mem>>)
        %dma_wait3A = arith.constant 0 : i32
        %dma_wait3A_118 = tpu.memref_slice %arg16[%add3A, %dma_wait3A] : memref<3072x128xf32, #tpu.memory_space<vmem_shared>> -> memref<64x128xf32, #tpu.memory_space<vmem_shared>>
        %dma_wait3A_119 = arith.constant 0 : i32
        %dma_wait3A_120 = tpu.memref_slice %arg16[%add3A, %dma_wait3A_119] : memref<3072x128xf32, #tpu.memory_space<vmem_shared>> -> memref<64x128xf32, #tpu.memory_space<vmem_shared>>
        tpu.wait_dma2 semaphore(%run_scoped3A : memref<!tpu.dma_semaphore, #tpu.memory_space<semaphore_mem>>) src(%arg14 : memref<64x128xf32, #tpu.memory_space<vmem>>) dst(%dma_wait3A_120 : memref<64x128xf32, #tpu.memory_space<vmem_shared>>)
        tpu.yield
      }) : () -> ()
      "tpu.region"() ({
        %run_scoped3A = tpu.sem_alloc : memref<!tpu.dma_semaphore, #tpu.memory_space<semaphore_mem>>
        %dma_start3A = arith.constant 0 : i32
        %dma_start3A_115 = tpu.memref_slice %arg17[%add3A, %dma_start3A] : memref<3072x128xf32, #tpu.memory_space<vmem_shared>> -> memref<64x128xf32, #tpu.memory_space<vmem_shared>>
        %dma_start3A_116 = arith.constant 0 : i32
        %dma_start3A_117 = tpu.memref_slice %arg17[%add3A, %dma_start3A_116] : memref<3072x128xf32, #tpu.memory_space<vmem_shared>> -> memref<64x128xf32, #tpu.memory_space<vmem_shared>>
        tpu.enqueue_dma source(%arg15 : memref<64x128xf32, #tpu.memory_space<vmem>>) target(%dma_start3A_117 : memref<64x128xf32, #tpu.memory_space<vmem_shared>>) target_semaphore(%run_scoped3A : memref<!tpu.dma_semaphore, #tpu.memory_space<semaphore_mem>>)
        %dma_wait3A = arith.constant 0 : i32
        %dma_wait3A_118 = tpu.memref_slice %arg17[%add3A, %dma_wait3A] : memref<3072x128xf32, #tpu.memory_space<vmem_shared>> -> memref<64x128xf32, #tpu.memory_space<vmem_shared>>
        %dma_wait3A_119 = arith.constant 0 : i32
        %dma_wait3A_120 = tpu.memref_slice %arg17[%add3A, %dma_wait3A_119] : memref<3072x128xf32, #tpu.memory_space<vmem_shared>> -> memref<64x128xf32, #tpu.memory_space<vmem_shared>>
        tpu.wait_dma2 semaphore(%run_scoped3A : memref<!tpu.dma_semaphore, #tpu.memory_space<semaphore_mem>>) src(%arg15 : memref<64x128xf32, #tpu.memory_space<vmem>>) dst(%dma_wait3A_120 : memref<64x128xf32, #tpu.memory_space<vmem_shared>>)
        tpu.yield
      }) : () -> ()
    }
    %scan3A_69 = arith.constant 3 : i32
    %barrier3A_70 = arith.constant 0 : index
    tpu.barrier barrier_id(%barrier3A_70)
    %scan3A_71 = arith.constant 0 : i32
    %scan3A_72 = arith.constant 0 : i32
    %scan3A_73 = arith.constant 160 : i32
    %scan3A_74 = arith.addi %scan3A_72, %scan3A_73 : i32
    %scan3A_75 = arith.constant 1 : i32
    scf.for %scan3A_112 = %scan3A_72 to %scan3A_74 step %scan3A_75  : i32 {
      %mul3A_113 = arith.constant 64 : i32
      %mul3A_114 = arith.muli %scan3A_112, %mul3A_113 : i32
      %add3A = arith.addi %mul3A_3, %mul3A_114 : i32
      %add3A_115 = arith.constant 327680 : i32
      %add3A_116 = arith.addi %add3A_115, %add3A : i32
      %dma_start3A = tpu.memref_slice %arg5[%add3A_116] : memref<655360xi32, #tpu.memory_space<hbm>> -> memref<64xi32, #tpu.memory_space<hbm>>
      %dma_start3A_117 = tpu.memref_slice %arg5[%add3A_116] : memref<655360xi32, #tpu.memory_space<hbm>> -> memref<64xi32, #tpu.memory_space<hbm>>
      tpu.enqueue_dma source(%dma_start3A_117 : memref<64xi32, #tpu.memory_space<hbm>>) target(%arg9 : memref<64xi32, #tpu.memory_space<vmem>>) target_semaphore(%arg18 : memref<!tpu.dma_semaphore, #tpu.memory_space<semaphore_mem>>)
      %mul3A_118 = arith.constant 163840 : i32
      %mul3A_119 = arith.muli %arg0, %mul3A_118 : i32
      %add3A_120 = arith.addi %mul3A_119, %add3A : i32
      %dma_start3A_121 = tpu.memref_slice %arg6[%add3A_120] : memref<327680xi32, #tpu.memory_space<hbm>> -> memref<64xi32, #tpu.memory_space<hbm>>
      %dma_start3A_122 = tpu.memref_slice %arg6[%add3A_120] : memref<327680xi32, #tpu.memory_space<hbm>> -> memref<64xi32, #tpu.memory_space<hbm>>
      tpu.enqueue_dma source(%dma_start3A_122 : memref<64xi32, #tpu.memory_space<hbm>>) target(%arg10 : memref<64xi32, #tpu.memory_space<vmem>>) target_semaphore(%arg19 : memref<!tpu.dma_semaphore, #tpu.memory_space<semaphore_mem>>)
      %mul3A_123 = arith.constant 163840 : i32
      %mul3A_124 = arith.muli %arg0, %mul3A_123 : i32
      %add3A_125 = arith.addi %mul3A_124, %add3A : i32
      %dma_start3A_126 = tpu.memref_slice %arg7[%add3A_125] : memref<327680xi32, #tpu.memory_space<hbm>> -> memref<64xi32, #tpu.memory_space<hbm>>
      %dma_start3A_127 = tpu.memref_slice %arg7[%add3A_125] : memref<327680xi32, #tpu.memory_space<hbm>> -> memref<64xi32, #tpu.memory_space<hbm>>
      tpu.enqueue_dma source(%dma_start3A_127 : memref<64xi32, #tpu.memory_space<hbm>>) target(%arg11 : memref<64xi32, #tpu.memory_space<vmem>>) target_semaphore(%arg20 : memref<!tpu.dma_semaphore, #tpu.memory_space<semaphore_mem>>)
      %dma_wait3A = tpu.memref_slice %arg5[%add3A_116] : memref<655360xi32, #tpu.memory_space<hbm>> -> memref<64xi32, #tpu.memory_space<hbm>>
      %dma_wait3A_128 = tpu.memref_slice %arg5[%add3A_116] : memref<655360xi32, #tpu.memory_space<hbm>> -> memref<64xi32, #tpu.memory_space<hbm>>
      tpu.wait_dma2 semaphore(%arg18 : memref<!tpu.dma_semaphore, #tpu.memory_space<semaphore_mem>>) src(%dma_wait3A_128 : memref<64xi32, #tpu.memory_space<hbm>>) dst(%arg9 : memref<64xi32, #tpu.memory_space<vmem>>)
      %dma_wait3A_129 = tpu.memref_slice %arg6[%add3A_120] : memref<327680xi32, #tpu.memory_space<hbm>> -> memref<64xi32, #tpu.memory_space<hbm>>
      %dma_wait3A_130 = tpu.memref_slice %arg6[%add3A_120] : memref<327680xi32, #tpu.memory_space<hbm>> -> memref<64xi32, #tpu.memory_space<hbm>>
      tpu.wait_dma2 semaphore(%arg19 : memref<!tpu.dma_semaphore, #tpu.memory_space<semaphore_mem>>) src(%dma_wait3A_130 : memref<64xi32, #tpu.memory_space<hbm>>) dst(%arg10 : memref<64xi32, #tpu.memory_space<vmem>>)
      %dma_wait3A_131 = tpu.memref_slice %arg7[%add3A_125] : memref<327680xi32, #tpu.memory_space<hbm>> -> memref<64xi32, #tpu.memory_space<hbm>>
      %dma_wait3A_132 = tpu.memref_slice %arg7[%add3A_125] : memref<327680xi32, #tpu.memory_space<hbm>> -> memref<64xi32, #tpu.memory_space<hbm>>
      tpu.wait_dma2 semaphore(%arg20 : memref<!tpu.dma_semaphore, #tpu.memory_space<semaphore_mem>>) src(%dma_wait3A_132 : memref<64xi32, #tpu.memory_space<hbm>>) dst(%arg11 : memref<64xi32, #tpu.memory_space<vmem>>)
      %dma_start3A_133 = arith.constant 0 : i32
      %dma_start3A_134 = arith.constant 0 : i32
      %dma_start3A_135 = tpu.memref_slice %arg2[%dma_start3A_133, %dma_start3A_134] : memref<20048x128xf32, #tpu.memory_space<hbm>> -> memref<20048x128xf32, #tpu.memory_space<hbm>>
      tpu.enqueue_indirect_dma source(%dma_start3A_135 : memref<20048x128xf32, #tpu.memory_space<hbm>>) target(%arg12 : memref<64x128xf32, #tpu.memory_space<vmem>>) offsets(%arg10 : memref<64xi32, #tpu.memory_space<vmem>>) semaphore(%arg18 : memref<!tpu.dma_semaphore, #tpu.memory_space<semaphore_mem>>)
      %dma_start3A_136 = arith.constant 0 : i32
      %dma_start3A_137 = arith.constant 0 : i32
      %dma_start3A_138 = tpu.memref_slice %arg3[%dma_start3A_136, %dma_start3A_137] : memref<20048x128xf32, #tpu.memory_space<hbm>> -> memref<20048x128xf32, #tpu.memory_space<hbm>>
      tpu.enqueue_indirect_dma source(%dma_start3A_138 : memref<20048x128xf32, #tpu.memory_space<hbm>>) target(%arg13 : memref<64x128xf32, #tpu.memory_space<vmem>>) offsets(%arg11 : memref<64xi32, #tpu.memory_space<vmem>>) semaphore(%arg19 : memref<!tpu.dma_semaphore, #tpu.memory_space<semaphore_mem>>)
      %dma_start3A_139 = arith.constant 0 : i32
      %dma_start3A_140 = arith.constant 0 : i32
      %dma_start3A_141 = tpu.memref_slice %arg4[%dma_start3A_139, %dma_start3A_140] : memref<20048x128xf32, #tpu.memory_space<hbm>> -> memref<20048x128xf32, #tpu.memory_space<hbm>>
      tpu.enqueue_indirect_dma source(%dma_start3A_141 : memref<20048x128xf32, #tpu.memory_space<hbm>>) target(%arg14 : memref<64x128xf32, #tpu.memory_space<vmem>>) offsets(%arg11 : memref<64xi32, #tpu.memory_space<vmem>>) semaphore(%arg20 : memref<!tpu.dma_semaphore, #tpu.memory_space<semaphore_mem>>)
      %dma_wait3A_142 = arith.constant 0 : i32
      %dma_wait3A_143 = arith.constant 0 : i32
      %dma_wait3A_144 = tpu.memref_slice %arg2[%dma_wait3A_142, %dma_wait3A_143] : memref<20048x128xf32, #tpu.memory_space<hbm>> -> memref<20048x128xf32, #tpu.memory_space<hbm>>
      tpu.wait_indirect_dma semaphore(%arg18 : memref<!tpu.dma_semaphore, #tpu.memory_space<semaphore_mem>>) src(%dma_wait3A_144 : memref<20048x128xf32, #tpu.memory_space<hbm>>) dst(%arg12 : memref<64x128xf32, #tpu.memory_space<vmem>>)
      %dma_wait3A_145 = arith.constant 0 : i32
      %dma_wait3A_146 = arith.constant 0 : i32
      %dma_wait3A_147 = tpu.memref_slice %arg3[%dma_wait3A_145, %dma_wait3A_146] : memref<20048x128xf32, #tpu.memory_space<hbm>> -> memref<20048x128xf32, #tpu.memory_space<hbm>>
      tpu.wait_indirect_dma semaphore(%arg19 : memref<!tpu.dma_semaphore, #tpu.memory_space<semaphore_mem>>) src(%dma_wait3A_147 : memref<20048x128xf32, #tpu.memory_space<hbm>>) dst(%arg13 : memref<64x128xf32, #tpu.memory_space<vmem>>)
      %dma_wait3A_148 = arith.constant 0 : i32
      %dma_wait3A_149 = arith.constant 0 : i32
      %dma_wait3A_150 = tpu.memref_slice %arg4[%dma_wait3A_148, %dma_wait3A_149] : memref<20048x128xf32, #tpu.memory_space<hbm>> -> memref<20048x128xf32, #tpu.memory_space<hbm>>
      tpu.wait_indirect_dma semaphore(%arg20 : memref<!tpu.dma_semaphore, #tpu.memory_space<semaphore_mem>>) src(%dma_wait3A_150 : memref<20048x128xf32, #tpu.memory_space<hbm>>) dst(%arg14 : memref<64x128xf32, #tpu.memory_space<vmem>>)
      %scan3A_151 = arith.constant 0 : i32
      %scan3A_152 = arith.constant 0 : i32
      %scan3A_153 = arith.constant 32 : i32
      %scan3A_154 = arith.addi %scan3A_152, %scan3A_153 : i32
      %scan3A_155 = arith.constant 1 : i32
      scf.for %scan3A_169 = %scan3A_152 to %scan3A_154 step %scan3A_155  : i32 {
        %mul3A_170 = arith.constant 2 : i32
        %mul3A_171 = arith.muli %scan3A_169, %mul3A_170 : i32
        %add3A_172 = arith.constant 0 : i32
        %add3A_173 = arith.addi %mul3A_171, %add3A_172 : i32
        %get3A = arith.index_cast %add3A_173 : i32 to index
        %get3A_174 = arith.constant 0 : index
        %get3A_175 = tpu.vector_load %arg12[%get3A, %get3A_174] {strides = array<i32>} : memref<64x128xf32, #tpu.memory_space<vmem>>, vector<16xf32>,
        %get3A_176 = arith.index_cast %add3A_173 : i32 to index
        %get3A_177 = arith.constant 16 : index
        %get3A_178 = tpu.vector_load %arg12[%get3A_176, %get3A_177] {strides = array<i32>} : memref<64x128xf32, #tpu.memory_space<vmem>>, vector<16xf32>,
        %get3A_179 = arith.index_cast %add3A_173 : i32 to index
        %get3A_180 = arith.constant 0 : index
        %get3A_181 = tpu.vector_load %arg13[%get3A_179, %get3A_180] {strides = array<i32>} : memref<64x128xf32, #tpu.memory_space<vmem>>, vector<16xf32>,
        %get3A_182 = arith.index_cast %add3A_173 : i32 to index
        %get3A_183 = arith.constant 16 : index
        %get3A_184 = tpu.vector_load %arg13[%get3A_182, %get3A_183] {strides = array<i32>} : memref<64x128xf32, #tpu.memory_space<vmem>>, vector<16xf32>,
        %mul3A_185 = arith.mulf %get3A_175, %get3A_181 : vector<16xf32>
        %mul3A_186 = arith.mulf %get3A_178, %get3A_184 : vector<16xf32>
        %add3A_187 = arith.addf %mul3A_185, %mul3A_186 : vector<16xf32>
        %reduce_sum3A = arith.constant true
        %reduce_sum3A_188 = vector.broadcast %reduce_sum3A : i1 to vector<16xi1>
        %reduce_sum3A_189 = tpu.scan <sum>, %add3A_187 masked %reduce_sum3A_188 : vector<16xf32>, vector<16xi1> -> vector<16xf32>
        %reduce_sum3A_190 = vector.extract %reduce_sum3A_189[15] : f32 from vector<16xf32>
        %broadcast_in_dim3A_191 = vector.broadcast %reduce_sum3A_190 : f32 to vector<16xf32>
        %exp3A = math.exp %broadcast_in_dim3A_191 : vector<16xf32>
        %get3A_192 = arith.index_cast %add3A_173 : i32 to index
        %get3A_193 = arith.constant 0 : index
        %get3A_194 = tpu.vector_load %arg14[%get3A_192, %get3A_193] {strides = array<i32>} : memref<64x128xf32, #tpu.memory_space<vmem>>, vector<16xf32>,
        %mul3A_195 = arith.mulf %exp3A, %get3A_194 : vector<16xf32>
        %swap3A = arith.index_cast %add3A_173 : i32 to index
        %swap3A_196 = arith.constant 0 : index
        %swap3A_197 = tpu.vector_load %arg14[%swap3A, %swap3A_196] {strides = array<i32>} : memref<64x128xf32, #tpu.memory_space<vmem>>, vector<16xf32>,
        tpu.vector_store %arg14[%swap3A, %swap3A_196], %mul3A_195 {strides = array<i32>} : memref<64x128xf32, #tpu.memory_space<vmem>>, vector<16xf32>,
        %get3A_198 = arith.index_cast %add3A_173 : i32 to index
        %get3A_199 = arith.constant 16 : index
        %get3A_200 = tpu.vector_load %arg14[%get3A_198, %get3A_199] {strides = array<i32>} : memref<64x128xf32, #tpu.memory_space<vmem>>, vector<16xf32>,
        %mul3A_201 = arith.mulf %exp3A, %get3A_200 : vector<16xf32>
        %swap3A_202 = arith.index_cast %add3A_173 : i32 to index
        %swap3A_203 = arith.constant 16 : index
        %swap3A_204 = tpu.vector_load %arg14[%swap3A_202, %swap3A_203] {strides = array<i32>} : memref<64x128xf32, #tpu.memory_space<vmem>>, vector<16xf32>,
        tpu.vector_store %arg14[%swap3A_202, %swap3A_203], %mul3A_201 {strides = array<i32>} : memref<64x128xf32, #tpu.memory_space<vmem>>, vector<16xf32>,
        %get3A_205 = arith.index_cast %add3A_173 : i32 to index
        %get3A_206 = arith.constant 32 : index
        %get3A_207 = tpu.vector_load %arg12[%get3A_205, %get3A_206] {strides = array<i32>} : memref<64x128xf32, #tpu.memory_space<vmem>>, vector<16xf32>,
        %get3A_208 = arith.index_cast %add3A_173 : i32 to index
        %get3A_209 = arith.constant 48 : index
        %get3A_210 = tpu.vector_load %arg12[%get3A_208, %get3A_209] {strides = array<i32>} : memref<64x128xf32, #tpu.memory_space<vmem>>, vector<16xf32>,
        %get3A_211 = arith.index_cast %add3A_173 : i32 to index
        %get3A_212 = arith.constant 32 : index
        %get3A_213 = tpu.vector_load %arg13[%get3A_211, %get3A_212] {strides = array<i32>} : memref<64x128xf32, #tpu.memory_space<vmem>>, vector<16xf32>,
        %get3A_214 = arith.index_cast %add3A_173 : i32 to index
        %get3A_215 = arith.constant 48 : index
        %get3A_216 = tpu.vector_load %arg13[%get3A_214, %get3A_215] {strides = array<i32>} : memref<64x128xf32, #tpu.memory_space<vmem>>, vector<16xf32>,
        %mul3A_217 = arith.mulf %get3A_207, %get3A_213 : vector<16xf32>
        %mul3A_218 = arith.mulf %get3A_210, %get3A_216 : vector<16xf32>
        %add3A_219 = arith.addf %mul3A_217, %mul3A_218 : vector<16xf32>
        %reduce_sum3A_220 = arith.constant true
        %reduce_sum3A_221 = vector.broadcast %reduce_sum3A_220 : i1 to vector<16xi1>
        %reduce_sum3A_222 = tpu.scan <sum>, %add3A_219 masked %reduce_sum3A_221 : vector<16xf32>, vector<16xi1> -> vector<16xf32>
        %reduce_sum3A_223 = vector.extract %reduce_sum3A_222[15] : f32 from vector<16xf32>
        %broadcast_in_dim3A_224 = vector.broadcast %reduce_sum3A_223 : f32 to vector<16xf32>
        %exp3A_225 = math.exp %broadcast_in_dim3A_224 : vector<16xf32>
        %get3A_226 = arith.index_cast %add3A_173 : i32 to index
        %get3A_227 = arith.constant 32 : index
        %get3A_228 = tpu.vector_load %arg14[%get3A_226, %get3A_227] {strides = array<i32>} : memref<64x128xf32, #tpu.memory_space<vmem>>, vector<16xf32>,
        %mul3A_229 = arith.mulf %exp3A_225, %get3A_228 : vector<16xf32>
        %swap3A_230 = arith.index_cast %add3A_173 : i32 to index
        %swap3A_231 = arith.constant 32 : index
        %swap3A_232 = tpu.vector_load %arg14[%swap3A_230, %swap3A_231] {strides = array<i32>} : memref<64x128xf32, #tpu.memory_space<vmem>>, vector<16xf32>,
        tpu.vector_store %arg14[%swap3A_230, %swap3A_231], %mul3A_229 {strides = array<i32>} : memref<64x128xf32, #tpu.memory_space<vmem>>, vector<16xf32>,
        %get3A_233 = arith.index_cast %add3A_173 : i32 to index
        %get3A_234 = arith.constant 48 : index
        %get3A_235 = tpu.vector_load %arg14[%get3A_233, %get3A_234] {strides = array<i32>} : memref<64x128xf32, #tpu.memory_space<vmem>>, vector<16xf32>,
        %mul3A_236 = arith.mulf %exp3A_225, %get3A_235 : vector<16xf32>
        %swap3A_237 = arith.index_cast %add3A_173 : i32 to index
        %swap3A_238 = arith.constant 48 : index
        %swap3A_239 = tpu.vector_load %arg14[%swap3A_237, %swap3A_238] {strides = array<i32>} : memref<64x128xf32, #tpu.memory_space<vmem>>, vector<16xf32>,
        tpu.vector_store %arg14[%swap3A_237, %swap3A_238], %mul3A_236 {strides = array<i32>} : memref<64x128xf32, #tpu.memory_space<vmem>>, vector<16xf32>,
        %get3A_240 = arith.index_cast %add3A_173 : i32 to index
        %get3A_241 = arith.constant 64 : index
        %get3A_242 = tpu.vector_load %arg12[%get3A_240, %get3A_241] {strides = array<i32>} : memref<64x128xf32, #tpu.memory_space<vmem>>, vector<16xf32>,
        %get3A_243 = arith.index_cast %add3A_173 : i32 to index
        %get3A_244 = arith.constant 80 : index
        %get3A_245 = tpu.vector_load %arg12[%get3A_243, %get3A_244] {strides = array<i32>} : memref<64x128xf32, #tpu.memory_space<vmem>>, vector<16xf32>,
        %get3A_246 = arith.index_cast %add3A_173 : i32 to index
        %get3A_247 = arith.constant 64 : index
        %get3A_248 = tpu.vector_load %arg13[%get3A_246, %get3A_247] {strides = array<i32>} : memref<64x128xf32, #tpu.memory_space<vmem>>, vector<16xf32>,
        %get3A_249 = arith.index_cast %add3A_173 : i32 to index
        %get3A_250 = arith.constant 80 : index
        %get3A_251 = tpu.vector_load %arg13[%get3A_249, %get3A_250] {strides = array<i32>} : memref<64x128xf32, #tpu.memory_space<vmem>>, vector<16xf32>,
        %mul3A_252 = arith.mulf %get3A_242, %get3A_248 : vector<16xf32>
        %mul3A_253 = arith.mulf %get3A_245, %get3A_251 : vector<16xf32>
        %add3A_254 = arith.addf %mul3A_252, %mul3A_253 : vector<16xf32>
        %reduce_sum3A_255 = arith.constant true
        %reduce_sum3A_256 = vector.broadcast %reduce_sum3A_255 : i1 to vector<16xi1>
        %reduce_sum3A_257 = tpu.scan <sum>, %add3A_254 masked %reduce_sum3A_256 : vector<16xf32>, vector<16xi1> -> vector<16xf32>
        %reduce_sum3A_258 = vector.extract %reduce_sum3A_257[15] : f32 from vector<16xf32>
        %broadcast_in_dim3A_259 = vector.broadcast %reduce_sum3A_258 : f32 to vector<16xf32>
        %exp3A_260 = math.exp %broadcast_in_dim3A_259 : vector<16xf32>
        %get3A_261 = arith.index_cast %add3A_173 : i32 to index
        %get3A_262 = arith.constant 64 : index
        %get3A_263 = tpu.vector_load %arg14[%get3A_261, %get3A_262] {strides = array<i32>} : memref<64x128xf32, #tpu.memory_space<vmem>>, vector<16xf32>,
        %mul3A_264 = arith.mulf %exp3A_260, %get3A_263 : vector<16xf32>
        %swap3A_265 = arith.index_cast %add3A_173 : i32 to index
        %swap3A_266 = arith.constant 64 : index
        %swap3A_267 = tpu.vector_load %arg14[%swap3A_265, %swap3A_266] {strides = array<i32>} : memref<64x128xf32, #tpu.memory_space<vmem>>, vector<16xf32>,
        tpu.vector_store %arg14[%swap3A_265, %swap3A_266], %mul3A_264 {strides = array<i32>} : memref<64x128xf32, #tpu.memory_space<vmem>>, vector<16xf32>,
        %get3A_268 = arith.index_cast %add3A_173 : i32 to index
        %get3A_269 = arith.constant 80 : index
        %get3A_270 = tpu.vector_load %arg14[%get3A_268, %get3A_269] {strides = array<i32>} : memref<64x128xf32, #tpu.memory_space<vmem>>, vector<16xf32>,
        %mul3A_271 = arith.mulf %exp3A_260, %get3A_270 : vector<16xf32>
        %swap3A_272 = arith.index_cast %add3A_173 : i32 to index
        %swap3A_273 = arith.constant 80 : index
        %swap3A_274 = tpu.vector_load %arg14[%swap3A_272, %swap3A_273] {strides = array<i32>} : memref<64x128xf32, #tpu.memory_space<vmem>>, vector<16xf32>,
        tpu.vector_store %arg14[%swap3A_272, %swap3A_273], %mul3A_271 {strides = array<i32>} : memref<64x128xf32, #tpu.memory_space<vmem>>, vector<16xf32>,
        %get3A_275 = arith.index_cast %add3A_173 : i32 to index
        %get3A_276 = arith.constant 96 : index
        %get3A_277 = tpu.vector_load %arg12[%get3A_275, %get3A_276] {strides = array<i32>} : memref<64x128xf32, #tpu.memory_space<vmem>>, vector<16xf32>,
        %get3A_278 = arith.index_cast %add3A_173 : i32 to index
        %get3A_279 = arith.constant 112 : index
        %get3A_280 = tpu.vector_load %arg12[%get3A_278, %get3A_279] {strides = array<i32>} : memref<64x128xf32, #tpu.memory_space<vmem>>, vector<16xf32>,
        %get3A_281 = arith.index_cast %add3A_173 : i32 to index
        %get3A_282 = arith.constant 96 : index
        %get3A_283 = tpu.vector_load %arg13[%get3A_281, %get3A_282] {strides = array<i32>} : memref<64x128xf32, #tpu.memory_space<vmem>>, vector<16xf32>,
        %get3A_284 = arith.index_cast %add3A_173 : i32 to index
        %get3A_285 = arith.constant 112 : index
        %get3A_286 = tpu.vector_load %arg13[%get3A_284, %get3A_285] {strides = array<i32>} : memref<64x128xf32, #tpu.memory_space<vmem>>, vector<16xf32>,
        %mul3A_287 = arith.mulf %get3A_277, %get3A_283 : vector<16xf32>
        %mul3A_288 = arith.mulf %get3A_280, %get3A_286 : vector<16xf32>
        %add3A_289 = arith.addf %mul3A_287, %mul3A_288 : vector<16xf32>
        %reduce_sum3A_290 = arith.constant true
        %reduce_sum3A_291 = vector.broadcast %reduce_sum3A_290 : i1 to vector<16xi1>
        %reduce_sum3A_292 = tpu.scan <sum>, %add3A_289 masked %reduce_sum3A_291 : vector<16xf32>, vector<16xi1> -> vector<16xf32>
        %reduce_sum3A_293 = vector.extract %reduce_sum3A_292[15] : f32 from vector<16xf32>
        %broadcast_in_dim3A_294 = vector.broadcast %reduce_sum3A_293 : f32 to vector<16xf32>
        %exp3A_295 = math.exp %broadcast_in_dim3A_294 : vector<16xf32>
        %get3A_296 = arith.index_cast %add3A_173 : i32 to index
        %get3A_297 = arith.constant 96 : index
        %get3A_298 = tpu.vector_load %arg14[%get3A_296, %get3A_297] {strides = array<i32>} : memref<64x128xf32, #tpu.memory_space<vmem>>, vector<16xf32>,
        %mul3A_299 = arith.mulf %exp3A_295, %get3A_298 : vector<16xf32>
        %swap3A_300 = arith.index_cast %add3A_173 : i32 to index
        %swap3A_301 = arith.constant 96 : index
        %swap3A_302 = tpu.vector_load %arg14[%swap3A_300, %swap3A_301] {strides = array<i32>} : memref<64x128xf32, #tpu.memory_space<vmem>>, vector<16xf32>,
        tpu.vector_store %arg14[%swap3A_300, %swap3A_301], %mul3A_299 {strides = array<i32>} : memref<64x128xf32, #tpu.memory_space<vmem>>, vector<16xf32>,
        %get3A_303 = arith.index_cast %add3A_173 : i32 to index
        %get3A_304 = arith.constant 112 : index
        %get3A_305 = tpu.vector_load %arg14[%get3A_303, %get3A_304] {strides = array<i32>} : memref<64x128xf32, #tpu.memory_space<vmem>>, vector<16xf32>,
        %mul3A_306 = arith.mulf %exp3A_295, %get3A_305 : vector<16xf32>
        %swap3A_307 = arith.index_cast %add3A_173 : i32 to index
        %swap3A_308 = arith.constant 112 : index
        %swap3A_309 = tpu.vector_load %arg14[%swap3A_307, %swap3A_308] {strides = array<i32>} : memref<64x128xf32, #tpu.memory_space<vmem>>, vector<16xf32>,
        tpu.vector_store %arg14[%swap3A_307, %swap3A_308], %mul3A_306 {strides = array<i32>} : memref<64x128xf32, #tpu.memory_space<vmem>>, vector<16xf32>,
        %eq3A = arith.constant 0 : i32
        %eq3A_310 = vector.broadcast %eq3A : i32 to vector<16xi32>
        %eq3A_311 = arith.cmpi eq, %and3A_2, %eq3A_310 : vector<16xi32>
        %eq3A_312 = arith.constant 1 : i32
        %eq3A_313 = vector.broadcast %eq3A_312 : i32 to vector<16xi32>
        %eq3A_314 = arith.cmpi eq, %and3A_2, %eq3A_313 : vector<16xi32>
        %eq3A_315 = arith.constant 2 : i32
        %eq3A_316 = vector.broadcast %eq3A_315 : i32 to vector<16xi32>
        %eq3A_317 = arith.cmpi eq, %and3A_2, %eq3A_316 : vector<16xi32>
        %select_n3A = arith.select %eq3A_317, %exp3A_260, %exp3A_295 : vector<16xi1>, vector<16xf32>
        %select_n3A_318 = arith.select %eq3A_314, %exp3A_225, %select_n3A : vector<16xi1>, vector<16xf32>
        %select_n3A_319 = arith.select %eq3A_311, %exp3A, %select_n3A_318 : vector<16xi1>, vector<16xf32>
        %swap3A_320 = arith.index_cast %add3A_173 : i32 to index
        %swap3A_321 = arith.constant 0 : index
        %swap3A_322 = tpu.vector_load %arg15[%swap3A_320, %swap3A_321] {strides = array<i32>} : memref<64x128xf32, #tpu.memory_space<vmem>>, vector<16xf32>,
        tpu.vector_store %arg15[%swap3A_320, %swap3A_321], %select_n3A_319 {strides = array<i32>} : memref<64x128xf32, #tpu.memory_space<vmem>>, vector<16xf32>,
        %swap3A_323 = arith.index_cast %add3A_173 : i32 to index
        %swap3A_324 = arith.constant 16 : index
        %swap3A_325 = tpu.vector_load %arg15[%swap3A_323, %swap3A_324] {strides = array<i32>} : memref<64x128xf32, #tpu.memory_space<vmem>>, vector<16xf32>,
        tpu.vector_store %arg15[%swap3A_323, %swap3A_324], %select_n3A_319 {strides = array<i32>} : memref<64x128xf32, #tpu.memory_space<vmem>>, vector<16xf32>,
        %swap3A_326 = arith.index_cast %add3A_173 : i32 to index
        %swap3A_327 = arith.constant 32 : index
        %swap3A_328 = tpu.vector_load %arg15[%swap3A_326, %swap3A_327] {strides = array<i32>} : memref<64x128xf32, #tpu.memory_space<vmem>>, vector<16xf32>,
        tpu.vector_store %arg15[%swap3A_326, %swap3A_327], %select_n3A_319 {strides = array<i32>} : memref<64x128xf32, #tpu.memory_space<vmem>>, vector<16xf32>,
        %swap3A_329 = arith.index_cast %add3A_173 : i32 to index
        %swap3A_330 = arith.constant 48 : index
        %swap3A_331 = tpu.vector_load %arg15[%swap3A_329, %swap3A_330] {strides = array<i32>} : memref<64x128xf32, #tpu.memory_space<vmem>>, vector<16xf32>,
        tpu.vector_store %arg15[%swap3A_329, %swap3A_330], %select_n3A_319 {strides = array<i32>} : memref<64x128xf32, #tpu.memory_space<vmem>>, vector<16xf32>,
        %swap3A_332 = arith.index_cast %add3A_173 : i32 to index
        %swap3A_333 = arith.constant 64 : index
        %swap3A_334 = tpu.vector_load %arg15[%swap3A_332, %swap3A_333] {strides = array<i32>} : memref<64x128xf32, #tpu.memory_space<vmem>>, vector<16xf32>,
        tpu.vector_store %arg15[%swap3A_332, %swap3A_333], %select_n3A_319 {strides = array<i32>} : memref<64x128xf32, #tpu.memory_space<vmem>>, vector<16xf32>,
        %swap3A_335 = arith.index_cast %add3A_173 : i32 to index
        %swap3A_336 = arith.constant 80 : index
        %swap3A_337 = tpu.vector_load %arg15[%swap3A_335, %swap3A_336] {strides = array<i32>} : memref<64x128xf32, #tpu.memory_space<vmem>>, vector<16xf32>,
        tpu.vector_store %arg15[%swap3A_335, %swap3A_336], %select_n3A_319 {strides = array<i32>} : memref<64x128xf32, #tpu.memory_space<vmem>>, vector<16xf32>,
        %swap3A_338 = arith.index_cast %add3A_173 : i32 to index
        %swap3A_339 = arith.constant 96 : index
        %swap3A_340 = tpu.vector_load %arg15[%swap3A_338, %swap3A_339] {strides = array<i32>} : memref<64x128xf32, #tpu.memory_space<vmem>>, vector<16xf32>,
        tpu.vector_store %arg15[%swap3A_338, %swap3A_339], %select_n3A_319 {strides = array<i32>} : memref<64x128xf32, #tpu.memory_space<vmem>>, vector<16xf32>,
        %swap3A_341 = arith.index_cast %add3A_173 : i32 to index
        %swap3A_342 = arith.constant 112 : index
        %swap3A_343 = tpu.vector_load %arg15[%swap3A_341, %swap3A_342] {strides = array<i32>} : memref<64x128xf32, #tpu.memory_space<vmem>>, vector<16xf32>,
        tpu.vector_store %arg15[%swap3A_341, %swap3A_342], %select_n3A_319 {strides = array<i32>} : memref<64x128xf32, #tpu.memory_space<vmem>>, vector<16xf32>,
        %mul3A_344 = arith.constant 2 : i32
        %mul3A_345 = arith.muli %scan3A_169, %mul3A_344 : i32
        %add3A_346 = arith.constant 1 : i32
        %add3A_347 = arith.addi %mul3A_345, %add3A_346 : i32
        %get3A_348 = arith.index_cast %add3A_347 : i32 to index
        %get3A_349 = arith.constant 0 : index
        %get3A_350 = tpu.vector_load %arg12[%get3A_348, %get3A_349] {strides = array<i32>} : memref<64x128xf32, #tpu.memory_space<vmem>>, vector<16xf32>,
        %get3A_351 = arith.index_cast %add3A_347 : i32 to index
        %get3A_352 = arith.constant 16 : index
        %get3A_353 = tpu.vector_load %arg12[%get3A_351, %get3A_352] {strides = array<i32>} : memref<64x128xf32, #tpu.memory_space<vmem>>, vector<16xf32>,
        %get3A_354 = arith.index_cast %add3A_347 : i32 to index
        %get3A_355 = arith.constant 0 : index
        %get3A_356 = tpu.vector_load %arg13[%get3A_354, %get3A_355] {strides = array<i32>} : memref<64x128xf32, #tpu.memory_space<vmem>>, vector<16xf32>,
        %get3A_357 = arith.index_cast %add3A_347 : i32 to index
        %get3A_358 = arith.constant 16 : index
        %get3A_359 = tpu.vector_load %arg13[%get3A_357, %get3A_358] {strides = array<i32>} : memref<64x128xf32, #tpu.memory_space<vmem>>, vector<16xf32>,
        %mul3A_360 = arith.mulf %get3A_350, %get3A_356 : vector<16xf32>
        %mul3A_361 = arith.mulf %get3A_353, %get3A_359 : vector<16xf32>
        %add3A_362 = arith.addf %mul3A_360, %mul3A_361 : vector<16xf32>
        %reduce_sum3A_363 = arith.constant true
        %reduce_sum3A_364 = vector.broadcast %reduce_sum3A_363 : i1 to vector<16xi1>
        %reduce_sum3A_365 = tpu.scan <sum>, %add3A_362 masked %reduce_sum3A_364 : vector<16xf32>, vector<16xi1> -> vector<16xf32>
        %reduce_sum3A_366 = vector.extract %reduce_sum3A_365[15] : f32 from vector<16xf32>
        %broadcast_in_dim3A_367 = vector.broadcast %reduce_sum3A_366 : f32 to vector<16xf32>
        %exp3A_368 = math.exp %broadcast_in_dim3A_367 : vector<16xf32>
        %get3A_369 = arith.index_cast %add3A_347 : i32 to index
        %get3A_370 = arith.constant 0 : index
        %get3A_371 = tpu.vector_load %arg14[%get3A_369, %get3A_370] {strides = array<i32>} : memref<64x128xf32, #tpu.memory_space<vmem>>, vector<16xf32>,
        %mul3A_372 = arith.mulf %exp3A_368, %get3A_371 : vector<16xf32>
        %swap3A_373 = arith.index_cast %add3A_347 : i32 to index
        %swap3A_374 = arith.constant 0 : index
        %swap3A_375 = tpu.vector_load %arg14[%swap3A_373, %swap3A_374] {strides = array<i32>} : memref<64x128xf32, #tpu.memory_space<vmem>>, vector<16xf32>,
        tpu.vector_store %arg14[%swap3A_373, %swap3A_374], %mul3A_372 {strides = array<i32>} : memref<64x128xf32, #tpu.memory_space<vmem>>, vector<16xf32>,
        %get3A_376 = arith.index_cast %add3A_347 : i32 to index
        %get3A_377 = arith.constant 16 : index
        %get3A_378 = tpu.vector_load %arg14[%get3A_376, %get3A_377] {strides = array<i32>} : memref<64x128xf32, #tpu.memory_space<vmem>>, vector<16xf32>,
        %mul3A_379 = arith.mulf %exp3A_368, %get3A_378 : vector<16xf32>
        %swap3A_380 = arith.index_cast %add3A_347 : i32 to index
        %swap3A_381 = arith.constant 16 : index
        %swap3A_382 = tpu.vector_load %arg14[%swap3A_380, %swap3A_381] {strides = array<i32>} : memref<64x128xf32, #tpu.memory_space<vmem>>, vector<16xf32>,
        tpu.vector_store %arg14[%swap3A_380, %swap3A_381], %mul3A_379 {strides = array<i32>} : memref<64x128xf32, #tpu.memory_space<vmem>>, vector<16xf32>,
        %get3A_383 = arith.index_cast %add3A_347 : i32 to index
        %get3A_384 = arith.constant 32 : index
        %get3A_385 = tpu.vector_load %arg12[%get3A_383, %get3A_384] {strides = array<i32>} : memref<64x128xf32, #tpu.memory_space<vmem>>, vector<16xf32>,
        %get3A_386 = arith.index_cast %add3A_347 : i32 to index
        %get3A_387 = arith.constant 48 : index
        %get3A_388 = tpu.vector_load %arg12[%get3A_386, %get3A_387] {strides = array<i32>} : memref<64x128xf32, #tpu.memory_space<vmem>>, vector<16xf32>,
        %get3A_389 = arith.index_cast %add3A_347 : i32 to index
        %get3A_390 = arith.constant 32 : index
        %get3A_391 = tpu.vector_load %arg13[%get3A_389, %get3A_390] {strides = array<i32>} : memref<64x128xf32, #tpu.memory_space<vmem>>, vector<16xf32>,
        %get3A_392 = arith.index_cast %add3A_347 : i32 to index
        %get3A_393 = arith.constant 48 : index
        %get3A_394 = tpu.vector_load %arg13[%get3A_392, %get3A_393] {strides = array<i32>} : memref<64x128xf32, #tpu.memory_space<vmem>>, vector<16xf32>,
        %mul3A_395 = arith.mulf %get3A_385, %get3A_391 : vector<16xf32>
        %mul3A_396 = arith.mulf %get3A_388, %get3A_394 : vector<16xf32>
        %add3A_397 = arith.addf %mul3A_395, %mul3A_396 : vector<16xf32>
        %reduce_sum3A_398 = arith.constant true
        %reduce_sum3A_399 = vector.broadcast %reduce_sum3A_398 : i1 to vector<16xi1>
        %reduce_sum3A_400 = tpu.scan <sum>, %add3A_397 masked %reduce_sum3A_399 : vector<16xf32>, vector<16xi1> -> vector<16xf32>
        %reduce_sum3A_401 = vector.extract %reduce_sum3A_400[15] : f32 from vector<16xf32>
        %broadcast_in_dim3A_402 = vector.broadcast %reduce_sum3A_401 : f32 to vector<16xf32>
        %exp3A_403 = math.exp %broadcast_in_dim3A_402 : vector<16xf32>
        %get3A_404 = arith.index_cast %add3A_347 : i32 to index
        %get3A_405 = arith.constant 32 : index
        %get3A_406 = tpu.vector_load %arg14[%get3A_404, %get3A_405] {strides = array<i32>} : memref<64x128xf32, #tpu.memory_space<vmem>>, vector<16xf32>,
        %mul3A_407 = arith.mulf %exp3A_403, %get3A_406 : vector<16xf32>
        %swap3A_408 = arith.index_cast %add3A_347 : i32 to index
        %swap3A_409 = arith.constant 32 : index
        %swap3A_410 = tpu.vector_load %arg14[%swap3A_408, %swap3A_409] {strides = array<i32>} : memref<64x128xf32, #tpu.memory_space<vmem>>, vector<16xf32>,
        tpu.vector_store %arg14[%swap3A_408, %swap3A_409], %mul3A_407 {strides = array<i32>} : memref<64x128xf32, #tpu.memory_space<vmem>>, vector<16xf32>,
        %get3A_411 = arith.index_cast %add3A_347 : i32 to index
        %get3A_412 = arith.constant 48 : index
        %get3A_413 = tpu.vector_load %arg14[%get3A_411, %get3A_412] {strides = array<i32>} : memref<64x128xf32, #tpu.memory_space<vmem>>, vector<16xf32>,
        %mul3A_414 = arith.mulf %exp3A_403, %get3A_413 : vector<16xf32>
        %swap3A_415 = arith.index_cast %add3A_347 : i32 to index
        %swap3A_416 = arith.constant 48 : index
        %swap3A_417 = tpu.vector_load %arg14[%swap3A_415, %swap3A_416] {strides = array<i32>} : memref<64x128xf32, #tpu.memory_space<vmem>>, vector<16xf32>,
        tpu.vector_store %arg14[%swap3A_415, %swap3A_416], %mul3A_414 {strides = array<i32>} : memref<64x128xf32, #tpu.memory_space<vmem>>, vector<16xf32>,
        %get3A_418 = arith.index_cast %add3A_347 : i32 to index
        %get3A_419 = arith.constant 64 : index
        %get3A_420 = tpu.vector_load %arg12[%get3A_418, %get3A_419] {strides = array<i32>} : memref<64x128xf32, #tpu.memory_space<vmem>>, vector<16xf32>,
        %get3A_421 = arith.index_cast %add3A_347 : i32 to index
        %get3A_422 = arith.constant 80 : index
        %get3A_423 = tpu.vector_load %arg12[%get3A_421, %get3A_422] {strides = array<i32>} : memref<64x128xf32, #tpu.memory_space<vmem>>, vector<16xf32>,
        %get3A_424 = arith.index_cast %add3A_347 : i32 to index
        %get3A_425 = arith.constant 64 : index
        %get3A_426 = tpu.vector_load %arg13[%get3A_424, %get3A_425] {strides = array<i32>} : memref<64x128xf32, #tpu.memory_space<vmem>>, vector<16xf32>,
        %get3A_427 = arith.index_cast %add3A_347 : i32 to index
        %get3A_428 = arith.constant 80 : index
        %get3A_429 = tpu.vector_load %arg13[%get3A_427, %get3A_428] {strides = array<i32>} : memref<64x128xf32, #tpu.memory_space<vmem>>, vector<16xf32>,
        %mul3A_430 = arith.mulf %get3A_420, %get3A_426 : vector<16xf32>
        %mul3A_431 = arith.mulf %get3A_423, %get3A_429 : vector<16xf32>
        %add3A_432 = arith.addf %mul3A_430, %mul3A_431 : vector<16xf32>
        %reduce_sum3A_433 = arith.constant true
        %reduce_sum3A_434 = vector.broadcast %reduce_sum3A_433 : i1 to vector<16xi1>
        %reduce_sum3A_435 = tpu.scan <sum>, %add3A_432 masked %reduce_sum3A_434 : vector<16xf32>, vector<16xi1> -> vector<16xf32>
        %reduce_sum3A_436 = vector.extract %reduce_sum3A_435[15] : f32 from vector<16xf32>
        %broadcast_in_dim3A_437 = vector.broadcast %reduce_sum3A_436 : f32 to vector<16xf32>
        %exp3A_438 = math.exp %broadcast_in_dim3A_437 : vector<16xf32>
        %get3A_439 = arith.index_cast %add3A_347 : i32 to index
        %get3A_440 = arith.constant 64 : index
        %get3A_441 = tpu.vector_load %arg14[%get3A_439, %get3A_440] {strides = array<i32>} : memref<64x128xf32, #tpu.memory_space<vmem>>, vector<16xf32>,
        %mul3A_442 = arith.mulf %exp3A_438, %get3A_441 : vector<16xf32>
        %swap3A_443 = arith.index_cast %add3A_347 : i32 to index
        %swap3A_444 = arith.constant 64 : index
        %swap3A_445 = tpu.vector_load %arg14[%swap3A_443, %swap3A_444] {strides = array<i32>} : memref<64x128xf32, #tpu.memory_space<vmem>>, vector<16xf32>,
        tpu.vector_store %arg14[%swap3A_443, %swap3A_444], %mul3A_442 {strides = array<i32>} : memref<64x128xf32, #tpu.memory_space<vmem>>, vector<16xf32>,
        %get3A_446 = arith.index_cast %add3A_347 : i32 to index
        %get3A_447 = arith.constant 80 : index
        %get3A_448 = tpu.vector_load %arg14[%get3A_446, %get3A_447] {strides = array<i32>} : memref<64x128xf32, #tpu.memory_space<vmem>>, vector<16xf32>,
        %mul3A_449 = arith.mulf %exp3A_438, %get3A_448 : vector<16xf32>
        %swap3A_450 = arith.index_cast %add3A_347 : i32 to index
        %swap3A_451 = arith.constant 80 : index
        %swap3A_452 = tpu.vector_load %arg14[%swap3A_450, %swap3A_451] {strides = array<i32>} : memref<64x128xf32, #tpu.memory_space<vmem>>, vector<16xf32>,
        tpu.vector_store %arg14[%swap3A_450, %swap3A_451], %mul3A_449 {strides = array<i32>} : memref<64x128xf32, #tpu.memory_space<vmem>>, vector<16xf32>,
        %get3A_453 = arith.index_cast %add3A_347 : i32 to index
        %get3A_454 = arith.constant 96 : index
        %get3A_455 = tpu.vector_load %arg12[%get3A_453, %get3A_454] {strides = array<i32>} : memref<64x128xf32, #tpu.memory_space<vmem>>, vector<16xf32>,
        %get3A_456 = arith.index_cast %add3A_347 : i32 to index
        %get3A_457 = arith.constant 112 : index
        %get3A_458 = tpu.vector_load %arg12[%get3A_456, %get3A_457] {strides = array<i32>} : memref<64x128xf32, #tpu.memory_space<vmem>>, vector<16xf32>,
        %get3A_459 = arith.index_cast %add3A_347 : i32 to index
        %get3A_460 = arith.constant 96 : index
        %get3A_461 = tpu.vector_load %arg13[%get3A_459, %get3A_460] {strides = array<i32>} : memref<64x128xf32, #tpu.memory_space<vmem>>, vector<16xf32>,
        %get3A_462 = arith.index_cast %add3A_347 : i32 to index
        %get3A_463 = arith.constant 112 : index
        %get3A_464 = tpu.vector_load %arg13[%get3A_462, %get3A_463] {strides = array<i32>} : memref<64x128xf32, #tpu.memory_space<vmem>>, vector<16xf32>,
        %mul3A_465 = arith.mulf %get3A_455, %get3A_461 : vector<16xf32>
        %mul3A_466 = arith.mulf %get3A_458, %get3A_464 : vector<16xf32>
        %add3A_467 = arith.addf %mul3A_465, %mul3A_466 : vector<16xf32>
        %reduce_sum3A_468 = arith.constant true
        %reduce_sum3A_469 = vector.broadcast %reduce_sum3A_468 : i1 to vector<16xi1>
        %reduce_sum3A_470 = tpu.scan <sum>, %add3A_467 masked %reduce_sum3A_469 : vector<16xf32>, vector<16xi1> -> vector<16xf32>
        %reduce_sum3A_471 = vector.extract %reduce_sum3A_470[15] : f32 from vector<16xf32>
        %broadcast_in_dim3A_472 = vector.broadcast %reduce_sum3A_471 : f32 to vector<16xf32>
        %exp3A_473 = math.exp %broadcast_in_dim3A_472 : vector<16xf32>
        %get3A_474 = arith.index_cast %add3A_347 : i32 to index
        %get3A_475 = arith.constant 96 : index
        %get3A_476 = tpu.vector_load %arg14[%get3A_474, %get3A_475] {strides = array<i32>} : memref<64x128xf32, #tpu.memory_space<vmem>>, vector<16xf32>,
        %mul3A_477 = arith.mulf %exp3A_473, %get3A_476 : vector<16xf32>
        %swap3A_478 = arith.index_cast %add3A_347 : i32 to index
        %swap3A_479 = arith.constant 96 : index
        %swap3A_480 = tpu.vector_load %arg14[%swap3A_478, %swap3A_479] {strides = array<i32>} : memref<64x128xf32, #tpu.memory_space<vmem>>, vector<16xf32>,
        tpu.vector_store %arg14[%swap3A_478, %swap3A_479], %mul3A_477 {strides = array<i32>} : memref<64x128xf32, #tpu.memory_space<vmem>>, vector<16xf32>,
        %get3A_481 = arith.index_cast %add3A_347 : i32 to index
        %get3A_482 = arith.constant 112 : index
        %get3A_483 = tpu.vector_load %arg14[%get3A_481, %get3A_482] {strides = array<i32>} : memref<64x128xf32, #tpu.memory_space<vmem>>, vector<16xf32>,
        %mul3A_484 = arith.mulf %exp3A_473, %get3A_483 : vector<16xf32>
        %swap3A_485 = arith.index_cast %add3A_347 : i32 to index
        %swap3A_486 = arith.constant 112 : index
        %swap3A_487 = tpu.vector_load %arg14[%swap3A_485, %swap3A_486] {strides = array<i32>} : memref<64x128xf32, #tpu.memory_space<vmem>>, vector<16xf32>,
        tpu.vector_store %arg14[%swap3A_485, %swap3A_486], %mul3A_484 {strides = array<i32>} : memref<64x128xf32, #tpu.memory_space<vmem>>, vector<16xf32>,
        %eq3A_488 = arith.constant 0 : i32
        %eq3A_489 = vector.broadcast %eq3A_488 : i32 to vector<16xi32>
        %eq3A_490 = arith.cmpi eq, %and3A_2, %eq3A_489 : vector<16xi32>
        %eq3A_491 = arith.constant 1 : i32
        %eq3A_492 = vector.broadcast %eq3A_491 : i32 to vector<16xi32>
        %eq3A_493 = arith.cmpi eq, %and3A_2, %eq3A_492 : vector<16xi32>
        %eq3A_494 = arith.constant 2 : i32
        %eq3A_495 = vector.broadcast %eq3A_494 : i32 to vector<16xi32>
        %eq3A_496 = arith.cmpi eq, %and3A_2, %eq3A_495 : vector<16xi32>
        %select_n3A_497 = arith.select %eq3A_496, %exp3A_438, %exp3A_473 : vector<16xi1>, vector<16xf32>
        %select_n3A_498 = arith.select %eq3A_493, %exp3A_403, %select_n3A_497 : vector<16xi1>, vector<16xf32>
        %select_n3A_499 = arith.select %eq3A_490, %exp3A_368, %select_n3A_498 : vector<16xi1>, vector<16xf32>
        %swap3A_500 = arith.index_cast %add3A_347 : i32 to index
        %swap3A_501 = arith.constant 0 : index
        %swap3A_502 = tpu.vector_load %arg15[%swap3A_500, %swap3A_501] {strides = array<i32>} : memref<64x128xf32, #tpu.memory_space<vmem>>, vector<16xf32>,
        tpu.vector_store %arg15[%swap3A_500, %swap3A_501], %select_n3A_499 {strides = array<i32>} : memref<64x128xf32, #tpu.memory_space<vmem>>, vector<16xf32>,
        %swap3A_503 = arith.index_cast %add3A_347 : i32 to index
        %swap3A_504 = arith.constant 16 : index
        %swap3A_505 = tpu.vector_load %arg15[%swap3A_503, %swap3A_504] {strides = array<i32>} : memref<64x128xf32, #tpu.memory_space<vmem>>, vector<16xf32>,
        tpu.vector_store %arg15[%swap3A_503, %swap3A_504], %select_n3A_499 {strides = array<i32>} : memref<64x128xf32, #tpu.memory_space<vmem>>, vector<16xf32>,
        %swap3A_506 = arith.index_cast %add3A_347 : i32 to index
        %swap3A_507 = arith.constant 32 : index
        %swap3A_508 = tpu.vector_load %arg15[%swap3A_506, %swap3A_507] {strides = array<i32>} : memref<64x128xf32, #tpu.memory_space<vmem>>, vector<16xf32>,
        tpu.vector_store %arg15[%swap3A_506, %swap3A_507], %select_n3A_499 {strides = array<i32>} : memref<64x128xf32, #tpu.memory_space<vmem>>, vector<16xf32>,
        %swap3A_509 = arith.index_cast %add3A_347 : i32 to index
        %swap3A_510 = arith.constant 48 : index
        %swap3A_511 = tpu.vector_load %arg15[%swap3A_509, %swap3A_510] {strides = array<i32>} : memref<64x128xf32, #tpu.memory_space<vmem>>, vector<16xf32>,
        tpu.vector_store %arg15[%swap3A_509, %swap3A_510], %select_n3A_499 {strides = array<i32>} : memref<64x128xf32, #tpu.memory_space<vmem>>, vector<16xf32>,
        %swap3A_512 = arith.index_cast %add3A_347 : i32 to index
        %swap3A_513 = arith.constant 64 : index
        %swap3A_514 = tpu.vector_load %arg15[%swap3A_512, %swap3A_513] {strides = array<i32>} : memref<64x128xf32, #tpu.memory_space<vmem>>, vector<16xf32>,
        tpu.vector_store %arg15[%swap3A_512, %swap3A_513], %select_n3A_499 {strides = array<i32>} : memref<64x128xf32, #tpu.memory_space<vmem>>, vector<16xf32>,
        %swap3A_515 = arith.index_cast %add3A_347 : i32 to index
        %swap3A_516 = arith.constant 80 : index
        %swap3A_517 = tpu.vector_load %arg15[%swap3A_515, %swap3A_516] {strides = array<i32>} : memref<64x128xf32, #tpu.memory_space<vmem>>, vector<16xf32>,
        tpu.vector_store %arg15[%swap3A_515, %swap3A_516], %select_n3A_499 {strides = array<i32>} : memref<64x128xf32, #tpu.memory_space<vmem>>, vector<16xf32>,
        %swap3A_518 = arith.index_cast %add3A_347 : i32 to index
        %swap3A_519 = arith.constant 96 : index
        %swap3A_520 = tpu.vector_load %arg15[%swap3A_518, %swap3A_519] {strides = array<i32>} : memref<64x128xf32, #tpu.memory_space<vmem>>, vector<16xf32>,
        tpu.vector_store %arg15[%swap3A_518, %swap3A_519], %select_n3A_499 {strides = array<i32>} : memref<64x128xf32, #tpu.memory_space<vmem>>, vector<16xf32>,
        %swap3A_521 = arith.index_cast %add3A_347 : i32 to index
        %swap3A_522 = arith.constant 112 : index
        %swap3A_523 = tpu.vector_load %arg15[%swap3A_521, %swap3A_522] {strides = array<i32>} : memref<64x128xf32, #tpu.memory_space<vmem>>, vector<16xf32>,
        tpu.vector_store %arg15[%swap3A_521, %swap3A_522], %select_n3A_499 {strides = array<i32>} : memref<64x128xf32, #tpu.memory_space<vmem>>, vector<16xf32>,
      }
      %scan3A_156 = arith.constant 32 : i32
      %dma_start3A_157 = arith.constant 0 : i32
      %dma_start3A_158 = arith.constant 0 : i32
      %dma_start3A_159 = tpu.memref_slice %arg16[%dma_start3A_157, %dma_start3A_158] : memref<3072x128xf32, #tpu.memory_space<vmem_shared>> -> memref<3072x128xf32, #tpu.memory_space<vmem_shared>>
      tpu.enqueue_indirect_dma source(%arg14 : memref<64x128xf32, #tpu.memory_space<vmem>>) target(%dma_start3A_159 : memref<3072x128xf32, #tpu.memory_space<vmem_shared>>) offsets(%arg9 : memref<64xi32, #tpu.memory_space<vmem>>) semaphore(%arg18 : memref<!tpu.dma_semaphore, #tpu.memory_space<semaphore_mem>>) {add = true}
      %dma_start3A_160 = arith.constant 0 : i32
      %dma_start3A_161 = arith.constant 0 : i32
      %dma_start3A_162 = tpu.memref_slice %arg17[%dma_start3A_160, %dma_start3A_161] : memref<3072x128xf32, #tpu.memory_space<vmem_shared>> -> memref<3072x128xf32, #tpu.memory_space<vmem_shared>>
      tpu.enqueue_indirect_dma source(%arg15 : memref<64x128xf32, #tpu.memory_space<vmem>>) target(%dma_start3A_162 : memref<3072x128xf32, #tpu.memory_space<vmem_shared>>) offsets(%arg9 : memref<64xi32, #tpu.memory_space<vmem>>) semaphore(%arg19 : memref<!tpu.dma_semaphore, #tpu.memory_space<semaphore_mem>>) {add = true}
      %dma_wait3A_163 = arith.constant 0 : i32
      %dma_wait3A_164 = arith.constant 0 : i32
      %dma_wait3A_165 = tpu.memref_slice %arg16[%dma_wait3A_163, %dma_wait3A_164] : memref<3072x128xf32, #tpu.memory_space<vmem_shared>> -> memref<3072x128xf32, #tpu.memory_space<vmem_shared>>
      tpu.wait_indirect_dma semaphore(%arg18 : memref<!tpu.dma_semaphore, #tpu.memory_space<semaphore_mem>>) src(%arg14 : memref<64x128xf32, #tpu.memory_space<vmem>>) dst(%dma_wait3A_165 : memref<3072x128xf32, #tpu.memory_space<vmem_shared>>)
      %dma_wait3A_166 = arith.constant 0 : i32
      %dma_wait3A_167 = arith.constant 0 : i32
      %dma_wait3A_168 = tpu.memref_slice %arg17[%dma_wait3A_166, %dma_wait3A_167] : memref<3072x128xf32, #tpu.memory_space<vmem_shared>> -> memref<3072x128xf32, #tpu.memory_space<vmem_shared>>
      tpu.wait_indirect_dma semaphore(%arg19 : memref<!tpu.dma_semaphore, #tpu.memory_space<semaphore_mem>>) src(%arg15 : memref<64x128xf32, #tpu.memory_space<vmem>>) dst(%dma_wait3A_168 : memref<3072x128xf32, #tpu.memory_space<vmem_shared>>)
    }
    %scan3A_76 = arith.constant 160 : i32
    %barrier3A_77 = arith.constant 0 : index
    tpu.barrier barrier_id(%barrier3A_77)
    %scan3A_78 = arith.constant 0 : i32
    %scan3A_79 = arith.constant 0 : i32
    %scan3A_80 = arith.constant 3 : i32
    %scan3A_81 = arith.addi %scan3A_79, %scan3A_80 : i32
    %scan3A_82 = arith.constant 1 : i32
    scf.for %scan3A_112 = %scan3A_79 to %scan3A_81 step %scan3A_82  : i32 {
      %mul3A_113 = arith.constant 64 : i32
      %mul3A_114 = arith.muli %scan3A_112, %mul3A_113 : i32
      %add3A = arith.addi %mul3A_5, %mul3A_114 : i32
      "tpu.region"() ({
        %run_scoped3A = tpu.sem_alloc : memref<!tpu.dma_semaphore, #tpu.memory_space<semaphore_mem>>
        %dma_start3A = arith.constant 0 : i32
        %dma_start3A_128 = tpu.memref_slice %arg16[%add3A, %dma_start3A] : memref<3072x128xf32, #tpu.memory_space<vmem_shared>> -> memref<64x128xf32, #tpu.memory_space<vmem_shared>>
        %dma_start3A_129 = arith.constant 0 : i32
        %dma_start3A_130 = tpu.memref_slice %arg16[%add3A, %dma_start3A_129] : memref<3072x128xf32, #tpu.memory_space<vmem_shared>> -> memref<64x128xf32, #tpu.memory_space<vmem_shared>>
        tpu.enqueue_dma source(%dma_start3A_130 : memref<64x128xf32, #tpu.memory_space<vmem_shared>>) target(%arg12 : memref<64x128xf32, #tpu.memory_space<vmem>>) target_semaphore(%run_scoped3A : memref<!tpu.dma_semaphore, #tpu.memory_space<semaphore_mem>>)
        %dma_wait3A = arith.constant 0 : i32
        %dma_wait3A_131 = tpu.memref_slice %arg16[%add3A, %dma_wait3A] : memref<3072x128xf32, #tpu.memory_space<vmem_shared>> -> memref<64x128xf32, #tpu.memory_space<vmem_shared>>
        %dma_wait3A_132 = arith.constant 0 : i32
        %dma_wait3A_133 = tpu.memref_slice %arg16[%add3A, %dma_wait3A_132] : memref<3072x128xf32, #tpu.memory_space<vmem_shared>> -> memref<64x128xf32, #tpu.memory_space<vmem_shared>>
        tpu.wait_dma2 semaphore(%run_scoped3A : memref<!tpu.dma_semaphore, #tpu.memory_space<semaphore_mem>>) src(%dma_wait3A_133 : memref<64x128xf32, #tpu.memory_space<vmem_shared>>) dst(%arg12 : memref<64x128xf32, #tpu.memory_space<vmem>>)
        tpu.yield
      }) : () -> ()
      "tpu.region"() ({
        %run_scoped3A = tpu.sem_alloc : memref<!tpu.dma_semaphore, #tpu.memory_space<semaphore_mem>>
        %dma_start3A = arith.constant 0 : i32
        %dma_start3A_128 = tpu.memref_slice %arg17[%add3A, %dma_start3A] : memref<3072x128xf32, #tpu.memory_space<vmem_shared>> -> memref<64x128xf32, #tpu.memory_space<vmem_shared>>
        %dma_start3A_129 = arith.constant 0 : i32
        %dma_start3A_130 = tpu.memref_slice %arg17[%add3A, %dma_start3A_129] : memref<3072x128xf32, #tpu.memory_space<vmem_shared>> -> memref<64x128xf32, #tpu.memory_space<vmem_shared>>
        tpu.enqueue_dma source(%dma_start3A_130 : memref<64x128xf32, #tpu.memory_space<vmem_shared>>) target(%arg15 : memref<64x128xf32, #tpu.memory_space<vmem>>) target_semaphore(%run_scoped3A : memref<!tpu.dma_semaphore, #tpu.memory_space<semaphore_mem>>)
        %dma_wait3A = arith.constant 0 : i32
        %dma_wait3A_131 = tpu.memref_slice %arg17[%add3A, %dma_wait3A] : memref<3072x128xf32, #tpu.memory_space<vmem_shared>> -> memref<64x128xf32, #tpu.memory_space<vmem_shared>>
        %dma_wait3A_132 = arith.constant 0 : i32
        %dma_wait3A_133 = tpu.memref_slice %arg17[%add3A, %dma_wait3A_132] : memref<3072x128xf32, #tpu.memory_space<vmem_shared>> -> memref<64x128xf32, #tpu.memory_space<vmem_shared>>
        tpu.wait_dma2 semaphore(%run_scoped3A : memref<!tpu.dma_semaphore, #tpu.memory_space<semaphore_mem>>) src(%dma_wait3A_133 : memref<64x128xf32, #tpu.memory_space<vmem_shared>>) dst(%arg15 : memref<64x128xf32, #tpu.memory_space<vmem>>)
        tpu.yield
      }) : () -> ()
      %scan3A_115 = arith.constant 0 : i32
      %scan3A_116 = arith.constant 0 : i32
      %scan3A_117 = arith.constant 64 : i32
      %scan3A_118 = arith.addi %scan3A_116, %scan3A_117 : i32
      %scan3A_119 = arith.constant 1 : i32
      scf.for %scan3A_128 = %scan3A_116 to %scan3A_118 step %scan3A_119  : i32 {
        %get3A = arith.index_cast %scan3A_128 : i32 to index
        %get3A_129 = arith.constant 0 : index
        %get3A_130 = tpu.vector_load %arg15[%get3A, %get3A_129] {strides = array<i32>} : memref<64x128xf32, #tpu.memory_space<vmem>>, vector<16xf32>,
        %eq3A = arith.constant 0.000000e+00 : f32
        %eq3A_131 = vector.broadcast %eq3A : f32 to vector<16xf32>
        %eq3A_132 = arith.cmpf oeq, %get3A_130, %eq3A_131 : vector<16xf32>
        %jit3A = arith.constant 1.000000e+00 : f32
        %broadcast_in_dim3A_133 = vector.broadcast %jit3A : f32 to vector<16xf32>
        %select_n3A = arith.select %eq3A_132, %broadcast_in_dim3A_133, %get3A_130 : vector<16xi1>, vector<16xf32>
        %div3A = arith.constant 1.000000e+00 : f32
        %div3A_134 = vector.broadcast %div3A : f32 to vector<16xf32>
        %div3A_135 = arith.divf %div3A_134, %select_n3A : vector<16xf32>
        %eq3A_136 = arith.constant 0 : i32
        %eq3A_137 = vector.broadcast %eq3A_136 : i32 to vector<16xi32>
        %eq3A_138 = arith.cmpi eq, %and3A_2, %eq3A_137 : vector<16xi32>
        %jit3A_139 = arith.constant 0.000000e+00 : f32
        %broadcast_in_dim3A_140 = vector.broadcast %jit3A_139 : f32 to vector<16xf32>
        %select_n3A_141 = arith.select %eq3A_138, %div3A_135, %broadcast_in_dim3A_140 : vector<16xi1>, vector<16xf32>
        %reduce_max3A = arith.constant true
        %reduce_max3A_142 = vector.broadcast %reduce_max3A : i1 to vector<16xi1>
        %reduce_max3A_143 = tpu.scan <max>, %select_n3A_141 masked %reduce_max3A_142 : vector<16xf32>, vector<16xi1> -> vector<16xf32>
        %reduce_max3A_144 = vector.extract %reduce_max3A_143[15] : f32 from vector<16xf32>
        %broadcast_in_dim3A_145 = vector.broadcast %reduce_max3A_144 : f32 to vector<16xf32>
        %get3A_146 = arith.index_cast %scan3A_128 : i32 to index
        %get3A_147 = arith.constant 0 : index
        %get3A_148 = tpu.vector_load %arg12[%get3A_146, %get3A_147] {strides = array<i32>} : memref<64x128xf32, #tpu.memory_space<vmem>>, vector<16xf32>,
        %mul3A_149 = arith.mulf %get3A_148, %broadcast_in_dim3A_145 : vector<16xf32>
        %swap3A = arith.index_cast %scan3A_128 : i32 to index
        %swap3A_150 = arith.constant 0 : index
        %swap3A_151 = tpu.vector_load %arg12[%swap3A, %swap3A_150] {strides = array<i32>} : memref<64x128xf32, #tpu.memory_space<vmem>>, vector<16xf32>,
        tpu.vector_store %arg12[%swap3A, %swap3A_150], %mul3A_149 {strides = array<i32>} : memref<64x128xf32, #tpu.memory_space<vmem>>, vector<16xf32>,
        %get3A_152 = arith.index_cast %scan3A_128 : i32 to index
        %get3A_153 = arith.constant 16 : index
        %get3A_154 = tpu.vector_load %arg12[%get3A_152, %get3A_153] {strides = array<i32>} : memref<64x128xf32, #tpu.memory_space<vmem>>, vector<16xf32>,
        %mul3A_155 = arith.mulf %get3A_154, %broadcast_in_dim3A_145 : vector<16xf32>
        %swap3A_156 = arith.index_cast %scan3A_128 : i32 to index
        %swap3A_157 = arith.constant 16 : index
        %swap3A_158 = tpu.vector_load %arg12[%swap3A_156, %swap3A_157] {strides = array<i32>} : memref<64x128xf32, #tpu.memory_space<vmem>>, vector<16xf32>,
        tpu.vector_store %arg12[%swap3A_156, %swap3A_157], %mul3A_155 {strides = array<i32>} : memref<64x128xf32, #tpu.memory_space<vmem>>, vector<16xf32>,
        %eq3A_159 = arith.constant 1 : i32
        %eq3A_160 = vector.broadcast %eq3A_159 : i32 to vector<16xi32>
        %eq3A_161 = arith.cmpi eq, %and3A_2, %eq3A_160 : vector<16xi32>
        %jit3A_162 = arith.constant 0.000000e+00 : f32
        %broadcast_in_dim3A_163 = vector.broadcast %jit3A_162 : f32 to vector<16xf32>
        %select_n3A_164 = arith.select %eq3A_161, %div3A_135, %broadcast_in_dim3A_163 : vector<16xi1>, vector<16xf32>
        %reduce_max3A_165 = arith.constant true
        %reduce_max3A_166 = vector.broadcast %reduce_max3A_165 : i1 to vector<16xi1>
        %reduce_max3A_167 = tpu.scan <max>, %select_n3A_164 masked %reduce_max3A_166 : vector<16xf32>, vector<16xi1> -> vector<16xf32>
        %reduce_max3A_168 = vector.extract %reduce_max3A_167[15] : f32 from vector<16xf32>
        %broadcast_in_dim3A_169 = vector.broadcast %reduce_max3A_168 : f32 to vector<16xf32>
        %get3A_170 = arith.index_cast %scan3A_128 : i32 to index
        %get3A_171 = arith.constant 32 : index
        %get3A_172 = tpu.vector_load %arg12[%get3A_170, %get3A_171] {strides = array<i32>} : memref<64x128xf32, #tpu.memory_space<vmem>>, vector<16xf32>,
        %mul3A_173 = arith.mulf %get3A_172, %broadcast_in_dim3A_169 : vector<16xf32>
        %swap3A_174 = arith.index_cast %scan3A_128 : i32 to index
        %swap3A_175 = arith.constant 32 : index
        %swap3A_176 = tpu.vector_load %arg12[%swap3A_174, %swap3A_175] {strides = array<i32>} : memref<64x128xf32, #tpu.memory_space<vmem>>, vector<16xf32>,
        tpu.vector_store %arg12[%swap3A_174, %swap3A_175], %mul3A_173 {strides = array<i32>} : memref<64x128xf32, #tpu.memory_space<vmem>>, vector<16xf32>,
        %get3A_177 = arith.index_cast %scan3A_128 : i32 to index
        %get3A_178 = arith.constant 48 : index
        %get3A_179 = tpu.vector_load %arg12[%get3A_177, %get3A_178] {strides = array<i32>} : memref<64x128xf32, #tpu.memory_space<vmem>>, vector<16xf32>,
        %mul3A_180 = arith.mulf %get3A_179, %broadcast_in_dim3A_169 : vector<16xf32>
        %swap3A_181 = arith.index_cast %scan3A_128 : i32 to index
        %swap3A_182 = arith.constant 48 : index
        %swap3A_183 = tpu.vector_load %arg12[%swap3A_181, %swap3A_182] {strides = array<i32>} : memref<64x128xf32, #tpu.memory_space<vmem>>, vector<16xf32>,
        tpu.vector_store %arg12[%swap3A_181, %swap3A_182], %mul3A_180 {strides = array<i32>} : memref<64x128xf32, #tpu.memory_space<vmem>>, vector<16xf32>,
        %eq3A_184 = arith.constant 2 : i32
        %eq3A_185 = vector.broadcast %eq3A_184 : i32 to vector<16xi32>
        %eq3A_186 = arith.cmpi eq, %and3A_2, %eq3A_185 : vector<16xi32>
        %jit3A_187 = arith.constant 0.000000e+00 : f32
        %broadcast_in_dim3A_188 = vector.broadcast %jit3A_187 : f32 to vector<16xf32>
        %select_n3A_189 = arith.select %eq3A_186, %div3A_135, %broadcast_in_dim3A_188 : vector<16xi1>, vector<16xf32>
        %reduce_max3A_190 = arith.constant true
        %reduce_max3A_191 = vector.broadcast %reduce_max3A_190 : i1 to vector<16xi1>
        %reduce_max3A_192 = tpu.scan <max>, %select_n3A_189 masked %reduce_max3A_191 : vector<16xf32>, vector<16xi1> -> vector<16xf32>
        %reduce_max3A_193 = vector.extract %reduce_max3A_192[15] : f32 from vector<16xf32>
        %broadcast_in_dim3A_194 = vector.broadcast %reduce_max3A_193 : f32 to vector<16xf32>
        %get3A_195 = arith.index_cast %scan3A_128 : i32 to index
        %get3A_196 = arith.constant 64 : index
        %get3A_197 = tpu.vector_load %arg12[%get3A_195, %get3A_196] {strides = array<i32>} : memref<64x128xf32, #tpu.memory_space<vmem>>, vector<16xf32>,
        %mul3A_198 = arith.mulf %get3A_197, %broadcast_in_dim3A_194 : vector<16xf32>
        %swap3A_199 = arith.index_cast %scan3A_128 : i32 to index
        %swap3A_200 = arith.constant 64 : index
        %swap3A_201 = tpu.vector_load %arg12[%swap3A_199, %swap3A_200] {strides = array<i32>} : memref<64x128xf32, #tpu.memory_space<vmem>>, vector<16xf32>,
        tpu.vector_store %arg12[%swap3A_199, %swap3A_200], %mul3A_198 {strides = array<i32>} : memref<64x128xf32, #tpu.memory_space<vmem>>, vector<16xf32>,
        %get3A_202 = arith.index_cast %scan3A_128 : i32 to index
        %get3A_203 = arith.constant 80 : index
        %get3A_204 = tpu.vector_load %arg12[%get3A_202, %get3A_203] {strides = array<i32>} : memref<64x128xf32, #tpu.memory_space<vmem>>, vector<16xf32>,
        %mul3A_205 = arith.mulf %get3A_204, %broadcast_in_dim3A_194 : vector<16xf32>
        %swap3A_206 = arith.index_cast %scan3A_128 : i32 to index
        %swap3A_207 = arith.constant 80 : index
        %swap3A_208 = tpu.vector_load %arg12[%swap3A_206, %swap3A_207] {strides = array<i32>} : memref<64x128xf32, #tpu.memory_space<vmem>>, vector<16xf32>,
        tpu.vector_store %arg12[%swap3A_206, %swap3A_207], %mul3A_205 {strides = array<i32>} : memref<64x128xf32, #tpu.memory_space<vmem>>, vector<16xf32>,
        %eq3A_209 = arith.constant 3 : i32
        %eq3A_210 = vector.broadcast %eq3A_209 : i32 to vector<16xi32>
        %eq3A_211 = arith.cmpi eq, %and3A_2, %eq3A_210 : vector<16xi32>
        %jit3A_212 = arith.constant 0.000000e+00 : f32
        %broadcast_in_dim3A_213 = vector.broadcast %jit3A_212 : f32 to vector<16xf32>
        %select_n3A_214 = arith.select %eq3A_211, %div3A_135, %broadcast_in_dim3A_213 : vector<16xi1>, vector<16xf32>
        %reduce_max3A_215 = arith.constant true
        %reduce_max3A_216 = vector.broadcast %reduce_max3A_215 : i1 to vector<16xi1>
        %reduce_max3A_217 = tpu.scan <max>, %select_n3A_214 masked %reduce_max3A_216 : vector<16xf32>, vector<16xi1> -> vector<16xf32>
        %reduce_max3A_218 = vector.extract %reduce_max3A_217[15] : f32 from vector<16xf32>
        %broadcast_in_dim3A_219 = vector.broadcast %reduce_max3A_218 : f32 to vector<16xf32>
        %get3A_220 = arith.index_cast %scan3A_128 : i32 to index
        %get3A_221 = arith.constant 96 : index
        %get3A_222 = tpu.vector_load %arg12[%get3A_220, %get3A_221] {strides = array<i32>} : memref<64x128xf32, #tpu.memory_space<vmem>>, vector<16xf32>,
        %mul3A_223 = arith.mulf %get3A_222, %broadcast_in_dim3A_219 : vector<16xf32>
        %swap3A_224 = arith.index_cast %scan3A_128 : i32 to index
        %swap3A_225 = arith.constant 96 : index
        %swap3A_226 = tpu.vector_load %arg12[%swap3A_224, %swap3A_225] {strides = array<i32>} : memref<64x128xf32, #tpu.memory_space<vmem>>, vector<16xf32>,
        tpu.vector_store %arg12[%swap3A_224, %swap3A_225], %mul3A_223 {strides = array<i32>} : memref<64x128xf32, #tpu.memory_space<vmem>>, vector<16xf32>,
        %get3A_227 = arith.index_cast %scan3A_128 : i32 to index
        %get3A_228 = arith.constant 112 : index
        %get3A_229 = tpu.vector_load %arg12[%get3A_227, %get3A_228] {strides = array<i32>} : memref<64x128xf32, #tpu.memory_space<vmem>>, vector<16xf32>,
        %mul3A_230 = arith.mulf %get3A_229, %broadcast_in_dim3A_219 : vector<16xf32>
        %swap3A_231 = arith.index_cast %scan3A_128 : i32 to index
        %swap3A_232 = arith.constant 112 : index
        %swap3A_233 = tpu.vector_load %arg12[%swap3A_231, %swap3A_232] {strides = array<i32>} : memref<64x128xf32, #tpu.memory_space<vmem>>, vector<16xf32>,
        tpu.vector_store %arg12[%swap3A_231, %swap3A_232], %mul3A_230 {strides = array<i32>} : memref<64x128xf32, #tpu.memory_space<vmem>>, vector<16xf32>,
      }
      %scan3A_120 = arith.constant 64 : i32
      %mul3A_121 = arith.constant 4 : i32
      %mul3A_122 = arith.muli %mul3A_121, %arg0 : i32
      %add3A_123 = arith.constant 2 : i32
      %add3A_124 = arith.addi %mul3A_122, %add3A_123 : i32
      %mul3A_125 = arith.constant 3072 : i32
      %mul3A_126 = arith.muli %add3A_124, %mul3A_125 : i32
      %add3A_127 = arith.addi %mul3A_126, %add3A : i32
      "tpu.region"() ({
        %run_scoped3A = tpu.sem_alloc : memref<!tpu.dma_semaphore, #tpu.memory_space<semaphore_mem>>
        %dma_start3A = arith.constant 0 : i32
        %dma_start3A_128 = tpu.memref_slice %arg8[%add3A_127, %dma_start3A] : memref<24576x128xf32, #tpu.memory_space<hbm>> -> memref<64x128xf32, #tpu.memory_space<hbm>>
        %dma_start3A_129 = arith.constant 0 : i32
        %dma_start3A_130 = tpu.memref_slice %arg8[%add3A_127, %dma_start3A_129] : memref<24576x128xf32, #tpu.memory_space<hbm>> -> memref<64x128xf32, #tpu.memory_space<hbm>>
        tpu.enqueue_dma source(%arg12 : memref<64x128xf32, #tpu.memory_space<vmem>>) target(%dma_start3A_130 : memref<64x128xf32, #tpu.memory_space<hbm>>) target_semaphore(%run_scoped3A : memref<!tpu.dma_semaphore, #tpu.memory_space<semaphore_mem>>)
        %dma_wait3A = arith.constant 0 : i32
        %dma_wait3A_131 = tpu.memref_slice %arg8[%add3A_127, %dma_wait3A] : memref<24576x128xf32, #tpu.memory_space<hbm>> -> memref<64x128xf32, #tpu.memory_space<hbm>>
        %dma_wait3A_132 = arith.constant 0 : i32
        %dma_wait3A_133 = tpu.memref_slice %arg8[%add3A_127, %dma_wait3A_132] : memref<24576x128xf32, #tpu.memory_space<hbm>> -> memref<64x128xf32, #tpu.memory_space<hbm>>
        tpu.wait_dma2 semaphore(%run_scoped3A : memref<!tpu.dma_semaphore, #tpu.memory_space<semaphore_mem>>) src(%arg12 : memref<64x128xf32, #tpu.memory_space<vmem>>) dst(%dma_wait3A_133 : memref<64x128xf32, #tpu.memory_space<hbm>>)
        tpu.yield
      }) : () -> ()
    }
    %scan3A_83 = arith.constant 3 : i32
    %barrier3A_84 = arith.constant 0 : index
    tpu.barrier barrier_id(%barrier3A_84)
    %scan3A_85 = arith.constant 0 : i32
    %scan3A_86 = arith.constant 0 : i32
    %scan3A_87 = arith.constant 64 : i32
    %scan3A_88 = arith.addi %scan3A_86, %scan3A_87 : i32
    %scan3A_89 = arith.constant 1 : i32
    scf.for %scan3A_112 = %scan3A_86 to %scan3A_88 step %scan3A_89  : i32 {
      %swap3A = arith.index_cast %scan3A_112 : i32 to index
      %swap3A_113 = arith.constant 0 : index
      %swap3A_114 = tpu.vector_load %arg14[%swap3A, %swap3A_113] {strides = array<i32>} : memref<64x128xf32, #tpu.memory_space<vmem>>, vector<16xf32>,
      tpu.vector_store %arg14[%swap3A, %swap3A_113], %broadcast_in_dim3A_0 {strides = array<i32>} : memref<64x128xf32, #tpu.memory_space<vmem>>, vector<16xf32>,
      %swap3A_115 = arith.index_cast %scan3A_112 : i32 to index
      %swap3A_116 = arith.constant 0 : index
      %swap3A_117 = tpu.vector_load %arg15[%swap3A_115, %swap3A_116] {strides = array<i32>} : memref<64x128xf32, #tpu.memory_space<vmem>>, vector<16xf32>,
      tpu.vector_store %arg15[%swap3A_115, %swap3A_116], %broadcast_in_dim3A_0 {strides = array<i32>} : memref<64x128xf32, #tpu.memory_space<vmem>>, vector<16xf32>,
      %swap3A_118 = arith.index_cast %scan3A_112 : i32 to index
      %swap3A_119 = arith.constant 16 : index
      %swap3A_120 = tpu.vector_load %arg14[%swap3A_118, %swap3A_119] {strides = array<i32>} : memref<64x128xf32, #tpu.memory_space<vmem>>, vector<16xf32>,
      tpu.vector_store %arg14[%swap3A_118, %swap3A_119], %broadcast_in_dim3A_0 {strides = array<i32>} : memref<64x128xf32, #tpu.memory_space<vmem>>, vector<16xf32>,
      %swap3A_121 = arith.index_cast %scan3A_112 : i32 to index
      %swap3A_122 = arith.constant 16 : index
      %swap3A_123 = tpu.vector_load %arg15[%swap3A_121, %swap3A_122] {strides = array<i32>} : memref<64x128xf32, #tpu.memory_space<vmem>>, vector<16xf32>,
      tpu.vector_store %arg15[%swap3A_121, %swap3A_122], %broadcast_in_dim3A_0 {strides = array<i32>} : memref<64x128xf32, #tpu.memory_space<vmem>>, vector<16xf32>,
      %swap3A_124 = arith.index_cast %scan3A_112 : i32 to index
      %swap3A_125 = arith.constant 32 : index
      %swap3A_126 = tpu.vector_load %arg14[%swap3A_124, %swap3A_125] {strides = array<i32>} : memref<64x128xf32, #tpu.memory_space<vmem>>, vector<16xf32>,
      tpu.vector_store %arg14[%swap3A_124, %swap3A_125], %broadcast_in_dim3A_0 {strides = array<i32>} : memref<64x128xf32, #tpu.memory_space<vmem>>, vector<16xf32>,
      %swap3A_127 = arith.index_cast %scan3A_112 : i32 to index
      %swap3A_128 = arith.constant 32 : index
      %swap3A_129 = tpu.vector_load %arg15[%swap3A_127, %swap3A_128] {strides = array<i32>} : memref<64x128xf32, #tpu.memory_space<vmem>>, vector<16xf32>,
      tpu.vector_store %arg15[%swap3A_127, %swap3A_128], %broadcast_in_dim3A_0 {strides = array<i32>} : memref<64x128xf32, #tpu.memory_space<vmem>>, vector<16xf32>,
      %swap3A_130 = arith.index_cast %scan3A_112 : i32 to index
      %swap3A_131 = arith.constant 48 : index
      %swap3A_132 = tpu.vector_load %arg14[%swap3A_130, %swap3A_131] {strides = array<i32>} : memref<64x128xf32, #tpu.memory_space<vmem>>, vector<16xf32>,
      tpu.vector_store %arg14[%swap3A_130, %swap3A_131], %broadcast_in_dim3A_0 {strides = array<i32>} : memref<64x128xf32, #tpu.memory_space<vmem>>, vector<16xf32>,
      %swap3A_133 = arith.index_cast %scan3A_112 : i32 to index
      %swap3A_134 = arith.constant 48 : index
      %swap3A_135 = tpu.vector_load %arg15[%swap3A_133, %swap3A_134] {strides = array<i32>} : memref<64x128xf32, #tpu.memory_space<vmem>>, vector<16xf32>,
      tpu.vector_store %arg15[%swap3A_133, %swap3A_134], %broadcast_in_dim3A_0 {strides = array<i32>} : memref<64x128xf32, #tpu.memory_space<vmem>>, vector<16xf32>,
      %swap3A_136 = arith.index_cast %scan3A_112 : i32 to index
      %swap3A_137 = arith.constant 64 : index
      %swap3A_138 = tpu.vector_load %arg14[%swap3A_136, %swap3A_137] {strides = array<i32>} : memref<64x128xf32, #tpu.memory_space<vmem>>, vector<16xf32>,
      tpu.vector_store %arg14[%swap3A_136, %swap3A_137], %broadcast_in_dim3A_0 {strides = array<i32>} : memref<64x128xf32, #tpu.memory_space<vmem>>, vector<16xf32>,
      %swap3A_139 = arith.index_cast %scan3A_112 : i32 to index
      %swap3A_140 = arith.constant 64 : index
      %swap3A_141 = tpu.vector_load %arg15[%swap3A_139, %swap3A_140] {strides = array<i32>} : memref<64x128xf32, #tpu.memory_space<vmem>>, vector<16xf32>,
      tpu.vector_store %arg15[%swap3A_139, %swap3A_140], %broadcast_in_dim3A_0 {strides = array<i32>} : memref<64x128xf32, #tpu.memory_space<vmem>>, vector<16xf32>,
      %swap3A_142 = arith.index_cast %scan3A_112 : i32 to index
      %swap3A_143 = arith.constant 80 : index
      %swap3A_144 = tpu.vector_load %arg14[%swap3A_142, %swap3A_143] {strides = array<i32>} : memref<64x128xf32, #tpu.memory_space<vmem>>, vector<16xf32>,
      tpu.vector_store %arg14[%swap3A_142, %swap3A_143], %broadcast_in_dim3A_0 {strides = array<i32>} : memref<64x128xf32, #tpu.memory_space<vmem>>, vector<16xf32>,
      %swap3A_145 = arith.index_cast %scan3A_112 : i32 to index
      %swap3A_146 = arith.constant 80 : index
      %swap3A_147 = tpu.vector_load %arg15[%swap3A_145, %swap3A_146] {strides = array<i32>} : memref<64x128xf32, #tpu.memory_space<vmem>>, vector<16xf32>,
      tpu.vector_store %arg15[%swap3A_145, %swap3A_146], %broadcast_in_dim3A_0 {strides = array<i32>} : memref<64x128xf32, #tpu.memory_space<vmem>>, vector<16xf32>,
      %swap3A_148 = arith.index_cast %scan3A_112 : i32 to index
      %swap3A_149 = arith.constant 96 : index
      %swap3A_150 = tpu.vector_load %arg14[%swap3A_148, %swap3A_149] {strides = array<i32>} : memref<64x128xf32, #tpu.memory_space<vmem>>, vector<16xf32>,
      tpu.vector_store %arg14[%swap3A_148, %swap3A_149], %broadcast_in_dim3A_0 {strides = array<i32>} : memref<64x128xf32, #tpu.memory_space<vmem>>, vector<16xf32>,
      %swap3A_151 = arith.index_cast %scan3A_112 : i32 to index
      %swap3A_152 = arith.constant 96 : index
      %swap3A_153 = tpu.vector_load %arg15[%swap3A_151, %swap3A_152] {strides = array<i32>} : memref<64x128xf32, #tpu.memory_space<vmem>>, vector<16xf32>,
      tpu.vector_store %arg15[%swap3A_151, %swap3A_152], %broadcast_in_dim3A_0 {strides = array<i32>} : memref<64x128xf32, #tpu.memory_space<vmem>>, vector<16xf32>,
      %swap3A_154 = arith.index_cast %scan3A_112 : i32 to index
      %swap3A_155 = arith.constant 112 : index
      %swap3A_156 = tpu.vector_load %arg14[%swap3A_154, %swap3A_155] {strides = array<i32>} : memref<64x128xf32, #tpu.memory_space<vmem>>, vector<16xf32>,
      tpu.vector_store %arg14[%swap3A_154, %swap3A_155], %broadcast_in_dim3A_0 {strides = array<i32>} : memref<64x128xf32, #tpu.memory_space<vmem>>, vector<16xf32>,
      %swap3A_157 = arith.index_cast %scan3A_112 : i32 to index
      %swap3A_158 = arith.constant 112 : index
      %swap3A_159 = tpu.vector_load %arg15[%swap3A_157, %swap3A_158] {strides = array<i32>} : memref<64x128xf32, #tpu.memory_space<vmem>>, vector<16xf32>,
      tpu.vector_store %arg15[%swap3A_157, %swap3A_158], %broadcast_in_dim3A_0 {strides = array<i32>} : memref<64x128xf32, #tpu.memory_space<vmem>>, vector<16xf32>,
    }
    %scan3A_90 = arith.constant 64 : i32
    %scan3A_91 = arith.constant 0 : i32
    %scan3A_92 = arith.constant 0 : i32
    %scan3A_93 = arith.constant 3 : i32
    %scan3A_94 = arith.addi %scan3A_92, %scan3A_93 : i32
    %scan3A_95 = arith.constant 1 : i32
    scf.for %scan3A_112 = %scan3A_92 to %scan3A_94 step %scan3A_95  : i32 {
      %mul3A_113 = arith.constant 64 : i32
      %mul3A_114 = arith.muli %scan3A_112, %mul3A_113 : i32
      %add3A = arith.addi %mul3A_5, %mul3A_114 : i32
      "tpu.region"() ({
        %run_scoped3A = tpu.sem_alloc : memref<!tpu.dma_semaphore, #tpu.memory_space<semaphore_mem>>
        %dma_start3A = arith.constant 0 : i32
        %dma_start3A_115 = tpu.memref_slice %arg16[%add3A, %dma_start3A] : memref<3072x128xf32, #tpu.memory_space<vmem_shared>> -> memref<64x128xf32, #tpu.memory_space<vmem_shared>>
        %dma_start3A_116 = arith.constant 0 : i32
        %dma_start3A_117 = tpu.memref_slice %arg16[%add3A, %dma_start3A_116] : memref<3072x128xf32, #tpu.memory_space<vmem_shared>> -> memref<64x128xf32, #tpu.memory_space<vmem_shared>>
        tpu.enqueue_dma source(%arg14 : memref<64x128xf32, #tpu.memory_space<vmem>>) target(%dma_start3A_117 : memref<64x128xf32, #tpu.memory_space<vmem_shared>>) target_semaphore(%run_scoped3A : memref<!tpu.dma_semaphore, #tpu.memory_space<semaphore_mem>>)
        %dma_wait3A = arith.constant 0 : i32
        %dma_wait3A_118 = tpu.memref_slice %arg16[%add3A, %dma_wait3A] : memref<3072x128xf32, #tpu.memory_space<vmem_shared>> -> memref<64x128xf32, #tpu.memory_space<vmem_shared>>
        %dma_wait3A_119 = arith.constant 0 : i32
        %dma_wait3A_120 = tpu.memref_slice %arg16[%add3A, %dma_wait3A_119] : memref<3072x128xf32, #tpu.memory_space<vmem_shared>> -> memref<64x128xf32, #tpu.memory_space<vmem_shared>>
        tpu.wait_dma2 semaphore(%run_scoped3A : memref<!tpu.dma_semaphore, #tpu.memory_space<semaphore_mem>>) src(%arg14 : memref<64x128xf32, #tpu.memory_space<vmem>>) dst(%dma_wait3A_120 : memref<64x128xf32, #tpu.memory_space<vmem_shared>>)
        tpu.yield
      }) : () -> ()
      "tpu.region"() ({
        %run_scoped3A = tpu.sem_alloc : memref<!tpu.dma_semaphore, #tpu.memory_space<semaphore_mem>>
        %dma_start3A = arith.constant 0 : i32
        %dma_start3A_115 = tpu.memref_slice %arg17[%add3A, %dma_start3A] : memref<3072x128xf32, #tpu.memory_space<vmem_shared>> -> memref<64x128xf32, #tpu.memory_space<vmem_shared>>
        %dma_start3A_116 = arith.constant 0 : i32
        %dma_start3A_117 = tpu.memref_slice %arg17[%add3A, %dma_start3A_116] : memref<3072x128xf32, #tpu.memory_space<vmem_shared>> -> memref<64x128xf32, #tpu.memory_space<vmem_shared>>
        tpu.enqueue_dma source(%arg15 : memref<64x128xf32, #tpu.memory_space<vmem>>) target(%dma_start3A_117 : memref<64x128xf32, #tpu.memory_space<vmem_shared>>) target_semaphore(%run_scoped3A : memref<!tpu.dma_semaphore, #tpu.memory_space<semaphore_mem>>)
        %dma_wait3A = arith.constant 0 : i32
        %dma_wait3A_118 = tpu.memref_slice %arg17[%add3A, %dma_wait3A] : memref<3072x128xf32, #tpu.memory_space<vmem_shared>> -> memref<64x128xf32, #tpu.memory_space<vmem_shared>>
        %dma_wait3A_119 = arith.constant 0 : i32
        %dma_wait3A_120 = tpu.memref_slice %arg17[%add3A, %dma_wait3A_119] : memref<3072x128xf32, #tpu.memory_space<vmem_shared>> -> memref<64x128xf32, #tpu.memory_space<vmem_shared>>
        tpu.wait_dma2 semaphore(%run_scoped3A : memref<!tpu.dma_semaphore, #tpu.memory_space<semaphore_mem>>) src(%arg15 : memref<64x128xf32, #tpu.memory_space<vmem>>) dst(%dma_wait3A_120 : memref<64x128xf32, #tpu.memory_space<vmem_shared>>)
        tpu.yield
      }) : () -> ()
    }
    %scan3A_96 = arith.constant 3 : i32
    %barrier3A_97 = arith.constant 0 : index
    tpu.barrier barrier_id(%barrier3A_97)
    %scan3A_98 = arith.constant 0 : i32
    %scan3A_99 = arith.constant 0 : i32
    %scan3A_100 = arith.constant 160 : i32
    %scan3A_101 = arith.addi %scan3A_99, %scan3A_100 : i32
    %scan3A_102 = arith.constant 1 : i32
    scf.for %scan3A_112 = %scan3A_99 to %scan3A_101 step %scan3A_102  : i32 {
      %mul3A_113 = arith.constant 64 : i32
      %mul3A_114 = arith.muli %scan3A_112, %mul3A_113 : i32
      %add3A = arith.addi %mul3A_3, %mul3A_114 : i32
      %add3A_115 = arith.constant 491520 : i32
      %add3A_116 = arith.addi %add3A_115, %add3A : i32
      %dma_start3A = tpu.memref_slice %arg5[%add3A_116] : memref<655360xi32, #tpu.memory_space<hbm>> -> memref<64xi32, #tpu.memory_space<hbm>>
      %dma_start3A_117 = tpu.memref_slice %arg5[%add3A_116] : memref<655360xi32, #tpu.memory_space<hbm>> -> memref<64xi32, #tpu.memory_space<hbm>>
      tpu.enqueue_dma source(%dma_start3A_117 : memref<64xi32, #tpu.memory_space<hbm>>) target(%arg9 : memref<64xi32, #tpu.memory_space<vmem>>) target_semaphore(%arg18 : memref<!tpu.dma_semaphore, #tpu.memory_space<semaphore_mem>>)
      %mul3A_118 = arith.constant 163840 : i32
      %mul3A_119 = arith.muli %arg0, %mul3A_118 : i32
      %add3A_120 = arith.addi %mul3A_119, %add3A : i32
      %dma_start3A_121 = tpu.memref_slice %arg6[%add3A_120] : memref<327680xi32, #tpu.memory_space<hbm>> -> memref<64xi32, #tpu.memory_space<hbm>>
      %dma_start3A_122 = tpu.memref_slice %arg6[%add3A_120] : memref<327680xi32, #tpu.memory_space<hbm>> -> memref<64xi32, #tpu.memory_space<hbm>>
      tpu.enqueue_dma source(%dma_start3A_122 : memref<64xi32, #tpu.memory_space<hbm>>) target(%arg10 : memref<64xi32, #tpu.memory_space<vmem>>) target_semaphore(%arg19 : memref<!tpu.dma_semaphore, #tpu.memory_space<semaphore_mem>>)
      %mul3A_123 = arith.constant 163840 : i32
      %mul3A_124 = arith.muli %arg0, %mul3A_123 : i32
      %add3A_125 = arith.addi %mul3A_124, %add3A : i32
      %dma_start3A_126 = tpu.memref_slice %arg7[%add3A_125] : memref<327680xi32, #tpu.memory_space<hbm>> -> memref<64xi32, #tpu.memory_space<hbm>>
      %dma_start3A_127 = tpu.memref_slice %arg7[%add3A_125] : memref<327680xi32, #tpu.memory_space<hbm>> -> memref<64xi32, #tpu.memory_space<hbm>>
      tpu.enqueue_dma source(%dma_start3A_127 : memref<64xi32, #tpu.memory_space<hbm>>) target(%arg11 : memref<64xi32, #tpu.memory_space<vmem>>) target_semaphore(%arg20 : memref<!tpu.dma_semaphore, #tpu.memory_space<semaphore_mem>>)
      %dma_wait3A = tpu.memref_slice %arg5[%add3A_116] : memref<655360xi32, #tpu.memory_space<hbm>> -> memref<64xi32, #tpu.memory_space<hbm>>
      %dma_wait3A_128 = tpu.memref_slice %arg5[%add3A_116] : memref<655360xi32, #tpu.memory_space<hbm>> -> memref<64xi32, #tpu.memory_space<hbm>>
      tpu.wait_dma2 semaphore(%arg18 : memref<!tpu.dma_semaphore, #tpu.memory_space<semaphore_mem>>) src(%dma_wait3A_128 : memref<64xi32, #tpu.memory_space<hbm>>) dst(%arg9 : memref<64xi32, #tpu.memory_space<vmem>>)
      %dma_wait3A_129 = tpu.memref_slice %arg6[%add3A_120] : memref<327680xi32, #tpu.memory_space<hbm>> -> memref<64xi32, #tpu.memory_space<hbm>>
      %dma_wait3A_130 = tpu.memref_slice %arg6[%add3A_120] : memref<327680xi32, #tpu.memory_space<hbm>> -> memref<64xi32, #tpu.memory_space<hbm>>
      tpu.wait_dma2 semaphore(%arg19 : memref<!tpu.dma_semaphore, #tpu.memory_space<semaphore_mem>>) src(%dma_wait3A_130 : memref<64xi32, #tpu.memory_space<hbm>>) dst(%arg10 : memref<64xi32, #tpu.memory_space<vmem>>)
      %dma_wait3A_131 = tpu.memref_slice %arg7[%add3A_125] : memref<327680xi32, #tpu.memory_space<hbm>> -> memref<64xi32, #tpu.memory_space<hbm>>
      %dma_wait3A_132 = tpu.memref_slice %arg7[%add3A_125] : memref<327680xi32, #tpu.memory_space<hbm>> -> memref<64xi32, #tpu.memory_space<hbm>>
      tpu.wait_dma2 semaphore(%arg20 : memref<!tpu.dma_semaphore, #tpu.memory_space<semaphore_mem>>) src(%dma_wait3A_132 : memref<64xi32, #tpu.memory_space<hbm>>) dst(%arg11 : memref<64xi32, #tpu.memory_space<vmem>>)
      %dma_start3A_133 = arith.constant 0 : i32
      %dma_start3A_134 = arith.constant 0 : i32
      %dma_start3A_135 = tpu.memref_slice %arg2[%dma_start3A_133, %dma_start3A_134] : memref<20048x128xf32, #tpu.memory_space<hbm>> -> memref<20048x128xf32, #tpu.memory_space<hbm>>
      tpu.enqueue_indirect_dma source(%dma_start3A_135 : memref<20048x128xf32, #tpu.memory_space<hbm>>) target(%arg12 : memref<64x128xf32, #tpu.memory_space<vmem>>) offsets(%arg10 : memref<64xi32, #tpu.memory_space<vmem>>) semaphore(%arg18 : memref<!tpu.dma_semaphore, #tpu.memory_space<semaphore_mem>>)
      %dma_start3A_136 = arith.constant 0 : i32
      %dma_start3A_137 = arith.constant 0 : i32
      %dma_start3A_138 = tpu.memref_slice %arg3[%dma_start3A_136, %dma_start3A_137] : memref<20048x128xf32, #tpu.memory_space<hbm>> -> memref<20048x128xf32, #tpu.memory_space<hbm>>
      tpu.enqueue_indirect_dma source(%dma_start3A_138 : memref<20048x128xf32, #tpu.memory_space<hbm>>) target(%arg13 : memref<64x128xf32, #tpu.memory_space<vmem>>) offsets(%arg11 : memref<64xi32, #tpu.memory_space<vmem>>) semaphore(%arg19 : memref<!tpu.dma_semaphore, #tpu.memory_space<semaphore_mem>>)
      %dma_start3A_139 = arith.constant 0 : i32
      %dma_start3A_140 = arith.constant 0 : i32
      %dma_start3A_141 = tpu.memref_slice %arg4[%dma_start3A_139, %dma_start3A_140] : memref<20048x128xf32, #tpu.memory_space<hbm>> -> memref<20048x128xf32, #tpu.memory_space<hbm>>
      tpu.enqueue_indirect_dma source(%dma_start3A_141 : memref<20048x128xf32, #tpu.memory_space<hbm>>) target(%arg14 : memref<64x128xf32, #tpu.memory_space<vmem>>) offsets(%arg11 : memref<64xi32, #tpu.memory_space<vmem>>) semaphore(%arg20 : memref<!tpu.dma_semaphore, #tpu.memory_space<semaphore_mem>>)
      %dma_wait3A_142 = arith.constant 0 : i32
      %dma_wait3A_143 = arith.constant 0 : i32
      %dma_wait3A_144 = tpu.memref_slice %arg2[%dma_wait3A_142, %dma_wait3A_143] : memref<20048x128xf32, #tpu.memory_space<hbm>> -> memref<20048x128xf32, #tpu.memory_space<hbm>>
      tpu.wait_indirect_dma semaphore(%arg18 : memref<!tpu.dma_semaphore, #tpu.memory_space<semaphore_mem>>) src(%dma_wait3A_144 : memref<20048x128xf32, #tpu.memory_space<hbm>>) dst(%arg12 : memref<64x128xf32, #tpu.memory_space<vmem>>)
      %dma_wait3A_145 = arith.constant 0 : i32
      %dma_wait3A_146 = arith.constant 0 : i32
      %dma_wait3A_147 = tpu.memref_slice %arg3[%dma_wait3A_145, %dma_wait3A_146] : memref<20048x128xf32, #tpu.memory_space<hbm>> -> memref<20048x128xf32, #tpu.memory_space<hbm>>
      tpu.wait_indirect_dma semaphore(%arg19 : memref<!tpu.dma_semaphore, #tpu.memory_space<semaphore_mem>>) src(%dma_wait3A_147 : memref<20048x128xf32, #tpu.memory_space<hbm>>) dst(%arg13 : memref<64x128xf32, #tpu.memory_space<vmem>>)
      %dma_wait3A_148 = arith.constant 0 : i32
      %dma_wait3A_149 = arith.constant 0 : i32
      %dma_wait3A_150 = tpu.memref_slice %arg4[%dma_wait3A_148, %dma_wait3A_149] : memref<20048x128xf32, #tpu.memory_space<hbm>> -> memref<20048x128xf32, #tpu.memory_space<hbm>>
      tpu.wait_indirect_dma semaphore(%arg20 : memref<!tpu.dma_semaphore, #tpu.memory_space<semaphore_mem>>) src(%dma_wait3A_150 : memref<20048x128xf32, #tpu.memory_space<hbm>>) dst(%arg14 : memref<64x128xf32, #tpu.memory_space<vmem>>)
      %scan3A_151 = arith.constant 0 : i32
      %scan3A_152 = arith.constant 0 : i32
      %scan3A_153 = arith.constant 32 : i32
      %scan3A_154 = arith.addi %scan3A_152, %scan3A_153 : i32
      %scan3A_155 = arith.constant 1 : i32
      scf.for %scan3A_169 = %scan3A_152 to %scan3A_154 step %scan3A_155  : i32 {
        %mul3A_170 = arith.constant 2 : i32
        %mul3A_171 = arith.muli %scan3A_169, %mul3A_170 : i32
        %add3A_172 = arith.constant 0 : i32
        %add3A_173 = arith.addi %mul3A_171, %add3A_172 : i32
        %get3A = arith.index_cast %add3A_173 : i32 to index
        %get3A_174 = arith.constant 0 : index
        %get3A_175 = tpu.vector_load %arg12[%get3A, %get3A_174] {strides = array<i32>} : memref<64x128xf32, #tpu.memory_space<vmem>>, vector<16xf32>,
        %get3A_176 = arith.index_cast %add3A_173 : i32 to index
        %get3A_177 = arith.constant 16 : index
        %get3A_178 = tpu.vector_load %arg12[%get3A_176, %get3A_177] {strides = array<i32>} : memref<64x128xf32, #tpu.memory_space<vmem>>, vector<16xf32>,
        %get3A_179 = arith.index_cast %add3A_173 : i32 to index
        %get3A_180 = arith.constant 0 : index
        %get3A_181 = tpu.vector_load %arg13[%get3A_179, %get3A_180] {strides = array<i32>} : memref<64x128xf32, #tpu.memory_space<vmem>>, vector<16xf32>,
        %get3A_182 = arith.index_cast %add3A_173 : i32 to index
        %get3A_183 = arith.constant 16 : index
        %get3A_184 = tpu.vector_load %arg13[%get3A_182, %get3A_183] {strides = array<i32>} : memref<64x128xf32, #tpu.memory_space<vmem>>, vector<16xf32>,
        %mul3A_185 = arith.mulf %get3A_175, %get3A_181 : vector<16xf32>
        %mul3A_186 = arith.mulf %get3A_178, %get3A_184 : vector<16xf32>
        %add3A_187 = arith.addf %mul3A_185, %mul3A_186 : vector<16xf32>
        %reduce_sum3A = arith.constant true
        %reduce_sum3A_188 = vector.broadcast %reduce_sum3A : i1 to vector<16xi1>
        %reduce_sum3A_189 = tpu.scan <sum>, %add3A_187 masked %reduce_sum3A_188 : vector<16xf32>, vector<16xi1> -> vector<16xf32>
        %reduce_sum3A_190 = vector.extract %reduce_sum3A_189[15] : f32 from vector<16xf32>
        %broadcast_in_dim3A_191 = vector.broadcast %reduce_sum3A_190 : f32 to vector<16xf32>
        %exp3A = math.exp %broadcast_in_dim3A_191 : vector<16xf32>
        %get3A_192 = arith.index_cast %add3A_173 : i32 to index
        %get3A_193 = arith.constant 0 : index
        %get3A_194 = tpu.vector_load %arg14[%get3A_192, %get3A_193] {strides = array<i32>} : memref<64x128xf32, #tpu.memory_space<vmem>>, vector<16xf32>,
        %mul3A_195 = arith.mulf %exp3A, %get3A_194 : vector<16xf32>
        %swap3A = arith.index_cast %add3A_173 : i32 to index
        %swap3A_196 = arith.constant 0 : index
        %swap3A_197 = tpu.vector_load %arg14[%swap3A, %swap3A_196] {strides = array<i32>} : memref<64x128xf32, #tpu.memory_space<vmem>>, vector<16xf32>,
        tpu.vector_store %arg14[%swap3A, %swap3A_196], %mul3A_195 {strides = array<i32>} : memref<64x128xf32, #tpu.memory_space<vmem>>, vector<16xf32>,
        %get3A_198 = arith.index_cast %add3A_173 : i32 to index
        %get3A_199 = arith.constant 16 : index
        %get3A_200 = tpu.vector_load %arg14[%get3A_198, %get3A_199] {strides = array<i32>} : memref<64x128xf32, #tpu.memory_space<vmem>>, vector<16xf32>,
        %mul3A_201 = arith.mulf %exp3A, %get3A_200 : vector<16xf32>
        %swap3A_202 = arith.index_cast %add3A_173 : i32 to index
        %swap3A_203 = arith.constant 16 : index
        %swap3A_204 = tpu.vector_load %arg14[%swap3A_202, %swap3A_203] {strides = array<i32>} : memref<64x128xf32, #tpu.memory_space<vmem>>, vector<16xf32>,
        tpu.vector_store %arg14[%swap3A_202, %swap3A_203], %mul3A_201 {strides = array<i32>} : memref<64x128xf32, #tpu.memory_space<vmem>>, vector<16xf32>,
        %get3A_205 = arith.index_cast %add3A_173 : i32 to index
        %get3A_206 = arith.constant 32 : index
        %get3A_207 = tpu.vector_load %arg12[%get3A_205, %get3A_206] {strides = array<i32>} : memref<64x128xf32, #tpu.memory_space<vmem>>, vector<16xf32>,
        %get3A_208 = arith.index_cast %add3A_173 : i32 to index
        %get3A_209 = arith.constant 48 : index
        %get3A_210 = tpu.vector_load %arg12[%get3A_208, %get3A_209] {strides = array<i32>} : memref<64x128xf32, #tpu.memory_space<vmem>>, vector<16xf32>,
        %get3A_211 = arith.index_cast %add3A_173 : i32 to index
        %get3A_212 = arith.constant 32 : index
        %get3A_213 = tpu.vector_load %arg13[%get3A_211, %get3A_212] {strides = array<i32>} : memref<64x128xf32, #tpu.memory_space<vmem>>, vector<16xf32>,
        %get3A_214 = arith.index_cast %add3A_173 : i32 to index
        %get3A_215 = arith.constant 48 : index
        %get3A_216 = tpu.vector_load %arg13[%get3A_214, %get3A_215] {strides = array<i32>} : memref<64x128xf32, #tpu.memory_space<vmem>>, vector<16xf32>,
        %mul3A_217 = arith.mulf %get3A_207, %get3A_213 : vector<16xf32>
        %mul3A_218 = arith.mulf %get3A_210, %get3A_216 : vector<16xf32>
        %add3A_219 = arith.addf %mul3A_217, %mul3A_218 : vector<16xf32>
        %reduce_sum3A_220 = arith.constant true
        %reduce_sum3A_221 = vector.broadcast %reduce_sum3A_220 : i1 to vector<16xi1>
        %reduce_sum3A_222 = tpu.scan <sum>, %add3A_219 masked %reduce_sum3A_221 : vector<16xf32>, vector<16xi1> -> vector<16xf32>
        %reduce_sum3A_223 = vector.extract %reduce_sum3A_222[15] : f32 from vector<16xf32>
        %broadcast_in_dim3A_224 = vector.broadcast %reduce_sum3A_223 : f32 to vector<16xf32>
        %exp3A_225 = math.exp %broadcast_in_dim3A_224 : vector<16xf32>
        %get3A_226 = arith.index_cast %add3A_173 : i32 to index
        %get3A_227 = arith.constant 32 : index
        %get3A_228 = tpu.vector_load %arg14[%get3A_226, %get3A_227] {strides = array<i32>} : memref<64x128xf32, #tpu.memory_space<vmem>>, vector<16xf32>,
        %mul3A_229 = arith.mulf %exp3A_225, %get3A_228 : vector<16xf32>
        %swap3A_230 = arith.index_cast %add3A_173 : i32 to index
        %swap3A_231 = arith.constant 32 : index
        %swap3A_232 = tpu.vector_load %arg14[%swap3A_230, %swap3A_231] {strides = array<i32>} : memref<64x128xf32, #tpu.memory_space<vmem>>, vector<16xf32>,
        tpu.vector_store %arg14[%swap3A_230, %swap3A_231], %mul3A_229 {strides = array<i32>} : memref<64x128xf32, #tpu.memory_space<vmem>>, vector<16xf32>,
        %get3A_233 = arith.index_cast %add3A_173 : i32 to index
        %get3A_234 = arith.constant 48 : index
        %get3A_235 = tpu.vector_load %arg14[%get3A_233, %get3A_234] {strides = array<i32>} : memref<64x128xf32, #tpu.memory_space<vmem>>, vector<16xf32>,
        %mul3A_236 = arith.mulf %exp3A_225, %get3A_235 : vector<16xf32>
        %swap3A_237 = arith.index_cast %add3A_173 : i32 to index
        %swap3A_238 = arith.constant 48 : index
        %swap3A_239 = tpu.vector_load %arg14[%swap3A_237, %swap3A_238] {strides = array<i32>} : memref<64x128xf32, #tpu.memory_space<vmem>>, vector<16xf32>,
        tpu.vector_store %arg14[%swap3A_237, %swap3A_238], %mul3A_236 {strides = array<i32>} : memref<64x128xf32, #tpu.memory_space<vmem>>, vector<16xf32>,
        %get3A_240 = arith.index_cast %add3A_173 : i32 to index
        %get3A_241 = arith.constant 64 : index
        %get3A_242 = tpu.vector_load %arg12[%get3A_240, %get3A_241] {strides = array<i32>} : memref<64x128xf32, #tpu.memory_space<vmem>>, vector<16xf32>,
        %get3A_243 = arith.index_cast %add3A_173 : i32 to index
        %get3A_244 = arith.constant 80 : index
        %get3A_245 = tpu.vector_load %arg12[%get3A_243, %get3A_244] {strides = array<i32>} : memref<64x128xf32, #tpu.memory_space<vmem>>, vector<16xf32>,
        %get3A_246 = arith.index_cast %add3A_173 : i32 to index
        %get3A_247 = arith.constant 64 : index
        %get3A_248 = tpu.vector_load %arg13[%get3A_246, %get3A_247] {strides = array<i32>} : memref<64x128xf32, #tpu.memory_space<vmem>>, vector<16xf32>,
        %get3A_249 = arith.index_cast %add3A_173 : i32 to index
        %get3A_250 = arith.constant 80 : index
        %get3A_251 = tpu.vector_load %arg13[%get3A_249, %get3A_250] {strides = array<i32>} : memref<64x128xf32, #tpu.memory_space<vmem>>, vector<16xf32>,
        %mul3A_252 = arith.mulf %get3A_242, %get3A_248 : vector<16xf32>
        %mul3A_253 = arith.mulf %get3A_245, %get3A_251 : vector<16xf32>
        %add3A_254 = arith.addf %mul3A_252, %mul3A_253 : vector<16xf32>
        %reduce_sum3A_255 = arith.constant true
        %reduce_sum3A_256 = vector.broadcast %reduce_sum3A_255 : i1 to vector<16xi1>
        %reduce_sum3A_257 = tpu.scan <sum>, %add3A_254 masked %reduce_sum3A_256 : vector<16xf32>, vector<16xi1> -> vector<16xf32>
        %reduce_sum3A_258 = vector.extract %reduce_sum3A_257[15] : f32 from vector<16xf32>
        %broadcast_in_dim3A_259 = vector.broadcast %reduce_sum3A_258 : f32 to vector<16xf32>
        %exp3A_260 = math.exp %broadcast_in_dim3A_259 : vector<16xf32>
        %get3A_261 = arith.index_cast %add3A_173 : i32 to index
        %get3A_262 = arith.constant 64 : index
        %get3A_263 = tpu.vector_load %arg14[%get3A_261, %get3A_262] {strides = array<i32>} : memref<64x128xf32, #tpu.memory_space<vmem>>, vector<16xf32>,
        %mul3A_264 = arith.mulf %exp3A_260, %get3A_263 : vector<16xf32>
        %swap3A_265 = arith.index_cast %add3A_173 : i32 to index
        %swap3A_266 = arith.constant 64 : index
        %swap3A_267 = tpu.vector_load %arg14[%swap3A_265, %swap3A_266] {strides = array<i32>} : memref<64x128xf32, #tpu.memory_space<vmem>>, vector<16xf32>,
        tpu.vector_store %arg14[%swap3A_265, %swap3A_266], %mul3A_264 {strides = array<i32>} : memref<64x128xf32, #tpu.memory_space<vmem>>, vector<16xf32>,
        %get3A_268 = arith.index_cast %add3A_173 : i32 to index
        %get3A_269 = arith.constant 80 : index
        %get3A_270 = tpu.vector_load %arg14[%get3A_268, %get3A_269] {strides = array<i32>} : memref<64x128xf32, #tpu.memory_space<vmem>>, vector<16xf32>,
        %mul3A_271 = arith.mulf %exp3A_260, %get3A_270 : vector<16xf32>
        %swap3A_272 = arith.index_cast %add3A_173 : i32 to index
        %swap3A_273 = arith.constant 80 : index
        %swap3A_274 = tpu.vector_load %arg14[%swap3A_272, %swap3A_273] {strides = array<i32>} : memref<64x128xf32, #tpu.memory_space<vmem>>, vector<16xf32>,
        tpu.vector_store %arg14[%swap3A_272, %swap3A_273], %mul3A_271 {strides = array<i32>} : memref<64x128xf32, #tpu.memory_space<vmem>>, vector<16xf32>,
        %get3A_275 = arith.index_cast %add3A_173 : i32 to index
        %get3A_276 = arith.constant 96 : index
        %get3A_277 = tpu.vector_load %arg12[%get3A_275, %get3A_276] {strides = array<i32>} : memref<64x128xf32, #tpu.memory_space<vmem>>, vector<16xf32>,
        %get3A_278 = arith.index_cast %add3A_173 : i32 to index
        %get3A_279 = arith.constant 112 : index
        %get3A_280 = tpu.vector_load %arg12[%get3A_278, %get3A_279] {strides = array<i32>} : memref<64x128xf32, #tpu.memory_space<vmem>>, vector<16xf32>,
        %get3A_281 = arith.index_cast %add3A_173 : i32 to index
        %get3A_282 = arith.constant 96 : index
        %get3A_283 = tpu.vector_load %arg13[%get3A_281, %get3A_282] {strides = array<i32>} : memref<64x128xf32, #tpu.memory_space<vmem>>, vector<16xf32>,
        %get3A_284 = arith.index_cast %add3A_173 : i32 to index
        %get3A_285 = arith.constant 112 : index
        %get3A_286 = tpu.vector_load %arg13[%get3A_284, %get3A_285] {strides = array<i32>} : memref<64x128xf32, #tpu.memory_space<vmem>>, vector<16xf32>,
        %mul3A_287 = arith.mulf %get3A_277, %get3A_283 : vector<16xf32>
        %mul3A_288 = arith.mulf %get3A_280, %get3A_286 : vector<16xf32>
        %add3A_289 = arith.addf %mul3A_287, %mul3A_288 : vector<16xf32>
        %reduce_sum3A_290 = arith.constant true
        %reduce_sum3A_291 = vector.broadcast %reduce_sum3A_290 : i1 to vector<16xi1>
        %reduce_sum3A_292 = tpu.scan <sum>, %add3A_289 masked %reduce_sum3A_291 : vector<16xf32>, vector<16xi1> -> vector<16xf32>
        %reduce_sum3A_293 = vector.extract %reduce_sum3A_292[15] : f32 from vector<16xf32>
        %broadcast_in_dim3A_294 = vector.broadcast %reduce_sum3A_293 : f32 to vector<16xf32>
        %exp3A_295 = math.exp %broadcast_in_dim3A_294 : vector<16xf32>
        %get3A_296 = arith.index_cast %add3A_173 : i32 to index
        %get3A_297 = arith.constant 96 : index
        %get3A_298 = tpu.vector_load %arg14[%get3A_296, %get3A_297] {strides = array<i32>} : memref<64x128xf32, #tpu.memory_space<vmem>>, vector<16xf32>,
        %mul3A_299 = arith.mulf %exp3A_295, %get3A_298 : vector<16xf32>
        %swap3A_300 = arith.index_cast %add3A_173 : i32 to index
        %swap3A_301 = arith.constant 96 : index
        %swap3A_302 = tpu.vector_load %arg14[%swap3A_300, %swap3A_301] {strides = array<i32>} : memref<64x128xf32, #tpu.memory_space<vmem>>, vector<16xf32>,
        tpu.vector_store %arg14[%swap3A_300, %swap3A_301], %mul3A_299 {strides = array<i32>} : memref<64x128xf32, #tpu.memory_space<vmem>>, vector<16xf32>,
        %get3A_303 = arith.index_cast %add3A_173 : i32 to index
        %get3A_304 = arith.constant 112 : index
        %get3A_305 = tpu.vector_load %arg14[%get3A_303, %get3A_304] {strides = array<i32>} : memref<64x128xf32, #tpu.memory_space<vmem>>, vector<16xf32>,
        %mul3A_306 = arith.mulf %exp3A_295, %get3A_305 : vector<16xf32>
        %swap3A_307 = arith.index_cast %add3A_173 : i32 to index
        %swap3A_308 = arith.constant 112 : index
        %swap3A_309 = tpu.vector_load %arg14[%swap3A_307, %swap3A_308] {strides = array<i32>} : memref<64x128xf32, #tpu.memory_space<vmem>>, vector<16xf32>,
        tpu.vector_store %arg14[%swap3A_307, %swap3A_308], %mul3A_306 {strides = array<i32>} : memref<64x128xf32, #tpu.memory_space<vmem>>, vector<16xf32>,
        %eq3A = arith.constant 0 : i32
        %eq3A_310 = vector.broadcast %eq3A : i32 to vector<16xi32>
        %eq3A_311 = arith.cmpi eq, %and3A_2, %eq3A_310 : vector<16xi32>
        %eq3A_312 = arith.constant 1 : i32
        %eq3A_313 = vector.broadcast %eq3A_312 : i32 to vector<16xi32>
        %eq3A_314 = arith.cmpi eq, %and3A_2, %eq3A_313 : vector<16xi32>
        %eq3A_315 = arith.constant 2 : i32
        %eq3A_316 = vector.broadcast %eq3A_315 : i32 to vector<16xi32>
        %eq3A_317 = arith.cmpi eq, %and3A_2, %eq3A_316 : vector<16xi32>
        %select_n3A = arith.select %eq3A_317, %exp3A_260, %exp3A_295 : vector<16xi1>, vector<16xf32>
        %select_n3A_318 = arith.select %eq3A_314, %exp3A_225, %select_n3A : vector<16xi1>, vector<16xf32>
        %select_n3A_319 = arith.select %eq3A_311, %exp3A, %select_n3A_318 : vector<16xi1>, vector<16xf32>
        %swap3A_320 = arith.index_cast %add3A_173 : i32 to index
        %swap3A_321 = arith.constant 0 : index
        %swap3A_322 = tpu.vector_load %arg15[%swap3A_320, %swap3A_321] {strides = array<i32>} : memref<64x128xf32, #tpu.memory_space<vmem>>, vector<16xf32>,
        tpu.vector_store %arg15[%swap3A_320, %swap3A_321], %select_n3A_319 {strides = array<i32>} : memref<64x128xf32, #tpu.memory_space<vmem>>, vector<16xf32>,
        %swap3A_323 = arith.index_cast %add3A_173 : i32 to index
        %swap3A_324 = arith.constant 16 : index
        %swap3A_325 = tpu.vector_load %arg15[%swap3A_323, %swap3A_324] {strides = array<i32>} : memref<64x128xf32, #tpu.memory_space<vmem>>, vector<16xf32>,
        tpu.vector_store %arg15[%swap3A_323, %swap3A_324], %select_n3A_319 {strides = array<i32>} : memref<64x128xf32, #tpu.memory_space<vmem>>, vector<16xf32>,
        %swap3A_326 = arith.index_cast %add3A_173 : i32 to index
        %swap3A_327 = arith.constant 32 : index
        %swap3A_328 = tpu.vector_load %arg15[%swap3A_326, %swap3A_327] {strides = array<i32>} : memref<64x128xf32, #tpu.memory_space<vmem>>, vector<16xf32>,
        tpu.vector_store %arg15[%swap3A_326, %swap3A_327], %select_n3A_319 {strides = array<i32>} : memref<64x128xf32, #tpu.memory_space<vmem>>, vector<16xf32>,
        %swap3A_329 = arith.index_cast %add3A_173 : i32 to index
        %swap3A_330 = arith.constant 48 : index
        %swap3A_331 = tpu.vector_load %arg15[%swap3A_329, %swap3A_330] {strides = array<i32>} : memref<64x128xf32, #tpu.memory_space<vmem>>, vector<16xf32>,
        tpu.vector_store %arg15[%swap3A_329, %swap3A_330], %select_n3A_319 {strides = array<i32>} : memref<64x128xf32, #tpu.memory_space<vmem>>, vector<16xf32>,
        %swap3A_332 = arith.index_cast %add3A_173 : i32 to index
        %swap3A_333 = arith.constant 64 : index
        %swap3A_334 = tpu.vector_load %arg15[%swap3A_332, %swap3A_333] {strides = array<i32>} : memref<64x128xf32, #tpu.memory_space<vmem>>, vector<16xf32>,
        tpu.vector_store %arg15[%swap3A_332, %swap3A_333], %select_n3A_319 {strides = array<i32>} : memref<64x128xf32, #tpu.memory_space<vmem>>, vector<16xf32>,
        %swap3A_335 = arith.index_cast %add3A_173 : i32 to index
        %swap3A_336 = arith.constant 80 : index
        %swap3A_337 = tpu.vector_load %arg15[%swap3A_335, %swap3A_336] {strides = array<i32>} : memref<64x128xf32, #tpu.memory_space<vmem>>, vector<16xf32>,
        tpu.vector_store %arg15[%swap3A_335, %swap3A_336], %select_n3A_319 {strides = array<i32>} : memref<64x128xf32, #tpu.memory_space<vmem>>, vector<16xf32>,
        %swap3A_338 = arith.index_cast %add3A_173 : i32 to index
        %swap3A_339 = arith.constant 96 : index
        %swap3A_340 = tpu.vector_load %arg15[%swap3A_338, %swap3A_339] {strides = array<i32>} : memref<64x128xf32, #tpu.memory_space<vmem>>, vector<16xf32>,
        tpu.vector_store %arg15[%swap3A_338, %swap3A_339], %select_n3A_319 {strides = array<i32>} : memref<64x128xf32, #tpu.memory_space<vmem>>, vector<16xf32>,
        %swap3A_341 = arith.index_cast %add3A_173 : i32 to index
        %swap3A_342 = arith.constant 112 : index
        %swap3A_343 = tpu.vector_load %arg15[%swap3A_341, %swap3A_342] {strides = array<i32>} : memref<64x128xf32, #tpu.memory_space<vmem>>, vector<16xf32>,
        tpu.vector_store %arg15[%swap3A_341, %swap3A_342], %select_n3A_319 {strides = array<i32>} : memref<64x128xf32, #tpu.memory_space<vmem>>, vector<16xf32>,
        %mul3A_344 = arith.constant 2 : i32
        %mul3A_345 = arith.muli %scan3A_169, %mul3A_344 : i32
        %add3A_346 = arith.constant 1 : i32
        %add3A_347 = arith.addi %mul3A_345, %add3A_346 : i32
        %get3A_348 = arith.index_cast %add3A_347 : i32 to index
        %get3A_349 = arith.constant 0 : index
        %get3A_350 = tpu.vector_load %arg12[%get3A_348, %get3A_349] {strides = array<i32>} : memref<64x128xf32, #tpu.memory_space<vmem>>, vector<16xf32>,
        %get3A_351 = arith.index_cast %add3A_347 : i32 to index
        %get3A_352 = arith.constant 16 : index
        %get3A_353 = tpu.vector_load %arg12[%get3A_351, %get3A_352] {strides = array<i32>} : memref<64x128xf32, #tpu.memory_space<vmem>>, vector<16xf32>,
        %get3A_354 = arith.index_cast %add3A_347 : i32 to index
        %get3A_355 = arith.constant 0 : index
        %get3A_356 = tpu.vector_load %arg13[%get3A_354, %get3A_355] {strides = array<i32>} : memref<64x128xf32, #tpu.memory_space<vmem>>, vector<16xf32>,
        %get3A_357 = arith.index_cast %add3A_347 : i32 to index
        %get3A_358 = arith.constant 16 : index
        %get3A_359 = tpu.vector_load %arg13[%get3A_357, %get3A_358] {strides = array<i32>} : memref<64x128xf32, #tpu.memory_space<vmem>>, vector<16xf32>,
        %mul3A_360 = arith.mulf %get3A_350, %get3A_356 : vector<16xf32>
        %mul3A_361 = arith.mulf %get3A_353, %get3A_359 : vector<16xf32>
        %add3A_362 = arith.addf %mul3A_360, %mul3A_361 : vector<16xf32>
        %reduce_sum3A_363 = arith.constant true
        %reduce_sum3A_364 = vector.broadcast %reduce_sum3A_363 : i1 to vector<16xi1>
        %reduce_sum3A_365 = tpu.scan <sum>, %add3A_362 masked %reduce_sum3A_364 : vector<16xf32>, vector<16xi1> -> vector<16xf32>
        %reduce_sum3A_366 = vector.extract %reduce_sum3A_365[15] : f32 from vector<16xf32>
        %broadcast_in_dim3A_367 = vector.broadcast %reduce_sum3A_366 : f32 to vector<16xf32>
        %exp3A_368 = math.exp %broadcast_in_dim3A_367 : vector<16xf32>
        %get3A_369 = arith.index_cast %add3A_347 : i32 to index
        %get3A_370 = arith.constant 0 : index
        %get3A_371 = tpu.vector_load %arg14[%get3A_369, %get3A_370] {strides = array<i32>} : memref<64x128xf32, #tpu.memory_space<vmem>>, vector<16xf32>,
        %mul3A_372 = arith.mulf %exp3A_368, %get3A_371 : vector<16xf32>
        %swap3A_373 = arith.index_cast %add3A_347 : i32 to index
        %swap3A_374 = arith.constant 0 : index
        %swap3A_375 = tpu.vector_load %arg14[%swap3A_373, %swap3A_374] {strides = array<i32>} : memref<64x128xf32, #tpu.memory_space<vmem>>, vector<16xf32>,
        tpu.vector_store %arg14[%swap3A_373, %swap3A_374], %mul3A_372 {strides = array<i32>} : memref<64x128xf32, #tpu.memory_space<vmem>>, vector<16xf32>,
        %get3A_376 = arith.index_cast %add3A_347 : i32 to index
        %get3A_377 = arith.constant 16 : index
        %get3A_378 = tpu.vector_load %arg14[%get3A_376, %get3A_377] {strides = array<i32>} : memref<64x128xf32, #tpu.memory_space<vmem>>, vector<16xf32>,
        %mul3A_379 = arith.mulf %exp3A_368, %get3A_378 : vector<16xf32>
        %swap3A_380 = arith.index_cast %add3A_347 : i32 to index
        %swap3A_381 = arith.constant 16 : index
        %swap3A_382 = tpu.vector_load %arg14[%swap3A_380, %swap3A_381] {strides = array<i32>} : memref<64x128xf32, #tpu.memory_space<vmem>>, vector<16xf32>,
        tpu.vector_store %arg14[%swap3A_380, %swap3A_381], %mul3A_379 {strides = array<i32>} : memref<64x128xf32, #tpu.memory_space<vmem>>, vector<16xf32>,
        %get3A_383 = arith.index_cast %add3A_347 : i32 to index
        %get3A_384 = arith.constant 32 : index
        %get3A_385 = tpu.vector_load %arg12[%get3A_383, %get3A_384] {strides = array<i32>} : memref<64x128xf32, #tpu.memory_space<vmem>>, vector<16xf32>,
        %get3A_386 = arith.index_cast %add3A_347 : i32 to index
        %get3A_387 = arith.constant 48 : index
        %get3A_388 = tpu.vector_load %arg12[%get3A_386, %get3A_387] {strides = array<i32>} : memref<64x128xf32, #tpu.memory_space<vmem>>, vector<16xf32>,
        %get3A_389 = arith.index_cast %add3A_347 : i32 to index
        %get3A_390 = arith.constant 32 : index
        %get3A_391 = tpu.vector_load %arg13[%get3A_389, %get3A_390] {strides = array<i32>} : memref<64x128xf32, #tpu.memory_space<vmem>>, vector<16xf32>,
        %get3A_392 = arith.index_cast %add3A_347 : i32 to index
        %get3A_393 = arith.constant 48 : index
        %get3A_394 = tpu.vector_load %arg13[%get3A_392, %get3A_393] {strides = array<i32>} : memref<64x128xf32, #tpu.memory_space<vmem>>, vector<16xf32>,
        %mul3A_395 = arith.mulf %get3A_385, %get3A_391 : vector<16xf32>
        %mul3A_396 = arith.mulf %get3A_388, %get3A_394 : vector<16xf32>
        %add3A_397 = arith.addf %mul3A_395, %mul3A_396 : vector<16xf32>
        %reduce_sum3A_398 = arith.constant true
        %reduce_sum3A_399 = vector.broadcast %reduce_sum3A_398 : i1 to vector<16xi1>
        %reduce_sum3A_400 = tpu.scan <sum>, %add3A_397 masked %reduce_sum3A_399 : vector<16xf32>, vector<16xi1> -> vector<16xf32>
        %reduce_sum3A_401 = vector.extract %reduce_sum3A_400[15] : f32 from vector<16xf32>
        %broadcast_in_dim3A_402 = vector.broadcast %reduce_sum3A_401 : f32 to vector<16xf32>
        %exp3A_403 = math.exp %broadcast_in_dim3A_402 : vector<16xf32>
        %get3A_404 = arith.index_cast %add3A_347 : i32 to index
        %get3A_405 = arith.constant 32 : index
        %get3A_406 = tpu.vector_load %arg14[%get3A_404, %get3A_405] {strides = array<i32>} : memref<64x128xf32, #tpu.memory_space<vmem>>, vector<16xf32>,
        %mul3A_407 = arith.mulf %exp3A_403, %get3A_406 : vector<16xf32>
        %swap3A_408 = arith.index_cast %add3A_347 : i32 to index
        %swap3A_409 = arith.constant 32 : index
        %swap3A_410 = tpu.vector_load %arg14[%swap3A_408, %swap3A_409] {strides = array<i32>} : memref<64x128xf32, #tpu.memory_space<vmem>>, vector<16xf32>,
        tpu.vector_store %arg14[%swap3A_408, %swap3A_409], %mul3A_407 {strides = array<i32>} : memref<64x128xf32, #tpu.memory_space<vmem>>, vector<16xf32>,
        %get3A_411 = arith.index_cast %add3A_347 : i32 to index
        %get3A_412 = arith.constant 48 : index
        %get3A_413 = tpu.vector_load %arg14[%get3A_411, %get3A_412] {strides = array<i32>} : memref<64x128xf32, #tpu.memory_space<vmem>>, vector<16xf32>,
        %mul3A_414 = arith.mulf %exp3A_403, %get3A_413 : vector<16xf32>
        %swap3A_415 = arith.index_cast %add3A_347 : i32 to index
        %swap3A_416 = arith.constant 48 : index
        %swap3A_417 = tpu.vector_load %arg14[%swap3A_415, %swap3A_416] {strides = array<i32>} : memref<64x128xf32, #tpu.memory_space<vmem>>, vector<16xf32>,
        tpu.vector_store %arg14[%swap3A_415, %swap3A_416], %mul3A_414 {strides = array<i32>} : memref<64x128xf32, #tpu.memory_space<vmem>>, vector<16xf32>,
        %get3A_418 = arith.index_cast %add3A_347 : i32 to index
        %get3A_419 = arith.constant 64 : index
        %get3A_420 = tpu.vector_load %arg12[%get3A_418, %get3A_419] {strides = array<i32>} : memref<64x128xf32, #tpu.memory_space<vmem>>, vector<16xf32>,
        %get3A_421 = arith.index_cast %add3A_347 : i32 to index
        %get3A_422 = arith.constant 80 : index
        %get3A_423 = tpu.vector_load %arg12[%get3A_421, %get3A_422] {strides = array<i32>} : memref<64x128xf32, #tpu.memory_space<vmem>>, vector<16xf32>,
        %get3A_424 = arith.index_cast %add3A_347 : i32 to index
        %get3A_425 = arith.constant 64 : index
        %get3A_426 = tpu.vector_load %arg13[%get3A_424, %get3A_425] {strides = array<i32>} : memref<64x128xf32, #tpu.memory_space<vmem>>, vector<16xf32>,
        %get3A_427 = arith.index_cast %add3A_347 : i32 to index
        %get3A_428 = arith.constant 80 : index
        %get3A_429 = tpu.vector_load %arg13[%get3A_427, %get3A_428] {strides = array<i32>} : memref<64x128xf32, #tpu.memory_space<vmem>>, vector<16xf32>,
        %mul3A_430 = arith.mulf %get3A_420, %get3A_426 : vector<16xf32>
        %mul3A_431 = arith.mulf %get3A_423, %get3A_429 : vector<16xf32>
        %add3A_432 = arith.addf %mul3A_430, %mul3A_431 : vector<16xf32>
        %reduce_sum3A_433 = arith.constant true
        %reduce_sum3A_434 = vector.broadcast %reduce_sum3A_433 : i1 to vector<16xi1>
        %reduce_sum3A_435 = tpu.scan <sum>, %add3A_432 masked %reduce_sum3A_434 : vector<16xf32>, vector<16xi1> -> vector<16xf32>
        %reduce_sum3A_436 = vector.extract %reduce_sum3A_435[15] : f32 from vector<16xf32>
        %broadcast_in_dim3A_437 = vector.broadcast %reduce_sum3A_436 : f32 to vector<16xf32>
        %exp3A_438 = math.exp %broadcast_in_dim3A_437 : vector<16xf32>
        %get3A_439 = arith.index_cast %add3A_347 : i32 to index
        %get3A_440 = arith.constant 64 : index
        %get3A_441 = tpu.vector_load %arg14[%get3A_439, %get3A_440] {strides = array<i32>} : memref<64x128xf32, #tpu.memory_space<vmem>>, vector<16xf32>,
        %mul3A_442 = arith.mulf %exp3A_438, %get3A_441 : vector<16xf32>
        %swap3A_443 = arith.index_cast %add3A_347 : i32 to index
        %swap3A_444 = arith.constant 64 : index
        %swap3A_445 = tpu.vector_load %arg14[%swap3A_443, %swap3A_444] {strides = array<i32>} : memref<64x128xf32, #tpu.memory_space<vmem>>, vector<16xf32>,
        tpu.vector_store %arg14[%swap3A_443, %swap3A_444], %mul3A_442 {strides = array<i32>} : memref<64x128xf32, #tpu.memory_space<vmem>>, vector<16xf32>,
        %get3A_446 = arith.index_cast %add3A_347 : i32 to index
        %get3A_447 = arith.constant 80 : index
        %get3A_448 = tpu.vector_load %arg14[%get3A_446, %get3A_447] {strides = array<i32>} : memref<64x128xf32, #tpu.memory_space<vmem>>, vector<16xf32>,
        %mul3A_449 = arith.mulf %exp3A_438, %get3A_448 : vector<16xf32>
        %swap3A_450 = arith.index_cast %add3A_347 : i32 to index
        %swap3A_451 = arith.constant 80 : index
        %swap3A_452 = tpu.vector_load %arg14[%swap3A_450, %swap3A_451] {strides = array<i32>} : memref<64x128xf32, #tpu.memory_space<vmem>>, vector<16xf32>,
        tpu.vector_store %arg14[%swap3A_450, %swap3A_451], %mul3A_449 {strides = array<i32>} : memref<64x128xf32, #tpu.memory_space<vmem>>, vector<16xf32>,
        %get3A_453 = arith.index_cast %add3A_347 : i32 to index
        %get3A_454 = arith.constant 96 : index
        %get3A_455 = tpu.vector_load %arg12[%get3A_453, %get3A_454] {strides = array<i32>} : memref<64x128xf32, #tpu.memory_space<vmem>>, vector<16xf32>,
        %get3A_456 = arith.index_cast %add3A_347 : i32 to index
        %get3A_457 = arith.constant 112 : index
        %get3A_458 = tpu.vector_load %arg12[%get3A_456, %get3A_457] {strides = array<i32>} : memref<64x128xf32, #tpu.memory_space<vmem>>, vector<16xf32>,
        %get3A_459 = arith.index_cast %add3A_347 : i32 to index
        %get3A_460 = arith.constant 96 : index
        %get3A_461 = tpu.vector_load %arg13[%get3A_459, %get3A_460] {strides = array<i32>} : memref<64x128xf32, #tpu.memory_space<vmem>>, vector<16xf32>,
        %get3A_462 = arith.index_cast %add3A_347 : i32 to index
        %get3A_463 = arith.constant 112 : index
        %get3A_464 = tpu.vector_load %arg13[%get3A_462, %get3A_463] {strides = array<i32>} : memref<64x128xf32, #tpu.memory_space<vmem>>, vector<16xf32>,
        %mul3A_465 = arith.mulf %get3A_455, %get3A_461 : vector<16xf32>
        %mul3A_466 = arith.mulf %get3A_458, %get3A_464 : vector<16xf32>
        %add3A_467 = arith.addf %mul3A_465, %mul3A_466 : vector<16xf32>
        %reduce_sum3A_468 = arith.constant true
        %reduce_sum3A_469 = vector.broadcast %reduce_sum3A_468 : i1 to vector<16xi1>
        %reduce_sum3A_470 = tpu.scan <sum>, %add3A_467 masked %reduce_sum3A_469 : vector<16xf32>, vector<16xi1> -> vector<16xf32>
        %reduce_sum3A_471 = vector.extract %reduce_sum3A_470[15] : f32 from vector<16xf32>
        %broadcast_in_dim3A_472 = vector.broadcast %reduce_sum3A_471 : f32 to vector<16xf32>
        %exp3A_473 = math.exp %broadcast_in_dim3A_472 : vector<16xf32>
        %get3A_474 = arith.index_cast %add3A_347 : i32 to index
        %get3A_475 = arith.constant 96 : index
        %get3A_476 = tpu.vector_load %arg14[%get3A_474, %get3A_475] {strides = array<i32>} : memref<64x128xf32, #tpu.memory_space<vmem>>, vector<16xf32>,
        %mul3A_477 = arith.mulf %exp3A_473, %get3A_476 : vector<16xf32>
        %swap3A_478 = arith.index_cast %add3A_347 : i32 to index
        %swap3A_479 = arith.constant 96 : index
        %swap3A_480 = tpu.vector_load %arg14[%swap3A_478, %swap3A_479] {strides = array<i32>} : memref<64x128xf32, #tpu.memory_space<vmem>>, vector<16xf32>,
        tpu.vector_store %arg14[%swap3A_478, %swap3A_479], %mul3A_477 {strides = array<i32>} : memref<64x128xf32, #tpu.memory_space<vmem>>, vector<16xf32>,
        %get3A_481 = arith.index_cast %add3A_347 : i32 to index
        %get3A_482 = arith.constant 112 : index
        %get3A_483 = tpu.vector_load %arg14[%get3A_481, %get3A_482] {strides = array<i32>} : memref<64x128xf32, #tpu.memory_space<vmem>>, vector<16xf32>,
        %mul3A_484 = arith.mulf %exp3A_473, %get3A_483 : vector<16xf32>
        %swap3A_485 = arith.index_cast %add3A_347 : i32 to index
        %swap3A_486 = arith.constant 112 : index
        %swap3A_487 = tpu.vector_load %arg14[%swap3A_485, %swap3A_486] {strides = array<i32>} : memref<64x128xf32, #tpu.memory_space<vmem>>, vector<16xf32>,
        tpu.vector_store %arg14[%swap3A_485, %swap3A_486], %mul3A_484 {strides = array<i32>} : memref<64x128xf32, #tpu.memory_space<vmem>>, vector<16xf32>,
        %eq3A_488 = arith.constant 0 : i32
        %eq3A_489 = vector.broadcast %eq3A_488 : i32 to vector<16xi32>
        %eq3A_490 = arith.cmpi eq, %and3A_2, %eq3A_489 : vector<16xi32>
        %eq3A_491 = arith.constant 1 : i32
        %eq3A_492 = vector.broadcast %eq3A_491 : i32 to vector<16xi32>
        %eq3A_493 = arith.cmpi eq, %and3A_2, %eq3A_492 : vector<16xi32>
        %eq3A_494 = arith.constant 2 : i32
        %eq3A_495 = vector.broadcast %eq3A_494 : i32 to vector<16xi32>
        %eq3A_496 = arith.cmpi eq, %and3A_2, %eq3A_495 : vector<16xi32>
        %select_n3A_497 = arith.select %eq3A_496, %exp3A_438, %exp3A_473 : vector<16xi1>, vector<16xf32>
        %select_n3A_498 = arith.select %eq3A_493, %exp3A_403, %select_n3A_497 : vector<16xi1>, vector<16xf32>
        %select_n3A_499 = arith.select %eq3A_490, %exp3A_368, %select_n3A_498 : vector<16xi1>, vector<16xf32>
        %swap3A_500 = arith.index_cast %add3A_347 : i32 to index
        %swap3A_501 = arith.constant 0 : index
        %swap3A_502 = tpu.vector_load %arg15[%swap3A_500, %swap3A_501] {strides = array<i32>} : memref<64x128xf32, #tpu.memory_space<vmem>>, vector<16xf32>,
        tpu.vector_store %arg15[%swap3A_500, %swap3A_501], %select_n3A_499 {strides = array<i32>} : memref<64x128xf32, #tpu.memory_space<vmem>>, vector<16xf32>,
        %swap3A_503 = arith.index_cast %add3A_347 : i32 to index
        %swap3A_504 = arith.constant 16 : index
        %swap3A_505 = tpu.vector_load %arg15[%swap3A_503, %swap3A_504] {strides = array<i32>} : memref<64x128xf32, #tpu.memory_space<vmem>>, vector<16xf32>,
        tpu.vector_store %arg15[%swap3A_503, %swap3A_504], %select_n3A_499 {strides = array<i32>} : memref<64x128xf32, #tpu.memory_space<vmem>>, vector<16xf32>,
        %swap3A_506 = arith.index_cast %add3A_347 : i32 to index
        %swap3A_507 = arith.constant 32 : index
        %swap3A_508 = tpu.vector_load %arg15[%swap3A_506, %swap3A_507] {strides = array<i32>} : memref<64x128xf32, #tpu.memory_space<vmem>>, vector<16xf32>,
        tpu.vector_store %arg15[%swap3A_506, %swap3A_507], %select_n3A_499 {strides = array<i32>} : memref<64x128xf32, #tpu.memory_space<vmem>>, vector<16xf32>,
        %swap3A_509 = arith.index_cast %add3A_347 : i32 to index
        %swap3A_510 = arith.constant 48 : index
        %swap3A_511 = tpu.vector_load %arg15[%swap3A_509, %swap3A_510] {strides = array<i32>} : memref<64x128xf32, #tpu.memory_space<vmem>>, vector<16xf32>,
        tpu.vector_store %arg15[%swap3A_509, %swap3A_510], %select_n3A_499 {strides = array<i32>} : memref<64x128xf32, #tpu.memory_space<vmem>>, vector<16xf32>,
        %swap3A_512 = arith.index_cast %add3A_347 : i32 to index
        %swap3A_513 = arith.constant 64 : index
        %swap3A_514 = tpu.vector_load %arg15[%swap3A_512, %swap3A_513] {strides = array<i32>} : memref<64x128xf32, #tpu.memory_space<vmem>>, vector<16xf32>,
        tpu.vector_store %arg15[%swap3A_512, %swap3A_513], %select_n3A_499 {strides = array<i32>} : memref<64x128xf32, #tpu.memory_space<vmem>>, vector<16xf32>,
        %swap3A_515 = arith.index_cast %add3A_347 : i32 to index
        %swap3A_516 = arith.constant 80 : index
        %swap3A_517 = tpu.vector_load %arg15[%swap3A_515, %swap3A_516] {strides = array<i32>} : memref<64x128xf32, #tpu.memory_space<vmem>>, vector<16xf32>,
        tpu.vector_store %arg15[%swap3A_515, %swap3A_516], %select_n3A_499 {strides = array<i32>} : memref<64x128xf32, #tpu.memory_space<vmem>>, vector<16xf32>,
        %swap3A_518 = arith.index_cast %add3A_347 : i32 to index
        %swap3A_519 = arith.constant 96 : index
        %swap3A_520 = tpu.vector_load %arg15[%swap3A_518, %swap3A_519] {strides = array<i32>} : memref<64x128xf32, #tpu.memory_space<vmem>>, vector<16xf32>,
        tpu.vector_store %arg15[%swap3A_518, %swap3A_519], %select_n3A_499 {strides = array<i32>} : memref<64x128xf32, #tpu.memory_space<vmem>>, vector<16xf32>,
        %swap3A_521 = arith.index_cast %add3A_347 : i32 to index
        %swap3A_522 = arith.constant 112 : index
        %swap3A_523 = tpu.vector_load %arg15[%swap3A_521, %swap3A_522] {strides = array<i32>} : memref<64x128xf32, #tpu.memory_space<vmem>>, vector<16xf32>,
        tpu.vector_store %arg15[%swap3A_521, %swap3A_522], %select_n3A_499 {strides = array<i32>} : memref<64x128xf32, #tpu.memory_space<vmem>>, vector<16xf32>,
      }
      %scan3A_156 = arith.constant 32 : i32
      %dma_start3A_157 = arith.constant 0 : i32
      %dma_start3A_158 = arith.constant 0 : i32
      %dma_start3A_159 = tpu.memref_slice %arg16[%dma_start3A_157, %dma_start3A_158] : memref<3072x128xf32, #tpu.memory_space<vmem_shared>> -> memref<3072x128xf32, #tpu.memory_space<vmem_shared>>
      tpu.enqueue_indirect_dma source(%arg14 : memref<64x128xf32, #tpu.memory_space<vmem>>) target(%dma_start3A_159 : memref<3072x128xf32, #tpu.memory_space<vmem_shared>>) offsets(%arg9 : memref<64xi32, #tpu.memory_space<vmem>>) semaphore(%arg18 : memref<!tpu.dma_semaphore, #tpu.memory_space<semaphore_mem>>) {add = true}
      %dma_start3A_160 = arith.constant 0 : i32
      %dma_start3A_161 = arith.constant 0 : i32
      %dma_start3A_162 = tpu.memref_slice %arg17[%dma_start3A_160, %dma_start3A_161] : memref<3072x128xf32, #tpu.memory_space<vmem_shared>> -> memref<3072x128xf32, #tpu.memory_space<vmem_shared>>
      tpu.enqueue_indirect_dma source(%arg15 : memref<64x128xf32, #tpu.memory_space<vmem>>) target(%dma_start3A_162 : memref<3072x128xf32, #tpu.memory_space<vmem_shared>>) offsets(%arg9 : memref<64xi32, #tpu.memory_space<vmem>>) semaphore(%arg19 : memref<!tpu.dma_semaphore, #tpu.memory_space<semaphore_mem>>) {add = true}
      %dma_wait3A_163 = arith.constant 0 : i32
      %dma_wait3A_164 = arith.constant 0 : i32
      %dma_wait3A_165 = tpu.memref_slice %arg16[%dma_wait3A_163, %dma_wait3A_164] : memref<3072x128xf32, #tpu.memory_space<vmem_shared>> -> memref<3072x128xf32, #tpu.memory_space<vmem_shared>>
      tpu.wait_indirect_dma semaphore(%arg18 : memref<!tpu.dma_semaphore, #tpu.memory_space<semaphore_mem>>) src(%arg14 : memref<64x128xf32, #tpu.memory_space<vmem>>) dst(%dma_wait3A_165 : memref<3072x128xf32, #tpu.memory_space<vmem_shared>>)
      %dma_wait3A_166 = arith.constant 0 : i32
      %dma_wait3A_167 = arith.constant 0 : i32
      %dma_wait3A_168 = tpu.memref_slice %arg17[%dma_wait3A_166, %dma_wait3A_167] : memref<3072x128xf32, #tpu.memory_space<vmem_shared>> -> memref<3072x128xf32, #tpu.memory_space<vmem_shared>>
      tpu.wait_indirect_dma semaphore(%arg19 : memref<!tpu.dma_semaphore, #tpu.memory_space<semaphore_mem>>) src(%arg15 : memref<64x128xf32, #tpu.memory_space<vmem>>) dst(%dma_wait3A_168 : memref<3072x128xf32, #tpu.memory_space<vmem_shared>>)
    }
    %scan3A_103 = arith.constant 160 : i32
    %barrier3A_104 = arith.constant 0 : index
    tpu.barrier barrier_id(%barrier3A_104)
    %scan3A_105 = arith.constant 0 : i32
    %scan3A_106 = arith.constant 0 : i32
    %scan3A_107 = arith.constant 3 : i32
    %scan3A_108 = arith.addi %scan3A_106, %scan3A_107 : i32
    %scan3A_109 = arith.constant 1 : i32
    scf.for %scan3A_112 = %scan3A_106 to %scan3A_108 step %scan3A_109  : i32 {
      %mul3A_113 = arith.constant 64 : i32
      %mul3A_114 = arith.muli %scan3A_112, %mul3A_113 : i32
      %add3A = arith.addi %mul3A_5, %mul3A_114 : i32
      "tpu.region"() ({
        %run_scoped3A = tpu.sem_alloc : memref<!tpu.dma_semaphore, #tpu.memory_space<semaphore_mem>>
        %dma_start3A = arith.constant 0 : i32
        %dma_start3A_128 = tpu.memref_slice %arg16[%add3A, %dma_start3A] : memref<3072x128xf32, #tpu.memory_space<vmem_shared>> -> memref<64x128xf32, #tpu.memory_space<vmem_shared>>
        %dma_start3A_129 = arith.constant 0 : i32
        %dma_start3A_130 = tpu.memref_slice %arg16[%add3A, %dma_start3A_129] : memref<3072x128xf32, #tpu.memory_space<vmem_shared>> -> memref<64x128xf32, #tpu.memory_space<vmem_shared>>
        tpu.enqueue_dma source(%dma_start3A_130 : memref<64x128xf32, #tpu.memory_space<vmem_shared>>) target(%arg12 : memref<64x128xf32, #tpu.memory_space<vmem>>) target_semaphore(%run_scoped3A : memref<!tpu.dma_semaphore, #tpu.memory_space<semaphore_mem>>)
        %dma_wait3A = arith.constant 0 : i32
        %dma_wait3A_131 = tpu.memref_slice %arg16[%add3A, %dma_wait3A] : memref<3072x128xf32, #tpu.memory_space<vmem_shared>> -> memref<64x128xf32, #tpu.memory_space<vmem_shared>>
        %dma_wait3A_132 = arith.constant 0 : i32
        %dma_wait3A_133 = tpu.memref_slice %arg16[%add3A, %dma_wait3A_132] : memref<3072x128xf32, #tpu.memory_space<vmem_shared>> -> memref<64x128xf32, #tpu.memory_space<vmem_shared>>
        tpu.wait_dma2 semaphore(%run_scoped3A : memref<!tpu.dma_semaphore, #tpu.memory_space<semaphore_mem>>) src(%dma_wait3A_133 : memref<64x128xf32, #tpu.memory_space<vmem_shared>>) dst(%arg12 : memref<64x128xf32, #tpu.memory_space<vmem>>)
        tpu.yield
      }) : () -> ()
      "tpu.region"() ({
        %run_scoped3A = tpu.sem_alloc : memref<!tpu.dma_semaphore, #tpu.memory_space<semaphore_mem>>
        %dma_start3A = arith.constant 0 : i32
        %dma_start3A_128 = tpu.memref_slice %arg17[%add3A, %dma_start3A] : memref<3072x128xf32, #tpu.memory_space<vmem_shared>> -> memref<64x128xf32, #tpu.memory_space<vmem_shared>>
        %dma_start3A_129 = arith.constant 0 : i32
        %dma_start3A_130 = tpu.memref_slice %arg17[%add3A, %dma_start3A_129] : memref<3072x128xf32, #tpu.memory_space<vmem_shared>> -> memref<64x128xf32, #tpu.memory_space<vmem_shared>>
        tpu.enqueue_dma source(%dma_start3A_130 : memref<64x128xf32, #tpu.memory_space<vmem_shared>>) target(%arg15 : memref<64x128xf32, #tpu.memory_space<vmem>>) target_semaphore(%run_scoped3A : memref<!tpu.dma_semaphore, #tpu.memory_space<semaphore_mem>>)
        %dma_wait3A = arith.constant 0 : i32
        %dma_wait3A_131 = tpu.memref_slice %arg17[%add3A, %dma_wait3A] : memref<3072x128xf32, #tpu.memory_space<vmem_shared>> -> memref<64x128xf32, #tpu.memory_space<vmem_shared>>
        %dma_wait3A_132 = arith.constant 0 : i32
        %dma_wait3A_133 = tpu.memref_slice %arg17[%add3A, %dma_wait3A_132] : memref<3072x128xf32, #tpu.memory_space<vmem_shared>> -> memref<64x128xf32, #tpu.memory_space<vmem_shared>>
        tpu.wait_dma2 semaphore(%run_scoped3A : memref<!tpu.dma_semaphore, #tpu.memory_space<semaphore_mem>>) src(%dma_wait3A_133 : memref<64x128xf32, #tpu.memory_space<vmem_shared>>) dst(%arg15 : memref<64x128xf32, #tpu.memory_space<vmem>>)
        tpu.yield
      }) : () -> ()
      %scan3A_115 = arith.constant 0 : i32
      %scan3A_116 = arith.constant 0 : i32
      %scan3A_117 = arith.constant 64 : i32
      %scan3A_118 = arith.addi %scan3A_116, %scan3A_117 : i32
      %scan3A_119 = arith.constant 1 : i32
      scf.for %scan3A_128 = %scan3A_116 to %scan3A_118 step %scan3A_119  : i32 {
        %get3A = arith.index_cast %scan3A_128 : i32 to index
        %get3A_129 = arith.constant 0 : index
        %get3A_130 = tpu.vector_load %arg15[%get3A, %get3A_129] {strides = array<i32>} : memref<64x128xf32, #tpu.memory_space<vmem>>, vector<16xf32>,
        %eq3A = arith.constant 0.000000e+00 : f32
        %eq3A_131 = vector.broadcast %eq3A : f32 to vector<16xf32>
        %eq3A_132 = arith.cmpf oeq, %get3A_130, %eq3A_131 : vector<16xf32>
        %jit3A = arith.constant 1.000000e+00 : f32
        %broadcast_in_dim3A_133 = vector.broadcast %jit3A : f32 to vector<16xf32>
        %select_n3A = arith.select %eq3A_132, %broadcast_in_dim3A_133, %get3A_130 : vector<16xi1>, vector<16xf32>
        %div3A = arith.constant 1.000000e+00 : f32
        %div3A_134 = vector.broadcast %div3A : f32 to vector<16xf32>
        %div3A_135 = arith.divf %div3A_134, %select_n3A : vector<16xf32>
        %eq3A_136 = arith.constant 0 : i32
        %eq3A_137 = vector.broadcast %eq3A_136 : i32 to vector<16xi32>
        %eq3A_138 = arith.cmpi eq, %and3A_2, %eq3A_137 : vector<16xi32>
        %jit3A_139 = arith.constant 0.000000e+00 : f32
        %broadcast_in_dim3A_140 = vector.broadcast %jit3A_139 : f32 to vector<16xf32>
        %select_n3A_141 = arith.select %eq3A_138, %div3A_135, %broadcast_in_dim3A_140 : vector<16xi1>, vector<16xf32>
        %reduce_max3A = arith.constant true
        %reduce_max3A_142 = vector.broadcast %reduce_max3A : i1 to vector<16xi1>
        %reduce_max3A_143 = tpu.scan <max>, %select_n3A_141 masked %reduce_max3A_142 : vector<16xf32>, vector<16xi1> -> vector<16xf32>
        %reduce_max3A_144 = vector.extract %reduce_max3A_143[15] : f32 from vector<16xf32>
        %broadcast_in_dim3A_145 = vector.broadcast %reduce_max3A_144 : f32 to vector<16xf32>
        %get3A_146 = arith.index_cast %scan3A_128 : i32 to index
        %get3A_147 = arith.constant 0 : index
        %get3A_148 = tpu.vector_load %arg12[%get3A_146, %get3A_147] {strides = array<i32>} : memref<64x128xf32, #tpu.memory_space<vmem>>, vector<16xf32>,
        %mul3A_149 = arith.mulf %get3A_148, %broadcast_in_dim3A_145 : vector<16xf32>
        %swap3A = arith.index_cast %scan3A_128 : i32 to index
        %swap3A_150 = arith.constant 0 : index
        %swap3A_151 = tpu.vector_load %arg12[%swap3A, %swap3A_150] {strides = array<i32>} : memref<64x128xf32, #tpu.memory_space<vmem>>, vector<16xf32>,
        tpu.vector_store %arg12[%swap3A, %swap3A_150], %mul3A_149 {strides = array<i32>} : memref<64x128xf32, #tpu.memory_space<vmem>>, vector<16xf32>,
        %get3A_152 = arith.index_cast %scan3A_128 : i32 to index
        %get3A_153 = arith.constant 16 : index
        %get3A_154 = tpu.vector_load %arg12[%get3A_152, %get3A_153] {strides = array<i32>} : memref<64x128xf32, #tpu.memory_space<vmem>>, vector<16xf32>,
        %mul3A_155 = arith.mulf %get3A_154, %broadcast_in_dim3A_145 : vector<16xf32>
        %swap3A_156 = arith.index_cast %scan3A_128 : i32 to index
        %swap3A_157 = arith.constant 16 : index
        %swap3A_158 = tpu.vector_load %arg12[%swap3A_156, %swap3A_157] {strides = array<i32>} : memref<64x128xf32, #tpu.memory_space<vmem>>, vector<16xf32>,
        tpu.vector_store %arg12[%swap3A_156, %swap3A_157], %mul3A_155 {strides = array<i32>} : memref<64x128xf32, #tpu.memory_space<vmem>>, vector<16xf32>,
        %eq3A_159 = arith.constant 1 : i32
        %eq3A_160 = vector.broadcast %eq3A_159 : i32 to vector<16xi32>
        %eq3A_161 = arith.cmpi eq, %and3A_2, %eq3A_160 : vector<16xi32>
        %jit3A_162 = arith.constant 0.000000e+00 : f32
        %broadcast_in_dim3A_163 = vector.broadcast %jit3A_162 : f32 to vector<16xf32>
        %select_n3A_164 = arith.select %eq3A_161, %div3A_135, %broadcast_in_dim3A_163 : vector<16xi1>, vector<16xf32>
        %reduce_max3A_165 = arith.constant true
        %reduce_max3A_166 = vector.broadcast %reduce_max3A_165 : i1 to vector<16xi1>
        %reduce_max3A_167 = tpu.scan <max>, %select_n3A_164 masked %reduce_max3A_166 : vector<16xf32>, vector<16xi1> -> vector<16xf32>
        %reduce_max3A_168 = vector.extract %reduce_max3A_167[15] : f32 from vector<16xf32>
        %broadcast_in_dim3A_169 = vector.broadcast %reduce_max3A_168 : f32 to vector<16xf32>
        %get3A_170 = arith.index_cast %scan3A_128 : i32 to index
        %get3A_171 = arith.constant 32 : index
        %get3A_172 = tpu.vector_load %arg12[%get3A_170, %get3A_171] {strides = array<i32>} : memref<64x128xf32, #tpu.memory_space<vmem>>, vector<16xf32>,
        %mul3A_173 = arith.mulf %get3A_172, %broadcast_in_dim3A_169 : vector<16xf32>
        %swap3A_174 = arith.index_cast %scan3A_128 : i32 to index
        %swap3A_175 = arith.constant 32 : index
        %swap3A_176 = tpu.vector_load %arg12[%swap3A_174, %swap3A_175] {strides = array<i32>} : memref<64x128xf32, #tpu.memory_space<vmem>>, vector<16xf32>,
        tpu.vector_store %arg12[%swap3A_174, %swap3A_175], %mul3A_173 {strides = array<i32>} : memref<64x128xf32, #tpu.memory_space<vmem>>, vector<16xf32>,
        %get3A_177 = arith.index_cast %scan3A_128 : i32 to index
        %get3A_178 = arith.constant 48 : index
        %get3A_179 = tpu.vector_load %arg12[%get3A_177, %get3A_178] {strides = array<i32>} : memref<64x128xf32, #tpu.memory_space<vmem>>, vector<16xf32>,
        %mul3A_180 = arith.mulf %get3A_179, %broadcast_in_dim3A_169 : vector<16xf32>
        %swap3A_181 = arith.index_cast %scan3A_128 : i32 to index
        %swap3A_182 = arith.constant 48 : index
        %swap3A_183 = tpu.vector_load %arg12[%swap3A_181, %swap3A_182] {strides = array<i32>} : memref<64x128xf32, #tpu.memory_space<vmem>>, vector<16xf32>,
        tpu.vector_store %arg12[%swap3A_181, %swap3A_182], %mul3A_180 {strides = array<i32>} : memref<64x128xf32, #tpu.memory_space<vmem>>, vector<16xf32>,
        %eq3A_184 = arith.constant 2 : i32
        %eq3A_185 = vector.broadcast %eq3A_184 : i32 to vector<16xi32>
        %eq3A_186 = arith.cmpi eq, %and3A_2, %eq3A_185 : vector<16xi32>
        %jit3A_187 = arith.constant 0.000000e+00 : f32
        %broadcast_in_dim3A_188 = vector.broadcast %jit3A_187 : f32 to vector<16xf32>
        %select_n3A_189 = arith.select %eq3A_186, %div3A_135, %broadcast_in_dim3A_188 : vector<16xi1>, vector<16xf32>
        %reduce_max3A_190 = arith.constant true
        %reduce_max3A_191 = vector.broadcast %reduce_max3A_190 : i1 to vector<16xi1>
        %reduce_max3A_192 = tpu.scan <max>, %select_n3A_189 masked %reduce_max3A_191 : vector<16xf32>, vector<16xi1> -> vector<16xf32>
        %reduce_max3A_193 = vector.extract %reduce_max3A_192[15] : f32 from vector<16xf32>
        %broadcast_in_dim3A_194 = vector.broadcast %reduce_max3A_193 : f32 to vector<16xf32>
        %get3A_195 = arith.index_cast %scan3A_128 : i32 to index
        %get3A_196 = arith.constant 64 : index
        %get3A_197 = tpu.vector_load %arg12[%get3A_195, %get3A_196] {strides = array<i32>} : memref<64x128xf32, #tpu.memory_space<vmem>>, vector<16xf32>,
        %mul3A_198 = arith.mulf %get3A_197, %broadcast_in_dim3A_194 : vector<16xf32>
        %swap3A_199 = arith.index_cast %scan3A_128 : i32 to index
        %swap3A_200 = arith.constant 64 : index
        %swap3A_201 = tpu.vector_load %arg12[%swap3A_199, %swap3A_200] {strides = array<i32>} : memref<64x128xf32, #tpu.memory_space<vmem>>, vector<16xf32>,
        tpu.vector_store %arg12[%swap3A_199, %swap3A_200], %mul3A_198 {strides = array<i32>} : memref<64x128xf32, #tpu.memory_space<vmem>>, vector<16xf32>,
        %get3A_202 = arith.index_cast %scan3A_128 : i32 to index
        %get3A_203 = arith.constant 80 : index
        %get3A_204 = tpu.vector_load %arg12[%get3A_202, %get3A_203] {strides = array<i32>} : memref<64x128xf32, #tpu.memory_space<vmem>>, vector<16xf32>,
        %mul3A_205 = arith.mulf %get3A_204, %broadcast_in_dim3A_194 : vector<16xf32>
        %swap3A_206 = arith.index_cast %scan3A_128 : i32 to index
        %swap3A_207 = arith.constant 80 : index
        %swap3A_208 = tpu.vector_load %arg12[%swap3A_206, %swap3A_207] {strides = array<i32>} : memref<64x128xf32, #tpu.memory_space<vmem>>, vector<16xf32>,
        tpu.vector_store %arg12[%swap3A_206, %swap3A_207], %mul3A_205 {strides = array<i32>} : memref<64x128xf32, #tpu.memory_space<vmem>>, vector<16xf32>,
        %eq3A_209 = arith.constant 3 : i32
        %eq3A_210 = vector.broadcast %eq3A_209 : i32 to vector<16xi32>
        %eq3A_211 = arith.cmpi eq, %and3A_2, %eq3A_210 : vector<16xi32>
        %jit3A_212 = arith.constant 0.000000e+00 : f32
        %broadcast_in_dim3A_213 = vector.broadcast %jit3A_212 : f32 to vector<16xf32>
        %select_n3A_214 = arith.select %eq3A_211, %div3A_135, %broadcast_in_dim3A_213 : vector<16xi1>, vector<16xf32>
        %reduce_max3A_215 = arith.constant true
        %reduce_max3A_216 = vector.broadcast %reduce_max3A_215 : i1 to vector<16xi1>
        %reduce_max3A_217 = tpu.scan <max>, %select_n3A_214 masked %reduce_max3A_216 : vector<16xf32>, vector<16xi1> -> vector<16xf32>
        %reduce_max3A_218 = vector.extract %reduce_max3A_217[15] : f32 from vector<16xf32>
        %broadcast_in_dim3A_219 = vector.broadcast %reduce_max3A_218 : f32 to vector<16xf32>
        %get3A_220 = arith.index_cast %scan3A_128 : i32 to index
        %get3A_221 = arith.constant 96 : index
        %get3A_222 = tpu.vector_load %arg12[%get3A_220, %get3A_221] {strides = array<i32>} : memref<64x128xf32, #tpu.memory_space<vmem>>, vector<16xf32>,
        %mul3A_223 = arith.mulf %get3A_222, %broadcast_in_dim3A_219 : vector<16xf32>
        %swap3A_224 = arith.index_cast %scan3A_128 : i32 to index
        %swap3A_225 = arith.constant 96 : index
        %swap3A_226 = tpu.vector_load %arg12[%swap3A_224, %swap3A_225] {strides = array<i32>} : memref<64x128xf32, #tpu.memory_space<vmem>>, vector<16xf32>,
        tpu.vector_store %arg12[%swap3A_224, %swap3A_225], %mul3A_223 {strides = array<i32>} : memref<64x128xf32, #tpu.memory_space<vmem>>, vector<16xf32>,
        %get3A_227 = arith.index_cast %scan3A_128 : i32 to index
        %get3A_228 = arith.constant 112 : index
        %get3A_229 = tpu.vector_load %arg12[%get3A_227, %get3A_228] {strides = array<i32>} : memref<64x128xf32, #tpu.memory_space<vmem>>, vector<16xf32>,
        %mul3A_230 = arith.mulf %get3A_229, %broadcast_in_dim3A_219 : vector<16xf32>
        %swap3A_231 = arith.index_cast %scan3A_128 : i32 to index
        %swap3A_232 = arith.constant 112 : index
        %swap3A_233 = tpu.vector_load %arg12[%swap3A_231, %swap3A_232] {strides = array<i32>} : memref<64x128xf32, #tpu.memory_space<vmem>>, vector<16xf32>,
        tpu.vector_store %arg12[%swap3A_231, %swap3A_232], %mul3A_230 {strides = array<i32>} : memref<64x128xf32, #tpu.memory_space<vmem>>, vector<16xf32>,
      }
      %scan3A_120 = arith.constant 64 : i32
      %mul3A_121 = arith.constant 4 : i32
      %mul3A_122 = arith.muli %mul3A_121, %arg0 : i32
      %add3A_123 = arith.constant 3 : i32
      %add3A_124 = arith.addi %mul3A_122, %add3A_123 : i32
      %mul3A_125 = arith.constant 3072 : i32
      %mul3A_126 = arith.muli %add3A_124, %mul3A_125 : i32
      %add3A_127 = arith.addi %mul3A_126, %add3A : i32
      "tpu.region"() ({
        %run_scoped3A = tpu.sem_alloc : memref<!tpu.dma_semaphore, #tpu.memory_space<semaphore_mem>>
        %dma_start3A = arith.constant 0 : i32
        %dma_start3A_128 = tpu.memref_slice %arg8[%add3A_127, %dma_start3A] : memref<24576x128xf32, #tpu.memory_space<hbm>> -> memref<64x128xf32, #tpu.memory_space<hbm>>
        %dma_start3A_129 = arith.constant 0 : i32
        %dma_start3A_130 = tpu.memref_slice %arg8[%add3A_127, %dma_start3A_129] : memref<24576x128xf32, #tpu.memory_space<hbm>> -> memref<64x128xf32, #tpu.memory_space<hbm>>
        tpu.enqueue_dma source(%arg12 : memref<64x128xf32, #tpu.memory_space<vmem>>) target(%dma_start3A_130 : memref<64x128xf32, #tpu.memory_space<hbm>>) target_semaphore(%run_scoped3A : memref<!tpu.dma_semaphore, #tpu.memory_space<semaphore_mem>>)
        %dma_wait3A = arith.constant 0 : i32
        %dma_wait3A_131 = tpu.memref_slice %arg8[%add3A_127, %dma_wait3A] : memref<24576x128xf32, #tpu.memory_space<hbm>> -> memref<64x128xf32, #tpu.memory_space<hbm>>
        %dma_wait3A_132 = arith.constant 0 : i32
        %dma_wait3A_133 = tpu.memref_slice %arg8[%add3A_127, %dma_wait3A_132] : memref<24576x128xf32, #tpu.memory_space<hbm>> -> memref<64x128xf32, #tpu.memory_space<hbm>>
        tpu.wait_dma2 semaphore(%run_scoped3A : memref<!tpu.dma_semaphore, #tpu.memory_space<semaphore_mem>>) src(%arg12 : memref<64x128xf32, #tpu.memory_space<vmem>>) dst(%dma_wait3A_133 : memref<64x128xf32, #tpu.memory_space<hbm>>)
        tpu.yield
      }) : () -> ()
    }
    %scan3A_110 = arith.constant 3 : i32
    %barrier3A_111 = arith.constant 0 : index
    tpu.barrier barrier_id(%barrier3A_111)
    return
  }
}

</mosaic_0001>

<sc_bundles>
// kernel: kernel.3.cloned.1.call-start
scs
__scs_entry_jumppad:
0x0: {  	(pc) =	sbr.rel $0x88, $3  }
0x1: {  	(tag) =	ssettag $0x0;
	lr =	simm.s32 $0x1  }
0x2: {  	[smem:$0x3F9D] =	sst lr;
	_ =	strace $0xD0000000  }
0x3: {  	_ = 	snop  }
0x4: {  	_ = 	snop  }
0x5: {  	_ = 	snop  }
0x6: {  	_ = 	snop  }
0x7: {  	_ = 	snop  }
__scs_overlays_trampoline_lowered:
0x8: {  	[smem:$0x3FAC] =	sst s0  }
0x9: {  	[smem:$0x3FAD] =	sst s1  }
0xa: {  	[smem:$0x3FAE] =	sst s2  }
0xb: {  	[smem:$0x3FAF] =	sst s3  }
0xc: {  	[smem:$0x3FB0] =	sst s4  }
0xd: {  	[smem:$0x3FB1] =	sst s5  }
0xe: {  	[smem:$0x3FB2] =	sst s6  }
0xf: {  	[smem:$0x3FB3] =	sst s7  }
0x10: {  	[smem:$0x3FB4] =	sst s8  }
0x11: {  	[smem:$0x3FB5] =	sst s9;
	s0 =	simm.s32 @!p0 $0x0  }
0x12: {  	s1 =	sld [smem:$0x3F9B];
	s0 =	simm.s32 @p0 $0x1  }
0x13: {  	[smem:$0x3FB6] =	sst s0;
	s0 =	simm.s32 @!p1 $0x0  }
0x14: {  	s2 =	sld [smem:$0x3F9A];
	s0 =	simm.s32 @p1 $0x1  }
0x15: {  	[smem:$0x3FB7] =	sst s0;
	s0 =	simm.s32 @!p2 $0x0  }
0x16: {  	s3 =	sld [smem:$0x3FDB];
	s0 =	simm.s32 @p2 $0x1  }
0x17: {  	s4 =	simm.s32 $0x1BF5;
	[smem:$0x3FB9] =	sst s0  }
0x18: {  	s0 =	sld [smem:$0x3F9C];
	_ =	swait.ge [sflag:s4], $0x0  }
0x19: {  	s7 =	sld [smem:$0x3F9D]  }
0x1a: {  	s8 =	sadd.s32 $0xFFFFE003, lr  }
0x1b: {  	s9 =	sadd.s32 $0xFFFFFEF7, lr;
	s5 =	simm.s32 $0xFFFFFFFF;
	p2 =	slt.u32 s8, $0xFFFFF086  }
0x1c: {  	p1 =	slt.u32 s9, $0xF7A;
	s5 =	simm.s32 @!p2 $0x0  }
0x1d: {  	s5 =	simm.s32 @p1 $0x1;
	p0 =	seq.s32 s7, s2  }
0x1e: {  	s7 =	smul.u32 @!p0 $0xF7A, s2;
	p2 =	seq.s32 @!p0 s5, $0x0  }
0x1f: {  	s9 =	smul.u32 $0xF7A, s1;
	s8 =	simm.s32 @!p0 $0x1BF5;
	p2 =	por !p2, p0  }
0x20: {  	[sflag:s8] =	ssyncset.s32 @!p0 $0xFFFFF086;
	s6 =	sadd.s32 @!p0 s3, s7;
	s7 =	simm.s32 @!p0 $0x108  }
0x21: {  	s3 =	sadd.s32 s3, s9;
	s6 =	sadd.s32 @!p0 $0x88, s6;
	s7 =	simm.s32 @p2 $0x1082  }
0x22: {  	[simem:s7], [sflag:s8] =	dma.local @!p0 [hbm:s6], $0xF7A  }
0x23: {  	s9 =	sor.u32 $0xD0000000, s2;
	s6 =	simm.s32 $0x108;
	_ =	swait.ge @!p0 [sflag:s8], $0x0  }
0x24: {  	s3 =	sadd.s32 $0x88, s3;
	s6 =	simm.s32 @!p1 $0x1082;
	[sflag:s4] =	ssyncset.s32 $0xFFFFF086  }
0x25: {  	[simem:s6], [sflag:s4] =	dma.local [hbm:s3], $0xF7A  }
0x26: {  	[smem:$0x3F9D] =	sst s1;
	(tag) =	ssettag s2;
	_ =	strace s9  }
0x27: {  	s1 =	sld [smem:$0x3FAD]  }
0x28: {  	s2 =	sld [smem:$0x3FAE]  }
0x29: {  	s4 =	sld [smem:$0x3FB0]  }
0x2a: {  	p0 =	seq.s32 s5, $0x0;
	s5 =	sld [smem:$0x3FB1]  }
0x2b: {  	s6 =	sld [smem:$0x3FB2]  }
0x2c: {  	s7 =	sld [smem:$0x3FB3]  }
0x2d: {  	s3 =	simm.s32 $0x108;
	s8 =	sld [smem:$0x3FB4]  }
0x2e: {  	s3 =	simm.s32 @!p0 $0x1082;
	s9 =	sld [smem:$0x3FB5]  }
0x2f: {  	lr =	sadd.s32 s0, s3;
	s0 =	sld [smem:$0x3FAC]  }
0x30: {  	s3 =	sld [smem:$0x3FAF]  }
0x31: {  	[smem:$0x3FB8] =	sst s10  }
0x32: {  	s10 =	sld [smem:$0x3FB6];
	_ =	sdelay $0x3  }
0x33: {  	p0 =	seq.s32 s10, $0x1;
	s10 =	sld [smem:$0x3FB8];
	_ =	sdelay $0x3  }
0x34: {  	[smem:$0x3FB8] =	sst s10  }
0x35: {  	s10 =	sld [smem:$0x3FB7];
	_ =	sdelay $0x3  }
0x36: {  	p1 =	seq.s32 s10, $0x1;
	s10 =	sld [smem:$0x3FB8];
	_ =	sdelay $0x3  }
0x37: {  	[smem:$0x3FB8] =	sst s10  }
0x38: {  	s10 =	sld [smem:$0x3FB9]  }
0x39: {  	_ = 	snop;
	(pc) =	sbr.ind lr, $3  }
0x3a: {  	_ = 	snop  }
0x3b: {  	_ = 	snop  }
0x3c: {  	p2 =	seq.s32 s10, $0x1;
	s10 =	sld [smem:$0x3FB8]  }
0x3d: {  	_ =	shalt  }
0x3e: {  	_ =	shalt  }
0x3f: {  	_ =	shalt  }
0x40: {  	_ =	shalt  }
0x41: {  	_ =	shalt  }
0x42: {  	_ =	shalt  }
0x43: {  	_ =	shalt  }
0x44: {  	_ =	shalt  }
0x45: {  	_ =	shalt  }
0x46: {  	_ =	shalt  }
0x47: {  	_ =	shalt  }
0x48: {  	_ =	shalt  }
0x49: {  	_ =	shalt  }
0x4a: {  	_ =	shalt  }
0x4b: {  	_ =	shalt  }
0x4c: {  	_ =	shalt  }
0x4d: {  	_ =	shalt  }
0x4e: {  	_ =	shalt  }
0x4f: {  	_ =	shalt  }
0x50: {  	_ =	shalt  }
0x51: {  	_ =	shalt  }
0x52: {  	_ =	shalt  }
0x53: {  	_ =	shalt  }
0x54: {  	_ =	shalt  }
0x55: {  	_ =	shalt  }
0x56: {  	_ =	shalt  }
0x57: {  	_ =	shalt  }
0x58: {  	_ =	shalt  }
0x59: {  	_ =	shalt  }
0x5a: {  	_ =	shalt  }
0x5b: {  	_ =	shalt  }
0x5c: {  	_ =	shalt  }
0x5d: {  	_ =	shalt  }
0x5e: {  	_ =	shalt  }
0x5f: {  	_ =	shalt  }
0x60: {  	_ =	shalt  }
0x61: {  	_ =	shalt  }
0x62: {  	_ =	shalt  }
0x63: {  	_ =	shalt  }
0x64: {  	_ =	shalt  }
0x65: {  	_ =	shalt  }
0x66: {  	_ =	shalt  }
0x67: {  	_ =	shalt  }
0x68: {  	_ =	shalt  }
0x69: {  	_ =	shalt  }
0x6a: {  	_ =	shalt  }
0x6b: {  	_ =	shalt  }
0x6c: {  	_ =	shalt  }
0x6d: {  	_ =	shalt  }
0x6e: {  	_ =	shalt  }
0x6f: {  	_ =	shalt  }
0x70: {  	_ =	shalt  }
0x71: {  	_ =	shalt  }
0x72: {  	_ =	shalt  }
0x73: {  	_ =	shalt  }
0x74: {  	_ =	shalt  }
0x75: {  	_ =	shalt  }
0x76: {  	_ =	shalt  }
0x77: {  	_ =	shalt  }
0x78: {  	_ =	shalt  }
0x79: {  	_ =	shalt  }
0x7a: {  	_ =	shalt  }
0x7b: {  	_ =	shalt  }
0x7c: {  	_ =	shalt  }
0x7d: {  	_ =	shalt  }
0x7e: {  	_ =	shalt  }
0x7f: {  	_ =	shalt  }
0x80: {  	_ =	shalt  }
0x81: {  	_ =	shalt  }
0x82: {  	_ =	shalt  }
0x83: {  	_ =	shalt  }
0x84: {  	_ =	shalt  }
0x85: {  	_ =	shalt  }
0x86: {  	_ =	shalt  }
0x87: {  	_ =	shalt  }
.Lfunc_end0:
.L_simem_size_0:
called_computation_lowered:
.L_overlay_start_0:
0x88: {  	s2 =	sld [smem:$0x3FD9]  }
0x89: {  	s3 =	sld [smem:$0x3FFE];
	_ =	sdelay $0x1  }
0x8a: {  	s1 =	srdreg.scid  }
0x8b: {  	s0 =	sand.u32 $0x1, s1  }
0x8c: {  	s17 =	sshll.u32 s0, $0xA;
	s2 =	sadd.s32 s3, s2  }
0x8d: {  	s2 =	sadd.s32 s2, s17  }
0x8e: {  	[smem:$0x3FC4] =	sst s2  }
0x8f: {  	_ = 	snop  }
0x90: {  	s2 =	sld [smem:$0x3FD0];
	(tm) =	ssettm $0x1  }
0x91: {  	s18 =	sld [smem:$0x3FFB];
	_ =	sdelay $0x3  }
0x92: {  	_ =	strace s18  }
0x93: {  	s3 =	sld [smem:$0x3FFC];
	_ =	sdelay $0x3  }
0x94: {  	_ =	strace s3  }
0x95: {  	s3 =	sld [smem:$0x3FFD];
	_ =	sdelay $0x3  }
0x96: {  	_ =	strace s3  }
0x97: {  	_ =	strace $0x8FFFFFFF  }
0x98: {  	s19 =	sld [smem:$0x3FDB];
	_ =	sdelay $0x1  }
0x99: {  	s4 =	simm.s32 $_scs_section_size  }
0x9a: {  	s5 =	simm.s32 $_size__tile_overlayer_lowered;
	s6 =	simm.s32 $_tile_overlayer_lowered  }
0x9b: {  	s22 =	simm.s32 $0x1BFF;
	s21 =	sshll.u32 s6, $0x1;
	s3 =	sadd.s32 s4, s19  }
0x9c: {  	s7 =	simm.s32 $0x0;
	s20 =	sshll.u32 s5, $0x1;
	s5 =	sadd.s32 s21, s3  }
0x9d: {  	[timem:s7], [sflag:s22] =	dma.local [hbm:s5], s20  }
0x9e: {  	_ =	swait.ge [sflag:s22], s20  }
0x9f: {  	s4 =	ssub.s32 $0x0, s20;
	[sflag:s22] =	ssyncset.done $0x0  }
0xa0: {  	[sflag:s22] =	ssyncadd.s32 s4;
	_ =	sdelay $0x1  }
0xa1: {  	s23 =	simm.s32 $0x1B8B  }
0xa2: {  	_ =	swait.ge [sflag:s23], $0x1  }
0xa3: {  	[sflag:s23] =	ssyncset.done $0x0  }
0xa4: {  	s25 =	simm.s32 $0x1B8E;
	s24 =	sld [smem:$0x3FFE];
	[sflag:s23] =	ssyncadd.s32 $0xFFFFFFFF  }
0xa5: {  	s26 =	simm.s32 $execute0_lowered;
	[smem:$0x3FD2] =	sst s25  }
0xa6: {  	s5 =	sshll.u32 s26, $0x1;
	_ =	strace $0x80000046;
	[dreg:$0x1] =	wrdreg $0xFFFFFFFF  }
0xa7: {  	s28 =	simm.s32 $_size_execute0_lowered;
	s3 =	sadd.s32 s3, s5;
	[dreg:$0x0] =	wrdreg $0x0  }
0xa8: {  	s5 =	sshll.u32 s28, $0x1;
	[dreg:$0x2] =	wrdreg s3  }
0xa9: {  	[dreg:$0x3] =	wrdreg s5  }
0xaa: {  	[dreg:$0x4] =	wrdreg $0xC0  }
0xab: {  	_ =	task [dreg:s7], $0x5FFFF  }
0xac: {  	[dreg:$0x1] =	wrdreg $0xFFFFFFFF  }
0xad: {  	[dreg:$0x0] =	wrdreg $0x60  }
0xae: {  	[dreg:$0x2] =	wrdreg s2  }
0xaf: {  	[dreg:$0x3] =	wrdreg s24  }
0xb0: {  	[dreg:$0x4] =	wrdreg $0x81800  }
0xb1: {  	[dreg:$0x5] =	wrdreg $0xE1800  }
0xb2: {  	[dreg:$0x6] =	wrdreg $0x9  }
0xb3: {  	_ =	task.clear_ibuf [dreg:s7], $0x7FFFF;
	_ =	strace $0x90000046  }
0xb4: {  	s29 =	simm.s32 $0x9;
	_ =	strace $0x80000048  }
0xb5: {  	_ =	swait.ge [sflag:s29], $0x1  }
0xb6: {  	[sflag:s29] =	ssyncadd.s32 $0xFFFFFFFF  }
0xb7: {  	_ =	strace $0x90000048  }
0xb8: {  	_ =	sfence  }
0xb9: {  	s30 =	sld [smem:$0x0];
	_ =	sdelay $0x2  }
0xba: {  	s31 =	sshll.u32 s1, $0xD;
	s1 =	sshrl.u32 s1, $0x2  }
0xbb: {  	s3 =	sand.u32 $0x4000, s31;
	s1 =	sadd.s32 s1, s30  }
0xbc: {  	s0 =	sor.u32 s3, s0;
	s1 =	sshll.u32 s1, $0x11  }
0xbd: {  	s0 =	sor.u32 s1, s0  }
0xbe: {  	s0 =	sadd.s32 $0x8F2B, s0  }
0xbf: {  	[sflag:s0] =	ssyncadd.remote.s32 $0x1  }
0xc0: {  	_ =	sfence.sel $0xFFFF  }
0xc1: {  	[dreg:$0x0] =	wrdreg $0xFFFFFFFF;
	(pc) =	sbr.abs _section_cstart, $3  }
0xc2: {  	[dreg:$0x1] =	wrdreg $0xFFFFFFFF  }
0xc3: {  	_ =	task.clear_ibuf [dreg:s7], $0x2FFFF;
	_ =	strace $0x9FFFFFFF  }
0xc4: {  	(tm) =	ssettm $0x7FFFFFFF  }
0xc5: {  	_ =	shalt  }
tec
execute0_lowered:
.L_overlay_start_1:
0x0: {  	(tag) =	ssettag $0x1  }
0x1: {  	s1 =	rddreg [dreg:$0x0]  }
0x2: {  	s0 =	rddreg [dreg:$0x1]  }
0x3: {  	s2 =	rddreg [dreg:$0x2]  }
0x4: {  	s3 =	rddreg [dreg:$0x3];
	s4 =	simm.s32 $0x0  }
0x5: {  	s12 =	stileid.u32;
	s5 =	srdreg.scid;
	s28 =	simm.s32 $0x4  }
0x6: {  	s29 =	simm.s32 $0x6180;
	s30 =	simm.s32 $0x80;
	s31 =	simm.s32 $0x100  }
0x7: {  	[smem:$0x7FF] =	sst s4;
	s6 =	sadd.s32 $0x1AC00, s0;
	s8 =	smul.u32 $0x2800, s12  }
0x8: {  	vm0 =	vcmask $0x1F1C;
	s7 =	sadd.s32 $0x69200, s0;
	s9 =	sadd.s32 $0x1C00, s0;
	s10 =	smul.u32 $0xC0, s12  }
0x9: {  	vm1 =	vcmask $0xF0C;
	vm2 =	vcmask $0xF08;
	vm3 =	vcmask $0x3F3C;
	s5 =	sand.u32 $0x1, s5;
	s11 =	sadd.s32 $0xB7800, s0;
	s16 =	smul.u32 $0x6000, s12  }
0xa: {  	vm4 =	vcmask $0x338;
	vm0 =	vmor vm1, vm0;
	vm1 =	vcmask $0x2F2C;
	s12 =	sadd.s32 $0xC1800, s0;
	s13 =	ssub.s32 $0x2, s5;
	s17 =	smul.u32 $0x3000, s5  }
0xb: {  	vm5 =	vcmask $0x2320;
	s14 =	sadd.s32 $0xCB800, s0;
	_ =	strace $0x80000047;
	vm0 =	vmor vm0, vm1;
	vm1 =	vcmask $0x1F18;
	s15 =	sshrl.u32 s13, $0x1  }
0xc: {  	vm6 =	vcmask $0x170C;
	vm1 =	vmor vm2, vm1;
	vm2 =	vcmask $0x2F28;
	s20 =	sadd.s32 s16, s2;
	s21 =	sadd.s32 $0x2000, s16;
	[dreg:$0x5] =	wrdreg s17  }
0xd: {  	vm0 =	vmor vm0, vm3;
	s22 =	sadd.s32 s16, s3;
	s24 =	sadd.s32 $0x4000, s16;
	vm1 =	vmor vm1, vm2;
	vm2 =	vcmask $0x3F38;
	[dreg:$0xa] =	wrdreg s20  }
0xe: {  	vm3 =	vcmask $0x300;
	s26 =	ssub.s32 s13, s15;
	s13 =	sor.u32 $0xC00, s17;
	[dreg:$0xb] =	wrdreg s22;
	vm1 =	vmor vm1, vm2;
	vm2 =	vcmask $0x1310  }
0xf: {  	vm7 =	vcmask $0x73C;
	s15 =	smul.u32 $0x28000, s5;
	s18 =	sadd.s32 $0x1800, s17;
	[dreg:$0x6] =	wrdreg s13;
	vm2 =	vmor vm3, vm2;
	vm3 =	vcmask $0x1308  }
0x10: {  	s19 =	sadd.s32 $0x2400, s17;
	s23 =	sadd.s32 s21, s2;
	[dreg:$0x7] =	wrdreg s18;
	vm3 =	vmor vm4, vm3;
	vm4 =	vcmask $0x2318;
	vm2 =	vmor vm2, vm5  }
0x11: {  	s25 =	sadd.s32 s24, s2;
	s5 =	simm.s32 $0x2;
	[dreg:$0x8] =	wrdreg s19;
	vm5 =	vcmask $0x3330;
	vm3 =	vmor vm3, vm4;
	vm4 =	vcmask $0x3328  }
0x12: {  	s20 =	simm.s32 $0x40;
	s0 =	smax.u32 s26, $0x1;
	[dreg:$0xc] =	wrdreg s23;
	vm2 =	vmor vm2, vm5;
	vm5 =	vcmask $0x271C;
	vm3 =	vmor vm3, vm4  }
0x13: {  	[dreg:$0xe] =	wrdreg s25;
	s26 =	sadd.s32 s24, s3;
	s19 =	simm.s32 $0x3;
	vm4 =	vmor vm7, vm6;
	vm6 =	vcmask $0x1B10;
	vm7 =	vcmask $0xB00  }
0x14: {  	s18 =	simm.s32 $0x2180;
	s13 =	simm.s32 $0x0;
	[dreg:$0x9] =	wrdreg s0;
	vm4 =	vmor vm4, vm5;
	vm5 =	vmor vm7, vm6;
	vm6 =	vcmask $0x2B20  }
0x15: {  	s0 =	sadd.s32 s21, s3;
	[dreg:$0xf] =	wrdreg s26;
	s26 =	simm.s32 $0x4180;
	vm7 =	vcmask $0x372C;
	vm5 =	vmor vm5, vm6;
	vm6 =	vcmask $0x3B30  }
0x16: {  	v0 =	vimm.f32 $0.0e+00;
	s21 =	simm.s32 $0x180;
	[dreg:$0xd] =	wrdreg s0;
	s0 =	simm.s32 $0x1;
	vm4 =	vmor vm4, vm7;
	vm5 =	vmor vm5, vm6  }
.LBB2_1:
0x17: {  	[dreg:$0x10] =	wrdreg s13;
	s13 =	simm.s32 $0x0;
	s16 =	simm.s32 $0x200  }
.LBB2_2:
0x18: {  	p0 =	sne.s32 s16, $0x7E00;
	[tilespmem:s13+$0x61F0] =	vst v0  }
0x19: {  	[tilespmem:s13+$0x4180] =	vst v0  }
0x1a: {  	[tilespmem:s13+$0x6180] =	vst v0  }
0x1b: {  	[tilespmem:s13+$0x4190] =	vst v0  }
0x1c: {  	[tilespmem:s13+$0x6190] =	vst v0  }
0x1d: {  	[tilespmem:s13+$0x41A0] =	vst v0  }
0x1e: {  	[tilespmem:s13+$0x61A0] =	vst v0  }
0x1f: {  	[tilespmem:s13+$0x41B0] =	vst v0  }
0x20: {  	[tilespmem:s13+$0x61B0] =	vst v0  }
0x21: {  	[tilespmem:s13+$0x41C0] =	vst v0  }
0x22: {  	[tilespmem:s13+$0x61C0] =	vst v0  }
.Ltmp0:
0x23: {  	[tilespmem:s13+$0x41D0] =	vst v0;
	(pc) =	sbr.rel @p0 .LBB2_2-.Ltmp0, $4  }
0x24: {  	[tilespmem:s13+$0x61D0] =	vst v0  }
0x25: {  	[tilespmem:s13+$0x41E0] =	vst v0  }
0x26: {  	[tilespmem:s13+$0x61E0] =	vst v0  }
0x27: {  	[tilespmem:s13+$0x41F0] =	vst v0;
	s13 =	sshra.s32 s16, $0x2;
	s16 =	sadd.s32 $0x200, s16  }
0x28: {  	[tilespmem:s13+$0x61F0] =	vst v0  }
0x29: {  	[tilespmem:s13+$0x4180] =	vst v0  }
0x2a: {  	[tilespmem:s13+$0x6180] =	vst v0  }
0x2b: {  	[tilespmem:s13+$0x4190] =	vst v0  }
0x2c: {  	[tilespmem:s13+$0x6190] =	vst v0  }
0x2d: {  	[tilespmem:s13+$0x41A0] =	vst v0  }
0x2e: {  	[tilespmem:s13+$0x61A0] =	vst v0  }
0x2f: {  	[tilespmem:s13+$0x41B0] =	vst v0  }
0x30: {  	[tilespmem:s13+$0x61B0] =	vst v0  }
0x31: {  	[tilespmem:s13+$0x41C0] =	vst v0  }
0x32: {  	[tilespmem:s13+$0x61C0] =	vst v0  }
0x33: {  	[tilespmem:s13+$0x41D0] =	vst v0  }
0x34: {  	[tilespmem:s13+$0x61D0] =	vst v0  }
0x35: {  	[tilespmem:s13+$0x41E0] =	vst v0  }
0x36: {  	[tilespmem:s13+$0x61E0] =	vst v0  }
0x37: {  	[tilespmem:s13+$0x41F0] =	vst v0;
	s16 =	rddreg [dreg:$0xa]  }
0x38: {  	[spmem:s16] =	stream.linear.scatter [tilespmem:s26], [sflag:$0x4], $0x2000, $0x38;
	[tilespmem:$0x14180] =	vst v63  }
0x39: {  	_ =	swait.ge [sflag:s28], $0x2000  }
0x3a: {  	[sflag:s28] =	ssyncset.done $0x0  }
0x3b: {  	s17 =	rddreg [dreg:$0xb];
	[sflag:s28] =	ssyncadd.s32 $0xFFFFE000  }
0x3c: {  	[spmem:s17] =	stream.linear.scatter [tilespmem:s29], [sflag:$0x4], $0x2000, $0x38;
	[tilespmem:$0x14180] =	vst v63  }
0x3d: {  	_ =	swait.ge [sflag:s28], $0x2000  }
0x3e: {  	[sflag:s28] =	ssyncset.done $0x0  }
0x3f: {  	s22 =	rddreg [dreg:$0xc];
	[sflag:s28] =	ssyncadd.s32 $0xFFFFE000  }
0x40: {  	[spmem:s22] =	stream.linear.scatter [tilespmem:s26], [sflag:$0x4], $0x2000, $0x38;
	[tilespmem:$0x14180] =	vst v63  }
0x41: {  	_ =	swait.ge [sflag:s28], $0x2000  }
0x42: {  	[sflag:s28] =	ssyncset.done $0x0  }
0x43: {  	s23 =	rddreg [dreg:$0xd];
	[sflag:s28] =	ssyncadd.s32 $0xFFFFE000  }
0x44: {  	[spmem:s23] =	stream.linear.scatter [tilespmem:s29], [sflag:$0x4], $0x2000, $0x38;
	[tilespmem:$0x14180] =	vst v63  }
0x45: {  	_ =	swait.ge [sflag:s28], $0x2000  }
0x46: {  	[sflag:s28] =	ssyncset.done $0x0  }
0x47: {  	s24 =	rddreg [dreg:$0xe];
	[sflag:s28] =	ssyncadd.s32 $0xFFFFE000  }
0x48: {  	[spmem:s24] =	stream.linear.scatter [tilespmem:s26], [sflag:$0x4], $0x2000, $0x38;
	[tilespmem:$0x14180] =	vst v63  }
0x49: {  	_ =	swait.ge [sflag:s28], $0x2000  }
0x4a: {  	[sflag:s28] =	ssyncset.done $0x0  }
0x4b: {  	s25 =	rddreg [dreg:$0xf];
	[sflag:s28] =	ssyncadd.s32 $0xFFFFE000  }
0x4c: {  	[spmem:s25] =	stream.linear.scatter [tilespmem:s29], [sflag:$0x4], $0x2000, $0x38;
	[tilespmem:$0x14180] =	vst v63  }
0x4d: {  	_ =	swait.ge [sflag:s28], $0x2000  }
0x4e: {  	[sflag:s28] =	ssyncset.done $0x0  }
0x4f: {  	[sflag:s28] =	ssyncadd.s32 $0xFFFFE000  }
0x50: {  	s24 =	simm.s32 $0x0;
	s25 =	simm.s32 $0x0;
	[bflag:$0x0] =	sbarrier.arrive $0xFFFF  }
.LBB2_4:
0x51: {  	s13 =	sshll.u32 s25, $0x6  }
0x52: {  	s13 =	sadd.s32 s8, s13  }
0x53: {  	s16 =	sshrl.u32 s13, $0x3;
	s13 =	sadd.s32 s15, s13  }
0x54: {  	s16 =	sadd.s32 s9, s16;
	s13 =	sshrl.u32 s13, $0x3  }
0x55: {  	[tilespmem:s24], [sflag:$0x1] =	stream.linear.gather [hbm4b:s16+s24], $0x40, $0x38;
	[tilespmem:$0x14180] =	vst v63  }
0x56: {  	s23 =	sadd.s32 s11, s13  }
0x57: {  	[tilespmem:s30], [sflag:$0x2] =	stream.linear.gather [hbm4b:s23+s24], $0x40, $0x38;
	[tilespmem:$0x14180] =	vst v63  }
0x58: {  	s13 =	sadd.s32 s12, s13  }
0x59: {  	[tilespmem:s31], [sflag:$0x3] =	stream.linear.gather [hbm4b:s13+s24], $0x40, $0x38;
	[tilespmem:$0x14180] =	vst v63  }
0x5a: {  	_ =	swait.ge [sflag:s0], $0x40  }
0x5b: {  	[sflag:s0] =	ssyncset.done $0x0  }
0x5c: {  	[sflag:s0] =	ssyncadd.s32 $0xFFFFFFC0  }
0x5d: {  	_ =	swait.ge [sflag:s5], $0x40  }
0x5e: {  	[sflag:s5] =	ssyncset.done $0x0  }
0x5f: {  	[sflag:s5] =	ssyncadd.s32 $0xFFFFFFC0  }
0x60: {  	_ =	swait.ge [sflag:s19], $0x40  }
0x61: {  	[sflag:s19] =	ssyncset.done $0x0  }
0x62: {  	[sflag:s19] =	ssyncadd.s32 $0xFFFFFFC0  }
0x63: {  	[tilespmem:s21], [sflag:$0x1] =	stream.indirect.gather [hbm4b:s1+s20], $0x80, s30, s20, $0xb8;
	[tilespmem:$0x14180] =	vst v63  }
0x64: {  	_ = 	snop  }
0x65: {  	[tilespmem:s18], [sflag:$0x2] =	stream.indirect.gather [hbm4b:s6+s20], $0x80, s31, s20, $0xb8;
	[tilespmem:$0x14180] =	vst v63  }
0x66: {  	_ = 	snop  }
0x67: {  	[tilespmem:s26], [sflag:$0x3] =	stream.indirect.gather [hbm4b:s7+s20], $0x80, s31, s20, $0xb8;
	[tilespmem:$0x14180] =	vst v63  }
0x68: {  	_ =	swait.ge [sflag:s0], $0x2000  }
0x69: {  	[sflag:s0] =	ssyncset.done $0x0  }
0x6a: {  	[sflag:s0] =	ssyncadd.s32 $0xFFFFE000  }
0x6b: {  	_ =	swait.ge [sflag:s5], $0x2000  }
0x6c: {  	[sflag:s5] =	ssyncset.done $0x0  }
0x6d: {  	[sflag:s5] =	ssyncadd.s32 $0xFFFFE000  }
0x6e: {  	_ =	swait.ge [sflag:s19], $0x2000  }
0x6f: {  	[sflag:s19] =	ssyncset.done $0x0  }
0x70: {  	s16 =	simm.s32 $0x0;
	[sflag:s19] =	ssyncadd.s32 $0xFFFFE000  }
0x71: {  	v1 =	vld [tilespmem:s16+$0x180]  }
0x72: {  	v2 =	vld [tilespmem:s16+$0x190]  }
0x73: {  	v3 =	vld [tilespmem:s16+$0x2180]  }
0x74: {  	v4 =	vld [tilespmem:s16+$0x2190]  }
0x75: {  	v5 =	vld [tilespmem:s16+$0x1A0]  }
0x76: {  	v6 =	vld [tilespmem:s16+$0x1B0]  }
0x77: {  	v7 =	vld [tilespmem:s16+$0x21A0]  }
0x78: {  	v8 =	vld [tilespmem:s16+$0x21B0]  }
0x79: {  	v9 =	vld [tilespmem:s16+$0x200]  }
0x7a: {  	v10 =	vld [tilespmem:s16+$0x210]  }
0x7b: {  	v11 =	vld [tilespmem:s16+$0x2200]  }
0x7c: {  	v12 =	vld [tilespmem:s16+$0x2210]  }
0x7d: {  	v13 =	vld [tilespmem:s16+$0x220]  }
0x7e: {  	v14 =	vld [tilespmem:s16+$0x230]  }
0x7f: {  	v15 =	vld [tilespmem:s16+$0x2220]  }
0x80: {  	v16 =	vld [tilespmem:s16+$0x2230]  }
0x81: {  	v17 =	vld [tilespmem:s16+$0x1C0];
	v1 =	vmul.f32 v3, v1;
	v2 =	vmul.f32 v4, v2  }
0x82: {  	v18 =	vld [tilespmem:s16+$0x1D0]  }
0x83: {  	v19 =	vld [tilespmem:s16+$0x21C0];
	v1 =	vadd.f32 v2, v1  }
0x84: {  	v20 =	vld [tilespmem:s16+$0x21D0]  }
0x85: {  	v21 =	vld [tilespmem:s16+$0x1E0];
	v3 =	vmul.f32 v8, v6;
	v2 =	vmul.f32 v7, v5;
	(xrf2) =	vadd.scan.msk.f32 $0xffff, v1  }
0x86: {  	v22 =	vld [tilespmem:s16+$0x1F0]  }
0x87: {  	v23 =	vld [tilespmem:s16+$0x21F0];
	v1 =	vadd.f32 v3, v2;
	v2 =	vmul.f32 v11, v9;
	v3 =	vmul.f32 v12, v10  }
0x88: {  	v4 =	vld [tilespmem:s16+$0x21E0];
	v8 =	vmul.f32 v15, v13;
	v9 =	vmul.f32 v16, v14  }
0x89: {  	(xrf2) =	vadd.scan.msk.f32 $0xffff, v1;
	v1 =	vadd.f32 v3, v2;
	v2 =	vmul.f32 v19, v17;
	v3 =	vmul.f32 v20, v18  }
0x8a: {  	v24 =	vld [tilespmem:s16+$0x240];
	v8 =	vadd.f32 v9, v8  }
0x8b: {  	s23 =	simm.s32 $0x100;
	v25 =	vld [tilespmem:s16+$0x250];
	(xrf2) =	vadd.scan.msk.f32 $0xffff, v1;
	v2 =	vadd.f32 v3, v2  }
0x8c: {  	v37 =	vld [tilespmem:s23+$0x2210];
	(xrf2) =	vadd.scan.msk.f32 $0xffff, v8  }
0x8d: {  	v39 =	vld [tilespmem:s23+$0x220];
	v4 =	vmul.f32 v4, v21;
	v8 =	vmul.f32 v23, v22;
	(xrf2) =	vadd.scan.msk.f32 $0xffff, v2  }
0x8e: {  	v40 =	vld [tilespmem:s23+$0x230]  }
0x8f: {  	v41 =	vld [tilespmem:s16+$0x4180];
	v4 =	vadd.f32 v8, v4;
	v2, _, _ =	vpop (xrf2)  }
0x90: {  	v6 =	vld [tilespmem:s16+$0x2250];
	v2 =	vmul.f32 $1.442695020e+00, v2  }
0x91: {  	v5 =	vld [tilespmem:s16+$0x2240];
	(xrf2) =	vadd.scan.msk.f32 $0xffff, v4  }
0x92: {  	v7 =	vld [tilespmem:s16+$0x260];
	v33 =	vbroadcast v2, $0xF  }
0x93: {  	v10 =	vld [tilespmem:s16+$0x270]  }
0x94: {  	v11 =	vld [tilespmem:s16+$0x2260];
	v4, _, _ =	vpop (xrf2);
	(erf) = vpow2.f32 v33  }
0x95: {  	v9 =	vld [tilespmem:s16+$0x2270];
	v34 =	vmul.f32 $1.442695020e+00, v4;
	v35, _, _ =	vpop (xrf2)  }
0x96: {  	v43 =	vld [tilespmem:s16+$0x41B0];
	v36, _, _ =	vpop (xrf2)  }
0x97: {  	v13 =	vld [tilespmem:s23+$0x2190];
	v6 =	vmul.f32 v6, v25;
	v18 =	vbroadcast v34, $0xF;
	v38, _, _ =	vpop (xrf2)  }
0x98: {  	v15 =	vld [tilespmem:s23+$0x21A0];
	v5 =	vmul.f32 v5, v24;
	v22 =	vmul.f32 $1.442695020e+00, v38  }
0x99: {  	v12 =	vld [tilespmem:s23+$0x2180];
	v7 =	vmul.f32 v11, v7;
	(erf) = vpow2.f32 v18  }
0x9a: {  	v14 =	vld [tilespmem:s23+$0x1B0];
	v9 =	vmul.f32 v9, v10;
	v22 =	vbroadcast v22, $0xF  }
0x9b: {  	v16 =	vld [tilespmem:s23+$0x21B0];
	v5 =	vadd.f32 v6, v5;
	v26, _, _ =	vpop (xrf2)  }
0x9c: {  	v19 =	vld [tilespmem:s23+$0x2200];
	v7 =	vadd.f32 v9, v7;
	v6 =	vmul.f32 $1.442695020e+00, v26;
	(erf) = vpow2.f32 v22  }
0x9d: {  	v1 =	vld [tilespmem:s23+$0x180];
	(xrf2) =	vadd.scan.msk.f32 $0xffff, v5;
	v11 =	vpop (erf)  }
0x9e: {  	v3 =	vld [tilespmem:s23+$0x190];
	(xrf2) =	vadd.scan.msk.f32 $0xffff, v7;
	v5 =	vbroadcast v6, $0xF;
	v6 =	vmul.f32 v11, v41  }
0x9f: {  	v8 =	vld [tilespmem:s23+$0x1A0];
	v17 =	vmul.f32 $1.442695020e+00, v35  }
0xa0: {  	v10 =	vld [tilespmem:s16+$0x41C0];
	(erf) = vpow2.f32 v5  }
0xa1: {  	v2 =	vld [tilespmem:s23+$0x200];
	v7 =	vbroadcast v17, $0xF  }
0xa2: {  	v4 =	vld [tilespmem:s23+$0x210];
	v47 =	vmul.f32 $1.442695020e+00, v36;
	[tilespmem:s16+$0x4180] =	vst v6;
	v6 =	vpop (erf)  }
0xa3: {  	v42 =	vld [tilespmem:s16+$0x4190];
	(erf) = vpow2.f32 v7;
	v7 =	vmul.f32 v6, v43;
	_ =	sdelay $0x1  }
0xa4: {  	v9 =	vld [tilespmem:s16+$0x41F0];
	v48 =	vpop (erf);
	[tilespmem:s16+$0x41B0] =	vst v7;
	v7 =	vbroadcast v47, $0xF  }
0xa5: {  	v10 =	vmul.f32 v48, v10  }
0xa6: {  	v51, _, _ =	vpop (xrf2)  }
0xa7: {  	v5 =	vmul.f32 v11, v42;
	v54, _, _ =	vpop (xrf2);
	[tilespmem:s16+$0x41C0] =	vst v10;
	v10 =	vmul.f32 $1.442695020e+00, v51  }
0xa8: {  	v55 =	vmul.f32 $1.442695020e+00, v54;
	(erf) = vpow2.f32 v7;
	v7 =	vpop (erf)  }
0xa9: {  	v27 =	vld [tilespmem:s16+$0x41A0];
	v10 =	vbroadcast v10, $0xF;
	v9 =	vmul.f32 v7, v9  }
0xaa: {  	v44 =	vld [tilespmem:s16+$0x41D0];
	[tilespmem:s16+$0x4190] =	vst v5  }
0xab: {  	v5 =	vld [tilespmem:s16+$0x4200];
	(erf) = vpow2.f32 v10;
	[tilespmem:s16+$0x41F0] =	vst v9;
	v9 =	vbroadcast v55, $0xF  }
0xac: {  	v45 =	vld [tilespmem:s16+$0x41E0]  }
0xad: {  	v49 =	vld [tilespmem:s16+$0x4210];
	v10 =	vpop (erf);
	(erf) = vpow2.f32 v9  }
0xae: {  	v50 =	vld [tilespmem:s16+$0x4220];
	v46 =	vmul.f32 v6, v27  }
0xaf: {  	v52 =	vld [tilespmem:s16+$0x4230];
	v24 =	vmul.f32 v48, v44  }
0xb0: {  	v53 =	vld [tilespmem:s16+$0x4240];
	[tilespmem:s16+$0x41A0] =	vst v46;
	v5 =	vmul.f32 v10, v5  }
0xb1: {  	v56 =	vld [tilespmem:s16+$0x4250];
	[tilespmem:s16+$0x41D0] =	vst v24;
	v26 =	vmul.f32 v7, v45  }
0xb2: {  	v57 =	vld [tilespmem:s16+$0x4260];
	[tilespmem:s16+$0x4200] =	vst v5;
	v5 =	vmul.f32 v10, v49;
	v58 =	vpop (erf)  }
0xb3: {  	[tilespmem:s16+$0x41E0] =	vst v26;
	v9 =	vld [tilespmem:s16+$0x4270];
	v17 =	vmul.f32 v58, v50  }
0xb4: {  	v28 =	vld [tilespmem:s23+$0x2220];
	[tilespmem:s16+$0x4210] =	vst v5;
	v5 =	vmul.f32 v58, v52;
	v59 =	vpop (erf)  }
0xb5: {  	v29 =	vld [tilespmem:s23+$0x2230];
	[tilespmem:s16+$0x4220] =	vst v17;
	v24 =	vmul.f32 v59, v53  }
0xb6: {  	v60 =	vld [tilespmem:s23+$0x1C0];
	[tilespmem:s16+$0x4230] =	vst v5;
	v5 =	vmul.f32 v59, v56;
	v61 =	vpop (erf)  }
0xb7: {  	v30 =	vld [tilespmem:s23+$0x1D0];
	[tilespmem:s16+$0x4240] =	vst v24;
	v26 =	vmul.f32 v61, v57  }
0xb8: {  	v7 =	vsel vm0, v7, v48;
	v62 =	vld [tilespmem:s23+$0x21C0];
	[tilespmem:s16+$0x4250] =	vst v5;
	v5 =	vmul.f32 v61, v9  }
0xb9: {  	v6 =	vsel vm1, v7, v6;
	v31 =	vld [tilespmem:s23+$0x21D0];
	[tilespmem:s16+$0x4260] =	vst v26  }
0xba: {  	v9 =	vsel vm2, v11, v6;
	v63 =	vld [tilespmem:s23+$0x1E0];
	[tilespmem:s16+$0x4270] =	vst v5  }
0xbb: {  	v1 =	vmul.f32 v12, v1;
	v5 =	vmul.f32 v13, v3;
	v11 =	vld [tilespmem:s23+$0x1F0];
	[tilespmem:s16+$0x6180] =	vst v9  }
0xbc: {  	v26 =	vld [tilespmem:s23+$0x21E0];
	[tilespmem:s16+$0x6190] =	vst v9  }
0xbd: {  	v7 =	vmul.f32 v16, v14;
	v6 =	vmul.f32 v15, v8;
	v1 =	vadd.f32 v5, v1;
	v32 =	vld [tilespmem:s23+$0x21F0];
	[tilespmem:s16+$0x61A0] =	vst v9  }
0xbe: {  	v4 =	vmul.f32 v37, v4;
	v3 =	vld [tilespmem:s23+$0x240];
	[tilespmem:s16+$0x61B0] =	vst v9  }
0xbf: {  	v8 =	vmul.f32 v19, v2;
	v7 =	vadd.f32 v7, v6;
	(xrf2) =	vadd.scan.msk.f32 $0xffff, v1;
	v5 =	vld [tilespmem:s23+$0x250];
	[tilespmem:s16+$0x61C0] =	vst v9  }
0xc0: {  	v1 =	vsel vm0, v61, v59;
	v6 =	vld [tilespmem:s23+$0x2240];
	[tilespmem:s16+$0x61D0] =	vst v9  }
0xc1: {  	v8 =	vadd.f32 v4, v8;
	(xrf2) =	vadd.scan.msk.f32 $0xffff, v7;
	v1 =	vsel vm1, v1, v58;
	v7 =	vld [tilespmem:s23+$0x2250];
	[tilespmem:s16+$0x61E0] =	vst v9  }
0xc2: {  	v1 =	vsel vm2, v10, v1;
	v10 =	vmul.f32 v29, v40;
	v2 =	vld [tilespmem:s23+$0x260];
	[tilespmem:s16+$0x61F0] =	vst v9;
	v9 =	vmul.f32 v28, v39  }
0xc3: {  	(xrf2) =	vadd.scan.msk.f32 $0xffff, v8  }
0xc4: {  	v8 =	vadd.f32 v10, v9  }
0xc5: {  	v12 =	vmul.f32 v62, v60;
	v13 =	vmul.f32 v31, v30  }
0xc6: {  	(xrf2) =	vadd.scan.msk.f32 $0xffff, v8  }
0xc7: {  	v10 =	vadd.f32 v13, v12  }
0xc8: {  	v12 =	vmul.f32 v26, v63;
	v13 =	vmul.f32 v32, v11  }
0xc9: {  	v4 =	vld [tilespmem:s23+$0x270];
	[tilespmem:s16+$0x6200] =	vst v1;
	v8, _, _ =	vpop (xrf2);
	(xrf2) =	vadd.scan.msk.f32 $0xffff, v10  }
0xca: {  	v9 =	vld [tilespmem:s23+$0x2260];
	[tilespmem:s16+$0x6210] =	vst v1;
	v12 =	vadd.f32 v13, v12  }
0xcb: {  	s17 =	simm.s32 $0x800;
	v11 =	vld [tilespmem:s23+$0x2270];
	[tilespmem:s16+$0x6220] =	vst v1;
	v10, _, _ =	vpop (xrf2)  }
.LBB2_5:
0xcc: {  	s13 =	sshra.s32 s17, $0x2;
	p0 =	sne.s32 s17, $0x7C00;
	(xrf2) =	vadd.scan.msk.f32 $0xffff, v12;
	[tilespmem:s16+$0x6230] =	vst v1  }
0xcd: {  	v3 =	vmul.f32 v6, v3;
	v5 =	vmul.f32 v7, v5;
	v12 =	vld [tilespmem:s13+$0x180];
	v6, _, _ =	vpop (xrf2);
	[tilespmem:s16+$0x6240] =	vst v1  }
0xce: {  	v7 =	vld [tilespmem:s13+$0x190];
	[tilespmem:s16+$0x6250] =	vst v1  }
0xcf: {  	v3 =	vadd.f32 v5, v3;
	v13 =	vld [tilespmem:s13+$0x2180];
	[tilespmem:s16+$0x6260] =	vst v1  }
0xd0: {  	v2 =	vmul.f32 v9, v2;
	v5 =	vld [tilespmem:s13+$0x2190];
	v4 =	vmul.f32 v11, v4;
	v9, _, _ =	vpop (xrf2);
	[tilespmem:s16+$0x6270] =	vst v1;
	s16 =	smov.u32 s23;
	s23 =	smov.u32 s13  }
0xd1: {  	v11 =	vld [tilespmem:s23+$0x1A0];
	(xrf2) =	vadd.scan.msk.f32 $0xffff, v3  }
0xd2: {  	v1 =	vmul.f32 $1.442695020e+00, v8;
	v3 =	vld [tilespmem:s23+$0x1B0];
	v2 =	vadd.f32 v4, v2  }
0xd3: {  	v4 =	vld [tilespmem:s23+$0x21A0];
	v8, _, _ =	vpop (xrf2)  }
0xd4: {  	v10 =	vmul.f32 $1.442695020e+00, v10;
	v16 =	vbroadcast v1, $0xF;
	v14 =	vld [tilespmem:s23+$0x21B0];
	(xrf2) =	vadd.scan.msk.f32 $0xffff, v2  }
0xd5: {  	v2 =	vmul.f32 $1.442695020e+00, v8;
	v1 =	vld [tilespmem:s23+$0x200]  }
0xd6: {  	v10 =	vbroadcast v10, $0xF;
	v8 =	vld [tilespmem:s23+$0x210];
	(erf) = vpow2.f32 v16;
	v15, _, _ =	vpop (xrf2)  }
0xd7: {  	v16 =	vld [tilespmem:s23+$0x2200];
	v15 =	vmul.f32 $1.442695020e+00, v15  }
0xd8: {  	v2 =	vbroadcast v2, $0xF;
	v17 =	vld [tilespmem:s23+$0x2210];
	(erf) = vpow2.f32 v10  }
0xd9: {  	v6 =	vmul.f32 $1.442695020e+00, v6;
	v10 =	vld [tilespmem:s23+$0x220]  }
0xda: {  	v15 =	vbroadcast v15, $0xF;
	v18 =	vld [tilespmem:s23+$0x230];
	(erf) = vpow2.f32 v2  }
0xdb: {  	v9 =	vmul.f32 $1.442695020e+00, v9;
	v2 =	vld [tilespmem:s16+$0x4180];
	v19, _, _ =	vpop (xrf2)  }
0xdc: {  	v22 =	vbroadcast v6, $0xF;
	v20 =	vld [tilespmem:s16+$0x4190];
	(erf) = vpow2.f32 v15  }
0xdd: {  	v19 =	vmul.f32 $1.442695020e+00, v19;
	v15 =	vld [tilespmem:s16+$0x41A0]  }
0xde: {  	v9 =	vbroadcast v9, $0xF;
	v21 =	vld [tilespmem:s16+$0x41B0];
	(erf) = vpow2.f32 v22;
	v6, _, _ =	vpop (xrf2)  }
0xdf: {  	v19 =	vbroadcast v19, $0xF;
	v22 =	vld [tilespmem:s16+$0x41C0];
	v6 =	vmul.f32 $1.442695020e+00, v6;
	v23 =	vpop (erf)  }
0xe0: {  	v2 =	vmul.f32 v23, v2;
	v24 =	vld [tilespmem:s16+$0x41D0];
	(erf) = vpow2.f32 v9  }
0xe1: {  	v9 =	vmul.f32 v23, v20;
	v20 =	vld [tilespmem:s16+$0x41E0];
	v6 =	vbroadcast v6, $0xF;
	v25 =	vpop (erf)  }
0xe2: {  	[tilespmem:s16+$0x4180] =	vst v2;
	v2 =	vmul.f32 v25, v15;
	v15 =	vld [tilespmem:s16+$0x41F0];
	(erf) = vpow2.f32 v19  }
0xe3: {  	[tilespmem:s16+$0x4190] =	vst v9;
	v9 =	vmul.f32 v25, v21;
	v19 =	vld [tilespmem:s16+$0x4200];
	v21 =	vpop (erf)  }
0xe4: {  	[tilespmem:s16+$0x41A0] =	vst v2;
	v2 =	vmul.f32 v21, v22;
	v22 =	vld [tilespmem:s16+$0x4210];
	(erf) = vpow2.f32 v6  }
0xe5: {  	[tilespmem:s16+$0x41B0] =	vst v9;
	v6 =	vmul.f32 v21, v24;
	v9 =	vld [tilespmem:s16+$0x4220];
	v24 =	vpop (erf)  }
0xe6: {  	[tilespmem:s16+$0x41C0] =	vst v2;
	v2 =	vmul.f32 v24, v20;
	v20 =	vsel vm0, v24, v21;
	v21 =	vld [tilespmem:s16+$0x4230]  }
0xe7: {  	[tilespmem:s16+$0x41D0] =	vst v6;
	v6 =	vmul.f32 v24, v15;
	v15 =	vsel vm1, v20, v25;
	v20 =	vld [tilespmem:s16+$0x4240];
	v24 =	vpop (erf)  }
0xe8: {  	[tilespmem:s16+$0x41E0] =	vst v2;
	v15 =	vsel vm2, v23, v15;
	v2 =	vmul.f32 v24, v19;
	v19 =	vld [tilespmem:s16+$0x4250]  }
0xe9: {  	v12 =	vmul.f32 v13, v12;
	[tilespmem:s16+$0x41F0] =	vst v6;
	v6 =	vmul.f32 v24, v22;
	v13 =	vld [tilespmem:s16+$0x4260];
	v22 =	vpop (erf)  }
0xea: {  	v5 =	vmul.f32 v5, v7;
	[tilespmem:s16+$0x4200] =	vst v2;
	v2 =	vmul.f32 v22, v9;
	v7 =	vld [tilespmem:s16+$0x4270]  }
0xeb: {  	v9 =	vld [tilespmem:s23+$0x2220];
	[tilespmem:s16+$0x4210] =	vst v6;
	v6 =	vmul.f32 v22, v21;
	v21 =	vpop (erf)  }
0xec: {  	v5 =	vadd.f32 v5, v12;
	v4 =	vmul.f32 v4, v11;
	v11 =	vld [tilespmem:s23+$0x2230];
	[tilespmem:s16+$0x4220] =	vst v2;
	v2 =	vmul.f32 v21, v20  }
0xed: {  	v3 =	vmul.f32 v14, v3;
	v12 =	vld [tilespmem:s23+$0x1C0];
	[tilespmem:s16+$0x4230] =	vst v6;
	v6 =	vmul.f32 v21, v19;
	v14 =	vpop (erf)  }
0xee: {  	v19 =	vld [tilespmem:s23+$0x1D0];
	(xrf2) =	vadd.scan.msk.f32 $0xffff, v5;
	[tilespmem:s16+$0x4240] =	vst v2;
	v2 =	vmul.f32 v14, v13;
	v5 =	vsel vm0, v14, v21  }
0xef: {  	v3 =	vadd.f32 v3, v4;
	v4 =	vld [tilespmem:s23+$0x21C0];
	[tilespmem:s16+$0x4250] =	vst v6;
	v6 =	vmul.f32 v14, v7;
	v5 =	vsel vm1, v5, v22  }
0xf0: {  	v8 =	vmul.f32 v17, v8;
	v13 =	vmul.f32 v16, v1;
	v7 =	vld [tilespmem:s23+$0x21D0];
	[tilespmem:s16+$0x4260] =	vst v2;
	v1 =	vsel vm2, v24, v5  }
0xf1: {  	v2 =	vld [tilespmem:s23+$0x1E0];
	(xrf2) =	vadd.scan.msk.f32 $0xffff, v3;
	[tilespmem:s16+$0x4270] =	vst v6  }
0xf2: {  	v3 =	vadd.f32 v8, v13;
	v14 =	vld [tilespmem:s23+$0x1F0];
	[tilespmem:s16+$0x6180] =	vst v15  }
0xf3: {  	v5 =	vmul.f32 v9, v10;
	v6 =	vmul.f32 v11, v18;
	v13 =	vld [tilespmem:s23+$0x21E0];
	[tilespmem:s16+$0x6190] =	vst v15  }
0xf4: {  	v9 =	vld [tilespmem:s23+$0x21F0];
	(xrf2) =	vadd.scan.msk.f32 $0xffff, v3;
	[tilespmem:s16+$0x61A0] =	vst v15  }
0xf5: {  	v11 =	vadd.f32 v6, v5;
	v3 =	vld [tilespmem:s23+$0x240];
	[tilespmem:s16+$0x61B0] =	vst v15  }
0xf6: {  	v4 =	vmul.f32 v4, v12;
	v7 =	vmul.f32 v7, v19;
	v5 =	vld [tilespmem:s23+$0x250];
	[tilespmem:s16+$0x61C0] =	vst v15  }
0xf7: {  	v6 =	vld [tilespmem:s23+$0x2240];
	(xrf2) =	vadd.scan.msk.f32 $0xffff, v11;
	[tilespmem:s16+$0x61D0] =	vst v15  }
.Ltmp1:
0xf8: {  	v16 =	vadd.f32 v7, v4;
	v7 =	vld [tilespmem:s23+$0x2250];
	v8, _, _ =	vpop (xrf2);
	[tilespmem:s16+$0x61E0] =	vst v15;
	(pc) =	sbr.rel @p0 .LBB2_5-.Ltmp1, $4  }
0xf9: {  	v11 =	vmul.f32 v13, v2;
	v9 =	vmul.f32 v9, v14;
	v2 =	vld [tilespmem:s23+$0x260];
	[tilespmem:s16+$0x61F0] =	vst v15  }
0xfa: {  	v4 =	vld [tilespmem:s23+$0x270];
	(xrf2) =	vadd.scan.msk.f32 $0xffff, v16;
	[tilespmem:s16+$0x6200] =	vst v1  }
0xfb: {  	v12 =	vadd.f32 v9, v11;
	v9 =	vld [tilespmem:s23+$0x2260];
	v10, _, _ =	vpop (xrf2);
	[tilespmem:s16+$0x6210] =	vst v1  }
0xfc: {  	s17 =	sadd.s32 $0x400, s17;
	v11 =	vld [tilespmem:s23+$0x2270];
	[tilespmem:s16+$0x6220] =	vst v1  }
0xfd: {  	v8 =	vmul.f32 $1.442695020e+00, v8;
	(xrf2) =	vadd.scan.msk.f32 $0xffff, v12;
	_ =	sdelay $0x1  }
0xfe: {  	v8 =	vbroadcast v8, $0xF  }
0xff: {  	v3 =	vmul.f32 v6, v3;
	v5 =	vmul.f32 v7, v5  }
0x100: {  	[tilespmem:s16+$0x6230] =	vst v1;
	(erf) = vpow2.f32 v8  }
0x101: {  	v37 =	vmul.f32 $1.442695020e+00, v10;
	[tilespmem:s16+$0x6240] =	vst v1;
	v38, _, _ =	vpop (xrf2);
	v3 =	vadd.f32 v5, v3  }
0x102: {  	[tilespmem:s16+$0x6250] =	vst v1;
	v2 =	vmul.f32 v9, v2;
	v39, _, _ =	vpop (xrf2);
	v4 =	vmul.f32 v11, v4  }
0x103: {  	[tilespmem:s16+$0x6260] =	vst v1;
	v6 =	vbroadcast v37, $0xF;
	(xrf2) =	vadd.scan.msk.f32 $0xffff, v3;
	v40, _, _ =	vpop (xrf2)  }
0x104: {  	[tilespmem:s16+$0x6270] =	vst v1;
	v2 =	vadd.f32 v4, v2;
	v1 =	vmul.f32 $1.442695020e+00, v40  }
0x105: {  	v3 =	vld [tilespmem:s23+$0x4180];
	(erf) = vpow2.f32 v6  }
0x106: {  	v41 =	vld [tilespmem:s23+$0x4190];
	(xrf2) =	vadd.scan.msk.f32 $0xffff, v2;
	v1 =	vbroadcast v1, $0xF;
	v42, _, _ =	vpop (xrf2)  }
0x107: {  	v2 =	vmul.f32 $1.442695020e+00, v42  }
0x108: {  	(erf) = vpow2.f32 v1  }
0x109: {  	v45 =	vpop (erf);
	v2 =	vbroadcast v2, $0xF  }
0x10a: {  	v7 =	vmul.f32 $1.442695020e+00, v38;
	v1 =	vld [tilespmem:s23+$0x41B0];
	v3 =	vmul.f32 v45, v3  }
0x10b: {  	(erf) = vpow2.f32 v2;
	v2 =	vmul.f32 v45, v41  }
0x10c: {  	v7 =	vbroadcast v7, $0xF  }
0x10d: {  	v49, _, _ =	vpop (xrf2);
	[tilespmem:s23+$0x4190] =	vst v2;
	v2 =	vmul.f32 $1.442695020e+00, v39  }
0x10e: {  	v50 =	vmul.f32 $1.442695020e+00, v49;
	[tilespmem:s23+$0x4180] =	vst v3;
	v3 =	vpop (erf);
	(erf) = vpow2.f32 v7  }
0x10f: {  	v43 =	vld [tilespmem:s23+$0x41A0];
	v1 =	vmul.f32 v3, v1;
	v2 =	vbroadcast v2, $0xF  }
0x110: {  	v44 =	vld [tilespmem:s23+$0x41C0];
	v5 =	vbroadcast v50, $0xF;
	v13, _, _ =	vpop (xrf2)  }
0x111: {  	v46 =	vld [tilespmem:s23+$0x41D0];
	v52 =	vpop (erf);
	[tilespmem:s23+$0x41B0] =	vst v1;
	v1 =	vmul.f32 $1.442695020e+00, v13;
	(erf) = vpow2.f32 v2  }
0x112: {  	v47 =	vld [tilespmem:s23+$0x41E0]  }
0x113: {  	v48 =	vld [tilespmem:s23+$0x41F0];
	(erf) = vpow2.f32 v5;
	v1 =	vbroadcast v1, $0xF  }
0x114: {  	v51 =	vld [tilespmem:s23+$0x4200];
	v8 =	vmul.f32 v3, v43  }
0x115: {  	v53 =	vld [tilespmem:s23+$0x4210];
	v6 =	vmul.f32 v52, v44;
	v54 =	vpop (erf);
	(erf) = vpow2.f32 v1  }
0x116: {  	[tilespmem:s23+$0x41A0] =	vst v8;
	v2 =	vld [tilespmem:s23+$0x4220];
	v10 =	vmul.f32 v52, v46  }
0x117: {  	v55 =	vld [tilespmem:s23+$0x4230];
	[tilespmem:s23+$0x41C0] =	vst v6;
	v11 =	vmul.f32 v54, v47  }
0x118: {  	[tilespmem:s23+$0x41D0] =	vst v10;
	v1 =	vld [tilespmem:s23+$0x4240];
	v4 =	vmul.f32 v54, v48;
	v56 =	vpop (erf)  }
0x119: {  	v57 =	vld [tilespmem:s23+$0x4250];
	[tilespmem:s23+$0x41E0] =	vst v11;
	v12 =	vmul.f32 v56, v51  }
0x11a: {  	v58 =	vld [tilespmem:s23+$0x4260];
	[tilespmem:s23+$0x41F0] =	vst v4;
	v8 =	vmul.f32 v56, v53;
	v59 =	vpop (erf)  }
0x11b: {  	v60 =	vld [tilespmem:s23+$0x4270];
	[tilespmem:s23+$0x4200] =	vst v12;
	v2 =	vmul.f32 v59, v2  }
0x11c: {  	[tilespmem:s23+$0x4210] =	vst v8;
	v6 =	vmul.f32 v59, v55;
	v61 =	vpop (erf)  }
0x11d: {  	v1 =	vmul.f32 v61, v1;
	[tilespmem:s23+$0x4220] =	vst v2  }
0x11e: {  	[tilespmem:s23+$0x4230] =	vst v6;
	v2 =	vmul.f32 v61, v57;
	v62 =	vpop (erf)  }
0x11f: {  	[tilespmem:s23+$0x4240] =	vst v1;
	v1 =	vmul.f32 v62, v58  }
0x120: {  	v63 =	vsel vm0, v54, v52;
	[tilespmem:s23+$0x4250] =	vst v2;
	v2 =	vmul.f32 v62, v60  }
0x121: {  	v3 =	vsel vm1, v63, v3;
	[tilespmem:s23+$0x4260] =	vst v1  }
0x122: {  	v1 =	vsel vm2, v45, v3;
	[tilespmem:s23+$0x4270] =	vst v2  }
0x123: {  	[tilespmem:s23+$0x6180] =	vst v1  }
0x124: {  	[tilespmem:s23+$0x6190] =	vst v1  }
0x125: {  	[tilespmem:s23+$0x61A0] =	vst v1  }
0x126: {  	[tilespmem:s23+$0x61B0] =	vst v1  }
0x127: {  	[tilespmem:s23+$0x61C0] =	vst v1  }
0x128: {  	v2 =	vsel vm0, v62, v61;
	[tilespmem:s23+$0x61D0] =	vst v1  }
0x129: {  	v2 =	vsel vm1, v2, v59;
	[tilespmem:s23+$0x61E0] =	vst v1  }
0x12a: {  	[tilespmem:s23+$0x61F0] =	vst v1;
	v2 =	vsel vm2, v56, v2  }
0x12b: {  	[tilespmem:s23+$0x6200] =	vst v2  }
0x12c: {  	[tilespmem:s23+$0x6210] =	vst v2  }
0x12d: {  	[tilespmem:s23+$0x6220] =	vst v2  }
0x12e: {  	[tilespmem:s23+$0x6230] =	vst v2  }
0x12f: {  	[tilespmem:s23+$0x6240] =	vst v2  }
0x130: {  	[tilespmem:s23+$0x6250] =	vst v2  }
0x131: {  	[tilespmem:s23+$0x6260] =	vst v2  }
0x132: {  	[tilespmem:s23+$0x6270] =	vst v2  }
0x133: {  	[spmem:s2] =	stream.indirect.scatter.add.f32 [tilespmem:s26], [sflag:$0x1], $0x80, s4, s20, $0xb8;
	[tilespmem:$0x14180] =	vst v63  }
0x134: {  	s25 =	sadd.s32 $0x1, s25  }
0x135: {  	[spmem:s3] =	stream.indirect.scatter.add.f32 [tilespmem:s29], [sflag:$0x2], $0x80, s4, s20, $0xb8;
	[tilespmem:$0x14180] =	vst v63  }
0x136: {  	p0 =	sne.s32 s25, $0xA0;
	_ =	swait.ge [sflag:s0], $0x2000  }
.Ltmp2:
0x137: {  	[sflag:s0] =	ssyncset.done $0x0;
	(pc) =	sbr.rel @p0 .LBB2_4-.Ltmp2, $4  }
0x138: {  	[sflag:s0] =	ssyncadd.s32 $0xFFFFE000  }
0x139: {  	_ =	swait.ge [sflag:s5], $0x2000  }
0x13a: {  	[sflag:s5] =	ssyncset.done $0x0  }
0x13b: {  	[sflag:s5] =	ssyncadd.s32 $0xFFFFE000  }
0x13c: {  	[bflag:$0x0] =	sbarrier.arrive $0xFFFF;
	s16 =	simm.s32 $0x0  }
.LBB2_8:
0x13d: {  	s13 =	sshll.u32 s16, $0x6  }
0x13e: {  	s23 =	sadd.s32 s10, s13  }
0x13f: {  	s13 =	sshll.u32 s23, $0x7  }
0x140: {  	s17 =	sadd.s32 s13, s2  }
0x141: {  	[tilespmem:s21], [sflag:$0x4] =	stream.linear.gather [spmem:s17], $0x2000, $0x38;
	[tilespmem:$0x14180] =	vst v63  }
0x142: {  	_ =	swait.ge [sflag:s28], $0x2000  }
0x143: {  	[sflag:s28] =	ssyncset.done $0x0  }
0x144: {  	s13 =	sadd.s32 s13, s3;
	[sflag:s28] =	ssyncadd.s32 $0xFFFFE000  }
0x145: {  	[tilespmem:s29], [sflag:$0x4] =	stream.linear.gather [spmem:s13], $0x2000, $0x38;
	[tilespmem:$0x14180] =	vst v63  }
0x146: {  	_ =	swait.ge [sflag:s28], $0x2000  }
0x147: {  	[sflag:s28] =	ssyncset.done $0x0  }
0x148: {  	s13 =	simm.s32 $0x0;
	[sflag:s28] =	ssyncadd.s32 $0xFFFFE000  }
0x149: {  	v1 =	vld [tilespmem:s13+$0x6180];
	_ =	sdelay $0x4  }
0x14a: {  	vm6 =	veq.f32 v1, $0.0e+00  }
0x14b: {  	s25 =	simm.s32 $0x80;
	v1 =	vsel vm6, $0x3F800000, v1  }
0x14c: {  	(erf) = vrcp.f32 v1;
	v1 =	vld [tilespmem:s25+$0x6180];
	_ =	sdelay $0x4  }
0x14d: {  	vm6 =	veq.f32 v1, $0.0e+00  }
0x14e: {  	v1 =	vsel vm6, $0x3F800000, v1  }
0x14f: {  	(erf) = vrcp.f32 v1;
	_ =	sdelay $0x1  }
0x150: {  	s17 =	simm.s32 $0x100;
	v1 =	vpop (erf)  }
0x151: {  	v4 =	vld [tilespmem:s17+$0x6180];
	v2 =	vsel vm4, $0x0, v1  }
0x152: {  	(xrf0) =	vmax.scan.msk.f32 $0xffff, v2;
	v2 =	vsel vm3, $0x0, v1  }
0x153: {  	(xrf0) =	vmax.scan.msk.f32 $0xffff, v2;
	v2 =	vsel vm5, $0x0, v1  }
0x154: {  	(xrf0) =	vmax.scan.msk.f32 $0xffff, v2  }
0x155: {  	v9 =	vld [tilespmem:s13+$0x1A0];
	v3 =	vnsel vm2, $0x0, v1  }
0x156: {  	v5 =	vld [tilespmem:s13+$0x1E0];
	vm6 =	veq.f32 v4, $0.0e+00;
	(xrf0) =	vmax.scan.msk.f32 $0xffff, v3  }
0x157: {  	v6 =	vld [tilespmem:s13+$0x1B0];
	v4 =	vsel vm6, $0x3F800000, v4;
	v11 =	vpop (erf)  }
0x158: {  	(erf) = vrcp.f32 v4;
	v3 =	vld [tilespmem:s13+$0x1F0];
	v2, _, _ =	vpop (xrf0)  }
0x159: {  	s24 =	simm.s32 $0x180;
	v4 =	vld [tilespmem:s13+$0x190];
	v8 =	vsel vm4, $0x0, v11;
	v7, _, _ =	vpop (xrf0)  }
0x15a: {  	v1 =	vld [tilespmem:s24+$0x6180];
	(xrf0) =	vmax.scan.msk.f32 $0xffff, v8;
	v10 =	vbroadcast v7, $0xF;
	v12, _, _ =	vpop (xrf0)  }
0x15b: {  	v14 =	vsel vm3, $0x0, v11;
	v2 =	vbroadcast v2, $0xF;
	v8 =	vld [tilespmem:s13+$0x180];
	v12 =	vbroadcast v12, $0xF  }
0x15c: {  	s18 =	simm.s32 $0x800;
	v7 =	vnsel vm2, $0x0, v11;
	v11 =	vsel vm5, $0x0, v11;
	(xrf0) =	vmax.scan.msk.f32 $0xffff, v14;
	v13, _, _ =	vpop (xrf0);
	v14 =	vmul.f32 v10, v9;
	v9 =	vld [tilespmem:s13+$0x1D0]  }
.LBB2_9:
0x15d: {  	s1 =	sshra.s32 s18, $0x2;
	p0 =	sne.s32 s18, $0x7E00;
	s18 =	sadd.s32 $0x200, s18;
	(xrf0) =	vmax.scan.msk.f32 $0xffff, v11;
	v11 =	vbroadcast v13, $0xF;
	v13 =	vld [tilespmem:s13+$0x1C0];
	v3 =	vmul.f32 v3, v12  }
0x15e: {  	v5 =	vmul.f32 v5, v12;
	s22 =	smov.u32 s24;
	v15 =	vld [tilespmem:s1+$0x6180];
	(xrf0) =	vmax.scan.msk.f32 $0xffff, v7;
	[tilespmem:s13+$0x1A0] =	vst v14;
	v6 =	vmul.f32 v10, v6;
	s24 =	smov.u32 s1  }
0x15f: {  	vm6 =	veq.f32 v1, $0.0e+00;
	v14 =	vld [tilespmem:s25+$0x1A0];
	[tilespmem:s13+$0x1F0] =	vst v3  }
0x160: {  	v10 =	vsel vm6, $0x3F800000, v1;
	v4 =	vmul.f32 v11, v4;
	v3 =	vld [tilespmem:s25+$0x1F0];
	v7, _, _ =	vpop (xrf0);
	v8 =	vmul.f32 v11, v8;
	[tilespmem:s13+$0x1E0] =	vst v5  }
.Ltmp3:
0x161: {  	(erf) = vrcp.f32 v10;
	v1 =	vpop (erf);
	v5 =	vld [tilespmem:s25+$0x1E0];
	[tilespmem:s13+$0x1B0] =	vst v6;
	v9 =	vmul.f32 v9, v2;
	(pc) =	sbr.rel @p0 .LBB2_9-.Ltmp3, $4  }
0x162: {  	v16 =	vsel vm3, $0x0, v1;
	v10 =	vsel vm4, $0x0, v1;
	v6 =	vld [tilespmem:s25+$0x1B0];
	v11, _, _ =	vpop (xrf0);
	[tilespmem:s13+$0x190] =	vst v4;
	v17 =	vmul.f32 v13, v2  }
0x163: {  	v2 =	vbroadcast v7, $0xF;
	(xrf0) =	vmax.scan.msk.f32 $0xffff, v10;
	v4 =	vld [tilespmem:s25+$0x190];
	v10 =	vbroadcast v11, $0xF;
	v12, _, _ =	vpop (xrf0);
	[tilespmem:s13+$0x180] =	vst v8  }
0x164: {  	v7 =	vnsel vm2, $0x0, v1;
	v11 =	vsel vm5, $0x0, v1;
	v8 =	vld [tilespmem:s25+$0x180];
	v12 =	vbroadcast v12, $0xF;
	v13, _, _ =	vpop (xrf0);
	[tilespmem:s13+$0x1D0] =	vst v9  }
0x165: {  	v1 =	vmov v15;
	(xrf0) =	vmax.scan.msk.f32 $0xffff, v16;
	v14 =	vmul.f32 v10, v14;
	v9 =	vld [tilespmem:s25+$0x1D0];
	[tilespmem:s13+$0x1C0] =	vst v17;
	s13 =	smov.u32 s25;
	s25 =	smov.u32 s17;
	s17 =	smov.u32 s22  }
0x166: {  	v3 =	vmul.f32 v3, v12;
	(xrf0) =	vmax.scan.msk.f32 $0xffff, v11  }
0x167: {  	v15 =	vld [tilespmem:s13+$0x1C0];
	v5 =	vmul.f32 v5, v12;
	v24 =	vbroadcast v13, $0xF;
	[tilespmem:s13+$0x1A0] =	vst v14  }
0x168: {  	v6 =	vmul.f32 v10, v6;
	v14 =	vld [tilespmem:s25+$0x1A0];
	[tilespmem:s13+$0x1F0] =	vst v3  }
0x169: {  	v4 =	vmul.f32 v24, v4;
	v3 =	vld [tilespmem:s25+$0x1F0];
	[tilespmem:s13+$0x1E0] =	vst v5  }
0x16a: {  	v8 =	vmul.f32 v24, v8;
	v25, _, _ =	vpop (xrf0);
	v5 =	vld [tilespmem:s25+$0x1E0];
	[tilespmem:s13+$0x1B0] =	vst v6  }
0x16b: {  	v6 =	vld [tilespmem:s25+$0x1B0];
	[tilespmem:s13+$0x190] =	vst v4;
	v26, _, _ =	vpop (xrf0)  }
0x16c: {  	(xrf0) =	vmax.scan.msk.f32 $0xffff, v7;
	v9 =	vmul.f32 v9, v2;
	v4 =	vld [tilespmem:s25+$0x190];
	[tilespmem:s13+$0x180] =	vst v8;
	v8 =	vbroadcast v26, $0xF;
	v28, _, _ =	vpop (xrf0)  }
0x16d: {  	v2 =	vmul.f32 v15, v2;
	v7 =	vbroadcast v28, $0xF  }
0x16e: {  	v27 =	vld [tilespmem:s25+$0x180];
	[tilespmem:s13+$0x1D0] =	vst v9;
	v29 =	vmul.f32 v8, v14  }
0x16f: {  	v30 =	vpop (erf);
	v9 =	vld [tilespmem:s25+$0x1D0];
	[tilespmem:s13+$0x1C0] =	vst v2;
	v3 =	vmul.f32 v3, v7  }
0x170: {  	vm6 =	veq.f32 v1, $0.0e+00;
	v31 =	vsel vm4, $0x0, v30;
	[tilespmem:s25+$0x1A0] =	vst v29  }
0x171: {  	v1 =	vsel vm6, $0x3F800000, v1;
	(xrf0) =	vmax.scan.msk.f32 $0xffff, v31;
	v12 =	vld [tilespmem:s17+$0x1A0];
	[tilespmem:s25+$0x1F0] =	vst v3;
	v3 =	vsel vm3, $0x0, v30  }
0x172: {  	(erf) = vrcp.f32 v1;
	v35 =	vsel vm5, $0x0, v30;
	v32, _, _ =	vpop (xrf0);
	(xrf0) =	vmax.scan.msk.f32 $0xffff, v3  }
0x173: {  	(xrf0) =	vmax.scan.msk.f32 $0xffff, v35;
	_ =	sdelay $0x1  }
0x174: {  	v34 =	vbroadcast v32, $0xF;
	v2 =	vld [tilespmem:s25+$0x1C0];
	v5 =	vmul.f32 v5, v7  }
0x175: {  	v6 =	vmul.f32 v8, v6  }
0x176: {  	v37 =	vbroadcast v25, $0xF;
	v4 =	vmul.f32 v34, v4;
	v33 =	vld [tilespmem:s17+$0x1F0];
	[tilespmem:s25+$0x1E0] =	vst v5;
	v38, _, _ =	vpop (xrf0)  }
0x177: {  	v7 =	vmul.f32 v34, v27;
	v3 =	vld [tilespmem:s17+$0x1E0];
	[tilespmem:s25+$0x1B0] =	vst v6;
	v40, _, _ =	vpop (xrf0)  }
0x178: {  	v42 =	vnsel vm2, $0x0, v30;
	v39 =	vmul.f32 v9, v37;
	v36 =	vld [tilespmem:s17+$0x1B0];
	[tilespmem:s25+$0x190] =	vst v4;
	v43 =	vbroadcast v40, $0xF;
	v44, _, _ =	vpop (xrf0)  }
0x179: {  	v2 =	vmul.f32 v2, v37;
	v1 =	vld [tilespmem:s17+$0x190];
	[tilespmem:s25+$0x180] =	vst v7;
	(xrf0) =	vmax.scan.msk.f32 $0xffff, v42;
	v7 =	vbroadcast v44, $0xF  }
0x17a: {  	v47 =	vpop (erf);
	v41 =	vld [tilespmem:s17+$0x180];
	[tilespmem:s25+$0x1D0] =	vst v39;
	v45 =	vmul.f32 v43, v12  }
0x17b: {  	v49 =	vsel vm4, $0x0, v47;
	v8 =	vld [tilespmem:s17+$0x1D0];
	[tilespmem:s25+$0x1C0] =	vst v2;
	v46 =	vmul.f32 v33, v7  }
0x17c: {  	v48 =	vsel vm3, $0x0, v47;
	v2 =	vld [tilespmem:s17+$0x1C0];
	(xrf0) =	vmax.scan.msk.f32 $0xffff, v49;
	v3 =	vmul.f32 v3, v7;
	[tilespmem:s17+$0x1A0] =	vst v45  }
0x17d: {  	(xrf0) =	vmax.scan.msk.f32 $0xffff, v48;
	v10 =	vld [tilespmem:s24+$0x1A0];
	[tilespmem:s17+$0x1F0] =	vst v46  }
0x17e: {  	v51 =	vld [tilespmem:s24+$0x1F0];
	[tilespmem:s17+$0x1E0] =	vst v3;
	v3 =	vsel vm5, $0x0, v47  }
0x17f: {  	v5 =	vmul.f32 v43, v36;
	v50, _, _ =	vpop (xrf0);
	(xrf0) =	vmax.scan.msk.f32 $0xffff, v3  }
0x180: {  	v54 =	vnsel vm2, $0x0, v47;
	v52 =	vbroadcast v50, $0xF  }
0x181: {  	v4 =	vbroadcast v38, $0xF;
	v53 =	vld [tilespmem:s24+$0x1E0];
	[tilespmem:s17+$0x1B0] =	vst v5;
	(xrf0) =	vmax.scan.msk.f32 $0xffff, v54  }
0x182: {  	v56, _, _ =	vpop (xrf0);
	v1 =	vmul.f32 v52, v1;
	v3 =	vld [tilespmem:s24+$0x1B0]  }
0x183: {  	v2 =	vmul.f32 v2, v4;
	v57, _, _ =	vpop (xrf0);
	v55 =	vmul.f32 v52, v41  }
0x184: {  	v8 =	vmul.f32 v8, v4;
	v59 =	vbroadcast v57, $0xF;
	[tilespmem:s17+$0x190] =	vst v1  }
0x185: {  	v1 =	vld [tilespmem:s24+$0x190];
	[tilespmem:s17+$0x180] =	vst v55;
	v60, _, _ =	vpop (xrf0)  }
0x186: {  	v10 =	vmul.f32 v59, v10;
	v58 =	vld [tilespmem:s24+$0x180];
	[tilespmem:s17+$0x1D0] =	vst v8;
	v7 =	vbroadcast v60, $0xF  }
0x187: {  	v8 =	vld [tilespmem:s24+$0x1D0];
	[tilespmem:s17+$0x1C0] =	vst v2;
	v3 =	vmul.f32 v59, v3;
	v2, _, _ =	vpop (xrf0)  }
0x188: {  	v61 =	vld [tilespmem:s24+$0x1C0];
	[tilespmem:s24+$0x1A0] =	vst v10;
	v2 =	vbroadcast v2, $0xF;
	v62 =	vmul.f32 v51, v7  }
0x189: {  	[tilespmem:s24+$0x1B0] =	vst v3;
	v6 =	vmul.f32 v53, v7  }
0x18a: {  	v63 =	vbroadcast v56, $0xF;
	v1 =	vmul.f32 v2, v1;
	[tilespmem:s24+$0x1F0] =	vst v62  }
0x18b: {  	v2 =	vmul.f32 v2, v58;
	[tilespmem:s24+$0x1E0] =	vst v6  }
0x18c: {  	s1 =	rddreg [dreg:$0x5];
	v3 =	vmul.f32 v8, v63;
	[tilespmem:s24+$0x190] =	vst v1  }
0x18d: {  	s16 =	sadd.s32 $0x1, s16;
	s1 =	sadd.s32 s1, s23;
	v1 =	vmul.f32 v61, v63;
	[tilespmem:s24+$0x180] =	vst v2  }
0x18e: {  	p0 =	sne.s32 s16, $0x3;
	s1 =	sshll.u32 s1, $0x4;
	[tilespmem:s24+$0x1D0] =	vst v3  }
.Ltmp4:
0x18f: {  	s1 =	sadd.s32 s14, s1;
	[tilespmem:s24+$0x1C0] =	vst v1;
	(pc) =	sbr.rel @p0 .LBB2_8-.Ltmp4, $4  }
0x190: {  	[hbm4b:s1+s4] =	stream.linear.scatter [tilespmem:s21], [sflag:$0x4], $0x2000, $0x38;
	[tilespmem:$0x14180] =	vst v63  }
0x191: {  	_ =	swait.ge [sflag:s28], $0x2000  }
0x192: {  	[sflag:s28] =	ssyncset.done $0x0  }
0x193: {  	[sflag:s28] =	ssyncadd.s32 $0xFFFFE000  }
0x194: {  	[bflag:$0x0] =	sbarrier.arrive $0xFFFF  }
0x195: {  	s13 =	simm.s32 $0x0;
	s16 =	simm.s32 $0x200;
	s22 =	simm.s32 $0x2180  }
.LBB2_12:
0x196: {  	p0 =	seq.s32 s16, $0x7E00;
	[tilespmem:s13+$0x61F0] =	vst v0  }
0x197: {  	[tilespmem:s13+$0x4180] =	vst v0  }
0x198: {  	[tilespmem:s13+$0x6180] =	vst v0  }
0x199: {  	[tilespmem:s13+$0x4190] =	vst v0  }
0x19a: {  	[tilespmem:s13+$0x6190] =	vst v0  }
0x19b: {  	[tilespmem:s13+$0x41A0] =	vst v0  }
0x19c: {  	[tilespmem:s13+$0x61A0] =	vst v0  }
0x19d: {  	[tilespmem:s13+$0x41B0] =	vst v0  }
0x19e: {  	[tilespmem:s13+$0x61B0] =	vst v0  }
0x19f: {  	[tilespmem:s13+$0x41C0] =	vst v0  }
0x1a0: {  	[tilespmem:s13+$0x61C0] =	vst v0  }
.Ltmp5:
0x1a1: {  	[tilespmem:s13+$0x41D0] =	vst v0;
	(pc) =	sbr.rel @!p0 .LBB2_12-.Ltmp5, $4  }
0x1a2: {  	[tilespmem:s13+$0x61D0] =	vst v0  }
0x1a3: {  	[tilespmem:s13+$0x41E0] =	vst v0  }
0x1a4: {  	[tilespmem:s13+$0x61E0] =	vst v0  }
0x1a5: {  	[tilespmem:s13+$0x41F0] =	vst v0;
	s13 =	sshra.s32 s16, $0x2;
	s16 =	sadd.s32 $0x200, s16  }
0x1a6: {  	[tilespmem:s13+$0x61F0] =	vst v0  }
0x1a7: {  	[tilespmem:s13+$0x4180] =	vst v0  }
0x1a8: {  	[tilespmem:s13+$0x6180] =	vst v0  }
0x1a9: {  	[tilespmem:s13+$0x4190] =	vst v0  }
0x1aa: {  	[tilespmem:s13+$0x6190] =	vst v0  }
0x1ab: {  	[tilespmem:s13+$0x41A0] =	vst v0  }
0x1ac: {  	[tilespmem:s13+$0x61A0] =	vst v0  }
0x1ad: {  	[tilespmem:s13+$0x41B0] =	vst v0  }
0x1ae: {  	[tilespmem:s13+$0x61B0] =	vst v0  }
0x1af: {  	[tilespmem:s13+$0x41C0] =	vst v0  }
0x1b0: {  	[tilespmem:s13+$0x61C0] =	vst v0  }
0x1b1: {  	[tilespmem:s13+$0x41D0] =	vst v0  }
0x1b2: {  	[tilespmem:s13+$0x61D0] =	vst v0  }
0x1b3: {  	[tilespmem:s13+$0x41E0] =	vst v0  }
0x1b4: {  	[tilespmem:s13+$0x61E0] =	vst v0  }
0x1b5: {  	[tilespmem:s13+$0x41F0] =	vst v0;
	s1 =	rddreg [dreg:$0xa]  }
0x1b6: {  	[spmem:s1] =	stream.linear.scatter [tilespmem:s26], [sflag:$0x4], $0x2000, $0x38;
	[tilespmem:$0x14180] =	vst v63  }
0x1b7: {  	s18 =	rddreg [dreg:$0x0];
	_ =	swait.ge [sflag:s28], $0x2000  }
0x1b8: {  	[sflag:s28] =	ssyncset.done $0x0  }
0x1b9: {  	s16 =	rddreg [dreg:$0xb];
	[sflag:s28] =	ssyncadd.s32 $0xFFFFE000  }
0x1ba: {  	[spmem:s16] =	stream.linear.scatter [tilespmem:s29], [sflag:$0x4], $0x2000, $0x38;
	[tilespmem:$0x14180] =	vst v63  }
0x1bb: {  	_ =	swait.ge [sflag:s28], $0x2000  }
0x1bc: {  	[sflag:s28] =	ssyncset.done $0x0  }
0x1bd: {  	s17 =	rddreg [dreg:$0xc];
	[sflag:s28] =	ssyncadd.s32 $0xFFFFE000  }
0x1be: {  	[spmem:s17] =	stream.linear.scatter [tilespmem:s26], [sflag:$0x4], $0x2000, $0x38;
	[tilespmem:$0x14180] =	vst v63  }
0x1bf: {  	_ =	swait.ge [sflag:s28], $0x2000  }
0x1c0: {  	[sflag:s28] =	ssyncset.done $0x0  }
0x1c1: {  	s23 =	rddreg [dreg:$0xd];
	[sflag:s28] =	ssyncadd.s32 $0xFFFFE000  }
0x1c2: {  	[spmem:s23] =	stream.linear.scatter [tilespmem:s29], [sflag:$0x4], $0x2000, $0x38;
	[tilespmem:$0x14180] =	vst v63  }
0x1c3: {  	_ =	swait.ge [sflag:s28], $0x2000  }
0x1c4: {  	[sflag:s28] =	ssyncset.done $0x0  }
0x1c5: {  	s24 =	rddreg [dreg:$0xe];
	[sflag:s28] =	ssyncadd.s32 $0xFFFFE000  }
0x1c6: {  	[spmem:s24] =	stream.linear.scatter [tilespmem:s26], [sflag:$0x4], $0x2000, $0x38;
	[tilespmem:$0x14180] =	vst v63  }
0x1c7: {  	_ =	swait.ge [sflag:s28], $0x2000  }
0x1c8: {  	[sflag:s28] =	ssyncset.done $0x0  }
0x1c9: {  	s25 =	rddreg [dreg:$0xf];
	[sflag:s28] =	ssyncadd.s32 $0xFFFFE000  }
0x1ca: {  	[spmem:s25] =	stream.linear.scatter [tilespmem:s29], [sflag:$0x4], $0x2000, $0x38;
	[tilespmem:$0x14180] =	vst v63  }
0x1cb: {  	_ =	swait.ge [sflag:s28], $0x2000  }
0x1cc: {  	[sflag:s28] =	ssyncset.done $0x0  }
0x1cd: {  	[sflag:s28] =	ssyncadd.s32 $0xFFFFE000  }
0x1ce: {  	s24 =	simm.s32 $0x0;
	s25 =	simm.s32 $0x0;
	[bflag:$0x0] =	sbarrier.arrive $0xFFFF  }
.LBB2_14:
0x1cf: {  	s1 =	sshll.u32 s25, $0x6  }
0x1d0: {  	s1 =	sadd.s32 s8, s1  }
0x1d1: {  	s13 =	sshrl.u32 s1, $0x3  }
0x1d2: {  	s1 =	sadd.s32 s15, s1;
	s13 =	sadd.s32 s9, s13  }
0x1d3: {  	s1 =	sshrl.u32 s1, $0x3;
	s13 =	sadd.s32 $0x5000, s13  }
0x1d4: {  	[tilespmem:s24], [sflag:$0x1] =	stream.linear.gather [hbm4b:s13+s24], $0x40, $0x38;
	[tilespmem:$0x14180] =	vst v63  }
0x1d5: {  	s23 =	sadd.s32 s11, s1  }
0x1d6: {  	[tilespmem:s30], [sflag:$0x2] =	stream.linear.gather [hbm4b:s23+s24], $0x40, $0x38;
	[tilespmem:$0x14180] =	vst v63  }
0x1d7: {  	s1 =	sadd.s32 s12, s1  }
0x1d8: {  	[tilespmem:s31], [sflag:$0x3] =	stream.linear.gather [hbm4b:s1+s24], $0x40, $0x38;
	[tilespmem:$0x14180] =	vst v63  }
0x1d9: {  	_ =	swait.ge [sflag:s0], $0x40  }
0x1da: {  	[sflag:s0] =	ssyncset.done $0x0  }
0x1db: {  	[sflag:s0] =	ssyncadd.s32 $0xFFFFFFC0  }
0x1dc: {  	_ =	swait.ge [sflag:s5], $0x40  }
0x1dd: {  	[sflag:s5] =	ssyncset.done $0x0  }
0x1de: {  	[sflag:s5] =	ssyncadd.s32 $0xFFFFFFC0  }
0x1df: {  	_ =	swait.ge [sflag:s19], $0x40  }
0x1e0: {  	[sflag:s19] =	ssyncset.done $0x0  }
0x1e1: {  	[sflag:s19] =	ssyncadd.s32 $0xFFFFFFC0  }
0x1e2: {  	[tilespmem:s21], [sflag:$0x1] =	stream.indirect.gather [hbm4b:s18+s20], $0x80, s30, s20, $0xb8;
	[tilespmem:$0x14180] =	vst v63  }
0x1e3: {  	_ = 	snop  }
0x1e4: {  	[tilespmem:s22], [sflag:$0x2] =	stream.indirect.gather [hbm4b:s6+s20], $0x80, s31, s20, $0xb8;
	[tilespmem:$0x14180] =	vst v63  }
0x1e5: {  	_ = 	snop  }
0x1e6: {  	[tilespmem:s26], [sflag:$0x3] =	stream.indirect.gather [hbm4b:s7+s20], $0x80, s31, s20, $0xb8;
	[tilespmem:$0x14180] =	vst v63  }
0x1e7: {  	_ =	swait.ge [sflag:s0], $0x2000  }
0x1e8: {  	[sflag:s0] =	ssyncset.done $0x0  }
0x1e9: {  	[sflag:s0] =	ssyncadd.s32 $0xFFFFE000  }
0x1ea: {  	_ =	swait.ge [sflag:s5], $0x2000  }
0x1eb: {  	[sflag:s5] =	ssyncset.done $0x0  }
0x1ec: {  	[sflag:s5] =	ssyncadd.s32 $0xFFFFE000  }
0x1ed: {  	_ =	swait.ge [sflag:s19], $0x2000  }
0x1ee: {  	[sflag:s19] =	ssyncset.done $0x0  }
0x1ef: {  	s16 =	simm.s32 $0x0;
	[sflag:s19] =	ssyncadd.s32 $0xFFFFE000  }
0x1f0: {  	v1 =	vld [tilespmem:s16+$0x180]  }
0x1f1: {  	v2 =	vld [tilespmem:s16+$0x190]  }
0x1f2: {  	v3 =	vld [tilespmem:s16+$0x2180]  }
0x1f3: {  	v4 =	vld [tilespmem:s16+$0x2190]  }
0x1f4: {  	v5 =	vld [tilespmem:s16+$0x1A0]  }
0x1f5: {  	v6 =	vld [tilespmem:s16+$0x1B0]  }
0x1f6: {  	v7 =	vld [tilespmem:s16+$0x21A0]  }
0x1f7: {  	v8 =	vld [tilespmem:s16+$0x21B0]  }
0x1f8: {  	v9 =	vld [tilespmem:s16+$0x200]  }
0x1f9: {  	v10 =	vld [tilespmem:s16+$0x210]  }
0x1fa: {  	v11 =	vld [tilespmem:s16+$0x2200]  }
0x1fb: {  	v12 =	vld [tilespmem:s16+$0x2210]  }
0x1fc: {  	v13 =	vld [tilespmem:s16+$0x220]  }
0x1fd: {  	v14 =	vld [tilespmem:s16+$0x230]  }
0x1fe: {  	v15 =	vld [tilespmem:s16+$0x2220]  }
0x1ff: {  	v16 =	vld [tilespmem:s16+$0x2230]  }
0x200: {  	v17 =	vld [tilespmem:s16+$0x1C0];
	v1 =	vmul.f32 v3, v1;
	v2 =	vmul.f32 v4, v2  }
0x201: {  	v18 =	vld [tilespmem:s16+$0x1D0]  }
0x202: {  	v19 =	vld [tilespmem:s16+$0x21C0];
	v1 =	vadd.f32 v2, v1  }
0x203: {  	v20 =	vld [tilespmem:s16+$0x21D0]  }
0x204: {  	v21 =	vld [tilespmem:s16+$0x1E0];
	v3 =	vmul.f32 v8, v6;
	v2 =	vmul.f32 v7, v5;
	(xrf2) =	vadd.scan.msk.f32 $0xffff, v1  }
0x205: {  	v22 =	vld [tilespmem:s16+$0x1F0]  }
0x206: {  	v23 =	vld [tilespmem:s16+$0x21F0];
	v1 =	vadd.f32 v3, v2;
	v2 =	vmul.f32 v11, v9;
	v3 =	vmul.f32 v12, v10  }
0x207: {  	v4 =	vld [tilespmem:s16+$0x21E0];
	v8 =	vmul.f32 v15, v13;
	v9 =	vmul.f32 v16, v14  }
0x208: {  	(xrf2) =	vadd.scan.msk.f32 $0xffff, v1;
	v1 =	vadd.f32 v3, v2;
	v2 =	vmul.f32 v19, v17;
	v3 =	vmul.f32 v20, v18  }
0x209: {  	v24 =	vld [tilespmem:s16+$0x240];
	v8 =	vadd.f32 v9, v8  }
0x20a: {  	s23 =	simm.s32 $0x100;
	v25 =	vld [tilespmem:s16+$0x250];
	(xrf2) =	vadd.scan.msk.f32 $0xffff, v1;
	v2 =	vadd.f32 v3, v2  }
0x20b: {  	v37 =	vld [tilespmem:s23+$0x2210];
	(xrf2) =	vadd.scan.msk.f32 $0xffff, v8  }
0x20c: {  	v39 =	vld [tilespmem:s23+$0x220];
	v4 =	vmul.f32 v4, v21;
	v8 =	vmul.f32 v23, v22;
	(xrf2) =	vadd.scan.msk.f32 $0xffff, v2  }
0x20d: {  	v40 =	vld [tilespmem:s23+$0x230]  }
0x20e: {  	v41 =	vld [tilespmem:s16+$0x4180];
	v4 =	vadd.f32 v8, v4;
	v2, _, _ =	vpop (xrf2)  }
0x20f: {  	v6 =	vld [tilespmem:s16+$0x2250];
	v2 =	vmul.f32 $1.442695020e+00, v2  }
0x210: {  	v5 =	vld [tilespmem:s16+$0x2240];
	(xrf2) =	vadd.scan.msk.f32 $0xffff, v4  }
0x211: {  	v7 =	vld [tilespmem:s16+$0x260];
	v33 =	vbroadcast v2, $0xF  }
0x212: {  	v10 =	vld [tilespmem:s16+$0x270]  }
0x213: {  	v11 =	vld [tilespmem:s16+$0x2260];
	v4, _, _ =	vpop (xrf2);
	(erf) = vpow2.f32 v33  }
0x214: {  	v9 =	vld [tilespmem:s16+$0x2270];
	v34 =	vmul.f32 $1.442695020e+00, v4;
	v35, _, _ =	vpop (xrf2)  }
0x215: {  	v43 =	vld [tilespmem:s16+$0x41B0];
	v36, _, _ =	vpop (xrf2)  }
0x216: {  	v13 =	vld [tilespmem:s23+$0x2190];
	v6 =	vmul.f32 v6, v25;
	v18 =	vbroadcast v34, $0xF;
	v38, _, _ =	vpop (xrf2)  }
0x217: {  	v15 =	vld [tilespmem:s23+$0x21A0];
	v5 =	vmul.f32 v5, v24;
	v22 =	vmul.f32 $1.442695020e+00, v38  }
0x218: {  	v12 =	vld [tilespmem:s23+$0x2180];
	v7 =	vmul.f32 v11, v7;
	(erf) = vpow2.f32 v18  }
0x219: {  	v14 =	vld [tilespmem:s23+$0x1B0];
	v9 =	vmul.f32 v9, v10;
	v22 =	vbroadcast v22, $0xF  }
0x21a: {  	v16 =	vld [tilespmem:s23+$0x21B0];
	v5 =	vadd.f32 v6, v5;
	v26, _, _ =	vpop (xrf2)  }
0x21b: {  	v19 =	vld [tilespmem:s23+$0x2200];
	v7 =	vadd.f32 v9, v7;
	v6 =	vmul.f32 $1.442695020e+00, v26;
	(erf) = vpow2.f32 v22  }
0x21c: {  	v1 =	vld [tilespmem:s23+$0x180];
	(xrf2) =	vadd.scan.msk.f32 $0xffff, v5;
	v11 =	vpop (erf)  }
0x21d: {  	v3 =	vld [tilespmem:s23+$0x190];
	(xrf2) =	vadd.scan.msk.f32 $0xffff, v7;
	v5 =	vbroadcast v6, $0xF;
	v6 =	vmul.f32 v11, v41  }
0x21e: {  	v8 =	vld [tilespmem:s23+$0x1A0];
	v17 =	vmul.f32 $1.442695020e+00, v35  }
0x21f: {  	v10 =	vld [tilespmem:s16+$0x41C0];
	(erf) = vpow2.f32 v5  }
0x220: {  	v2 =	vld [tilespmem:s23+$0x200];
	v7 =	vbroadcast v17, $0xF  }
0x221: {  	v4 =	vld [tilespmem:s23+$0x210];
	v47 =	vmul.f32 $1.442695020e+00, v36;
	[tilespmem:s16+$0x4180] =	vst v6;
	v6 =	vpop (erf)  }
0x222: {  	v42 =	vld [tilespmem:s16+$0x4190];
	(erf) = vpow2.f32 v7;
	v7 =	vmul.f32 v6, v43;
	_ =	sdelay $0x1  }
0x223: {  	v9 =	vld [tilespmem:s16+$0x41F0];
	v48 =	vpop (erf);
	[tilespmem:s16+$0x41B0] =	vst v7;
	v7 =	vbroadcast v47, $0xF  }
0x224: {  	v10 =	vmul.f32 v48, v10  }
0x225: {  	v51, _, _ =	vpop (xrf2)  }
0x226: {  	v5 =	vmul.f32 v11, v42;
	v54, _, _ =	vpop (xrf2);
	[tilespmem:s16+$0x41C0] =	vst v10;
	v10 =	vmul.f32 $1.442695020e+00, v51  }
0x227: {  	v55 =	vmul.f32 $1.442695020e+00, v54;
	(erf) = vpow2.f32 v7;
	v7 =	vpop (erf)  }
0x228: {  	v27 =	vld [tilespmem:s16+$0x41A0];
	v10 =	vbroadcast v10, $0xF;
	v9 =	vmul.f32 v7, v9  }
0x229: {  	v44 =	vld [tilespmem:s16+$0x41D0];
	[tilespmem:s16+$0x4190] =	vst v5  }
0x22a: {  	v5 =	vld [tilespmem:s16+$0x4200];
	(erf) = vpow2.f32 v10;
	[tilespmem:s16+$0x41F0] =	vst v9;
	v9 =	vbroadcast v55, $0xF  }
0x22b: {  	v45 =	vld [tilespmem:s16+$0x41E0]  }
0x22c: {  	v49 =	vld [tilespmem:s16+$0x4210];
	v10 =	vpop (erf);
	(erf) = vpow2.f32 v9  }
0x22d: {  	v50 =	vld [tilespmem:s16+$0x4220];
	v46 =	vmul.f32 v6, v27  }
0x22e: {  	v52 =	vld [tilespmem:s16+$0x4230];
	v24 =	vmul.f32 v48, v44  }
0x22f: {  	v53 =	vld [tilespmem:s16+$0x4240];
	[tilespmem:s16+$0x41A0] =	vst v46;
	v5 =	vmul.f32 v10, v5  }
0x230: {  	v56 =	vld [tilespmem:s16+$0x4250];
	[tilespmem:s16+$0x41D0] =	vst v24;
	v26 =	vmul.f32 v7, v45  }
0x231: {  	v57 =	vld [tilespmem:s16+$0x4260];
	[tilespmem:s16+$0x4200] =	vst v5;
	v5 =	vmul.f32 v10, v49;
	v58 =	vpop (erf)  }
0x232: {  	[tilespmem:s16+$0x41E0] =	vst v26;
	v9 =	vld [tilespmem:s16+$0x4270];
	v17 =	vmul.f32 v58, v50  }
0x233: {  	v28 =	vld [tilespmem:s23+$0x2220];
	[tilespmem:s16+$0x4210] =	vst v5;
	v5 =	vmul.f32 v58, v52;
	v59 =	vpop (erf)  }
0x234: {  	v29 =	vld [tilespmem:s23+$0x2230];
	[tilespmem:s16+$0x4220] =	vst v17;
	v24 =	vmul.f32 v59, v53  }
0x235: {  	v60 =	vld [tilespmem:s23+$0x1C0];
	[tilespmem:s16+$0x4230] =	vst v5;
	v5 =	vmul.f32 v59, v56;
	v61 =	vpop (erf)  }
0x236: {  	v30 =	vld [tilespmem:s23+$0x1D0];
	[tilespmem:s16+$0x4240] =	vst v24;
	v26 =	vmul.f32 v61, v57  }
0x237: {  	v7 =	vsel vm0, v7, v48;
	v62 =	vld [tilespmem:s23+$0x21C0];
	[tilespmem:s16+$0x4250] =	vst v5;
	v5 =	vmul.f32 v61, v9  }
0x238: {  	v6 =	vsel vm1, v7, v6;
	v31 =	vld [tilespmem:s23+$0x21D0];
	[tilespmem:s16+$0x4260] =	vst v26  }
0x239: {  	v9 =	vsel vm2, v11, v6;
	v63 =	vld [tilespmem:s23+$0x1E0];
	[tilespmem:s16+$0x4270] =	vst v5  }
0x23a: {  	v1 =	vmul.f32 v12, v1;
	v5 =	vmul.f32 v13, v3;
	v11 =	vld [tilespmem:s23+$0x1F0];
	[tilespmem:s16+$0x6180] =	vst v9  }
0x23b: {  	v26 =	vld [tilespmem:s23+$0x21E0];
	[tilespmem:s16+$0x6190] =	vst v9  }
0x23c: {  	v7 =	vmul.f32 v16, v14;
	v6 =	vmul.f32 v15, v8;
	v1 =	vadd.f32 v5, v1;
	v32 =	vld [tilespmem:s23+$0x21F0];
	[tilespmem:s16+$0x61A0] =	vst v9  }
0x23d: {  	v4 =	vmul.f32 v37, v4;
	v3 =	vld [tilespmem:s23+$0x240];
	[tilespmem:s16+$0x61B0] =	vst v9  }
0x23e: {  	v8 =	vmul.f32 v19, v2;
	v7 =	vadd.f32 v7, v6;
	(xrf2) =	vadd.scan.msk.f32 $0xffff, v1;
	v5 =	vld [tilespmem:s23+$0x250];
	[tilespmem:s16+$0x61C0] =	vst v9  }
0x23f: {  	v1 =	vsel vm0, v61, v59;
	v6 =	vld [tilespmem:s23+$0x2240];
	[tilespmem:s16+$0x61D0] =	vst v9  }
0x240: {  	v8 =	vadd.f32 v4, v8;
	(xrf2) =	vadd.scan.msk.f32 $0xffff, v7;
	v1 =	vsel vm1, v1, v58;
	v7 =	vld [tilespmem:s23+$0x2250];
	[tilespmem:s16+$0x61E0] =	vst v9  }
0x241: {  	v1 =	vsel vm2, v10, v1;
	v10 =	vmul.f32 v29, v40;
	v2 =	vld [tilespmem:s23+$0x260];
	[tilespmem:s16+$0x61F0] =	vst v9;
	v9 =	vmul.f32 v28, v39  }
0x242: {  	(xrf2) =	vadd.scan.msk.f32 $0xffff, v8  }
0x243: {  	v8 =	vadd.f32 v10, v9  }
0x244: {  	v12 =	vmul.f32 v62, v60;
	v13 =	vmul.f32 v31, v30  }
0x245: {  	(xrf2) =	vadd.scan.msk.f32 $0xffff, v8  }
0x246: {  	v10 =	vadd.f32 v13, v12  }
0x247: {  	v12 =	vmul.f32 v26, v63;
	v13 =	vmul.f32 v32, v11  }
0x248: {  	v4 =	vld [tilespmem:s23+$0x270];
	[tilespmem:s16+$0x6200] =	vst v1;
	v8, _, _ =	vpop (xrf2);
	(xrf2) =	vadd.scan.msk.f32 $0xffff, v10  }
0x249: {  	v9 =	vld [tilespmem:s23+$0x2260];
	[tilespmem:s16+$0x6210] =	vst v1;
	v12 =	vadd.f32 v13, v12  }
0x24a: {  	s17 =	simm.s32 $0x800;
	v11 =	vld [tilespmem:s23+$0x2270];
	[tilespmem:s16+$0x6220] =	vst v1;
	v10, _, _ =	vpop (xrf2)  }
.LBB2_15:
0x24b: {  	s1 =	sshra.s32 s17, $0x2;
	p0 =	sne.s32 s17, $0x7C00;
	(xrf2) =	vadd.scan.msk.f32 $0xffff, v12;
	[tilespmem:s16+$0x6230] =	vst v1  }
0x24c: {  	v3 =	vmul.f32 v6, v3;
	v5 =	vmul.f32 v7, v5;
	v12 =	vld [tilespmem:s1+$0x180];
	v6, _, _ =	vpop (xrf2);
	[tilespmem:s16+$0x6240] =	vst v1  }
0x24d: {  	v7 =	vld [tilespmem:s1+$0x190];
	[tilespmem:s16+$0x6250] =	vst v1  }
0x24e: {  	v3 =	vadd.f32 v5, v3;
	v13 =	vld [tilespmem:s1+$0x2180];
	[tilespmem:s16+$0x6260] =	vst v1  }
0x24f: {  	v2 =	vmul.f32 v9, v2;
	v5 =	vld [tilespmem:s1+$0x2190];
	v4 =	vmul.f32 v11, v4;
	v9, _, _ =	vpop (xrf2);
	[tilespmem:s16+$0x6270] =	vst v1;
	s16 =	smov.u32 s23;
	s23 =	smov.u32 s1  }
0x250: {  	v11 =	vld [tilespmem:s23+$0x1A0];
	(xrf2) =	vadd.scan.msk.f32 $0xffff, v3  }
0x251: {  	v1 =	vmul.f32 $1.442695020e+00, v8;
	v3 =	vld [tilespmem:s23+$0x1B0];
	v2 =	vadd.f32 v4, v2  }
0x252: {  	v4 =	vld [tilespmem:s23+$0x21A0];
	v8, _, _ =	vpop (xrf2)  }
0x253: {  	v10 =	vmul.f32 $1.442695020e+00, v10;
	v16 =	vbroadcast v1, $0xF;
	v14 =	vld [tilespmem:s23+$0x21B0];
	(xrf2) =	vadd.scan.msk.f32 $0xffff, v2  }
0x254: {  	v2 =	vmul.f32 $1.442695020e+00, v8;
	v1 =	vld [tilespmem:s23+$0x200]  }
0x255: {  	v10 =	vbroadcast v10, $0xF;
	v8 =	vld [tilespmem:s23+$0x210];
	(erf) = vpow2.f32 v16;
	v15, _, _ =	vpop (xrf2)  }
0x256: {  	v16 =	vld [tilespmem:s23+$0x2200];
	v15 =	vmul.f32 $1.442695020e+00, v15  }
0x257: {  	v2 =	vbroadcast v2, $0xF;
	v17 =	vld [tilespmem:s23+$0x2210];
	(erf) = vpow2.f32 v10  }
0x258: {  	v6 =	vmul.f32 $1.442695020e+00, v6;
	v10 =	vld [tilespmem:s23+$0x220]  }
0x259: {  	v15 =	vbroadcast v15, $0xF;
	v18 =	vld [tilespmem:s23+$0x230];
	(erf) = vpow2.f32 v2  }
0x25a: {  	v9 =	vmul.f32 $1.442695020e+00, v9;
	v2 =	vld [tilespmem:s16+$0x4180];
	v19, _, _ =	vpop (xrf2)  }
0x25b: {  	v22 =	vbroadcast v6, $0xF;
	v20 =	vld [tilespmem:s16+$0x4190];
	(erf) = vpow2.f32 v15  }
0x25c: {  	v19 =	vmul.f32 $1.442695020e+00, v19;
	v15 =	vld [tilespmem:s16+$0x41A0]  }
0x25d: {  	v9 =	vbroadcast v9, $0xF;
	v21 =	vld [tilespmem:s16+$0x41B0];
	(erf) = vpow2.f32 v22;
	v6, _, _ =	vpop (xrf2)  }
0x25e: {  	v19 =	vbroadcast v19, $0xF;
	v22 =	vld [tilespmem:s16+$0x41C0];
	v6 =	vmul.f32 $1.442695020e+00, v6;
	v23 =	vpop (erf)  }
0x25f: {  	v2 =	vmul.f32 v23, v2;
	v24 =	vld [tilespmem:s16+$0x41D0];
	(erf) = vpow2.f32 v9  }
0x260: {  	v9 =	vmul.f32 v23, v20;
	v20 =	vld [tilespmem:s16+$0x41E0];
	v6 =	vbroadcast v6, $0xF;
	v25 =	vpop (erf)  }
0x261: {  	[tilespmem:s16+$0x4180] =	vst v2;
	v2 =	vmul.f32 v25, v15;
	v15 =	vld [tilespmem:s16+$0x41F0];
	(erf) = vpow2.f32 v19  }
0x262: {  	[tilespmem:s16+$0x4190] =	vst v9;
	v9 =	vmul.f32 v25, v21;
	v19 =	vld [tilespmem:s16+$0x4200];
	v21 =	vpop (erf)  }
0x263: {  	[tilespmem:s16+$0x41A0] =	vst v2;
	v2 =	vmul.f32 v21, v22;
	v22 =	vld [tilespmem:s16+$0x4210];
	(erf) = vpow2.f32 v6  }
0x264: {  	[tilespmem:s16+$0x41B0] =	vst v9;
	v6 =	vmul.f32 v21, v24;
	v9 =	vld [tilespmem:s16+$0x4220];
	v24 =	vpop (erf)  }
0x265: {  	[tilespmem:s16+$0x41C0] =	vst v2;
	v2 =	vmul.f32 v24, v20;
	v20 =	vsel vm0, v24, v21;
	v21 =	vld [tilespmem:s16+$0x4230]  }
0x266: {  	[tilespmem:s16+$0x41D0] =	vst v6;
	v6 =	vmul.f32 v24, v15;
	v15 =	vsel vm1, v20, v25;
	v20 =	vld [tilespmem:s16+$0x4240];
	v24 =	vpop (erf)  }
0x267: {  	[tilespmem:s16+$0x41E0] =	vst v2;
	v15 =	vsel vm2, v23, v15;
	v2 =	vmul.f32 v24, v19;
	v19 =	vld [tilespmem:s16+$0x4250]  }
0x268: {  	v12 =	vmul.f32 v13, v12;
	[tilespmem:s16+$0x41F0] =	vst v6;
	v6 =	vmul.f32 v24, v22;
	v13 =	vld [tilespmem:s16+$0x4260];
	v22 =	vpop (erf)  }
0x269: {  	v5 =	vmul.f32 v5, v7;
	[tilespmem:s16+$0x4200] =	vst v2;
	v2 =	vmul.f32 v22, v9;
	v7 =	vld [tilespmem:s16+$0x4270]  }
0x26a: {  	v9 =	vld [tilespmem:s23+$0x2220];
	[tilespmem:s16+$0x4210] =	vst v6;
	v6 =	vmul.f32 v22, v21;
	v21 =	vpop (erf)  }
0x26b: {  	v5 =	vadd.f32 v5, v12;
	v4 =	vmul.f32 v4, v11;
	v11 =	vld [tilespmem:s23+$0x2230];
	[tilespmem:s16+$0x4220] =	vst v2;
	v2 =	vmul.f32 v21, v20  }
0x26c: {  	v3 =	vmul.f32 v14, v3;
	v12 =	vld [tilespmem:s23+$0x1C0];
	[tilespmem:s16+$0x4230] =	vst v6;
	v6 =	vmul.f32 v21, v19;
	v14 =	vpop (erf)  }
0x26d: {  	v19 =	vld [tilespmem:s23+$0x1D0];
	(xrf2) =	vadd.scan.msk.f32 $0xffff, v5;
	[tilespmem:s16+$0x4240] =	vst v2;
	v2 =	vmul.f32 v14, v13;
	v5 =	vsel vm0, v14, v21  }
0x26e: {  	v3 =	vadd.f32 v3, v4;
	v4 =	vld [tilespmem:s23+$0x21C0];
	[tilespmem:s16+$0x4250] =	vst v6;
	v6 =	vmul.f32 v14, v7;
	v5 =	vsel vm1, v5, v22  }
0x26f: {  	v8 =	vmul.f32 v17, v8;
	v13 =	vmul.f32 v16, v1;
	v7 =	vld [tilespmem:s23+$0x21D0];
	[tilespmem:s16+$0x4260] =	vst v2;
	v1 =	vsel vm2, v24, v5  }
0x270: {  	v2 =	vld [tilespmem:s23+$0x1E0];
	(xrf2) =	vadd.scan.msk.f32 $0xffff, v3;
	[tilespmem:s16+$0x4270] =	vst v6  }
0x271: {  	v3 =	vadd.f32 v8, v13;
	v14 =	vld [tilespmem:s23+$0x1F0];
	[tilespmem:s16+$0x6180] =	vst v15  }
0x272: {  	v5 =	vmul.f32 v9, v10;
	v6 =	vmul.f32 v11, v18;
	v13 =	vld [tilespmem:s23+$0x21E0];
	[tilespmem:s16+$0x6190] =	vst v15  }
0x273: {  	v9 =	vld [tilespmem:s23+$0x21F0];
	(xrf2) =	vadd.scan.msk.f32 $0xffff, v3;
	[tilespmem:s16+$0x61A0] =	vst v15  }
0x274: {  	v11 =	vadd.f32 v6, v5;
	v3 =	vld [tilespmem:s23+$0x240];
	[tilespmem:s16+$0x61B0] =	vst v15  }
0x275: {  	v4 =	vmul.f32 v4, v12;
	v7 =	vmul.f32 v7, v19;
	v5 =	vld [tilespmem:s23+$0x250];
	[tilespmem:s16+$0x61C0] =	vst v15  }
0x276: {  	v6 =	vld [tilespmem:s23+$0x2240];
	(xrf2) =	vadd.scan.msk.f32 $0xffff, v11;
	[tilespmem:s16+$0x61D0] =	vst v15  }
.Ltmp6:
0x277: {  	v16 =	vadd.f32 v7, v4;
	v7 =	vld [tilespmem:s23+$0x2250];
	v8, _, _ =	vpop (xrf2);
	[tilespmem:s16+$0x61E0] =	vst v15;
	(pc) =	sbr.rel @p0 .LBB2_15-.Ltmp6, $4  }
0x278: {  	v11 =	vmul.f32 v13, v2;
	v9 =	vmul.f32 v9, v14;
	v2 =	vld [tilespmem:s23+$0x260];
	[tilespmem:s16+$0x61F0] =	vst v15  }
0x279: {  	v4 =	vld [tilespmem:s23+$0x270];
	(xrf2) =	vadd.scan.msk.f32 $0xffff, v16;
	[tilespmem:s16+$0x6200] =	vst v1  }
0x27a: {  	v12 =	vadd.f32 v9, v11;
	v9 =	vld [tilespmem:s23+$0x2260];
	v10, _, _ =	vpop (xrf2);
	[tilespmem:s16+$0x6210] =	vst v1  }
0x27b: {  	s17 =	sadd.s32 $0x400, s17;
	v11 =	vld [tilespmem:s23+$0x2270];
	[tilespmem:s16+$0x6220] =	vst v1  }
0x27c: {  	v8 =	vmul.f32 $1.442695020e+00, v8;
	(xrf2) =	vadd.scan.msk.f32 $0xffff, v12;
	_ =	sdelay $0x1  }
0x27d: {  	v8 =	vbroadcast v8, $0xF  }
0x27e: {  	v3 =	vmul.f32 v6, v3;
	v5 =	vmul.f32 v7, v5  }
0x27f: {  	[tilespmem:s16+$0x6230] =	vst v1;
	(erf) = vpow2.f32 v8  }
0x280: {  	v37 =	vmul.f32 $1.442695020e+00, v10;
	[tilespmem:s16+$0x6240] =	vst v1;
	v38, _, _ =	vpop (xrf2);
	v3 =	vadd.f32 v5, v3  }
0x281: {  	[tilespmem:s16+$0x6250] =	vst v1;
	v2 =	vmul.f32 v9, v2;
	v39, _, _ =	vpop (xrf2);
	v4 =	vmul.f32 v11, v4  }
0x282: {  	[tilespmem:s16+$0x6260] =	vst v1;
	v6 =	vbroadcast v37, $0xF;
	(xrf2) =	vadd.scan.msk.f32 $0xffff, v3;
	v40, _, _ =	vpop (xrf2)  }
0x283: {  	[tilespmem:s16+$0x6270] =	vst v1;
	v2 =	vadd.f32 v4, v2;
	v1 =	vmul.f32 $1.442695020e+00, v40  }
0x284: {  	v3 =	vld [tilespmem:s23+$0x4180];
	(erf) = vpow2.f32 v6  }
0x285: {  	v41 =	vld [tilespmem:s23+$0x4190];
	(xrf2) =	vadd.scan.msk.f32 $0xffff, v2;
	v1 =	vbroadcast v1, $0xF;
	v42, _, _ =	vpop (xrf2)  }
0x286: {  	v2 =	vmul.f32 $1.442695020e+00, v42  }
0x287: {  	(erf) = vpow2.f32 v1  }
0x288: {  	v45 =	vpop (erf);
	v2 =	vbroadcast v2, $0xF  }
0x289: {  	v7 =	vmul.f32 $1.442695020e+00, v38;
	v1 =	vld [tilespmem:s23+$0x41B0];
	v3 =	vmul.f32 v45, v3  }
0x28a: {  	(erf) = vpow2.f32 v2;
	v2 =	vmul.f32 v45, v41  }
0x28b: {  	v7 =	vbroadcast v7, $0xF  }
0x28c: {  	v49, _, _ =	vpop (xrf2);
	[tilespmem:s23+$0x4190] =	vst v2;
	v2 =	vmul.f32 $1.442695020e+00, v39  }
0x28d: {  	v50 =	vmul.f32 $1.442695020e+00, v49;
	[tilespmem:s23+$0x4180] =	vst v3;
	v3 =	vpop (erf);
	(erf) = vpow2.f32 v7  }
0x28e: {  	v43 =	vld [tilespmem:s23+$0x41A0];
	v1 =	vmul.f32 v3, v1;
	v2 =	vbroadcast v2, $0xF  }
0x28f: {  	v44 =	vld [tilespmem:s23+$0x41C0];
	v5 =	vbroadcast v50, $0xF;
	v13, _, _ =	vpop (xrf2)  }
0x290: {  	v46 =	vld [tilespmem:s23+$0x41D0];
	v52 =	vpop (erf);
	[tilespmem:s23+$0x41B0] =	vst v1;
	v1 =	vmul.f32 $1.442695020e+00, v13;
	(erf) = vpow2.f32 v2  }
0x291: {  	v47 =	vld [tilespmem:s23+$0x41E0]  }
0x292: {  	v48 =	vld [tilespmem:s23+$0x41F0];
	(erf) = vpow2.f32 v5;
	v1 =	vbroadcast v1, $0xF  }
0x293: {  	v51 =	vld [tilespmem:s23+$0x4200];
	v8 =	vmul.f32 v3, v43  }
0x294: {  	v53 =	vld [tilespmem:s23+$0x4210];
	v6 =	vmul.f32 v52, v44;
	v54 =	vpop (erf);
	(erf) = vpow2.f32 v1  }
0x295: {  	[tilespmem:s23+$0x41A0] =	vst v8;
	v2 =	vld [tilespmem:s23+$0x4220];
	v10 =	vmul.f32 v52, v46  }
0x296: {  	v55 =	vld [tilespmem:s23+$0x4230];
	[tilespmem:s23+$0x41C0] =	vst v6;
	v11 =	vmul.f32 v54, v47  }
0x297: {  	[tilespmem:s23+$0x41D0] =	vst v10;
	v1 =	vld [tilespmem:s23+$0x4240];
	v4 =	vmul.f32 v54, v48;
	v56 =	vpop (erf)  }
0x298: {  	v57 =	vld [tilespmem:s23+$0x4250];
	[tilespmem:s23+$0x41E0] =	vst v11;
	v12 =	vmul.f32 v56, v51  }
0x299: {  	v58 =	vld [tilespmem:s23+$0x4260];
	[tilespmem:s23+$0x41F0] =	vst v4;
	v8 =	vmul.f32 v56, v53;
	v59 =	vpop (erf)  }
0x29a: {  	v60 =	vld [tilespmem:s23+$0x4270];
	[tilespmem:s23+$0x4200] =	vst v12;
	v2 =	vmul.f32 v59, v2  }
0x29b: {  	[tilespmem:s23+$0x4210] =	vst v8;
	v6 =	vmul.f32 v59, v55;
	v61 =	vpop (erf)  }
0x29c: {  	v1 =	vmul.f32 v61, v1;
	[tilespmem:s23+$0x4220] =	vst v2  }
0x29d: {  	[tilespmem:s23+$0x4230] =	vst v6;
	v2 =	vmul.f32 v61, v57;
	v62 =	vpop (erf)  }
0x29e: {  	[tilespmem:s23+$0x4240] =	vst v1;
	v1 =	vmul.f32 v62, v58  }
0x29f: {  	v63 =	vsel vm0, v54, v52;
	[tilespmem:s23+$0x4250] =	vst v2;
	v2 =	vmul.f32 v62, v60  }
0x2a0: {  	v3 =	vsel vm1, v63, v3;
	[tilespmem:s23+$0x4260] =	vst v1  }
0x2a1: {  	v1 =	vsel vm2, v45, v3;
	[tilespmem:s23+$0x4270] =	vst v2  }
0x2a2: {  	[tilespmem:s23+$0x6180] =	vst v1  }
0x2a3: {  	[tilespmem:s23+$0x6190] =	vst v1  }
0x2a4: {  	[tilespmem:s23+$0x61A0] =	vst v1  }
0x2a5: {  	[tilespmem:s23+$0x61B0] =	vst v1  }
0x2a6: {  	[tilespmem:s23+$0x61C0] =	vst v1  }
0x2a7: {  	v2 =	vsel vm0, v62, v61;
	[tilespmem:s23+$0x61D0] =	vst v1  }
0x2a8: {  	v2 =	vsel vm1, v2, v59;
	[tilespmem:s23+$0x61E0] =	vst v1  }
0x2a9: {  	[tilespmem:s23+$0x61F0] =	vst v1;
	v2 =	vsel vm2, v56, v2  }
0x2aa: {  	[tilespmem:s23+$0x6200] =	vst v2  }
0x2ab: {  	[tilespmem:s23+$0x6210] =	vst v2  }
0x2ac: {  	[tilespmem:s23+$0x6220] =	vst v2  }
0x2ad: {  	[tilespmem:s23+$0x6230] =	vst v2  }
0x2ae: {  	[tilespmem:s23+$0x6240] =	vst v2  }
0x2af: {  	[tilespmem:s23+$0x6250] =	vst v2  }
0x2b0: {  	[tilespmem:s23+$0x6260] =	vst v2  }
0x2b1: {  	[tilespmem:s23+$0x6270] =	vst v2  }
0x2b2: {  	[spmem:s2] =	stream.indirect.scatter.add.f32 [tilespmem:s26], [sflag:$0x1], $0x80, s4, s20, $0xb8;
	[tilespmem:$0x14180] =	vst v63  }
0x2b3: {  	s25 =	sadd.s32 $0x1, s25  }
0x2b4: {  	[spmem:s3] =	stream.indirect.scatter.add.f32 [tilespmem:s29], [sflag:$0x2], $0x80, s4, s20, $0xb8;
	[tilespmem:$0x14180] =	vst v63  }
0x2b5: {  	p0 =	sne.s32 s25, $0xA0;
	_ =	swait.ge [sflag:s0], $0x2000  }
.Ltmp7:
0x2b6: {  	[sflag:s0] =	ssyncset.done $0x0;
	(pc) =	sbr.rel @p0 .LBB2_14-.Ltmp7, $4  }
0x2b7: {  	[sflag:s0] =	ssyncadd.s32 $0xFFFFE000  }
0x2b8: {  	_ =	swait.ge [sflag:s5], $0x2000  }
0x2b9: {  	[sflag:s5] =	ssyncset.done $0x0  }
0x2ba: {  	[sflag:s5] =	ssyncadd.s32 $0xFFFFE000  }
0x2bb: {  	[bflag:$0x0] =	sbarrier.arrive $0xFFFF;
	s16 =	simm.s32 $0x0  }
.LBB2_18:
0x2bc: {  	s1 =	sshll.u32 s16, $0x6  }
0x2bd: {  	s23 =	sadd.s32 s10, s1  }
0x2be: {  	s1 =	sshll.u32 s23, $0x7  }
0x2bf: {  	s13 =	sadd.s32 s1, s2  }
0x2c0: {  	[tilespmem:s21], [sflag:$0x4] =	stream.linear.gather [spmem:s13], $0x2000, $0x38;
	[tilespmem:$0x14180] =	vst v63  }
0x2c1: {  	_ =	swait.ge [sflag:s28], $0x2000  }
0x2c2: {  	[sflag:s28] =	ssyncset.done $0x0  }
0x2c3: {  	s1 =	sadd.s32 s1, s3;
	[sflag:s28] =	ssyncadd.s32 $0xFFFFE000  }
0x2c4: {  	[tilespmem:s29], [sflag:$0x4] =	stream.linear.gather [spmem:s1], $0x2000, $0x38;
	[tilespmem:$0x14180] =	vst v63  }
0x2c5: {  	_ =	swait.ge [sflag:s28], $0x2000  }
0x2c6: {  	[sflag:s28] =	ssyncset.done $0x0  }
0x2c7: {  	s13 =	simm.s32 $0x0;
	[sflag:s28] =	ssyncadd.s32 $0xFFFFE000  }
0x2c8: {  	v1 =	vld [tilespmem:s13+$0x6180];
	_ =	sdelay $0x4  }
0x2c9: {  	vm6 =	veq.f32 v1, $0.0e+00  }
0x2ca: {  	s25 =	simm.s32 $0x80;
	v1 =	vsel vm6, $0x3F800000, v1  }
0x2cb: {  	(erf) = vrcp.f32 v1;
	v1 =	vld [tilespmem:s25+$0x6180];
	_ =	sdelay $0x4  }
0x2cc: {  	vm6 =	veq.f32 v1, $0.0e+00  }
0x2cd: {  	v1 =	vsel vm6, $0x3F800000, v1  }
0x2ce: {  	(erf) = vrcp.f32 v1;
	_ =	sdelay $0x1  }
0x2cf: {  	s17 =	simm.s32 $0x100;
	v1 =	vpop (erf)  }
0x2d0: {  	v4 =	vld [tilespmem:s17+$0x6180];
	v2 =	vsel vm4, $0x0, v1  }
0x2d1: {  	(xrf0) =	vmax.scan.msk.f32 $0xffff, v2;
	v2 =	vsel vm3, $0x0, v1  }
0x2d2: {  	(xrf0) =	vmax.scan.msk.f32 $0xffff, v2;
	v2 =	vsel vm5, $0x0, v1  }
0x2d3: {  	(xrf0) =	vmax.scan.msk.f32 $0xffff, v2  }
0x2d4: {  	v9 =	vld [tilespmem:s13+$0x1A0];
	v3 =	vnsel vm2, $0x0, v1  }
0x2d5: {  	v5 =	vld [tilespmem:s13+$0x1E0];
	vm6 =	veq.f32 v4, $0.0e+00;
	(xrf0) =	vmax.scan.msk.f32 $0xffff, v3  }
0x2d6: {  	v6 =	vld [tilespmem:s13+$0x1B0];
	v4 =	vsel vm6, $0x3F800000, v4;
	v11 =	vpop (erf)  }
0x2d7: {  	(erf) = vrcp.f32 v4;
	v3 =	vld [tilespmem:s13+$0x1F0];
	v2, _, _ =	vpop (xrf0)  }
0x2d8: {  	s24 =	simm.s32 $0x180;
	v4 =	vld [tilespmem:s13+$0x190];
	v8 =	vsel vm4, $0x0, v11;
	v7, _, _ =	vpop (xrf0)  }
0x2d9: {  	v1 =	vld [tilespmem:s24+$0x6180];
	(xrf0) =	vmax.scan.msk.f32 $0xffff, v8;
	v10 =	vbroadcast v7, $0xF;
	v12, _, _ =	vpop (xrf0)  }
0x2da: {  	v14 =	vsel vm3, $0x0, v11;
	v2 =	vbroadcast v2, $0xF;
	v8 =	vld [tilespmem:s13+$0x180];
	v12 =	vbroadcast v12, $0xF  }
0x2db: {  	s18 =	simm.s32 $0x800;
	v7 =	vnsel vm2, $0x0, v11;
	v11 =	vsel vm5, $0x0, v11;
	(xrf0) =	vmax.scan.msk.f32 $0xffff, v14;
	v13, _, _ =	vpop (xrf0);
	v14 =	vmul.f32 v10, v9;
	v9 =	vld [tilespmem:s13+$0x1D0]  }
.LBB2_19:
0x2dc: {  	s1 =	sshra.s32 s18, $0x2;
	p0 =	sne.s32 s18, $0x7E00;
	s18 =	sadd.s32 $0x200, s18;
	(xrf0) =	vmax.scan.msk.f32 $0xffff, v11;
	v11 =	vbroadcast v13, $0xF;
	v13 =	vld [tilespmem:s13+$0x1C0];
	v3 =	vmul.f32 v3, v12  }
0x2dd: {  	v5 =	vmul.f32 v5, v12;
	s22 =	smov.u32 s24;
	v15 =	vld [tilespmem:s1+$0x6180];
	(xrf0) =	vmax.scan.msk.f32 $0xffff, v7;
	[tilespmem:s13+$0x1A0] =	vst v14;
	v6 =	vmul.f32 v10, v6;
	s24 =	smov.u32 s1  }
0x2de: {  	vm6 =	veq.f32 v1, $0.0e+00;
	v14 =	vld [tilespmem:s25+$0x1A0];
	[tilespmem:s13+$0x1F0] =	vst v3  }
0x2df: {  	v10 =	vsel vm6, $0x3F800000, v1;
	v4 =	vmul.f32 v11, v4;
	v3 =	vld [tilespmem:s25+$0x1F0];
	v7, _, _ =	vpop (xrf0);
	v8 =	vmul.f32 v11, v8;
	[tilespmem:s13+$0x1E0] =	vst v5  }
.Ltmp8:
0x2e0: {  	(erf) = vrcp.f32 v10;
	v1 =	vpop (erf);
	v5 =	vld [tilespmem:s25+$0x1E0];
	[tilespmem:s13+$0x1B0] =	vst v6;
	v9 =	vmul.f32 v9, v2;
	(pc) =	sbr.rel @p0 .LBB2_19-.Ltmp8, $4  }
0x2e1: {  	v16 =	vsel vm3, $0x0, v1;
	v10 =	vsel vm4, $0x0, v1;
	v6 =	vld [tilespmem:s25+$0x1B0];
	v11, _, _ =	vpop (xrf0);
	[tilespmem:s13+$0x190] =	vst v4;
	v17 =	vmul.f32 v13, v2  }
0x2e2: {  	v2 =	vbroadcast v7, $0xF;
	(xrf0) =	vmax.scan.msk.f32 $0xffff, v10;
	v4 =	vld [tilespmem:s25+$0x190];
	v10 =	vbroadcast v11, $0xF;
	v12, _, _ =	vpop (xrf0);
	[tilespmem:s13+$0x180] =	vst v8  }
0x2e3: {  	v7 =	vnsel vm2, $0x0, v1;
	v11 =	vsel vm5, $0x0, v1;
	v8 =	vld [tilespmem:s25+$0x180];
	v12 =	vbroadcast v12, $0xF;
	v13, _, _ =	vpop (xrf0);
	[tilespmem:s13+$0x1D0] =	vst v9  }
0x2e4: {  	v1 =	vmov v15;
	(xrf0) =	vmax.scan.msk.f32 $0xffff, v16;
	v14 =	vmul.f32 v10, v14;
	v9 =	vld [tilespmem:s25+$0x1D0];
	[tilespmem:s13+$0x1C0] =	vst v17;
	s13 =	smov.u32 s25;
	s25 =	smov.u32 s17;
	s17 =	smov.u32 s22  }
0x2e5: {  	v3 =	vmul.f32 v3, v12;
	(xrf0) =	vmax.scan.msk.f32 $0xffff, v11  }
0x2e6: {  	v15 =	vld [tilespmem:s13+$0x1C0];
	v5 =	vmul.f32 v5, v12;
	v24 =	vbroadcast v13, $0xF;
	[tilespmem:s13+$0x1A0] =	vst v14  }
0x2e7: {  	v6 =	vmul.f32 v10, v6;
	v14 =	vld [tilespmem:s25+$0x1A0];
	[tilespmem:s13+$0x1F0] =	vst v3  }
0x2e8: {  	v4 =	vmul.f32 v24, v4;
	v3 =	vld [tilespmem:s25+$0x1F0];
	[tilespmem:s13+$0x1E0] =	vst v5  }
0x2e9: {  	v8 =	vmul.f32 v24, v8;
	v25, _, _ =	vpop (xrf0);
	v5 =	vld [tilespmem:s25+$0x1E0];
	[tilespmem:s13+$0x1B0] =	vst v6  }
0x2ea: {  	v6 =	vld [tilespmem:s25+$0x1B0];
	[tilespmem:s13+$0x190] =	vst v4;
	v26, _, _ =	vpop (xrf0)  }
0x2eb: {  	(xrf0) =	vmax.scan.msk.f32 $0xffff, v7;
	v9 =	vmul.f32 v9, v2;
	v4 =	vld [tilespmem:s25+$0x190];
	[tilespmem:s13+$0x180] =	vst v8;
	v8 =	vbroadcast v26, $0xF;
	v28, _, _ =	vpop (xrf0)  }
0x2ec: {  	v2 =	vmul.f32 v15, v2;
	v7 =	vbroadcast v28, $0xF  }
0x2ed: {  	v27 =	vld [tilespmem:s25+$0x180];
	[tilespmem:s13+$0x1D0] =	vst v9;
	v29 =	vmul.f32 v8, v14  }
0x2ee: {  	v30 =	vpop (erf);
	v9 =	vld [tilespmem:s25+$0x1D0];
	[tilespmem:s13+$0x1C0] =	vst v2;
	v3 =	vmul.f32 v3, v7  }
0x2ef: {  	vm6 =	veq.f32 v1, $0.0e+00;
	v31 =	vsel vm4, $0x0, v30;
	[tilespmem:s25+$0x1A0] =	vst v29  }
0x2f0: {  	v1 =	vsel vm6, $0x3F800000, v1;
	(xrf0) =	vmax.scan.msk.f32 $0xffff, v31;
	v12 =	vld [tilespmem:s17+$0x1A0];
	[tilespmem:s25+$0x1F0] =	vst v3;
	v3 =	vsel vm3, $0x0, v30  }
0x2f1: {  	(erf) = vrcp.f32 v1;
	v35 =	vsel vm5, $0x0, v30;
	v32, _, _ =	vpop (xrf0);
	(xrf0) =	vmax.scan.msk.f32 $0xffff, v3  }
0x2f2: {  	(xrf0) =	vmax.scan.msk.f32 $0xffff, v35;
	_ =	sdelay $0x1  }
0x2f3: {  	v34 =	vbroadcast v32, $0xF;
	v2 =	vld [tilespmem:s25+$0x1C0];
	v5 =	vmul.f32 v5, v7  }
0x2f4: {  	v6 =	vmul.f32 v8, v6  }
0x2f5: {  	v37 =	vbroadcast v25, $0xF;
	v4 =	vmul.f32 v34, v4;
	v33 =	vld [tilespmem:s17+$0x1F0];
	[tilespmem:s25+$0x1E0] =	vst v5;
	v38, _, _ =	vpop (xrf0)  }
0x2f6: {  	v7 =	vmul.f32 v34, v27;
	v3 =	vld [tilespmem:s17+$0x1E0];
	[tilespmem:s25+$0x1B0] =	vst v6;
	v40, _, _ =	vpop (xrf0)  }
0x2f7: {  	v42 =	vnsel vm2, $0x0, v30;
	v39 =	vmul.f32 v9, v37;
	v36 =	vld [tilespmem:s17+$0x1B0];
	[tilespmem:s25+$0x190] =	vst v4;
	v43 =	vbroadcast v40, $0xF;
	v44, _, _ =	vpop (xrf0)  }
0x2f8: {  	v2 =	vmul.f32 v2, v37;
	v1 =	vld [tilespmem:s17+$0x190];
	[tilespmem:s25+$0x180] =	vst v7;
	(xrf0) =	vmax.scan.msk.f32 $0xffff, v42;
	v7 =	vbroadcast v44, $0xF  }
0x2f9: {  	v47 =	vpop (erf);
	v41 =	vld [tilespmem:s17+$0x180];
	[tilespmem:s25+$0x1D0] =	vst v39;
	v45 =	vmul.f32 v43, v12  }
0x2fa: {  	v49 =	vsel vm4, $0x0, v47;
	v8 =	vld [tilespmem:s17+$0x1D0];
	[tilespmem:s25+$0x1C0] =	vst v2;
	v46 =	vmul.f32 v33, v7  }
0x2fb: {  	v48 =	vsel vm3, $0x0, v47;
	v2 =	vld [tilespmem:s17+$0x1C0];
	(xrf0) =	vmax.scan.msk.f32 $0xffff, v49;
	v3 =	vmul.f32 v3, v7;
	[tilespmem:s17+$0x1A0] =	vst v45  }
0x2fc: {  	(xrf0) =	vmax.scan.msk.f32 $0xffff, v48;
	v10 =	vld [tilespmem:s24+$0x1A0];
	[tilespmem:s17+$0x1F0] =	vst v46  }
0x2fd: {  	v51 =	vld [tilespmem:s24+$0x1F0];
	[tilespmem:s17+$0x1E0] =	vst v3;
	v3 =	vsel vm5, $0x0, v47  }
0x2fe: {  	v5 =	vmul.f32 v43, v36;
	v50, _, _ =	vpop (xrf0);
	(xrf0) =	vmax.scan.msk.f32 $0xffff, v3  }
0x2ff: {  	v54 =	vnsel vm2, $0x0, v47;
	v52 =	vbroadcast v50, $0xF  }
0x300: {  	v4 =	vbroadcast v38, $0xF;
	v53 =	vld [tilespmem:s24+$0x1E0];
	[tilespmem:s17+$0x1B0] =	vst v5;
	(xrf0) =	vmax.scan.msk.f32 $0xffff, v54  }
0x301: {  	v56, _, _ =	vpop (xrf0);
	v1 =	vmul.f32 v52, v1;
	v3 =	vld [tilespmem:s24+$0x1B0]  }
0x302: {  	v2 =	vmul.f32 v2, v4;
	v57, _, _ =	vpop (xrf0);
	v55 =	vmul.f32 v52, v41  }
0x303: {  	v8 =	vmul.f32 v8, v4;
	v59 =	vbroadcast v57, $0xF;
	[tilespmem:s17+$0x190] =	vst v1  }
0x304: {  	v1 =	vld [tilespmem:s24+$0x190];
	[tilespmem:s17+$0x180] =	vst v55;
	v60, _, _ =	vpop (xrf0)  }
0x305: {  	v10 =	vmul.f32 v59, v10;
	v58 =	vld [tilespmem:s24+$0x180];
	[tilespmem:s17+$0x1D0] =	vst v8;
	v7 =	vbroadcast v60, $0xF  }
0x306: {  	v8 =	vld [tilespmem:s24+$0x1D0];
	[tilespmem:s17+$0x1C0] =	vst v2;
	v3 =	vmul.f32 v59, v3;
	v2, _, _ =	vpop (xrf0)  }
0x307: {  	v61 =	vld [tilespmem:s24+$0x1C0];
	[tilespmem:s24+$0x1A0] =	vst v10;
	v2 =	vbroadcast v2, $0xF;
	v62 =	vmul.f32 v51, v7  }
0x308: {  	[tilespmem:s24+$0x1B0] =	vst v3;
	v6 =	vmul.f32 v53, v7  }
0x309: {  	v63 =	vbroadcast v56, $0xF;
	v1 =	vmul.f32 v2, v1;
	[tilespmem:s24+$0x1F0] =	vst v62  }
0x30a: {  	v2 =	vmul.f32 v2, v58;
	[tilespmem:s24+$0x1E0] =	vst v6  }
0x30b: {  	s1 =	rddreg [dreg:$0x6];
	v3 =	vmul.f32 v8, v63;
	[tilespmem:s24+$0x190] =	vst v1  }
0x30c: {  	s16 =	sadd.s32 $0x1, s16;
	s1 =	sadd.s32 s23, s1;
	v1 =	vmul.f32 v61, v63;
	[tilespmem:s24+$0x180] =	vst v2  }
0x30d: {  	p0 =	sne.s32 s16, $0x3;
	s1 =	sshll.u32 s1, $0x4;
	[tilespmem:s24+$0x1D0] =	vst v3  }
.Ltmp9:
0x30e: {  	s1 =	sadd.s32 s14, s1;
	[tilespmem:s24+$0x1C0] =	vst v1;
	(pc) =	sbr.rel @p0 .LBB2_18-.Ltmp9, $4  }
0x30f: {  	[hbm4b:s1+s4] =	stream.linear.scatter [tilespmem:s21], [sflag:$0x4], $0x2000, $0x38;
	[tilespmem:$0x14180] =	vst v63  }
0x310: {  	_ =	swait.ge [sflag:s28], $0x2000  }
0x311: {  	[sflag:s28] =	ssyncset.done $0x0  }
0x312: {  	[sflag:s28] =	ssyncadd.s32 $0xFFFFE000  }
0x313: {  	[bflag:$0x0] =	sbarrier.arrive $0xFFFF  }
0x314: {  	s13 =	simm.s32 $0x0;
	s16 =	simm.s32 $0x200;
	s22 =	simm.s32 $0x2180  }
.LBB2_22:
0x315: {  	p0 =	seq.s32 s16, $0x7E00;
	[tilespmem:s13+$0x61F0] =	vst v0  }
0x316: {  	[tilespmem:s13+$0x4180] =	vst v0  }
0x317: {  	[tilespmem:s13+$0x6180] =	vst v0  }
0x318: {  	[tilespmem:s13+$0x4190] =	vst v0  }
0x319: {  	[tilespmem:s13+$0x6190] =	vst v0  }
0x31a: {  	[tilespmem:s13+$0x41A0] =	vst v0  }
0x31b: {  	[tilespmem:s13+$0x61A0] =	vst v0  }
0x31c: {  	[tilespmem:s13+$0x41B0] =	vst v0  }
0x31d: {  	[tilespmem:s13+$0x61B0] =	vst v0  }
0x31e: {  	[tilespmem:s13+$0x41C0] =	vst v0  }
0x31f: {  	[tilespmem:s13+$0x61C0] =	vst v0  }
.Ltmp10:
0x320: {  	[tilespmem:s13+$0x41D0] =	vst v0;
	(pc) =	sbr.rel @!p0 .LBB2_22-.Ltmp10, $4  }
0x321: {  	[tilespmem:s13+$0x61D0] =	vst v0  }
0x322: {  	[tilespmem:s13+$0x41E0] =	vst v0  }
0x323: {  	[tilespmem:s13+$0x61E0] =	vst v0  }
0x324: {  	[tilespmem:s13+$0x41F0] =	vst v0;
	s13 =	sshra.s32 s16, $0x2;
	s16 =	sadd.s32 $0x200, s16  }
0x325: {  	[tilespmem:s13+$0x61F0] =	vst v0  }
0x326: {  	[tilespmem:s13+$0x4180] =	vst v0  }
0x327: {  	[tilespmem:s13+$0x6180] =	vst v0  }
0x328: {  	[tilespmem:s13+$0x4190] =	vst v0  }
0x329: {  	[tilespmem:s13+$0x6190] =	vst v0  }
0x32a: {  	[tilespmem:s13+$0x41A0] =	vst v0  }
0x32b: {  	[tilespmem:s13+$0x61A0] =	vst v0  }
0x32c: {  	[tilespmem:s13+$0x41B0] =	vst v0  }
0x32d: {  	[tilespmem:s13+$0x61B0] =	vst v0  }
0x32e: {  	[tilespmem:s13+$0x41C0] =	vst v0  }
0x32f: {  	[tilespmem:s13+$0x61C0] =	vst v0  }
0x330: {  	[tilespmem:s13+$0x41D0] =	vst v0  }
0x331: {  	[tilespmem:s13+$0x61D0] =	vst v0  }
0x332: {  	[tilespmem:s13+$0x41E0] =	vst v0  }
0x333: {  	[tilespmem:s13+$0x61E0] =	vst v0  }
0x334: {  	[tilespmem:s13+$0x41F0] =	vst v0;
	s1 =	rddreg [dreg:$0xa]  }
0x335: {  	[spmem:s1] =	stream.linear.scatter [tilespmem:s26], [sflag:$0x4], $0x2000, $0x38;
	[tilespmem:$0x14180] =	vst v63  }
0x336: {  	s18 =	rddreg [dreg:$0x0];
	_ =	swait.ge [sflag:s28], $0x2000  }
0x337: {  	[sflag:s28] =	ssyncset.done $0x0  }
0x338: {  	s16 =	rddreg [dreg:$0xb];
	[sflag:s28] =	ssyncadd.s32 $0xFFFFE000  }
0x339: {  	[spmem:s16] =	stream.linear.scatter [tilespmem:s29], [sflag:$0x4], $0x2000, $0x38;
	[tilespmem:$0x14180] =	vst v63  }
0x33a: {  	_ =	swait.ge [sflag:s28], $0x2000  }
0x33b: {  	[sflag:s28] =	ssyncset.done $0x0  }
0x33c: {  	s17 =	rddreg [dreg:$0xc];
	[sflag:s28] =	ssyncadd.s32 $0xFFFFE000  }
0x33d: {  	[spmem:s17] =	stream.linear.scatter [tilespmem:s26], [sflag:$0x4], $0x2000, $0x38;
	[tilespmem:$0x14180] =	vst v63  }
0x33e: {  	_ =	swait.ge [sflag:s28], $0x2000  }
0x33f: {  	[sflag:s28] =	ssyncset.done $0x0  }
0x340: {  	s23 =	rddreg [dreg:$0xd];
	[sflag:s28] =	ssyncadd.s32 $0xFFFFE000  }
0x341: {  	[spmem:s23] =	stream.linear.scatter [tilespmem:s29], [sflag:$0x4], $0x2000, $0x38;
	[tilespmem:$0x14180] =	vst v63  }
0x342: {  	_ =	swait.ge [sflag:s28], $0x2000  }
0x343: {  	[sflag:s28] =	ssyncset.done $0x0  }
0x344: {  	s24 =	rddreg [dreg:$0xe];
	[sflag:s28] =	ssyncadd.s32 $0xFFFFE000  }
0x345: {  	[spmem:s24] =	stream.linear.scatter [tilespmem:s26], [sflag:$0x4], $0x2000, $0x38;
	[tilespmem:$0x14180] =	vst v63  }
0x346: {  	_ =	swait.ge [sflag:s28], $0x2000  }
0x347: {  	[sflag:s28] =	ssyncset.done $0x0  }
0x348: {  	s25 =	rddreg [dreg:$0xf];
	[sflag:s28] =	ssyncadd.s32 $0xFFFFE000  }
0x349: {  	[spmem:s25] =	stream.linear.scatter [tilespmem:s29], [sflag:$0x4], $0x2000, $0x38;
	[tilespmem:$0x14180] =	vst v63  }
0x34a: {  	_ =	swait.ge [sflag:s28], $0x2000  }
0x34b: {  	[sflag:s28] =	ssyncset.done $0x0  }
0x34c: {  	[sflag:s28] =	ssyncadd.s32 $0xFFFFE000  }
0x34d: {  	s24 =	simm.s32 $0x0;
	s25 =	simm.s32 $0x0;
	[bflag:$0x0] =	sbarrier.arrive $0xFFFF  }
.LBB2_24:
0x34e: {  	s1 =	sshll.u32 s25, $0x6  }
0x34f: {  	s1 =	sadd.s32 s8, s1  }
0x350: {  	s13 =	sshrl.u32 s1, $0x3  }
0x351: {  	s1 =	sadd.s32 s15, s1;
	s13 =	sadd.s32 s9, s13  }
0x352: {  	s1 =	sshrl.u32 s1, $0x3;
	s13 =	sadd.s32 $0xA000, s13  }
0x353: {  	[tilespmem:s24], [sflag:$0x1] =	stream.linear.gather [hbm4b:s13+s24], $0x40, $0x38;
	[tilespmem:$0x14180] =	vst v63  }
0x354: {  	s23 =	sadd.s32 s11, s1  }
0x355: {  	[tilespmem:s30], [sflag:$0x2] =	stream.linear.gather [hbm4b:s23+s24], $0x40, $0x38;
	[tilespmem:$0x14180] =	vst v63  }
0x356: {  	s1 =	sadd.s32 s12, s1  }
0x357: {  	[tilespmem:s31], [sflag:$0x3] =	stream.linear.gather [hbm4b:s1+s24], $0x40, $0x38;
	[tilespmem:$0x14180] =	vst v63  }
0x358: {  	_ =	swait.ge [sflag:s0], $0x40  }
0x359: {  	[sflag:s0] =	ssyncset.done $0x0  }
0x35a: {  	[sflag:s0] =	ssyncadd.s32 $0xFFFFFFC0  }
0x35b: {  	_ =	swait.ge [sflag:s5], $0x40  }
0x35c: {  	[sflag:s5] =	ssyncset.done $0x0  }
0x35d: {  	[sflag:s5] =	ssyncadd.s32 $0xFFFFFFC0  }
0x35e: {  	_ =	swait.ge [sflag:s19], $0x40  }
0x35f: {  	[sflag:s19] =	ssyncset.done $0x0  }
0x360: {  	[sflag:s19] =	ssyncadd.s32 $0xFFFFFFC0  }
0x361: {  	[tilespmem:s21], [sflag:$0x1] =	stream.indirect.gather [hbm4b:s18+s20], $0x80, s30, s20, $0xb8;
	[tilespmem:$0x14180] =	vst v63  }
0x362: {  	_ = 	snop  }
0x363: {  	[tilespmem:s22], [sflag:$0x2] =	stream.indirect.gather [hbm4b:s6+s20], $0x80, s31, s20, $0xb8;
	[tilespmem:$0x14180] =	vst v63  }
0x364: {  	_ = 	snop  }
0x365: {  	[tilespmem:s26], [sflag:$0x3] =	stream.indirect.gather [hbm4b:s7+s20], $0x80, s31, s20, $0xb8;
	[tilespmem:$0x14180] =	vst v63  }
0x366: {  	_ =	swait.ge [sflag:s0], $0x2000  }
0x367: {  	[sflag:s0] =	ssyncset.done $0x0  }
0x368: {  	[sflag:s0] =	ssyncadd.s32 $0xFFFFE000  }
0x369: {  	_ =	swait.ge [sflag:s5], $0x2000  }
0x36a: {  	[sflag:s5] =	ssyncset.done $0x0  }
0x36b: {  	[sflag:s5] =	ssyncadd.s32 $0xFFFFE000  }
0x36c: {  	_ =	swait.ge [sflag:s19], $0x2000  }
0x36d: {  	[sflag:s19] =	ssyncset.done $0x0  }
0x36e: {  	s16 =	simm.s32 $0x0;
	[sflag:s19] =	ssyncadd.s32 $0xFFFFE000  }
0x36f: {  	v1 =	vld [tilespmem:s16+$0x180]  }
0x370: {  	v2 =	vld [tilespmem:s16+$0x190]  }
0x371: {  	v3 =	vld [tilespmem:s16+$0x2180]  }
0x372: {  	v4 =	vld [tilespmem:s16+$0x2190]  }
0x373: {  	v5 =	vld [tilespmem:s16+$0x1A0]  }
0x374: {  	v6 =	vld [tilespmem:s16+$0x1B0]  }
0x375: {  	v7 =	vld [tilespmem:s16+$0x21A0]  }
0x376: {  	v8 =	vld [tilespmem:s16+$0x21B0]  }
0x377: {  	v9 =	vld [tilespmem:s16+$0x200]  }
0x378: {  	v10 =	vld [tilespmem:s16+$0x210]  }
0x379: {  	v11 =	vld [tilespmem:s16+$0x2200]  }
0x37a: {  	v12 =	vld [tilespmem:s16+$0x2210]  }
0x37b: {  	v13 =	vld [tilespmem:s16+$0x220]  }
0x37c: {  	v14 =	vld [tilespmem:s16+$0x230]  }
0x37d: {  	v15 =	vld [tilespmem:s16+$0x2220]  }
0x37e: {  	v16 =	vld [tilespmem:s16+$0x2230]  }
0x37f: {  	v17 =	vld [tilespmem:s16+$0x1C0];
	v1 =	vmul.f32 v3, v1;
	v2 =	vmul.f32 v4, v2  }
0x380: {  	v18 =	vld [tilespmem:s16+$0x1D0]  }
0x381: {  	v19 =	vld [tilespmem:s16+$0x21C0];
	v1 =	vadd.f32 v2, v1  }
0x382: {  	v20 =	vld [tilespmem:s16+$0x21D0]  }
0x383: {  	v21 =	vld [tilespmem:s16+$0x1E0];
	v3 =	vmul.f32 v8, v6;
	v2 =	vmul.f32 v7, v5;
	(xrf2) =	vadd.scan.msk.f32 $0xffff, v1  }
0x384: {  	v22 =	vld [tilespmem:s16+$0x1F0]  }
0x385: {  	v23 =	vld [tilespmem:s16+$0x21F0];
	v1 =	vadd.f32 v3, v2;
	v2 =	vmul.f32 v11, v9;
	v3 =	vmul.f32 v12, v10  }
0x386: {  	v4 =	vld [tilespmem:s16+$0x21E0];
	v8 =	vmul.f32 v15, v13;
	v9 =	vmul.f32 v16, v14  }
0x387: {  	(xrf2) =	vadd.scan.msk.f32 $0xffff, v1;
	v1 =	vadd.f32 v3, v2;
	v2 =	vmul.f32 v19, v17;
	v3 =	vmul.f32 v20, v18  }
0x388: {  	v24 =	vld [tilespmem:s16+$0x240];
	v8 =	vadd.f32 v9, v8  }
0x389: {  	s23 =	simm.s32 $0x100;
	v25 =	vld [tilespmem:s16+$0x250];
	(xrf2) =	vadd.scan.msk.f32 $0xffff, v1;
	v2 =	vadd.f32 v3, v2  }
0x38a: {  	v37 =	vld [tilespmem:s23+$0x2210];
	(xrf2) =	vadd.scan.msk.f32 $0xffff, v8  }
0x38b: {  	v39 =	vld [tilespmem:s23+$0x220];
	v4 =	vmul.f32 v4, v21;
	v8 =	vmul.f32 v23, v22;
	(xrf2) =	vadd.scan.msk.f32 $0xffff, v2  }
0x38c: {  	v40 =	vld [tilespmem:s23+$0x230]  }
0x38d: {  	v41 =	vld [tilespmem:s16+$0x4180];
	v4 =	vadd.f32 v8, v4;
	v2, _, _ =	vpop (xrf2)  }
0x38e: {  	v6 =	vld [tilespmem:s16+$0x2250];
	v2 =	vmul.f32 $1.442695020e+00, v2  }
0x38f: {  	v5 =	vld [tilespmem:s16+$0x2240];
	(xrf2) =	vadd.scan.msk.f32 $0xffff, v4  }
0x390: {  	v7 =	vld [tilespmem:s16+$0x260];
	v33 =	vbroadcast v2, $0xF  }
0x391: {  	v10 =	vld [tilespmem:s16+$0x270]  }
0x392: {  	v11 =	vld [tilespmem:s16+$0x2260];
	v4, _, _ =	vpop (xrf2);
	(erf) = vpow2.f32 v33  }
0x393: {  	v9 =	vld [tilespmem:s16+$0x2270];
	v34 =	vmul.f32 $1.442695020e+00, v4;
	v35, _, _ =	vpop (xrf2)  }
0x394: {  	v43 =	vld [tilespmem:s16+$0x41B0];
	v36, _, _ =	vpop (xrf2)  }
0x395: {  	v13 =	vld [tilespmem:s23+$0x2190];
	v6 =	vmul.f32 v6, v25;
	v18 =	vbroadcast v34, $0xF;
	v38, _, _ =	vpop (xrf2)  }
0x396: {  	v15 =	vld [tilespmem:s23+$0x21A0];
	v5 =	vmul.f32 v5, v24;
	v22 =	vmul.f32 $1.442695020e+00, v38  }
0x397: {  	v12 =	vld [tilespmem:s23+$0x2180];
	v7 =	vmul.f32 v11, v7;
	(erf) = vpow2.f32 v18  }
0x398: {  	v14 =	vld [tilespmem:s23+$0x1B0];
	v9 =	vmul.f32 v9, v10;
	v22 =	vbroadcast v22, $0xF  }
0x399: {  	v16 =	vld [tilespmem:s23+$0x21B0];
	v5 =	vadd.f32 v6, v5;
	v26, _, _ =	vpop (xrf2)  }
0x39a: {  	v19 =	vld [tilespmem:s23+$0x2200];
	v7 =	vadd.f32 v9, v7;
	v6 =	vmul.f32 $1.442695020e+00, v26;
	(erf) = vpow2.f32 v22  }
0x39b: {  	v1 =	vld [tilespmem:s23+$0x180];
	(xrf2) =	vadd.scan.msk.f32 $0xffff, v5;
	v11 =	vpop (erf)  }
0x39c: {  	v3 =	vld [tilespmem:s23+$0x190];
	(xrf2) =	vadd.scan.msk.f32 $0xffff, v7;
	v5 =	vbroadcast v6, $0xF;
	v6 =	vmul.f32 v11, v41  }
0x39d: {  	v8 =	vld [tilespmem:s23+$0x1A0];
	v17 =	vmul.f32 $1.442695020e+00, v35  }
0x39e: {  	v10 =	vld [tilespmem:s16+$0x41C0];
	(erf) = vpow2.f32 v5  }
0x39f: {  	v2 =	vld [tilespmem:s23+$0x200];
	v7 =	vbroadcast v17, $0xF  }
0x3a0: {  	v4 =	vld [tilespmem:s23+$0x210];
	v47 =	vmul.f32 $1.442695020e+00, v36;
	[tilespmem:s16+$0x4180] =	vst v6;
	v6 =	vpop (erf)  }
0x3a1: {  	v42 =	vld [tilespmem:s16+$0x4190];
	(erf) = vpow2.f32 v7;
	v7 =	vmul.f32 v6, v43;
	_ =	sdelay $0x1  }
0x3a2: {  	v9 =	vld [tilespmem:s16+$0x41F0];
	v48 =	vpop (erf);
	[tilespmem:s16+$0x41B0] =	vst v7;
	v7 =	vbroadcast v47, $0xF  }
0x3a3: {  	v10 =	vmul.f32 v48, v10  }
0x3a4: {  	v51, _, _ =	vpop (xrf2)  }
0x3a5: {  	v5 =	vmul.f32 v11, v42;
	v54, _, _ =	vpop (xrf2);
	[tilespmem:s16+$0x41C0] =	vst v10;
	v10 =	vmul.f32 $1.442695020e+00, v51  }
0x3a6: {  	v55 =	vmul.f32 $1.442695020e+00, v54;
	(erf) = vpow2.f32 v7;
	v7 =	vpop (erf)  }
0x3a7: {  	v27 =	vld [tilespmem:s16+$0x41A0];
	v10 =	vbroadcast v10, $0xF;
	v9 =	vmul.f32 v7, v9  }
0x3a8: {  	v44 =	vld [tilespmem:s16+$0x41D0];
	[tilespmem:s16+$0x4190] =	vst v5  }
0x3a9: {  	v5 =	vld [tilespmem:s16+$0x4200];
	(erf) = vpow2.f32 v10;
	[tilespmem:s16+$0x41F0] =	vst v9;
	v9 =	vbroadcast v55, $0xF  }
0x3aa: {  	v45 =	vld [tilespmem:s16+$0x41E0]  }
0x3ab: {  	v49 =	vld [tilespmem:s16+$0x4210];
	v10 =	vpop (erf);
	(erf) = vpow2.f32 v9  }
0x3ac: {  	v50 =	vld [tilespmem:s16+$0x4220];
	v46 =	vmul.f32 v6, v27  }
0x3ad: {  	v52 =	vld [tilespmem:s16+$0x4230];
	v24 =	vmul.f32 v48, v44  }
0x3ae: {  	v53 =	vld [tilespmem:s16+$0x4240];
	[tilespmem:s16+$0x41A0] =	vst v46;
	v5 =	vmul.f32 v10, v5  }
0x3af: {  	v56 =	vld [tilespmem:s16+$0x4250];
	[tilespmem:s16+$0x41D0] =	vst v24;
	v26 =	vmul.f32 v7, v45  }
0x3b0: {  	v57 =	vld [tilespmem:s16+$0x4260];
	[tilespmem:s16+$0x4200] =	vst v5;
	v5 =	vmul.f32 v10, v49;
	v58 =	vpop (erf)  }
0x3b1: {  	[tilespmem:s16+$0x41E0] =	vst v26;
	v9 =	vld [tilespmem:s16+$0x4270];
	v17 =	vmul.f32 v58, v50  }
0x3b2: {  	v28 =	vld [tilespmem:s23+$0x2220];
	[tilespmem:s16+$0x4210] =	vst v5;
	v5 =	vmul.f32 v58, v52;
	v59 =	vpop (erf)  }
0x3b3: {  	v29 =	vld [tilespmem:s23+$0x2230];
	[tilespmem:s16+$0x4220] =	vst v17;
	v24 =	vmul.f32 v59, v53  }
0x3b4: {  	v60 =	vld [tilespmem:s23+$0x1C0];
	[tilespmem:s16+$0x4230] =	vst v5;
	v5 =	vmul.f32 v59, v56;
	v61 =	vpop (erf)  }
0x3b5: {  	v30 =	vld [tilespmem:s23+$0x1D0];
	[tilespmem:s16+$0x4240] =	vst v24;
	v26 =	vmul.f32 v61, v57  }
0x3b6: {  	v7 =	vsel vm0, v7, v48;
	v62 =	vld [tilespmem:s23+$0x21C0];
	[tilespmem:s16+$0x4250] =	vst v5;
	v5 =	vmul.f32 v61, v9  }
0x3b7: {  	v6 =	vsel vm1, v7, v6;
	v31 =	vld [tilespmem:s23+$0x21D0];
	[tilespmem:s16+$0x4260] =	vst v26  }
0x3b8: {  	v9 =	vsel vm2, v11, v6;
	v63 =	vld [tilespmem:s23+$0x1E0];
	[tilespmem:s16+$0x4270] =	vst v5  }
0x3b9: {  	v1 =	vmul.f32 v12, v1;
	v5 =	vmul.f32 v13, v3;
	v11 =	vld [tilespmem:s23+$0x1F0];
	[tilespmem:s16+$0x6180] =	vst v9  }
0x3ba: {  	v26 =	vld [tilespmem:s23+$0x21E0];
	[tilespmem:s16+$0x6190] =	vst v9  }
0x3bb: {  	v7 =	vmul.f32 v16, v14;
	v6 =	vmul.f32 v15, v8;
	v1 =	vadd.f32 v5, v1;
	v32 =	vld [tilespmem:s23+$0x21F0];
	[tilespmem:s16+$0x61A0] =	vst v9  }
0x3bc: {  	v4 =	vmul.f32 v37, v4;
	v3 =	vld [tilespmem:s23+$0x240];
	[tilespmem:s16+$0x61B0] =	vst v9  }
0x3bd: {  	v8 =	vmul.f32 v19, v2;
	v7 =	vadd.f32 v7, v6;
	(xrf2) =	vadd.scan.msk.f32 $0xffff, v1;
	v5 =	vld [tilespmem:s23+$0x250];
	[tilespmem:s16+$0x61C0] =	vst v9  }
0x3be: {  	v1 =	vsel vm0, v61, v59;
	v6 =	vld [tilespmem:s23+$0x2240];
	[tilespmem:s16+$0x61D0] =	vst v9  }
0x3bf: {  	v8 =	vadd.f32 v4, v8;
	(xrf2) =	vadd.scan.msk.f32 $0xffff, v7;
	v1 =	vsel vm1, v1, v58;
	v7 =	vld [tilespmem:s23+$0x2250];
	[tilespmem:s16+$0x61E0] =	vst v9  }
0x3c0: {  	v1 =	vsel vm2, v10, v1;
	v10 =	vmul.f32 v29, v40;
	v2 =	vld [tilespmem:s23+$0x260];
	[tilespmem:s16+$0x61F0] =	vst v9;
	v9 =	vmul.f32 v28, v39  }
0x3c1: {  	(xrf2) =	vadd.scan.msk.f32 $0xffff, v8  }
0x3c2: {  	v8 =	vadd.f32 v10, v9  }
0x3c3: {  	v12 =	vmul.f32 v62, v60;
	v13 =	vmul.f32 v31, v30  }
0x3c4: {  	(xrf2) =	vadd.scan.msk.f32 $0xffff, v8  }
0x3c5: {  	v10 =	vadd.f32 v13, v12  }
0x3c6: {  	v12 =	vmul.f32 v26, v63;
	v13 =	vmul.f32 v32, v11  }
0x3c7: {  	v4 =	vld [tilespmem:s23+$0x270];
	[tilespmem:s16+$0x6200] =	vst v1;
	v8, _, _ =	vpop (xrf2);
	(xrf2) =	vadd.scan.msk.f32 $0xffff, v10  }
0x3c8: {  	v9 =	vld [tilespmem:s23+$0x2260];
	[tilespmem:s16+$0x6210] =	vst v1;
	v12 =	vadd.f32 v13, v12  }
0x3c9: {  	s17 =	simm.s32 $0x800;
	v11 =	vld [tilespmem:s23+$0x2270];
	[tilespmem:s16+$0x6220] =	vst v1;
	v10, _, _ =	vpop (xrf2)  }
.LBB2_25:
0x3ca: {  	s1 =	sshra.s32 s17, $0x2;
	p0 =	sne.s32 s17, $0x7C00;
	(xrf2) =	vadd.scan.msk.f32 $0xffff, v12;
	[tilespmem:s16+$0x6230] =	vst v1  }
0x3cb: {  	v3 =	vmul.f32 v6, v3;
	v5 =	vmul.f32 v7, v5;
	v12 =	vld [tilespmem:s1+$0x180];
	v6, _, _ =	vpop (xrf2);
	[tilespmem:s16+$0x6240] =	vst v1  }
0x3cc: {  	v7 =	vld [tilespmem:s1+$0x190];
	[tilespmem:s16+$0x6250] =	vst v1  }
0x3cd: {  	v3 =	vadd.f32 v5, v3;
	v13 =	vld [tilespmem:s1+$0x2180];
	[tilespmem:s16+$0x6260] =	vst v1  }
0x3ce: {  	v2 =	vmul.f32 v9, v2;
	v5 =	vld [tilespmem:s1+$0x2190];
	v4 =	vmul.f32 v11, v4;
	v9, _, _ =	vpop (xrf2);
	[tilespmem:s16+$0x6270] =	vst v1;
	s16 =	smov.u32 s23;
	s23 =	smov.u32 s1  }
0x3cf: {  	v11 =	vld [tilespmem:s23+$0x1A0];
	(xrf2) =	vadd.scan.msk.f32 $0xffff, v3  }
0x3d0: {  	v1 =	vmul.f32 $1.442695020e+00, v8;
	v3 =	vld [tilespmem:s23+$0x1B0];
	v2 =	vadd.f32 v4, v2  }
0x3d1: {  	v4 =	vld [tilespmem:s23+$0x21A0];
	v8, _, _ =	vpop (xrf2)  }
0x3d2: {  	v10 =	vmul.f32 $1.442695020e+00, v10;
	v16 =	vbroadcast v1, $0xF;
	v14 =	vld [tilespmem:s23+$0x21B0];
	(xrf2) =	vadd.scan.msk.f32 $0xffff, v2  }
0x3d3: {  	v2 =	vmul.f32 $1.442695020e+00, v8;
	v1 =	vld [tilespmem:s23+$0x200]  }
0x3d4: {  	v10 =	vbroadcast v10, $0xF;
	v8 =	vld [tilespmem:s23+$0x210];
	(erf) = vpow2.f32 v16;
	v15, _, _ =	vpop (xrf2)  }
0x3d5: {  	v16 =	vld [tilespmem:s23+$0x2200];
	v15 =	vmul.f32 $1.442695020e+00, v15  }
0x3d6: {  	v2 =	vbroadcast v2, $0xF;
	v17 =	vld [tilespmem:s23+$0x2210];
	(erf) = vpow2.f32 v10  }
0x3d7: {  	v6 =	vmul.f32 $1.442695020e+00, v6;
	v10 =	vld [tilespmem:s23+$0x220]  }
0x3d8: {  	v15 =	vbroadcast v15, $0xF;
	v18 =	vld [tilespmem:s23+$0x230];
	(erf) = vpow2.f32 v2  }
0x3d9: {  	v9 =	vmul.f32 $1.442695020e+00, v9;
	v2 =	vld [tilespmem:s16+$0x4180];
	v19, _, _ =	vpop (xrf2)  }
0x3da: {  	v22 =	vbroadcast v6, $0xF;
	v20 =	vld [tilespmem:s16+$0x4190];
	(erf) = vpow2.f32 v15  }
0x3db: {  	v19 =	vmul.f32 $1.442695020e+00, v19;
	v15 =	vld [tilespmem:s16+$0x41A0]  }
0x3dc: {  	v9 =	vbroadcast v9, $0xF;
	v21 =	vld [tilespmem:s16+$0x41B0];
	(erf) = vpow2.f32 v22;
	v6, _, _ =	vpop (xrf2)  }
0x3dd: {  	v19 =	vbroadcast v19, $0xF;
	v22 =	vld [tilespmem:s16+$0x41C0];
	v6 =	vmul.f32 $1.442695020e+00, v6;
	v23 =	vpop (erf)  }
0x3de: {  	v2 =	vmul.f32 v23, v2;
	v24 =	vld [tilespmem:s16+$0x41D0];
	(erf) = vpow2.f32 v9  }
0x3df: {  	v9 =	vmul.f32 v23, v20;
	v20 =	vld [tilespmem:s16+$0x41E0];
	v6 =	vbroadcast v6, $0xF;
	v25 =	vpop (erf)  }
0x3e0: {  	[tilespmem:s16+$0x4180] =	vst v2;
	v2 =	vmul.f32 v25, v15;
	v15 =	vld [tilespmem:s16+$0x41F0];
	(erf) = vpow2.f32 v19  }
0x3e1: {  	[tilespmem:s16+$0x4190] =	vst v9;
	v9 =	vmul.f32 v25, v21;
	v19 =	vld [tilespmem:s16+$0x4200];
	v21 =	vpop (erf)  }
0x3e2: {  	[tilespmem:s16+$0x41A0] =	vst v2;
	v2 =	vmul.f32 v21, v22;
	v22 =	vld [tilespmem:s16+$0x4210];
	(erf) = vpow2.f32 v6  }
0x3e3: {  	[tilespmem:s16+$0x41B0] =	vst v9;
	v6 =	vmul.f32 v21, v24;
	v9 =	vld [tilespmem:s16+$0x4220];
	v24 =	vpop (erf)  }
0x3e4: {  	[tilespmem:s16+$0x41C0] =	vst v2;
	v2 =	vmul.f32 v24, v20;
	v20 =	vsel vm0, v24, v21;
	v21 =	vld [tilespmem:s16+$0x4230]  }
0x3e5: {  	[tilespmem:s16+$0x41D0] =	vst v6;
	v6 =	vmul.f32 v24, v15;
	v15 =	vsel vm1, v20, v25;
	v20 =	vld [tilespmem:s16+$0x4240];
	v24 =	vpop (erf)  }
0x3e6: {  	[tilespmem:s16+$0x41E0] =	vst v2;
	v15 =	vsel vm2, v23, v15;
	v2 =	vmul.f32 v24, v19;
	v19 =	vld [tilespmem:s16+$0x4250]  }
0x3e7: {  	v12 =	vmul.f32 v13, v12;
	[tilespmem:s16+$0x41F0] =	vst v6;
	v6 =	vmul.f32 v24, v22;
	v13 =	vld [tilespmem:s16+$0x4260];
	v22 =	vpop (erf)  }
0x3e8: {  	v5 =	vmul.f32 v5, v7;
	[tilespmem:s16+$0x4200] =	vst v2;
	v2 =	vmul.f32 v22, v9;
	v7 =	vld [tilespmem:s16+$0x4270]  }
0x3e9: {  	v9 =	vld [tilespmem:s23+$0x2220];
	[tilespmem:s16+$0x4210] =	vst v6;
	v6 =	vmul.f32 v22, v21;
	v21 =	vpop (erf)  }
0x3ea: {  	v5 =	vadd.f32 v5, v12;
	v4 =	vmul.f32 v4, v11;
	v11 =	vld [tilespmem:s23+$0x2230];
	[tilespmem:s16+$0x4220] =	vst v2;
	v2 =	vmul.f32 v21, v20  }
0x3eb: {  	v3 =	vmul.f32 v14, v3;
	v12 =	vld [tilespmem:s23+$0x1C0];
	[tilespmem:s16+$0x4230] =	vst v6;
	v6 =	vmul.f32 v21, v19;
	v14 =	vpop (erf)  }
0x3ec: {  	v19 =	vld [tilespmem:s23+$0x1D0];
	(xrf2) =	vadd.scan.msk.f32 $0xffff, v5;
	[tilespmem:s16+$0x4240] =	vst v2;
	v2 =	vmul.f32 v14, v13;
	v5 =	vsel vm0, v14, v21  }
0x3ed: {  	v3 =	vadd.f32 v3, v4;
	v4 =	vld [tilespmem:s23+$0x21C0];
	[tilespmem:s16+$0x4250] =	vst v6;
	v6 =	vmul.f32 v14, v7;
	v5 =	vsel vm1, v5, v22  }
0x3ee: {  	v8 =	vmul.f32 v17, v8;
	v13 =	vmul.f32 v16, v1;
	v7 =	vld [tilespmem:s23+$0x21D0];
	[tilespmem:s16+$0x4260] =	vst v2;
	v1 =	vsel vm2, v24, v5  }
0x3ef: {  	v2 =	vld [tilespmem:s23+$0x1E0];
	(xrf2) =	vadd.scan.msk.f32 $0xffff, v3;
	[tilespmem:s16+$0x4270] =	vst v6  }
0x3f0: {  	v3 =	vadd.f32 v8, v13;
	v14 =	vld [tilespmem:s23+$0x1F0];
	[tilespmem:s16+$0x6180] =	vst v15  }
0x3f1: {  	v5 =	vmul.f32 v9, v10;
	v6 =	vmul.f32 v11, v18;
	v13 =	vld [tilespmem:s23+$0x21E0];
	[tilespmem:s16+$0x6190] =	vst v15  }
0x3f2: {  	v9 =	vld [tilespmem:s23+$0x21F0];
	(xrf2) =	vadd.scan.msk.f32 $0xffff, v3;
	[tilespmem:s16+$0x61A0] =	vst v15  }
0x3f3: {  	v11 =	vadd.f32 v6, v5;
	v3 =	vld [tilespmem:s23+$0x240];
	[tilespmem:s16+$0x61B0] =	vst v15  }
0x3f4: {  	v4 =	vmul.f32 v4, v12;
	v7 =	vmul.f32 v7, v19;
	v5 =	vld [tilespmem:s23+$0x250];
	[tilespmem:s16+$0x61C0] =	vst v15  }
0x3f5: {  	v6 =	vld [tilespmem:s23+$0x2240];
	(xrf2) =	vadd.scan.msk.f32 $0xffff, v11;
	[tilespmem:s16+$0x61D0] =	vst v15  }
.Ltmp11:
0x3f6: {  	v16 =	vadd.f32 v7, v4;
	v7 =	vld [tilespmem:s23+$0x2250];
	v8, _, _ =	vpop (xrf2);
	[tilespmem:s16+$0x61E0] =	vst v15;
	(pc) =	sbr.rel @p0 .LBB2_25-.Ltmp11, $4  }
0x3f7: {  	v11 =	vmul.f32 v13, v2;
	v9 =	vmul.f32 v9, v14;
	v2 =	vld [tilespmem:s23+$0x260];
	[tilespmem:s16+$0x61F0] =	vst v15  }
0x3f8: {  	v4 =	vld [tilespmem:s23+$0x270];
	(xrf2) =	vadd.scan.msk.f32 $0xffff, v16;
	[tilespmem:s16+$0x6200] =	vst v1  }
0x3f9: {  	v12 =	vadd.f32 v9, v11;
	v9 =	vld [tilespmem:s23+$0x2260];
	v10, _, _ =	vpop (xrf2);
	[tilespmem:s16+$0x6210] =	vst v1  }
0x3fa: {  	s17 =	sadd.s32 $0x400, s17;
	v11 =	vld [tilespmem:s23+$0x2270];
	[tilespmem:s16+$0x6220] =	vst v1  }
0x3fb: {  	v8 =	vmul.f32 $1.442695020e+00, v8;
	(xrf2) =	vadd.scan.msk.f32 $0xffff, v12;
	_ =	sdelay $0x1  }
0x3fc: {  	v8 =	vbroadcast v8, $0xF  }
0x3fd: {  	v3 =	vmul.f32 v6, v3;
	v5 =	vmul.f32 v7, v5  }
0x3fe: {  	[tilespmem:s16+$0x6230] =	vst v1;
	(erf) = vpow2.f32 v8  }
0x3ff: {  	v37 =	vmul.f32 $1.442695020e+00, v10;
	[tilespmem:s16+$0x6240] =	vst v1;
	v38, _, _ =	vpop (xrf2);
	v3 =	vadd.f32 v5, v3  }
0x400: {  	[tilespmem:s16+$0x6250] =	vst v1;
	v2 =	vmul.f32 v9, v2;
	v39, _, _ =	vpop (xrf2);
	v4 =	vmul.f32 v11, v4  }
0x401: {  	[tilespmem:s16+$0x6260] =	vst v1;
	v6 =	vbroadcast v37, $0xF;
	(xrf2) =	vadd.scan.msk.f32 $0xffff, v3;
	v40, _, _ =	vpop (xrf2)  }
0x402: {  	[tilespmem:s16+$0x6270] =	vst v1;
	v2 =	vadd.f32 v4, v2;
	v1 =	vmul.f32 $1.442695020e+00, v40  }
0x403: {  	v3 =	vld [tilespmem:s23+$0x4180];
	(erf) = vpow2.f32 v6  }
0x404: {  	v41 =	vld [tilespmem:s23+$0x4190];
	(xrf2) =	vadd.scan.msk.f32 $0xffff, v2;
	v1 =	vbroadcast v1, $0xF;
	v42, _, _ =	vpop (xrf2)  }
0x405: {  	v2 =	vmul.f32 $1.442695020e+00, v42  }
0x406: {  	(erf) = vpow2.f32 v1  }
0x407: {  	v45 =	vpop (erf);
	v2 =	vbroadcast v2, $0xF  }
0x408: {  	v7 =	vmul.f32 $1.442695020e+00, v38;
	v1 =	vld [tilespmem:s23+$0x41B0];
	v3 =	vmul.f32 v45, v3  }
0x409: {  	(erf) = vpow2.f32 v2;
	v2 =	vmul.f32 v45, v41  }
0x40a: {  	v7 =	vbroadcast v7, $0xF  }
0x40b: {  	v49, _, _ =	vpop (xrf2);
	[tilespmem:s23+$0x4190] =	vst v2;
	v2 =	vmul.f32 $1.442695020e+00, v39  }
0x40c: {  	v50 =	vmul.f32 $1.442695020e+00, v49;
	[tilespmem:s23+$0x4180] =	vst v3;
	v3 =	vpop (erf);
	(erf) = vpow2.f32 v7  }
0x40d: {  	v43 =	vld [tilespmem:s23+$0x41A0];
	v1 =	vmul.f32 v3, v1;
	v2 =	vbroadcast v2, $0xF  }
0x40e: {  	v44 =	vld [tilespmem:s23+$0x41C0];
	v5 =	vbroadcast v50, $0xF;
	v13, _, _ =	vpop (xrf2)  }
0x40f: {  	v46 =	vld [tilespmem:s23+$0x41D0];
	v52 =	vpop (erf);
	[tilespmem:s23+$0x41B0] =	vst v1;
	v1 =	vmul.f32 $1.442695020e+00, v13;
	(erf) = vpow2.f32 v2  }
0x410: {  	v47 =	vld [tilespmem:s23+$0x41E0]  }
0x411: {  	v48 =	vld [tilespmem:s23+$0x41F0];
	(erf) = vpow2.f32 v5;
	v1 =	vbroadcast v1, $0xF  }
0x412: {  	v51 =	vld [tilespmem:s23+$0x4200];
	v8 =	vmul.f32 v3, v43  }
0x413: {  	v53 =	vld [tilespmem:s23+$0x4210];
	v6 =	vmul.f32 v52, v44;
	v54 =	vpop (erf);
	(erf) = vpow2.f32 v1  }
0x414: {  	[tilespmem:s23+$0x41A0] =	vst v8;
	v2 =	vld [tilespmem:s23+$0x4220];
	v10 =	vmul.f32 v52, v46  }
0x415: {  	v55 =	vld [tilespmem:s23+$0x4230];
	[tilespmem:s23+$0x41C0] =	vst v6;
	v11 =	vmul.f32 v54, v47  }
0x416: {  	[tilespmem:s23+$0x41D0] =	vst v10;
	v1 =	vld [tilespmem:s23+$0x4240];
	v4 =	vmul.f32 v54, v48;
	v56 =	vpop (erf)  }
0x417: {  	v57 =	vld [tilespmem:s23+$0x4250];
	[tilespmem:s23+$0x41E0] =	vst v11;
	v12 =	vmul.f32 v56, v51  }
0x418: {  	v58 =	vld [tilespmem:s23+$0x4260];
	[tilespmem:s23+$0x41F0] =	vst v4;
	v8 =	vmul.f32 v56, v53;
	v59 =	vpop (erf)  }
0x419: {  	v60 =	vld [tilespmem:s23+$0x4270];
	[tilespmem:s23+$0x4200] =	vst v12;
	v2 =	vmul.f32 v59, v2  }
0x41a: {  	[tilespmem:s23+$0x4210] =	vst v8;
	v6 =	vmul.f32 v59, v55;
	v61 =	vpop (erf)  }
0x41b: {  	v1 =	vmul.f32 v61, v1;
	[tilespmem:s23+$0x4220] =	vst v2  }
0x41c: {  	[tilespmem:s23+$0x4230] =	vst v6;
	v2 =	vmul.f32 v61, v57;
	v62 =	vpop (erf)  }
0x41d: {  	[tilespmem:s23+$0x4240] =	vst v1;
	v1 =	vmul.f32 v62, v58  }
0x41e: {  	v63 =	vsel vm0, v54, v52;
	[tilespmem:s23+$0x4250] =	vst v2;
	v2 =	vmul.f32 v62, v60  }
0x41f: {  	v3 =	vsel vm1, v63, v3;
	[tilespmem:s23+$0x4260] =	vst v1  }
0x420: {  	v1 =	vsel vm2, v45, v3;
	[tilespmem:s23+$0x4270] =	vst v2  }
0x421: {  	[tilespmem:s23+$0x6180] =	vst v1  }
0x422: {  	[tilespmem:s23+$0x6190] =	vst v1  }
0x423: {  	[tilespmem:s23+$0x61A0] =	vst v1  }
0x424: {  	[tilespmem:s23+$0x61B0] =	vst v1  }
0x425: {  	[tilespmem:s23+$0x61C0] =	vst v1  }
0x426: {  	v2 =	vsel vm0, v62, v61;
	[tilespmem:s23+$0x61D0] =	vst v1  }
0x427: {  	v2 =	vsel vm1, v2, v59;
	[tilespmem:s23+$0x61E0] =	vst v1  }
0x428: {  	[tilespmem:s23+$0x61F0] =	vst v1;
	v2 =	vsel vm2, v56, v2  }
0x429: {  	[tilespmem:s23+$0x6200] =	vst v2  }
0x42a: {  	[tilespmem:s23+$0x6210] =	vst v2  }
0x42b: {  	[tilespmem:s23+$0x6220] =	vst v2  }
0x42c: {  	[tilespmem:s23+$0x6230] =	vst v2  }
0x42d: {  	[tilespmem:s23+$0x6240] =	vst v2  }
0x42e: {  	[tilespmem:s23+$0x6250] =	vst v2  }
0x42f: {  	[tilespmem:s23+$0x6260] =	vst v2  }
0x430: {  	[tilespmem:s23+$0x6270] =	vst v2  }
0x431: {  	[spmem:s2] =	stream.indirect.scatter.add.f32 [tilespmem:s26], [sflag:$0x1], $0x80, s4, s20, $0xb8;
	[tilespmem:$0x14180] =	vst v63  }
0x432: {  	s25 =	sadd.s32 $0x1, s25  }
0x433: {  	[spmem:s3] =	stream.indirect.scatter.add.f32 [tilespmem:s29], [sflag:$0x2], $0x80, s4, s20, $0xb8;
	[tilespmem:$0x14180] =	vst v63  }
0x434: {  	p0 =	sne.s32 s25, $0xA0;
	_ =	swait.ge [sflag:s0], $0x2000  }
.Ltmp12:
0x435: {  	[sflag:s0] =	ssyncset.done $0x0;
	(pc) =	sbr.rel @p0 .LBB2_24-.Ltmp12, $4  }
0x436: {  	[sflag:s0] =	ssyncadd.s32 $0xFFFFE000  }
0x437: {  	_ =	swait.ge [sflag:s5], $0x2000  }
0x438: {  	[sflag:s5] =	ssyncset.done $0x0  }
0x439: {  	[sflag:s5] =	ssyncadd.s32 $0xFFFFE000  }
0x43a: {  	[bflag:$0x0] =	sbarrier.arrive $0xFFFF;
	s16 =	simm.s32 $0x0  }
.LBB2_28:
0x43b: {  	s1 =	sshll.u32 s16, $0x6  }
0x43c: {  	s23 =	sadd.s32 s10, s1  }
0x43d: {  	s1 =	sshll.u32 s23, $0x7  }
0x43e: {  	s13 =	sadd.s32 s1, s2  }
0x43f: {  	[tilespmem:s21], [sflag:$0x4] =	stream.linear.gather [spmem:s13], $0x2000, $0x38;
	[tilespmem:$0x14180] =	vst v63  }
0x440: {  	_ =	swait.ge [sflag:s28], $0x2000  }
0x441: {  	[sflag:s28] =	ssyncset.done $0x0  }
0x442: {  	s1 =	sadd.s32 s1, s3;
	[sflag:s28] =	ssyncadd.s32 $0xFFFFE000  }
0x443: {  	[tilespmem:s29], [sflag:$0x4] =	stream.linear.gather [spmem:s1], $0x2000, $0x38;
	[tilespmem:$0x14180] =	vst v63  }
0x444: {  	_ =	swait.ge [sflag:s28], $0x2000  }
0x445: {  	[sflag:s28] =	ssyncset.done $0x0  }
0x446: {  	s13 =	simm.s32 $0x0;
	[sflag:s28] =	ssyncadd.s32 $0xFFFFE000  }
0x447: {  	v1 =	vld [tilespmem:s13+$0x6180];
	_ =	sdelay $0x4  }
0x448: {  	vm6 =	veq.f32 v1, $0.0e+00  }
0x449: {  	s25 =	simm.s32 $0x80;
	v1 =	vsel vm6, $0x3F800000, v1  }
0x44a: {  	(erf) = vrcp.f32 v1;
	v1 =	vld [tilespmem:s25+$0x6180];
	_ =	sdelay $0x4  }
0x44b: {  	vm6 =	veq.f32 v1, $0.0e+00  }
0x44c: {  	v1 =	vsel vm6, $0x3F800000, v1  }
0x44d: {  	(erf) = vrcp.f32 v1;
	_ =	sdelay $0x1  }
0x44e: {  	s17 =	simm.s32 $0x100;
	v1 =	vpop (erf)  }
0x44f: {  	v4 =	vld [tilespmem:s17+$0x6180];
	v2 =	vsel vm4, $0x0, v1  }
0x450: {  	(xrf0) =	vmax.scan.msk.f32 $0xffff, v2;
	v2 =	vsel vm3, $0x0, v1  }
0x451: {  	(xrf0) =	vmax.scan.msk.f32 $0xffff, v2;
	v2 =	vsel vm5, $0x0, v1  }
0x452: {  	(xrf0) =	vmax.scan.msk.f32 $0xffff, v2  }
0x453: {  	v9 =	vld [tilespmem:s13+$0x1A0];
	v3 =	vnsel vm2, $0x0, v1  }
0x454: {  	v5 =	vld [tilespmem:s13+$0x1E0];
	vm6 =	veq.f32 v4, $0.0e+00;
	(xrf0) =	vmax.scan.msk.f32 $0xffff, v3  }
0x455: {  	v6 =	vld [tilespmem:s13+$0x1B0];
	v4 =	vsel vm6, $0x3F800000, v4;
	v11 =	vpop (erf)  }
0x456: {  	(erf) = vrcp.f32 v4;
	v3 =	vld [tilespmem:s13+$0x1F0];
	v2, _, _ =	vpop (xrf0)  }
0x457: {  	s24 =	simm.s32 $0x180;
	v4 =	vld [tilespmem:s13+$0x190];
	v8 =	vsel vm4, $0x0, v11;
	v7, _, _ =	vpop (xrf0)  }
0x458: {  	v1 =	vld [tilespmem:s24+$0x6180];
	(xrf0) =	vmax.scan.msk.f32 $0xffff, v8;
	v10 =	vbroadcast v7, $0xF;
	v12, _, _ =	vpop (xrf0)  }
0x459: {  	v14 =	vsel vm3, $0x0, v11;
	v2 =	vbroadcast v2, $0xF;
	v8 =	vld [tilespmem:s13+$0x180];
	v12 =	vbroadcast v12, $0xF  }
0x45a: {  	s18 =	simm.s32 $0x800;
	v7 =	vnsel vm2, $0x0, v11;
	v11 =	vsel vm5, $0x0, v11;
	(xrf0) =	vmax.scan.msk.f32 $0xffff, v14;
	v13, _, _ =	vpop (xrf0);
	v14 =	vmul.f32 v10, v9;
	v9 =	vld [tilespmem:s13+$0x1D0]  }
.LBB2_29:
0x45b: {  	s1 =	sshra.s32 s18, $0x2;
	p0 =	sne.s32 s18, $0x7E00;
	s18 =	sadd.s32 $0x200, s18;
	(xrf0) =	vmax.scan.msk.f32 $0xffff, v11;
	v11 =	vbroadcast v13, $0xF;
	v13 =	vld [tilespmem:s13+$0x1C0];
	v3 =	vmul.f32 v3, v12  }
0x45c: {  	v5 =	vmul.f32 v5, v12;
	s22 =	smov.u32 s24;
	v15 =	vld [tilespmem:s1+$0x6180];
	(xrf0) =	vmax.scan.msk.f32 $0xffff, v7;
	[tilespmem:s13+$0x1A0] =	vst v14;
	v6 =	vmul.f32 v10, v6;
	s24 =	smov.u32 s1  }
0x45d: {  	vm6 =	veq.f32 v1, $0.0e+00;
	v14 =	vld [tilespmem:s25+$0x1A0];
	[tilespmem:s13+$0x1F0] =	vst v3  }
0x45e: {  	v10 =	vsel vm6, $0x3F800000, v1;
	v4 =	vmul.f32 v11, v4;
	v3 =	vld [tilespmem:s25+$0x1F0];
	v7, _, _ =	vpop (xrf0);
	v8 =	vmul.f32 v11, v8;
	[tilespmem:s13+$0x1E0] =	vst v5  }
.Ltmp13:
0x45f: {  	(erf) = vrcp.f32 v10;
	v1 =	vpop (erf);
	v5 =	vld [tilespmem:s25+$0x1E0];
	[tilespmem:s13+$0x1B0] =	vst v6;
	v9 =	vmul.f32 v9, v2;
	(pc) =	sbr.rel @p0 .LBB2_29-.Ltmp13, $4  }
0x460: {  	v16 =	vsel vm3, $0x0, v1;
	v10 =	vsel vm4, $0x0, v1;
	v6 =	vld [tilespmem:s25+$0x1B0];
	v11, _, _ =	vpop (xrf0);
	[tilespmem:s13+$0x190] =	vst v4;
	v17 =	vmul.f32 v13, v2  }
0x461: {  	v2 =	vbroadcast v7, $0xF;
	(xrf0) =	vmax.scan.msk.f32 $0xffff, v10;
	v4 =	vld [tilespmem:s25+$0x190];
	v10 =	vbroadcast v11, $0xF;
	v12, _, _ =	vpop (xrf0);
	[tilespmem:s13+$0x180] =	vst v8  }
0x462: {  	v7 =	vnsel vm2, $0x0, v1;
	v11 =	vsel vm5, $0x0, v1;
	v8 =	vld [tilespmem:s25+$0x180];
	v12 =	vbroadcast v12, $0xF;
	v13, _, _ =	vpop (xrf0);
	[tilespmem:s13+$0x1D0] =	vst v9  }
0x463: {  	v1 =	vmov v15;
	(xrf0) =	vmax.scan.msk.f32 $0xffff, v16;
	v14 =	vmul.f32 v10, v14;
	v9 =	vld [tilespmem:s25+$0x1D0];
	[tilespmem:s13+$0x1C0] =	vst v17;
	s13 =	smov.u32 s25;
	s25 =	smov.u32 s17;
	s17 =	smov.u32 s22  }
0x464: {  	v3 =	vmul.f32 v3, v12;
	(xrf0) =	vmax.scan.msk.f32 $0xffff, v11  }
0x465: {  	v15 =	vld [tilespmem:s13+$0x1C0];
	v5 =	vmul.f32 v5, v12;
	v24 =	vbroadcast v13, $0xF;
	[tilespmem:s13+$0x1A0] =	vst v14  }
0x466: {  	v6 =	vmul.f32 v10, v6;
	v14 =	vld [tilespmem:s25+$0x1A0];
	[tilespmem:s13+$0x1F0] =	vst v3  }
0x467: {  	v4 =	vmul.f32 v24, v4;
	v3 =	vld [tilespmem:s25+$0x1F0];
	[tilespmem:s13+$0x1E0] =	vst v5  }
0x468: {  	v8 =	vmul.f32 v24, v8;
	v25, _, _ =	vpop (xrf0);
	v5 =	vld [tilespmem:s25+$0x1E0];
	[tilespmem:s13+$0x1B0] =	vst v6  }
0x469: {  	v6 =	vld [tilespmem:s25+$0x1B0];
	[tilespmem:s13+$0x190] =	vst v4;
	v26, _, _ =	vpop (xrf0)  }
0x46a: {  	(xrf0) =	vmax.scan.msk.f32 $0xffff, v7;
	v9 =	vmul.f32 v9, v2;
	v4 =	vld [tilespmem:s25+$0x190];
	[tilespmem:s13+$0x180] =	vst v8;
	v8 =	vbroadcast v26, $0xF;
	v28, _, _ =	vpop (xrf0)  }
0x46b: {  	v2 =	vmul.f32 v15, v2;
	v7 =	vbroadcast v28, $0xF  }
0x46c: {  	v27 =	vld [tilespmem:s25+$0x180];
	[tilespmem:s13+$0x1D0] =	vst v9;
	v29 =	vmul.f32 v8, v14  }
0x46d: {  	v30 =	vpop (erf);
	v9 =	vld [tilespmem:s25+$0x1D0];
	[tilespmem:s13+$0x1C0] =	vst v2;
	v3 =	vmul.f32 v3, v7  }
0x46e: {  	vm6 =	veq.f32 v1, $0.0e+00;
	v31 =	vsel vm4, $0x0, v30;
	[tilespmem:s25+$0x1A0] =	vst v29  }
0x46f: {  	v1 =	vsel vm6, $0x3F800000, v1;
	(xrf0) =	vmax.scan.msk.f32 $0xffff, v31;
	v12 =	vld [tilespmem:s17+$0x1A0];
	[tilespmem:s25+$0x1F0] =	vst v3;
	v3 =	vsel vm3, $0x0, v30  }
0x470: {  	(erf) = vrcp.f32 v1;
	v35 =	vsel vm5, $0x0, v30;
	v32, _, _ =	vpop (xrf0);
	(xrf0) =	vmax.scan.msk.f32 $0xffff, v3  }
0x471: {  	(xrf0) =	vmax.scan.msk.f32 $0xffff, v35;
	_ =	sdelay $0x1  }
0x472: {  	v34 =	vbroadcast v32, $0xF;
	v2 =	vld [tilespmem:s25+$0x1C0];
	v5 =	vmul.f32 v5, v7  }
0x473: {  	v6 =	vmul.f32 v8, v6  }
0x474: {  	v37 =	vbroadcast v25, $0xF;
	v4 =	vmul.f32 v34, v4;
	v33 =	vld [tilespmem:s17+$0x1F0];
	[tilespmem:s25+$0x1E0] =	vst v5;
	v38, _, _ =	vpop (xrf0)  }
0x475: {  	v7 =	vmul.f32 v34, v27;
	v3 =	vld [tilespmem:s17+$0x1E0];
	[tilespmem:s25+$0x1B0] =	vst v6;
	v40, _, _ =	vpop (xrf0)  }
0x476: {  	v42 =	vnsel vm2, $0x0, v30;
	v39 =	vmul.f32 v9, v37;
	v36 =	vld [tilespmem:s17+$0x1B0];
	[tilespmem:s25+$0x190] =	vst v4;
	v43 =	vbroadcast v40, $0xF;
	v44, _, _ =	vpop (xrf0)  }
0x477: {  	v2 =	vmul.f32 v2, v37;
	v1 =	vld [tilespmem:s17+$0x190];
	[tilespmem:s25+$0x180] =	vst v7;
	(xrf0) =	vmax.scan.msk.f32 $0xffff, v42;
	v7 =	vbroadcast v44, $0xF  }
0x478: {  	v47 =	vpop (erf);
	v41 =	vld [tilespmem:s17+$0x180];
	[tilespmem:s25+$0x1D0] =	vst v39;
	v45 =	vmul.f32 v43, v12  }
0x479: {  	v49 =	vsel vm4, $0x0, v47;
	v8 =	vld [tilespmem:s17+$0x1D0];
	[tilespmem:s25+$0x1C0] =	vst v2;
	v46 =	vmul.f32 v33, v7  }
0x47a: {  	v48 =	vsel vm3, $0x0, v47;
	v2 =	vld [tilespmem:s17+$0x1C0];
	(xrf0) =	vmax.scan.msk.f32 $0xffff, v49;
	v3 =	vmul.f32 v3, v7;
	[tilespmem:s17+$0x1A0] =	vst v45  }
0x47b: {  	(xrf0) =	vmax.scan.msk.f32 $0xffff, v48;
	v10 =	vld [tilespmem:s24+$0x1A0];
	[tilespmem:s17+$0x1F0] =	vst v46  }
0x47c: {  	v51 =	vld [tilespmem:s24+$0x1F0];
	[tilespmem:s17+$0x1E0] =	vst v3;
	v3 =	vsel vm5, $0x0, v47  }
0x47d: {  	v5 =	vmul.f32 v43, v36;
	v50, _, _ =	vpop (xrf0);
	(xrf0) =	vmax.scan.msk.f32 $0xffff, v3  }
0x47e: {  	v54 =	vnsel vm2, $0x0, v47;
	v52 =	vbroadcast v50, $0xF  }
0x47f: {  	v4 =	vbroadcast v38, $0xF;
	v53 =	vld [tilespmem:s24+$0x1E0];
	[tilespmem:s17+$0x1B0] =	vst v5;
	(xrf0) =	vmax.scan.msk.f32 $0xffff, v54  }
0x480: {  	v56, _, _ =	vpop (xrf0);
	v1 =	vmul.f32 v52, v1;
	v3 =	vld [tilespmem:s24+$0x1B0]  }
0x481: {  	v2 =	vmul.f32 v2, v4;
	v57, _, _ =	vpop (xrf0);
	v55 =	vmul.f32 v52, v41  }
0x482: {  	v8 =	vmul.f32 v8, v4;
	v59 =	vbroadcast v57, $0xF;
	[tilespmem:s17+$0x190] =	vst v1  }
0x483: {  	v1 =	vld [tilespmem:s24+$0x190];
	[tilespmem:s17+$0x180] =	vst v55;
	v60, _, _ =	vpop (xrf0)  }
0x484: {  	v10 =	vmul.f32 v59, v10;
	v58 =	vld [tilespmem:s24+$0x180];
	[tilespmem:s17+$0x1D0] =	vst v8;
	v7 =	vbroadcast v60, $0xF  }
0x485: {  	v8 =	vld [tilespmem:s24+$0x1D0];
	[tilespmem:s17+$0x1C0] =	vst v2;
	v3 =	vmul.f32 v59, v3;
	v2, _, _ =	vpop (xrf0)  }
0x486: {  	v61 =	vld [tilespmem:s24+$0x1C0];
	[tilespmem:s24+$0x1A0] =	vst v10;
	v2 =	vbroadcast v2, $0xF;
	v62 =	vmul.f32 v51, v7  }
0x487: {  	[tilespmem:s24+$0x1B0] =	vst v3;
	v6 =	vmul.f32 v53, v7  }
0x488: {  	v63 =	vbroadcast v56, $0xF;
	v1 =	vmul.f32 v2, v1;
	[tilespmem:s24+$0x1F0] =	vst v62  }
0x489: {  	v2 =	vmul.f32 v2, v58;
	[tilespmem:s24+$0x1E0] =	vst v6  }
0x48a: {  	s1 =	rddreg [dreg:$0x7];
	v3 =	vmul.f32 v8, v63;
	[tilespmem:s24+$0x190] =	vst v1  }
0x48b: {  	s16 =	sadd.s32 $0x1, s16;
	s1 =	sadd.s32 s23, s1;
	v1 =	vmul.f32 v61, v63;
	[tilespmem:s24+$0x180] =	vst v2  }
0x48c: {  	p0 =	sne.s32 s16, $0x3;
	s1 =	sshll.u32 s1, $0x4;
	[tilespmem:s24+$0x1D0] =	vst v3  }
.Ltmp14:
0x48d: {  	s1 =	sadd.s32 s14, s1;
	[tilespmem:s24+$0x1C0] =	vst v1;
	(pc) =	sbr.rel @p0 .LBB2_28-.Ltmp14, $4  }
0x48e: {  	[hbm4b:s1+s4] =	stream.linear.scatter [tilespmem:s21], [sflag:$0x4], $0x2000, $0x38;
	[tilespmem:$0x14180] =	vst v63  }
0x48f: {  	_ =	swait.ge [sflag:s28], $0x2000  }
0x490: {  	[sflag:s28] =	ssyncset.done $0x0  }
0x491: {  	[sflag:s28] =	ssyncadd.s32 $0xFFFFE000  }
0x492: {  	[bflag:$0x0] =	sbarrier.arrive $0xFFFF  }
0x493: {  	s13 =	simm.s32 $0x0;
	s16 =	simm.s32 $0x200;
	s22 =	simm.s32 $0x2180  }
.LBB2_32:
0x494: {  	p0 =	seq.s32 s16, $0x7E00;
	[tilespmem:s13+$0x61F0] =	vst v0  }
0x495: {  	[tilespmem:s13+$0x4180] =	vst v0  }
0x496: {  	[tilespmem:s13+$0x6180] =	vst v0  }
0x497: {  	[tilespmem:s13+$0x4190] =	vst v0  }
0x498: {  	[tilespmem:s13+$0x6190] =	vst v0  }
0x499: {  	[tilespmem:s13+$0x41A0] =	vst v0  }
0x49a: {  	[tilespmem:s13+$0x61A0] =	vst v0  }
0x49b: {  	[tilespmem:s13+$0x41B0] =	vst v0  }
0x49c: {  	[tilespmem:s13+$0x61B0] =	vst v0  }
0x49d: {  	[tilespmem:s13+$0x41C0] =	vst v0  }
0x49e: {  	[tilespmem:s13+$0x61C0] =	vst v0  }
.Ltmp15:
0x49f: {  	[tilespmem:s13+$0x41D0] =	vst v0;
	(pc) =	sbr.rel @!p0 .LBB2_32-.Ltmp15, $4  }
0x4a0: {  	[tilespmem:s13+$0x61D0] =	vst v0  }
0x4a1: {  	[tilespmem:s13+$0x41E0] =	vst v0  }
0x4a2: {  	[tilespmem:s13+$0x61E0] =	vst v0  }
0x4a3: {  	[tilespmem:s13+$0x41F0] =	vst v0;
	s13 =	sshra.s32 s16, $0x2;
	s16 =	sadd.s32 $0x200, s16  }
0x4a4: {  	[tilespmem:s13+$0x61F0] =	vst v0  }
0x4a5: {  	[tilespmem:s13+$0x4180] =	vst v0  }
0x4a6: {  	[tilespmem:s13+$0x6180] =	vst v0  }
0x4a7: {  	[tilespmem:s13+$0x4190] =	vst v0  }
0x4a8: {  	[tilespmem:s13+$0x6190] =	vst v0  }
0x4a9: {  	[tilespmem:s13+$0x41A0] =	vst v0  }
0x4aa: {  	[tilespmem:s13+$0x61A0] =	vst v0  }
0x4ab: {  	[tilespmem:s13+$0x41B0] =	vst v0  }
0x4ac: {  	[tilespmem:s13+$0x61B0] =	vst v0  }
0x4ad: {  	[tilespmem:s13+$0x41C0] =	vst v0  }
0x4ae: {  	[tilespmem:s13+$0x61C0] =	vst v0  }
0x4af: {  	[tilespmem:s13+$0x41D0] =	vst v0  }
0x4b0: {  	[tilespmem:s13+$0x61D0] =	vst v0  }
0x4b1: {  	[tilespmem:s13+$0x41E0] =	vst v0  }
0x4b2: {  	[tilespmem:s13+$0x61E0] =	vst v0  }
0x4b3: {  	[tilespmem:s13+$0x41F0] =	vst v0;
	s1 =	rddreg [dreg:$0xa]  }
0x4b4: {  	[spmem:s1] =	stream.linear.scatter [tilespmem:s26], [sflag:$0x4], $0x2000, $0x38;
	[tilespmem:$0x14180] =	vst v63  }
0x4b5: {  	s18 =	rddreg [dreg:$0x0];
	_ =	swait.ge [sflag:s28], $0x2000  }
0x4b6: {  	[sflag:s28] =	ssyncset.done $0x0  }
0x4b7: {  	s16 =	rddreg [dreg:$0xb];
	[sflag:s28] =	ssyncadd.s32 $0xFFFFE000  }
0x4b8: {  	[spmem:s16] =	stream.linear.scatter [tilespmem:s29], [sflag:$0x4], $0x2000, $0x38;
	[tilespmem:$0x14180] =	vst v63  }
0x4b9: {  	_ =	swait.ge [sflag:s28], $0x2000  }
0x4ba: {  	[sflag:s28] =	ssyncset.done $0x0  }
0x4bb: {  	s17 =	rddreg [dreg:$0xc];
	[sflag:s28] =	ssyncadd.s32 $0xFFFFE000  }
0x4bc: {  	[spmem:s17] =	stream.linear.scatter [tilespmem:s26], [sflag:$0x4], $0x2000, $0x38;
	[tilespmem:$0x14180] =	vst v63  }
0x4bd: {  	_ =	swait.ge [sflag:s28], $0x2000  }
0x4be: {  	[sflag:s28] =	ssyncset.done $0x0  }
0x4bf: {  	s23 =	rddreg [dreg:$0xd];
	[sflag:s28] =	ssyncadd.s32 $0xFFFFE000  }
0x4c0: {  	[spmem:s23] =	stream.linear.scatter [tilespmem:s29], [sflag:$0x4], $0x2000, $0x38;
	[tilespmem:$0x14180] =	vst v63  }
0x4c1: {  	_ =	swait.ge [sflag:s28], $0x2000  }
0x4c2: {  	[sflag:s28] =	ssyncset.done $0x0  }
0x4c3: {  	s24 =	rddreg [dreg:$0xe];
	[sflag:s28] =	ssyncadd.s32 $0xFFFFE000  }
0x4c4: {  	[spmem:s24] =	stream.linear.scatter [tilespmem:s26], [sflag:$0x4], $0x2000, $0x38;
	[tilespmem:$0x14180] =	vst v63  }
0x4c5: {  	_ =	swait.ge [sflag:s28], $0x2000  }
0x4c6: {  	[sflag:s28] =	ssyncset.done $0x0  }
0x4c7: {  	s25 =	rddreg [dreg:$0xf];
	[sflag:s28] =	ssyncadd.s32 $0xFFFFE000  }
0x4c8: {  	[spmem:s25] =	stream.linear.scatter [tilespmem:s29], [sflag:$0x4], $0x2000, $0x38;
	[tilespmem:$0x14180] =	vst v63  }
0x4c9: {  	_ =	swait.ge [sflag:s28], $0x2000  }
0x4ca: {  	[sflag:s28] =	ssyncset.done $0x0  }
0x4cb: {  	[sflag:s28] =	ssyncadd.s32 $0xFFFFE000  }
0x4cc: {  	s24 =	simm.s32 $0x0;
	s25 =	simm.s32 $0x0;
	[bflag:$0x0] =	sbarrier.arrive $0xFFFF  }
.LBB2_34:
0x4cd: {  	s1 =	sshll.u32 s25, $0x6  }
0x4ce: {  	s1 =	sadd.s32 s8, s1  }
0x4cf: {  	s13 =	sshrl.u32 s1, $0x3  }
0x4d0: {  	s1 =	sadd.s32 s15, s1;
	s13 =	sadd.s32 s9, s13  }
0x4d1: {  	s1 =	sshrl.u32 s1, $0x3;
	s13 =	sadd.s32 $0xF000, s13  }
0x4d2: {  	[tilespmem:s24], [sflag:$0x1] =	stream.linear.gather [hbm4b:s13+s24], $0x40, $0x38;
	[tilespmem:$0x14180] =	vst v63  }
0x4d3: {  	s23 =	sadd.s32 s11, s1  }
0x4d4: {  	[tilespmem:s30], [sflag:$0x2] =	stream.linear.gather [hbm4b:s23+s24], $0x40, $0x38;
	[tilespmem:$0x14180] =	vst v63  }
0x4d5: {  	s1 =	sadd.s32 s12, s1  }
0x4d6: {  	[tilespmem:s31], [sflag:$0x3] =	stream.linear.gather [hbm4b:s1+s24], $0x40, $0x38;
	[tilespmem:$0x14180] =	vst v63  }
0x4d7: {  	_ =	swait.ge [sflag:s0], $0x40  }
0x4d8: {  	[sflag:s0] =	ssyncset.done $0x0  }
0x4d9: {  	[sflag:s0] =	ssyncadd.s32 $0xFFFFFFC0  }
0x4da: {  	_ =	swait.ge [sflag:s5], $0x40  }
0x4db: {  	[sflag:s5] =	ssyncset.done $0x0  }
0x4dc: {  	[sflag:s5] =	ssyncadd.s32 $0xFFFFFFC0  }
0x4dd: {  	_ =	swait.ge [sflag:s19], $0x40  }
0x4de: {  	[sflag:s19] =	ssyncset.done $0x0  }
0x4df: {  	[sflag:s19] =	ssyncadd.s32 $0xFFFFFFC0  }
0x4e0: {  	[tilespmem:s21], [sflag:$0x1] =	stream.indirect.gather [hbm4b:s18+s20], $0x80, s30, s20, $0xb8;
	[tilespmem:$0x14180] =	vst v63  }
0x4e1: {  	_ = 	snop  }
0x4e2: {  	[tilespmem:s22], [sflag:$0x2] =	stream.indirect.gather [hbm4b:s6+s20], $0x80, s31, s20, $0xb8;
	[tilespmem:$0x14180] =	vst v63  }
0x4e3: {  	_ = 	snop  }
0x4e4: {  	[tilespmem:s26], [sflag:$0x3] =	stream.indirect.gather [hbm4b:s7+s20], $0x80, s31, s20, $0xb8;
	[tilespmem:$0x14180] =	vst v63  }
0x4e5: {  	_ =	swait.ge [sflag:s0], $0x2000  }
0x4e6: {  	[sflag:s0] =	ssyncset.done $0x0  }
0x4e7: {  	[sflag:s0] =	ssyncadd.s32 $0xFFFFE000  }
0x4e8: {  	_ =	swait.ge [sflag:s5], $0x2000  }
0x4e9: {  	[sflag:s5] =	ssyncset.done $0x0  }
0x4ea: {  	[sflag:s5] =	ssyncadd.s32 $0xFFFFE000  }
0x4eb: {  	_ =	swait.ge [sflag:s19], $0x2000  }
0x4ec: {  	[sflag:s19] =	ssyncset.done $0x0  }
0x4ed: {  	s16 =	simm.s32 $0x0;
	[sflag:s19] =	ssyncadd.s32 $0xFFFFE000  }
0x4ee: {  	v1 =	vld [tilespmem:s16+$0x180]  }
0x4ef: {  	v2 =	vld [tilespmem:s16+$0x190]  }
0x4f0: {  	v3 =	vld [tilespmem:s16+$0x2180]  }
0x4f1: {  	v4 =	vld [tilespmem:s16+$0x2190]  }
0x4f2: {  	v5 =	vld [tilespmem:s16+$0x1A0]  }
0x4f3: {  	v6 =	vld [tilespmem:s16+$0x1B0]  }
0x4f4: {  	v7 =	vld [tilespmem:s16+$0x21A0]  }
0x4f5: {  	v8 =	vld [tilespmem:s16+$0x21B0]  }
0x4f6: {  	v9 =	vld [tilespmem:s16+$0x200]  }
0x4f7: {  	v10 =	vld [tilespmem:s16+$0x210]  }
0x4f8: {  	v11 =	vld [tilespmem:s16+$0x2200]  }
0x4f9: {  	v12 =	vld [tilespmem:s16+$0x2210]  }
0x4fa: {  	v13 =	vld [tilespmem:s16+$0x220]  }
0x4fb: {  	v14 =	vld [tilespmem:s16+$0x230]  }
0x4fc: {  	v15 =	vld [tilespmem:s16+$0x2220]  }
0x4fd: {  	v16 =	vld [tilespmem:s16+$0x2230]  }
0x4fe: {  	v17 =	vld [tilespmem:s16+$0x1C0];
	v1 =	vmul.f32 v3, v1;
	v2 =	vmul.f32 v4, v2  }
0x4ff: {  	v18 =	vld [tilespmem:s16+$0x1D0]  }
0x500: {  	v19 =	vld [tilespmem:s16+$0x21C0];
	v1 =	vadd.f32 v2, v1  }
0x501: {  	v20 =	vld [tilespmem:s16+$0x21D0]  }
0x502: {  	v21 =	vld [tilespmem:s16+$0x1E0];
	v3 =	vmul.f32 v8, v6;
	v2 =	vmul.f32 v7, v5;
	(xrf2) =	vadd.scan.msk.f32 $0xffff, v1  }
0x503: {  	v22 =	vld [tilespmem:s16+$0x1F0]  }
0x504: {  	v23 =	vld [tilespmem:s16+$0x21F0];
	v1 =	vadd.f32 v3, v2;
	v2 =	vmul.f32 v11, v9;
	v3 =	vmul.f32 v12, v10  }
0x505: {  	v4 =	vld [tilespmem:s16+$0x21E0];
	v8 =	vmul.f32 v15, v13;
	v9 =	vmul.f32 v16, v14  }
0x506: {  	(xrf2) =	vadd.scan.msk.f32 $0xffff, v1;
	v1 =	vadd.f32 v3, v2;
	v2 =	vmul.f32 v19, v17;
	v3 =	vmul.f32 v20, v18  }
0x507: {  	v24 =	vld [tilespmem:s16+$0x240];
	v8 =	vadd.f32 v9, v8  }
0x508: {  	s23 =	simm.s32 $0x100;
	v25 =	vld [tilespmem:s16+$0x250];
	(xrf2) =	vadd.scan.msk.f32 $0xffff, v1;
	v2 =	vadd.f32 v3, v2  }
0x509: {  	v37 =	vld [tilespmem:s23+$0x2210];
	(xrf2) =	vadd.scan.msk.f32 $0xffff, v8  }
0x50a: {  	v39 =	vld [tilespmem:s23+$0x220];
	v4 =	vmul.f32 v4, v21;
	v8 =	vmul.f32 v23, v22;
	(xrf2) =	vadd.scan.msk.f32 $0xffff, v2  }
0x50b: {  	v40 =	vld [tilespmem:s23+$0x230]  }
0x50c: {  	v41 =	vld [tilespmem:s16+$0x4180];
	v4 =	vadd.f32 v8, v4;
	v2, _, _ =	vpop (xrf2)  }
0x50d: {  	v6 =	vld [tilespmem:s16+$0x2250];
	v2 =	vmul.f32 $1.442695020e+00, v2  }
0x50e: {  	v5 =	vld [tilespmem:s16+$0x2240];
	(xrf2) =	vadd.scan.msk.f32 $0xffff, v4  }
0x50f: {  	v7 =	vld [tilespmem:s16+$0x260];
	v33 =	vbroadcast v2, $0xF  }
0x510: {  	v10 =	vld [tilespmem:s16+$0x270]  }
0x511: {  	v11 =	vld [tilespmem:s16+$0x2260];
	v4, _, _ =	vpop (xrf2);
	(erf) = vpow2.f32 v33  }
0x512: {  	v9 =	vld [tilespmem:s16+$0x2270];
	v34 =	vmul.f32 $1.442695020e+00, v4;
	v35, _, _ =	vpop (xrf2)  }
0x513: {  	v43 =	vld [tilespmem:s16+$0x41B0];
	v36, _, _ =	vpop (xrf2)  }
0x514: {  	v13 =	vld [tilespmem:s23+$0x2190];
	v6 =	vmul.f32 v6, v25;
	v18 =	vbroadcast v34, $0xF;
	v38, _, _ =	vpop (xrf2)  }
0x515: {  	v15 =	vld [tilespmem:s23+$0x21A0];
	v5 =	vmul.f32 v5, v24;
	v22 =	vmul.f32 $1.442695020e+00, v38  }
0x516: {  	v12 =	vld [tilespmem:s23+$0x2180];
	v7 =	vmul.f32 v11, v7;
	(erf) = vpow2.f32 v18  }
0x517: {  	v14 =	vld [tilespmem:s23+$0x1B0];
	v9 =	vmul.f32 v9, v10;
	v22 =	vbroadcast v22, $0xF  }
0x518: {  	v16 =	vld [tilespmem:s23+$0x21B0];
	v5 =	vadd.f32 v6, v5;
	v26, _, _ =	vpop (xrf2)  }
0x519: {  	v19 =	vld [tilespmem:s23+$0x2200];
	v7 =	vadd.f32 v9, v7;
	v6 =	vmul.f32 $1.442695020e+00, v26;
	(erf) = vpow2.f32 v22  }
0x51a: {  	v1 =	vld [tilespmem:s23+$0x180];
	(xrf2) =	vadd.scan.msk.f32 $0xffff, v5;
	v11 =	vpop (erf)  }
0x51b: {  	v3 =	vld [tilespmem:s23+$0x190];
	(xrf2) =	vadd.scan.msk.f32 $0xffff, v7;
	v5 =	vbroadcast v6, $0xF;
	v6 =	vmul.f32 v11, v41  }
0x51c: {  	v8 =	vld [tilespmem:s23+$0x1A0];
	v17 =	vmul.f32 $1.442695020e+00, v35  }
0x51d: {  	v10 =	vld [tilespmem:s16+$0x41C0];
	(erf) = vpow2.f32 v5  }
0x51e: {  	v2 =	vld [tilespmem:s23+$0x200];
	v7 =	vbroadcast v17, $0xF  }
0x51f: {  	v4 =	vld [tilespmem:s23+$0x210];
	v47 =	vmul.f32 $1.442695020e+00, v36;
	[tilespmem:s16+$0x4180] =	vst v6;
	v6 =	vpop (erf)  }
0x520: {  	v42 =	vld [tilespmem:s16+$0x4190];
	(erf) = vpow2.f32 v7;
	v7 =	vmul.f32 v6, v43;
	_ =	sdelay $0x1  }
0x521: {  	v9 =	vld [tilespmem:s16+$0x41F0];
	v48 =	vpop (erf);
	[tilespmem:s16+$0x41B0] =	vst v7;
	v7 =	vbroadcast v47, $0xF  }
0x522: {  	v10 =	vmul.f32 v48, v10  }
0x523: {  	v51, _, _ =	vpop (xrf2)  }
0x524: {  	v5 =	vmul.f32 v11, v42;
	v54, _, _ =	vpop (xrf2);
	[tilespmem:s16+$0x41C0] =	vst v10;
	v10 =	vmul.f32 $1.442695020e+00, v51  }
0x525: {  	v55 =	vmul.f32 $1.442695020e+00, v54;
	(erf) = vpow2.f32 v7;
	v7 =	vpop (erf)  }
0x526: {  	v27 =	vld [tilespmem:s16+$0x41A0];
	v10 =	vbroadcast v10, $0xF;
	v9 =	vmul.f32 v7, v9  }
0x527: {  	v44 =	vld [tilespmem:s16+$0x41D0];
	[tilespmem:s16+$0x4190] =	vst v5  }
0x528: {  	v5 =	vld [tilespmem:s16+$0x4200];
	(erf) = vpow2.f32 v10;
	[tilespmem:s16+$0x41F0] =	vst v9;
	v9 =	vbroadcast v55, $0xF  }
0x529: {  	v45 =	vld [tilespmem:s16+$0x41E0]  }
0x52a: {  	v49 =	vld [tilespmem:s16+$0x4210];
	v10 =	vpop (erf);
	(erf) = vpow2.f32 v9  }
0x52b: {  	v50 =	vld [tilespmem:s16+$0x4220];
	v46 =	vmul.f32 v6, v27  }
0x52c: {  	v52 =	vld [tilespmem:s16+$0x4230];
	v24 =	vmul.f32 v48, v44  }
0x52d: {  	v53 =	vld [tilespmem:s16+$0x4240];
	[tilespmem:s16+$0x41A0] =	vst v46;
	v5 =	vmul.f32 v10, v5  }
0x52e: {  	v56 =	vld [tilespmem:s16+$0x4250];
	[tilespmem:s16+$0x41D0] =	vst v24;
	v26 =	vmul.f32 v7, v45  }
0x52f: {  	v57 =	vld [tilespmem:s16+$0x4260];
	[tilespmem:s16+$0x4200] =	vst v5;
	v5 =	vmul.f32 v10, v49;
	v58 =	vpop (erf)  }
0x530: {  	[tilespmem:s16+$0x41E0] =	vst v26;
	v9 =	vld [tilespmem:s16+$0x4270];
	v17 =	vmul.f32 v58, v50  }
0x531: {  	v28 =	vld [tilespmem:s23+$0x2220];
	[tilespmem:s16+$0x4210] =	vst v5;
	v5 =	vmul.f32 v58, v52;
	v59 =	vpop (erf)  }
0x532: {  	v29 =	vld [tilespmem:s23+$0x2230];
	[tilespmem:s16+$0x4220] =	vst v17;
	v24 =	vmul.f32 v59, v53  }
0x533: {  	v60 =	vld [tilespmem:s23+$0x1C0];
	[tilespmem:s16+$0x4230] =	vst v5;
	v5 =	vmul.f32 v59, v56;
	v61 =	vpop (erf)  }
0x534: {  	v30 =	vld [tilespmem:s23+$0x1D0];
	[tilespmem:s16+$0x4240] =	vst v24;
	v26 =	vmul.f32 v61, v57  }
0x535: {  	v7 =	vsel vm0, v7, v48;
	v62 =	vld [tilespmem:s23+$0x21C0];
	[tilespmem:s16+$0x4250] =	vst v5;
	v5 =	vmul.f32 v61, v9  }
0x536: {  	v6 =	vsel vm1, v7, v6;
	v31 =	vld [tilespmem:s23+$0x21D0];
	[tilespmem:s16+$0x4260] =	vst v26  }
0x537: {  	v9 =	vsel vm2, v11, v6;
	v63 =	vld [tilespmem:s23+$0x1E0];
	[tilespmem:s16+$0x4270] =	vst v5  }
0x538: {  	v1 =	vmul.f32 v12, v1;
	v5 =	vmul.f32 v13, v3;
	v11 =	vld [tilespmem:s23+$0x1F0];
	[tilespmem:s16+$0x6180] =	vst v9  }
0x539: {  	v26 =	vld [tilespmem:s23+$0x21E0];
	[tilespmem:s16+$0x6190] =	vst v9  }
0x53a: {  	v7 =	vmul.f32 v16, v14;
	v6 =	vmul.f32 v15, v8;
	v1 =	vadd.f32 v5, v1;
	v32 =	vld [tilespmem:s23+$0x21F0];
	[tilespmem:s16+$0x61A0] =	vst v9  }
0x53b: {  	v4 =	vmul.f32 v37, v4;
	v3 =	vld [tilespmem:s23+$0x240];
	[tilespmem:s16+$0x61B0] =	vst v9  }
0x53c: {  	v8 =	vmul.f32 v19, v2;
	v7 =	vadd.f32 v7, v6;
	(xrf2) =	vadd.scan.msk.f32 $0xffff, v1;
	v5 =	vld [tilespmem:s23+$0x250];
	[tilespmem:s16+$0x61C0] =	vst v9  }
0x53d: {  	v1 =	vsel vm0, v61, v59;
	v6 =	vld [tilespmem:s23+$0x2240];
	[tilespmem:s16+$0x61D0] =	vst v9  }
0x53e: {  	v8 =	vadd.f32 v4, v8;
	(xrf2) =	vadd.scan.msk.f32 $0xffff, v7;
	v1 =	vsel vm1, v1, v58;
	v7 =	vld [tilespmem:s23+$0x2250];
	[tilespmem:s16+$0x61E0] =	vst v9  }
0x53f: {  	v1 =	vsel vm2, v10, v1;
	v10 =	vmul.f32 v29, v40;
	v2 =	vld [tilespmem:s23+$0x260];
	[tilespmem:s16+$0x61F0] =	vst v9;
	v9 =	vmul.f32 v28, v39  }
0x540: {  	(xrf2) =	vadd.scan.msk.f32 $0xffff, v8  }
0x541: {  	v8 =	vadd.f32 v10, v9  }
0x542: {  	v12 =	vmul.f32 v62, v60;
	v13 =	vmul.f32 v31, v30  }
0x543: {  	(xrf2) =	vadd.scan.msk.f32 $0xffff, v8  }
0x544: {  	v10 =	vadd.f32 v13, v12  }
0x545: {  	v12 =	vmul.f32 v26, v63;
	v13 =	vmul.f32 v32, v11  }
0x546: {  	v4 =	vld [tilespmem:s23+$0x270];
	[tilespmem:s16+$0x6200] =	vst v1;
	v8, _, _ =	vpop (xrf2);
	(xrf2) =	vadd.scan.msk.f32 $0xffff, v10  }
0x547: {  	v9 =	vld [tilespmem:s23+$0x2260];
	[tilespmem:s16+$0x6210] =	vst v1;
	v12 =	vadd.f32 v13, v12  }
0x548: {  	s17 =	simm.s32 $0x800;
	v11 =	vld [tilespmem:s23+$0x2270];
	[tilespmem:s16+$0x6220] =	vst v1;
	v10, _, _ =	vpop (xrf2)  }
.LBB2_35:
0x549: {  	s1 =	sshra.s32 s17, $0x2;
	p0 =	sne.s32 s17, $0x7C00;
	(xrf2) =	vadd.scan.msk.f32 $0xffff, v12;
	[tilespmem:s16+$0x6230] =	vst v1  }
0x54a: {  	v3 =	vmul.f32 v6, v3;
	v5 =	vmul.f32 v7, v5;
	v12 =	vld [tilespmem:s1+$0x180];
	v6, _, _ =	vpop (xrf2);
	[tilespmem:s16+$0x6240] =	vst v1  }
0x54b: {  	v7 =	vld [tilespmem:s1+$0x190];
	[tilespmem:s16+$0x6250] =	vst v1  }
0x54c: {  	v3 =	vadd.f32 v5, v3;
	v13 =	vld [tilespmem:s1+$0x2180];
	[tilespmem:s16+$0x6260] =	vst v1  }
0x54d: {  	v2 =	vmul.f32 v9, v2;
	v5 =	vld [tilespmem:s1+$0x2190];
	v4 =	vmul.f32 v11, v4;
	v9, _, _ =	vpop (xrf2);
	[tilespmem:s16+$0x6270] =	vst v1;
	s16 =	smov.u32 s23;
	s23 =	smov.u32 s1  }
0x54e: {  	v11 =	vld [tilespmem:s23+$0x1A0];
	(xrf2) =	vadd.scan.msk.f32 $0xffff, v3  }
0x54f: {  	v1 =	vmul.f32 $1.442695020e+00, v8;
	v3 =	vld [tilespmem:s23+$0x1B0];
	v2 =	vadd.f32 v4, v2  }
0x550: {  	v4 =	vld [tilespmem:s23+$0x21A0];
	v8, _, _ =	vpop (xrf2)  }
0x551: {  	v10 =	vmul.f32 $1.442695020e+00, v10;
	v16 =	vbroadcast v1, $0xF;
	v14 =	vld [tilespmem:s23+$0x21B0];
	(xrf2) =	vadd.scan.msk.f32 $0xffff, v2  }
0x552: {  	v2 =	vmul.f32 $1.442695020e+00, v8;
	v1 =	vld [tilespmem:s23+$0x200]  }
0x553: {  	v10 =	vbroadcast v10, $0xF;
	v8 =	vld [tilespmem:s23+$0x210];
	(erf) = vpow2.f32 v16;
	v15, _, _ =	vpop (xrf2)  }
0x554: {  	v16 =	vld [tilespmem:s23+$0x2200];
	v15 =	vmul.f32 $1.442695020e+00, v15  }
0x555: {  	v2 =	vbroadcast v2, $0xF;
	v17 =	vld [tilespmem:s23+$0x2210];
	(erf) = vpow2.f32 v10  }
0x556: {  	v6 =	vmul.f32 $1.442695020e+00, v6;
	v10 =	vld [tilespmem:s23+$0x220]  }
0x557: {  	v15 =	vbroadcast v15, $0xF;
	v18 =	vld [tilespmem:s23+$0x230];
	(erf) = vpow2.f32 v2  }
0x558: {  	v9 =	vmul.f32 $1.442695020e+00, v9;
	v2 =	vld [tilespmem:s16+$0x4180];
	v19, _, _ =	vpop (xrf2)  }
0x559: {  	v22 =	vbroadcast v6, $0xF;
	v20 =	vld [tilespmem:s16+$0x4190];
	(erf) = vpow2.f32 v15  }
0x55a: {  	v19 =	vmul.f32 $1.442695020e+00, v19;
	v15 =	vld [tilespmem:s16+$0x41A0]  }
0x55b: {  	v9 =	vbroadcast v9, $0xF;
	v21 =	vld [tilespmem:s16+$0x41B0];
	(erf) = vpow2.f32 v22;
	v6, _, _ =	vpop (xrf2)  }
0x55c: {  	v19 =	vbroadcast v19, $0xF;
	v22 =	vld [tilespmem:s16+$0x41C0];
	v6 =	vmul.f32 $1.442695020e+00, v6;
	v23 =	vpop (erf)  }
0x55d: {  	v2 =	vmul.f32 v23, v2;
	v24 =	vld [tilespmem:s16+$0x41D0];
	(erf) = vpow2.f32 v9  }
0x55e: {  	v9 =	vmul.f32 v23, v20;
	v20 =	vld [tilespmem:s16+$0x41E0];
	v6 =	vbroadcast v6, $0xF;
	v25 =	vpop (erf)  }
0x55f: {  	[tilespmem:s16+$0x4180] =	vst v2;
	v2 =	vmul.f32 v25, v15;
	v15 =	vld [tilespmem:s16+$0x41F0];
	(erf) = vpow2.f32 v19  }
0x560: {  	[tilespmem:s16+$0x4190] =	vst v9;
	v9 =	vmul.f32 v25, v21;
	v19 =	vld [tilespmem:s16+$0x4200];
	v21 =	vpop (erf)  }
0x561: {  	[tilespmem:s16+$0x41A0] =	vst v2;
	v2 =	vmul.f32 v21, v22;
	v22 =	vld [tilespmem:s16+$0x4210];
	(erf) = vpow2.f32 v6  }
0x562: {  	[tilespmem:s16+$0x41B0] =	vst v9;
	v6 =	vmul.f32 v21, v24;
	v9 =	vld [tilespmem:s16+$0x4220];
	v24 =	vpop (erf)  }
0x563: {  	[tilespmem:s16+$0x41C0] =	vst v2;
	v2 =	vmul.f32 v24, v20;
	v20 =	vsel vm0, v24, v21;
	v21 =	vld [tilespmem:s16+$0x4230]  }
0x564: {  	[tilespmem:s16+$0x41D0] =	vst v6;
	v6 =	vmul.f32 v24, v15;
	v15 =	vsel vm1, v20, v25;
	v20 =	vld [tilespmem:s16+$0x4240];
	v24 =	vpop (erf)  }
0x565: {  	[tilespmem:s16+$0x41E0] =	vst v2;
	v15 =	vsel vm2, v23, v15;
	v2 =	vmul.f32 v24, v19;
	v19 =	vld [tilespmem:s16+$0x4250]  }
0x566: {  	v12 =	vmul.f32 v13, v12;
	[tilespmem:s16+$0x41F0] =	vst v6;
	v6 =	vmul.f32 v24, v22;
	v13 =	vld [tilespmem:s16+$0x4260];
	v22 =	vpop (erf)  }
0x567: {  	v5 =	vmul.f32 v5, v7;
	[tilespmem:s16+$0x4200] =	vst v2;
	v2 =	vmul.f32 v22, v9;
	v7 =	vld [tilespmem:s16+$0x4270]  }
0x568: {  	v9 =	vld [tilespmem:s23+$0x2220];
	[tilespmem:s16+$0x4210] =	vst v6;
	v6 =	vmul.f32 v22, v21;
	v21 =	vpop (erf)  }
0x569: {  	v5 =	vadd.f32 v5, v12;
	v4 =	vmul.f32 v4, v11;
	v11 =	vld [tilespmem:s23+$0x2230];
	[tilespmem:s16+$0x4220] =	vst v2;
	v2 =	vmul.f32 v21, v20  }
0x56a: {  	v3 =	vmul.f32 v14, v3;
	v12 =	vld [tilespmem:s23+$0x1C0];
	[tilespmem:s16+$0x4230] =	vst v6;
	v6 =	vmul.f32 v21, v19;
	v14 =	vpop (erf)  }
0x56b: {  	v19 =	vld [tilespmem:s23+$0x1D0];
	(xrf2) =	vadd.scan.msk.f32 $0xffff, v5;
	[tilespmem:s16+$0x4240] =	vst v2;
	v2 =	vmul.f32 v14, v13;
	v5 =	vsel vm0, v14, v21  }
0x56c: {  	v3 =	vadd.f32 v3, v4;
	v4 =	vld [tilespmem:s23+$0x21C0];
	[tilespmem:s16+$0x4250] =	vst v6;
	v6 =	vmul.f32 v14, v7;
	v5 =	vsel vm1, v5, v22  }
0x56d: {  	v8 =	vmul.f32 v17, v8;
	v13 =	vmul.f32 v16, v1;
	v7 =	vld [tilespmem:s23+$0x21D0];
	[tilespmem:s16+$0x4260] =	vst v2;
	v1 =	vsel vm2, v24, v5  }
0x56e: {  	v2 =	vld [tilespmem:s23+$0x1E0];
	(xrf2) =	vadd.scan.msk.f32 $0xffff, v3;
	[tilespmem:s16+$0x4270] =	vst v6  }
0x56f: {  	v3 =	vadd.f32 v8, v13;
	v14 =	vld [tilespmem:s23+$0x1F0];
	[tilespmem:s16+$0x6180] =	vst v15  }
0x570: {  	v5 =	vmul.f32 v9, v10;
	v6 =	vmul.f32 v11, v18;
	v13 =	vld [tilespmem:s23+$0x21E0];
	[tilespmem:s16+$0x6190] =	vst v15  }
0x571: {  	v9 =	vld [tilespmem:s23+$0x21F0];
	(xrf2) =	vadd.scan.msk.f32 $0xffff, v3;
	[tilespmem:s16+$0x61A0] =	vst v15  }
0x572: {  	v11 =	vadd.f32 v6, v5;
	v3 =	vld [tilespmem:s23+$0x240];
	[tilespmem:s16+$0x61B0] =	vst v15  }
0x573: {  	v4 =	vmul.f32 v4, v12;
	v7 =	vmul.f32 v7, v19;
	v5 =	vld [tilespmem:s23+$0x250];
	[tilespmem:s16+$0x61C0] =	vst v15  }
0x574: {  	v6 =	vld [tilespmem:s23+$0x2240];
	(xrf2) =	vadd.scan.msk.f32 $0xffff, v11;
	[tilespmem:s16+$0x61D0] =	vst v15  }
.Ltmp16:
0x575: {  	v16 =	vadd.f32 v7, v4;
	v7 =	vld [tilespmem:s23+$0x2250];
	v8, _, _ =	vpop (xrf2);
	[tilespmem:s16+$0x61E0] =	vst v15;
	(pc) =	sbr.rel @p0 .LBB2_35-.Ltmp16, $4  }
0x576: {  	v11 =	vmul.f32 v13, v2;
	v9 =	vmul.f32 v9, v14;
	v2 =	vld [tilespmem:s23+$0x260];
	[tilespmem:s16+$0x61F0] =	vst v15  }
0x577: {  	v4 =	vld [tilespmem:s23+$0x270];
	(xrf2) =	vadd.scan.msk.f32 $0xffff, v16;
	[tilespmem:s16+$0x6200] =	vst v1  }
0x578: {  	v12 =	vadd.f32 v9, v11;
	v9 =	vld [tilespmem:s23+$0x2260];
	v10, _, _ =	vpop (xrf2);
	[tilespmem:s16+$0x6210] =	vst v1  }
0x579: {  	s17 =	sadd.s32 $0x400, s17;
	v11 =	vld [tilespmem:s23+$0x2270];
	[tilespmem:s16+$0x6220] =	vst v1  }
0x57a: {  	v8 =	vmul.f32 $1.442695020e+00, v8;
	(xrf2) =	vadd.scan.msk.f32 $0xffff, v12;
	_ =	sdelay $0x1  }
0x57b: {  	v8 =	vbroadcast v8, $0xF  }
0x57c: {  	v3 =	vmul.f32 v6, v3;
	v5 =	vmul.f32 v7, v5  }
0x57d: {  	[tilespmem:s16+$0x6230] =	vst v1;
	(erf) = vpow2.f32 v8  }
0x57e: {  	v37 =	vmul.f32 $1.442695020e+00, v10;
	[tilespmem:s16+$0x6240] =	vst v1;
	v38, _, _ =	vpop (xrf2);
	v3 =	vadd.f32 v5, v3  }
0x57f: {  	[tilespmem:s16+$0x6250] =	vst v1;
	v2 =	vmul.f32 v9, v2;
	v39, _, _ =	vpop (xrf2);
	v4 =	vmul.f32 v11, v4  }
0x580: {  	[tilespmem:s16+$0x6260] =	vst v1;
	v6 =	vbroadcast v37, $0xF;
	(xrf2) =	vadd.scan.msk.f32 $0xffff, v3;
	v40, _, _ =	vpop (xrf2)  }
0x581: {  	[tilespmem:s16+$0x6270] =	vst v1;
	v2 =	vadd.f32 v4, v2;
	v1 =	vmul.f32 $1.442695020e+00, v40  }
0x582: {  	v3 =	vld [tilespmem:s23+$0x4180];
	(erf) = vpow2.f32 v6  }
0x583: {  	v41 =	vld [tilespmem:s23+$0x4190];
	(xrf2) =	vadd.scan.msk.f32 $0xffff, v2;
	v1 =	vbroadcast v1, $0xF;
	v42, _, _ =	vpop (xrf2)  }
0x584: {  	v2 =	vmul.f32 $1.442695020e+00, v42  }
0x585: {  	(erf) = vpow2.f32 v1  }
0x586: {  	v45 =	vpop (erf);
	v2 =	vbroadcast v2, $0xF  }
0x587: {  	v7 =	vmul.f32 $1.442695020e+00, v38;
	v1 =	vld [tilespmem:s23+$0x41B0];
	v3 =	vmul.f32 v45, v3  }
0x588: {  	(erf) = vpow2.f32 v2;
	v2 =	vmul.f32 v45, v41  }
0x589: {  	v7 =	vbroadcast v7, $0xF  }
0x58a: {  	v49, _, _ =	vpop (xrf2);
	[tilespmem:s23+$0x4190] =	vst v2;
	v2 =	vmul.f32 $1.442695020e+00, v39  }
0x58b: {  	v50 =	vmul.f32 $1.442695020e+00, v49;
	[tilespmem:s23+$0x4180] =	vst v3;
	v3 =	vpop (erf);
	(erf) = vpow2.f32 v7  }
0x58c: {  	v43 =	vld [tilespmem:s23+$0x41A0];
	v1 =	vmul.f32 v3, v1;
	v2 =	vbroadcast v2, $0xF  }
0x58d: {  	v44 =	vld [tilespmem:s23+$0x41C0];
	v5 =	vbroadcast v50, $0xF;
	v13, _, _ =	vpop (xrf2)  }
0x58e: {  	v46 =	vld [tilespmem:s23+$0x41D0];
	v52 =	vpop (erf);
	[tilespmem:s23+$0x41B0] =	vst v1;
	v1 =	vmul.f32 $1.442695020e+00, v13;
	(erf) = vpow2.f32 v2  }
0x58f: {  	v47 =	vld [tilespmem:s23+$0x41E0]  }
0x590: {  	v48 =	vld [tilespmem:s23+$0x41F0];
	(erf) = vpow2.f32 v5;
	v1 =	vbroadcast v1, $0xF  }
0x591: {  	v51 =	vld [tilespmem:s23+$0x4200];
	v8 =	vmul.f32 v3, v43  }
0x592: {  	v53 =	vld [tilespmem:s23+$0x4210];
	v6 =	vmul.f32 v52, v44;
	v54 =	vpop (erf);
	(erf) = vpow2.f32 v1  }
0x593: {  	[tilespmem:s23+$0x41A0] =	vst v8;
	v2 =	vld [tilespmem:s23+$0x4220];
	v10 =	vmul.f32 v52, v46  }
0x594: {  	v55 =	vld [tilespmem:s23+$0x4230];
	[tilespmem:s23+$0x41C0] =	vst v6;
	v11 =	vmul.f32 v54, v47  }
0x595: {  	[tilespmem:s23+$0x41D0] =	vst v10;
	v1 =	vld [tilespmem:s23+$0x4240];
	v4 =	vmul.f32 v54, v48;
	v56 =	vpop (erf)  }
0x596: {  	v57 =	vld [tilespmem:s23+$0x4250];
	[tilespmem:s23+$0x41E0] =	vst v11;
	v12 =	vmul.f32 v56, v51  }
0x597: {  	v58 =	vld [tilespmem:s23+$0x4260];
	[tilespmem:s23+$0x41F0] =	vst v4;
	v8 =	vmul.f32 v56, v53;
	v59 =	vpop (erf)  }
0x598: {  	v60 =	vld [tilespmem:s23+$0x4270];
	[tilespmem:s23+$0x4200] =	vst v12;
	v2 =	vmul.f32 v59, v2  }
0x599: {  	[tilespmem:s23+$0x4210] =	vst v8;
	v6 =	vmul.f32 v59, v55;
	v61 =	vpop (erf)  }
0x59a: {  	v1 =	vmul.f32 v61, v1;
	[tilespmem:s23+$0x4220] =	vst v2  }
0x59b: {  	[tilespmem:s23+$0x4230] =	vst v6;
	v2 =	vmul.f32 v61, v57;
	v62 =	vpop (erf)  }
0x59c: {  	[tilespmem:s23+$0x4240] =	vst v1;
	v1 =	vmul.f32 v62, v58  }
0x59d: {  	v63 =	vsel vm0, v54, v52;
	[tilespmem:s23+$0x4250] =	vst v2;
	v2 =	vmul.f32 v62, v60  }
0x59e: {  	v3 =	vsel vm1, v63, v3;
	[tilespmem:s23+$0x4260] =	vst v1  }
0x59f: {  	v1 =	vsel vm2, v45, v3;
	[tilespmem:s23+$0x4270] =	vst v2  }
0x5a0: {  	[tilespmem:s23+$0x6180] =	vst v1  }
0x5a1: {  	[tilespmem:s23+$0x6190] =	vst v1  }
0x5a2: {  	[tilespmem:s23+$0x61A0] =	vst v1  }
0x5a3: {  	[tilespmem:s23+$0x61B0] =	vst v1  }
0x5a4: {  	[tilespmem:s23+$0x61C0] =	vst v1  }
0x5a5: {  	v2 =	vsel vm0, v62, v61;
	[tilespmem:s23+$0x61D0] =	vst v1  }
0x5a6: {  	v2 =	vsel vm1, v2, v59;
	[tilespmem:s23+$0x61E0] =	vst v1  }
0x5a7: {  	[tilespmem:s23+$0x61F0] =	vst v1;
	v2 =	vsel vm2, v56, v2  }
0x5a8: {  	[tilespmem:s23+$0x6200] =	vst v2  }
0x5a9: {  	[tilespmem:s23+$0x6210] =	vst v2  }
0x5aa: {  	[tilespmem:s23+$0x6220] =	vst v2  }
0x5ab: {  	[tilespmem:s23+$0x6230] =	vst v2  }
0x5ac: {  	[tilespmem:s23+$0x6240] =	vst v2  }
0x5ad: {  	[tilespmem:s23+$0x6250] =	vst v2  }
0x5ae: {  	[tilespmem:s23+$0x6260] =	vst v2  }
0x5af: {  	[tilespmem:s23+$0x6270] =	vst v2  }
0x5b0: {  	[spmem:s2] =	stream.indirect.scatter.add.f32 [tilespmem:s26], [sflag:$0x1], $0x80, s4, s20, $0xb8;
	[tilespmem:$0x14180] =	vst v63  }
0x5b1: {  	s25 =	sadd.s32 $0x1, s25  }
0x5b2: {  	[spmem:s3] =	stream.indirect.scatter.add.f32 [tilespmem:s29], [sflag:$0x2], $0x80, s4, s20, $0xb8;
	[tilespmem:$0x14180] =	vst v63  }
0x5b3: {  	p0 =	sne.s32 s25, $0xA0;
	_ =	swait.ge [sflag:s0], $0x2000  }
.Ltmp17:
0x5b4: {  	[sflag:s0] =	ssyncset.done $0x0;
	(pc) =	sbr.rel @p0 .LBB2_34-.Ltmp17, $4  }
0x5b5: {  	[sflag:s0] =	ssyncadd.s32 $0xFFFFE000  }
0x5b6: {  	_ =	swait.ge [sflag:s5], $0x2000  }
0x5b7: {  	[sflag:s5] =	ssyncset.done $0x0  }
0x5b8: {  	[sflag:s5] =	ssyncadd.s32 $0xFFFFE000  }
0x5b9: {  	[bflag:$0x0] =	sbarrier.arrive $0xFFFF;
	s16 =	simm.s32 $0x0  }
.LBB2_38:
0x5ba: {  	s1 =	sshll.u32 s16, $0x6  }
0x5bb: {  	s23 =	sadd.s32 s10, s1  }
0x5bc: {  	s1 =	sshll.u32 s23, $0x7  }
0x5bd: {  	s13 =	sadd.s32 s1, s2  }
0x5be: {  	[tilespmem:s21], [sflag:$0x4] =	stream.linear.gather [spmem:s13], $0x2000, $0x38;
	[tilespmem:$0x14180] =	vst v63  }
0x5bf: {  	_ =	swait.ge [sflag:s28], $0x2000  }
0x5c0: {  	[sflag:s28] =	ssyncset.done $0x0  }
0x5c1: {  	s1 =	sadd.s32 s1, s3;
	[sflag:s28] =	ssyncadd.s32 $0xFFFFE000  }
0x5c2: {  	[tilespmem:s29], [sflag:$0x4] =	stream.linear.gather [spmem:s1], $0x2000, $0x38;
	[tilespmem:$0x14180] =	vst v63  }
0x5c3: {  	_ =	swait.ge [sflag:s28], $0x2000  }
0x5c4: {  	[sflag:s28] =	ssyncset.done $0x0  }
0x5c5: {  	s13 =	simm.s32 $0x0;
	[sflag:s28] =	ssyncadd.s32 $0xFFFFE000  }
0x5c6: {  	v1 =	vld [tilespmem:s13+$0x6180];
	_ =	sdelay $0x4  }
0x5c7: {  	vm6 =	veq.f32 v1, $0.0e+00  }
0x5c8: {  	s25 =	simm.s32 $0x80;
	v1 =	vsel vm6, $0x3F800000, v1  }
0x5c9: {  	(erf) = vrcp.f32 v1;
	v1 =	vld [tilespmem:s25+$0x6180];
	_ =	sdelay $0x4  }
0x5ca: {  	vm6 =	veq.f32 v1, $0.0e+00  }
0x5cb: {  	v1 =	vsel vm6, $0x3F800000, v1  }
0x5cc: {  	(erf) = vrcp.f32 v1;
	_ =	sdelay $0x1  }
0x5cd: {  	s17 =	simm.s32 $0x100;
	v1 =	vpop (erf)  }
0x5ce: {  	v4 =	vld [tilespmem:s17+$0x6180];
	v2 =	vsel vm4, $0x0, v1  }
0x5cf: {  	(xrf0) =	vmax.scan.msk.f32 $0xffff, v2;
	v2 =	vsel vm3, $0x0, v1  }
0x5d0: {  	(xrf0) =	vmax.scan.msk.f32 $0xffff, v2;
	v2 =	vsel vm5, $0x0, v1  }
0x5d1: {  	(xrf0) =	vmax.scan.msk.f32 $0xffff, v2  }
0x5d2: {  	v9 =	vld [tilespmem:s13+$0x1A0];
	v3 =	vnsel vm2, $0x0, v1  }
0x5d3: {  	v5 =	vld [tilespmem:s13+$0x1E0];
	vm6 =	veq.f32 v4, $0.0e+00;
	(xrf0) =	vmax.scan.msk.f32 $0xffff, v3  }
0x5d4: {  	v6 =	vld [tilespmem:s13+$0x1B0];
	v4 =	vsel vm6, $0x3F800000, v4;
	v11 =	vpop (erf)  }
0x5d5: {  	(erf) = vrcp.f32 v4;
	v3 =	vld [tilespmem:s13+$0x1F0];
	v2, _, _ =	vpop (xrf0)  }
0x5d6: {  	s24 =	simm.s32 $0x180;
	v4 =	vld [tilespmem:s13+$0x190];
	v8 =	vsel vm4, $0x0, v11;
	v7, _, _ =	vpop (xrf0)  }
0x5d7: {  	v1 =	vld [tilespmem:s24+$0x6180];
	(xrf0) =	vmax.scan.msk.f32 $0xffff, v8;
	v10 =	vbroadcast v7, $0xF;
	v12, _, _ =	vpop (xrf0)  }
0x5d8: {  	v14 =	vsel vm3, $0x0, v11;
	v2 =	vbroadcast v2, $0xF;
	v8 =	vld [tilespmem:s13+$0x180];
	v12 =	vbroadcast v12, $0xF  }
0x5d9: {  	s18 =	simm.s32 $0x800;
	v7 =	vnsel vm2, $0x0, v11;
	v11 =	vsel vm5, $0x0, v11;
	(xrf0) =	vmax.scan.msk.f32 $0xffff, v14;
	v13, _, _ =	vpop (xrf0);
	v14 =	vmul.f32 v10, v9;
	v9 =	vld [tilespmem:s13+$0x1D0]  }
.LBB2_39:
0x5da: {  	s1 =	sshra.s32 s18, $0x2;
	p0 =	sne.s32 s18, $0x7E00;
	s18 =	sadd.s32 $0x200, s18;
	(xrf0) =	vmax.scan.msk.f32 $0xffff, v11;
	v11 =	vbroadcast v13, $0xF;
	v13 =	vld [tilespmem:s13+$0x1C0];
	v3 =	vmul.f32 v3, v12  }
0x5db: {  	v5 =	vmul.f32 v5, v12;
	s22 =	smov.u32 s24;
	v15 =	vld [tilespmem:s1+$0x6180];
	(xrf0) =	vmax.scan.msk.f32 $0xffff, v7;
	[tilespmem:s13+$0x1A0] =	vst v14;
	v6 =	vmul.f32 v10, v6;
	s24 =	smov.u32 s1  }
0x5dc: {  	vm6 =	veq.f32 v1, $0.0e+00;
	v14 =	vld [tilespmem:s25+$0x1A0];
	[tilespmem:s13+$0x1F0] =	vst v3  }
0x5dd: {  	v10 =	vsel vm6, $0x3F800000, v1;
	v4 =	vmul.f32 v11, v4;
	v3 =	vld [tilespmem:s25+$0x1F0];
	v7, _, _ =	vpop (xrf0);
	v8 =	vmul.f32 v11, v8;
	[tilespmem:s13+$0x1E0] =	vst v5  }
.Ltmp18:
0x5de: {  	(erf) = vrcp.f32 v10;
	v1 =	vpop (erf);
	v5 =	vld [tilespmem:s25+$0x1E0];
	[tilespmem:s13+$0x1B0] =	vst v6;
	v9 =	vmul.f32 v9, v2;
	(pc) =	sbr.rel @p0 .LBB2_39-.Ltmp18, $4  }
0x5df: {  	v16 =	vsel vm3, $0x0, v1;
	v10 =	vsel vm4, $0x0, v1;
	v6 =	vld [tilespmem:s25+$0x1B0];
	v11, _, _ =	vpop (xrf0);
	[tilespmem:s13+$0x190] =	vst v4;
	v17 =	vmul.f32 v13, v2  }
0x5e0: {  	v2 =	vbroadcast v7, $0xF;
	(xrf0) =	vmax.scan.msk.f32 $0xffff, v10;
	v4 =	vld [tilespmem:s25+$0x190];
	v10 =	vbroadcast v11, $0xF;
	v12, _, _ =	vpop (xrf0);
	[tilespmem:s13+$0x180] =	vst v8  }
0x5e1: {  	v7 =	vnsel vm2, $0x0, v1;
	v11 =	vsel vm5, $0x0, v1;
	v8 =	vld [tilespmem:s25+$0x180];
	v12 =	vbroadcast v12, $0xF;
	v13, _, _ =	vpop (xrf0);
	[tilespmem:s13+$0x1D0] =	vst v9  }
0x5e2: {  	v1 =	vmov v15;
	(xrf0) =	vmax.scan.msk.f32 $0xffff, v16;
	v14 =	vmul.f32 v10, v14;
	v9 =	vld [tilespmem:s25+$0x1D0];
	[tilespmem:s13+$0x1C0] =	vst v17;
	s13 =	smov.u32 s25;
	s25 =	smov.u32 s17;
	s17 =	smov.u32 s22  }
0x5e3: {  	v3 =	vmul.f32 v3, v12;
	(xrf0) =	vmax.scan.msk.f32 $0xffff, v11  }
0x5e4: {  	v15 =	vld [tilespmem:s13+$0x1C0];
	v5 =	vmul.f32 v5, v12;
	v24 =	vbroadcast v13, $0xF;
	[tilespmem:s13+$0x1A0] =	vst v14  }
0x5e5: {  	v6 =	vmul.f32 v10, v6;
	v14 =	vld [tilespmem:s25+$0x1A0];
	[tilespmem:s13+$0x1F0] =	vst v3  }
0x5e6: {  	v4 =	vmul.f32 v24, v4;
	v3 =	vld [tilespmem:s25+$0x1F0];
	[tilespmem:s13+$0x1E0] =	vst v5  }
0x5e7: {  	v8 =	vmul.f32 v24, v8;
	v25, _, _ =	vpop (xrf0);
	v5 =	vld [tilespmem:s25+$0x1E0];
	[tilespmem:s13+$0x1B0] =	vst v6  }
0x5e8: {  	v6 =	vld [tilespmem:s25+$0x1B0];
	[tilespmem:s13+$0x190] =	vst v4;
	v26, _, _ =	vpop (xrf0)  }
0x5e9: {  	(xrf0) =	vmax.scan.msk.f32 $0xffff, v7;
	v9 =	vmul.f32 v9, v2;
	v4 =	vld [tilespmem:s25+$0x190];
	[tilespmem:s13+$0x180] =	vst v8;
	v8 =	vbroadcast v26, $0xF;
	v28, _, _ =	vpop (xrf0)  }
0x5ea: {  	v2 =	vmul.f32 v15, v2;
	v7 =	vbroadcast v28, $0xF  }
0x5eb: {  	v27 =	vld [tilespmem:s25+$0x180];
	[tilespmem:s13+$0x1D0] =	vst v9;
	v29 =	vmul.f32 v8, v14  }
0x5ec: {  	v30 =	vpop (erf);
	v9 =	vld [tilespmem:s25+$0x1D0];
	[tilespmem:s13+$0x1C0] =	vst v2;
	v3 =	vmul.f32 v3, v7  }
0x5ed: {  	vm6 =	veq.f32 v1, $0.0e+00;
	v31 =	vsel vm4, $0x0, v30;
	[tilespmem:s25+$0x1A0] =	vst v29  }
0x5ee: {  	v1 =	vsel vm6, $0x3F800000, v1;
	(xrf0) =	vmax.scan.msk.f32 $0xffff, v31;
	v12 =	vld [tilespmem:s17+$0x1A0];
	[tilespmem:s25+$0x1F0] =	vst v3;
	v3 =	vsel vm3, $0x0, v30  }
0x5ef: {  	(erf) = vrcp.f32 v1;
	v35 =	vsel vm5, $0x0, v30;
	v32, _, _ =	vpop (xrf0);
	(xrf0) =	vmax.scan.msk.f32 $0xffff, v3  }
0x5f0: {  	(xrf0) =	vmax.scan.msk.f32 $0xffff, v35;
	_ =	sdelay $0x1  }
0x5f1: {  	v34 =	vbroadcast v32, $0xF;
	v2 =	vld [tilespmem:s25+$0x1C0];
	v5 =	vmul.f32 v5, v7  }
0x5f2: {  	v6 =	vmul.f32 v8, v6  }
0x5f3: {  	v37 =	vbroadcast v25, $0xF;
	v4 =	vmul.f32 v34, v4;
	v33 =	vld [tilespmem:s17+$0x1F0];
	[tilespmem:s25+$0x1E0] =	vst v5;
	v38, _, _ =	vpop (xrf0)  }
0x5f4: {  	v7 =	vmul.f32 v34, v27;
	v3 =	vld [tilespmem:s17+$0x1E0];
	[tilespmem:s25+$0x1B0] =	vst v6;
	v40, _, _ =	vpop (xrf0)  }
0x5f5: {  	v42 =	vnsel vm2, $0x0, v30;
	v39 =	vmul.f32 v9, v37;
	v36 =	vld [tilespmem:s17+$0x1B0];
	[tilespmem:s25+$0x190] =	vst v4;
	v43 =	vbroadcast v40, $0xF;
	v44, _, _ =	vpop (xrf0)  }
0x5f6: {  	v2 =	vmul.f32 v2, v37;
	v1 =	vld [tilespmem:s17+$0x190];
	[tilespmem:s25+$0x180] =	vst v7;
	(xrf0) =	vmax.scan.msk.f32 $0xffff, v42;
	v7 =	vbroadcast v44, $0xF  }
0x5f7: {  	v47 =	vpop (erf);
	v41 =	vld [tilespmem:s17+$0x180];
	[tilespmem:s25+$0x1D0] =	vst v39;
	v45 =	vmul.f32 v43, v12  }
0x5f8: {  	v49 =	vsel vm4, $0x0, v47;
	v8 =	vld [tilespmem:s17+$0x1D0];
	[tilespmem:s25+$0x1C0] =	vst v2;
	v46 =	vmul.f32 v33, v7  }
0x5f9: {  	v48 =	vsel vm3, $0x0, v47;
	v2 =	vld [tilespmem:s17+$0x1C0];
	(xrf0) =	vmax.scan.msk.f32 $0xffff, v49;
	v3 =	vmul.f32 v3, v7;
	[tilespmem:s17+$0x1A0] =	vst v45  }
0x5fa: {  	(xrf0) =	vmax.scan.msk.f32 $0xffff, v48;
	v10 =	vld [tilespmem:s24+$0x1A0];
	[tilespmem:s17+$0x1F0] =	vst v46  }
0x5fb: {  	v51 =	vld [tilespmem:s24+$0x1F0];
	[tilespmem:s17+$0x1E0] =	vst v3;
	v3 =	vsel vm5, $0x0, v47  }
0x5fc: {  	v5 =	vmul.f32 v43, v36;
	v50, _, _ =	vpop (xrf0);
	(xrf0) =	vmax.scan.msk.f32 $0xffff, v3  }
0x5fd: {  	v54 =	vnsel vm2, $0x0, v47;
	v52 =	vbroadcast v50, $0xF  }
0x5fe: {  	v4 =	vbroadcast v38, $0xF;
	v53 =	vld [tilespmem:s24+$0x1E0];
	[tilespmem:s17+$0x1B0] =	vst v5;
	(xrf0) =	vmax.scan.msk.f32 $0xffff, v54  }
0x5ff: {  	v56, _, _ =	vpop (xrf0);
	v1 =	vmul.f32 v52, v1;
	v3 =	vld [tilespmem:s24+$0x1B0]  }
0x600: {  	v2 =	vmul.f32 v2, v4;
	v57, _, _ =	vpop (xrf0);
	v55 =	vmul.f32 v52, v41  }
0x601: {  	v8 =	vmul.f32 v8, v4;
	v59 =	vbroadcast v57, $0xF;
	[tilespmem:s17+$0x190] =	vst v1  }
0x602: {  	v1 =	vld [tilespmem:s24+$0x190];
	[tilespmem:s17+$0x180] =	vst v55;
	v60, _, _ =	vpop (xrf0)  }
0x603: {  	v10 =	vmul.f32 v59, v10;
	v58 =	vld [tilespmem:s24+$0x180];
	[tilespmem:s17+$0x1D0] =	vst v8;
	v7 =	vbroadcast v60, $0xF  }
0x604: {  	v8 =	vld [tilespmem:s24+$0x1D0];
	[tilespmem:s17+$0x1C0] =	vst v2;
	v3 =	vmul.f32 v59, v3;
	v2, _, _ =	vpop (xrf0)  }
0x605: {  	v61 =	vld [tilespmem:s24+$0x1C0];
	[tilespmem:s24+$0x1A0] =	vst v10;
	v2 =	vbroadcast v2, $0xF;
	v62 =	vmul.f32 v51, v7  }
0x606: {  	[tilespmem:s24+$0x1B0] =	vst v3;
	v6 =	vmul.f32 v53, v7  }
0x607: {  	v63 =	vbroadcast v56, $0xF;
	v1 =	vmul.f32 v2, v1;
	[tilespmem:s24+$0x1F0] =	vst v62  }
0x608: {  	v2 =	vmul.f32 v2, v58;
	[tilespmem:s24+$0x1E0] =	vst v6  }
0x609: {  	s1 =	rddreg [dreg:$0x8];
	v3 =	vmul.f32 v8, v63;
	[tilespmem:s24+$0x190] =	vst v1  }
0x60a: {  	s16 =	sadd.s32 $0x1, s16;
	s1 =	sadd.s32 s23, s1;
	v1 =	vmul.f32 v61, v63;
	[tilespmem:s24+$0x180] =	vst v2  }
0x60b: {  	p0 =	sne.s32 s16, $0x3;
	s1 =	sshll.u32 s1, $0x4;
	[tilespmem:s24+$0x1D0] =	vst v3  }
.Ltmp19:
0x60c: {  	s1 =	sadd.s32 s14, s1;
	[tilespmem:s24+$0x1C0] =	vst v1;
	(pc) =	sbr.rel @p0 .LBB2_38-.Ltmp19, $4  }
0x60d: {  	[hbm4b:s1+s4] =	stream.linear.scatter [tilespmem:s21], [sflag:$0x4], $0x2000, $0x38;
	[tilespmem:$0x14180] =	vst v63  }
0x60e: {  	_ =	swait.ge [sflag:s28], $0x2000  }
0x60f: {  	[sflag:s28] =	ssyncset.done $0x0  }
0x610: {  	[sflag:s28] =	ssyncadd.s32 $0xFFFFE000  }
0x611: {  	s13 =	rddreg [dreg:$0x10]  }
0x612: {  	s1 =	rddreg [dreg:$0x9];
	s13 =	sadd.s32 $0x1, s13  }
0x613: {  	p0 =	sne.s32 s13, s1  }
.Ltmp20:
0x614: {  	_ = 	snop;
	(pc) =	sbr.rel @p0 .LBB2_1-.Ltmp20, $3  }
0x615: {  	_ =	sdelay $0x1  }
0x616: {  	[bflag:$0x0] =	sbarrier.arrive $0xFFFF  }
0x617: {  	s18 =	simm.s32 $0x2180;
	s1 =	rddreg [dreg:$0x0]  }
0x618: {  	_ =	sfence.sel $0x180000  }
0x619: {  	[bflag:$0x0] =	sbarrier.arrive $0xFFFF  }
0x61a: {  	_ =	strace $0x90000047  }
0x61b: {  	s0 =	stileid.u32;
	[bflag:$0x2] =	sbarrier.arrive $0xFFFF  }
0x61c: {  	p0 =	sne.s32 s0, $0x0;
	s0 =	rddreg [dreg:$0x4]  }
0x61d: {  	s0 =	sadd.s32 @!p0 $0x100000, s0  }
0x61e: {  	[sflag:s0] =	ssyncadd.tile.s32 @!p0 $0x1;
	_ =	shalt  }
.Lfunc_end2:
_tile_overlayer_lowered:
.L_overlay_start_2:
0x61f: {  	(tag) =	ssettag $0x2  }
0x620: {  	s0 =	rddreg [dreg:$0x0];
	s2 =	stileid.u32  }
0x621: {  	s1 =	rddreg [dreg:$0x1];
	p0 =	sne.s32 s2, $0x0  }
0x622: {  	s3 =	rddreg [dreg:$0x2];
	[bflag:$0x3] =	sbarrier.arrive $0xFFFF;
	s2 =	simm.s32 @!p0 $0x1C04  }
0x623: {  	[timem:s3], [sflag:s2] =	dma.local @!p0 [hbm:s0], s1  }
0x624: {  	s0 =	simm.s32 @!p0 $0x4  }
0x625: {  	_ =	swait.ge @!p0 [sflag:s0], s1  }
0x626: {  	s1 =	ssub.s32 @!p0 $0x0, s1;
	[sflag:s0] =	ssyncset.done @!p0 $0x0  }
0x627: {  	[sflag:s0] =	ssyncadd.s32 @!p0 s1  }
0x628: {  	[bflag:$0x3] =	sbarrier.arrive $0xFFFF  }
0x629: {  	_ =	shalt  }

</sc_bundles>
